<compile_context>
chip_gen: v7x
topology: tpu7x:2x2x1
jax: 0.10.2.dev20260603
libtpu: 0.0.44.dev20260713+nightly
codegen_flags: <defaults>
</compile_context>

<pallas_src>
import functools

import jax
import jax.numpy as jnp
from jax import lax
from jax.experimental import pallas as pl
from jax.experimental.pallas import tpu as pltpu
from jax.experimental.pallas import tpu_sc as plsc

N = 10000
E = 320000
D = 128
NC = 2
NS = 16
CH = 128
NCH = E // CH
NWORK = NC * NS
ITERS = (NCH + NWORK - 1) // NWORK
RPT = 624
NTAIL = N - NS * RPT

_mesh = plsc.VectorSubcoreMesh(core_axis_name="c", subcore_axis_name="s")


CHD = 2000
EPW = E // NWORK


def _deg_body(ei_hbm, out_hbm, dst_v0, dst_v1, hist, isem):
    c = lax.axis_index("c")
    s = lax.axis_index("s")
    wid = c * NS + s
    bufs = (dst_v0, dst_v1)

    def fill_z(i, carry):
        hist[pl.ds(i * 16, 16)] = jnp.zeros((16,), jnp.float32)
        return carry

    lax.fori_loop(0, N // 16, fill_z, 0)

    ones16 = jnp.ones((16,), jnp.float32)
    nstep = EPW // CHD

    base0 = E + wid * EPW
    pltpu.async_copy(ei_hbm.at[pl.ds(base0, CHD)], bufs[0], isem.at[0])
    for j in range(nstep):
        b = j % 2
        if j + 1 < nstep:
            pltpu.async_copy(ei_hbm.at[pl.ds(base0 + (j + 1) * CHD, CHD)],
                             bufs[1 - b], isem.at[1 - b])
        pltpu.make_async_copy(ei_hbm.at[pl.ds(base0 + j * CHD, CHD)],
                              bufs[b], isem.at[b]).wait()

        def upd(k, carry2, _buf=bufs[b]):
            idx = _buf[pl.ds(k * 16, 16)]
            plsc.addupdate_scatter(hist, [idx], ones16)
            return carry2

        lax.fori_loop(0, CHD // 16, upd, 0)

    pltpu.sync_copy(hist, out_hbm.at[pl.ds(wid * N, N)])


_deg_kernel = pl.kernel(
    _deg_body,
    out_type=jax.ShapeDtypeStruct((NWORK * N,), jnp.float32),
    mesh=_mesh,
    scratch_types=[
        pltpu.VMEM((CHD,), jnp.int32),
        pltpu.VMEM((CHD,), jnp.int32),
        pltpu.VMEM((N,), jnp.float32),
        pltpu.SemaphoreType.DMA((2,)),
    ],
    compiler_params=pltpu.CompilerParams(needs_layout_passes=False),
)


NB = 2


def _scat_body(ei_hbm, y_hbm, out_hbm, idx_v, rows_v, zb, acc, isem, gsem,
               ssem):
    c = lax.axis_index("c")
    s = lax.axis_index("s")
    wid = c * NS + s

    def fill_z(t, carry):
        zb[t // 8, pl.ds((t % 8) * 16, 16)] = jnp.zeros((16,), jnp.float32)
        return carry

    lax.fori_loop(0, 16 * 8, fill_z, 0)

    def init(r, carry):
        pltpu.async_copy(zb, acc.at[pl.ds(s * RPT + r * 16, 16)], isem.at[0])
        return carry

    lax.fori_loop(0, RPT // 16, init, 0)

    @pl.when(s == NS - 1)
    def _():
        pltpu.async_copy(zb, acc.at[pl.ds(NS * RPT, NTAIL)], isem.at[0])

    def init_drain(r, carry):
        pltpu.make_async_copy(zb, acc.at[pl.ds(s * RPT + r * 16, 16)],
                              isem.at[0]).wait()
        return carry

    lax.fori_loop(0, RPT // 16, init_drain, 0)

    @pl.when(s == NS - 1)
    def _():
        pltpu.make_async_copy(zb, acc.at[pl.ds(NS * RPT, NTAIL)],
                              isem.at[0]).wait()

    plsc.subcore_barrier()

    def drain_scat(b):
        pltpu.make_async_copy(rows_v.at[b], acc.at[idx_v.at[0, 1]],
                              ssem.at[b]).wait()

    def emit_half(t, half):
        base = (t * 2 + half) * 4

        def I(u):
            chunk = wid + (base + u) * NWORK
            q = half * 4 + u

            @pl.when(chunk < NCH)
            def _():
                pltpu.async_copy(ei_hbm.at[pl.ds(chunk * CH, CH)],
                                 idx_v.at[q, 0], isem.at[q])
                pltpu.async_copy(ei_hbm.at[pl.ds(E + chunk * CH, CH)],
                                 idx_v.at[q, 1], isem.at[q])

        def G(u):
            chunk = wid + (base + u) * NWORK
            q = half * 4 + u
            b = u % 2

            @pl.when(chunk < NCH)
            def _():
                pltpu.make_async_copy(ei_hbm.at[pl.ds(chunk * CH, CH)],
                                      idx_v.at[q, 0], isem.at[q]).wait()
                pltpu.make_async_copy(ei_hbm.at[pl.ds(E + chunk * CH, CH)],
                                      idx_v.at[q, 1], isem.at[q]).wait()
                if u < 2 and half == 0:
                    @pl.when(t > 0)
                    def _():
                        drain_scat(b)
                else:
                    drain_scat(b)
                pltpu.async_copy(y_hbm.at[idx_v.at[q, 0]], rows_v.at[b],
                                 gsem.at[b])

        def S(u):
            chunk = wid + (base + u) * NWORK
            q = half * 4 + u
            b = u % 2

            @pl.when(chunk < NCH)
            def _():
                pltpu.make_async_copy(y_hbm.at[idx_v.at[q, 0]], rows_v.at[b],
                                      gsem.at[b]).wait()
                pltpu.async_copy(rows_v.at[b], acc.at[idx_v.at[q, 1]],
                                 ssem.at[b], add=True)

        I(0); I(1); I(2); I(3)
        G(0); G(1); S(0); G(2); S(1); G(3); S(2); S(3)

    def group(t, carry):
        emit_half(t, 0)
        emit_half(t, 1)
        return carry

    lax.fori_loop(0, (ITERS + 7) // 8, group, 0)
    for b in range(NB):
        drain_scat(b)
    plsc.subcore_barrier()
    pltpu.sync_copy(acc.at[pl.ds(s * RPT, RPT)],
                    out_hbm.at[c, pl.ds(s * RPT, RPT)])

    @pl.when(s == NS - 1)
    def _():
        pltpu.sync_copy(acc.at[pl.ds(NS * RPT, NTAIL)],
                        out_hbm.at[c, pl.ds(NS * RPT, NTAIL)])


_scat_kernel = pl.kernel(
    _scat_body,
    out_type=jax.ShapeDtypeStruct((NC, N, D), jnp.float32),
    mesh=_mesh,
    scratch_types=[
        pltpu.VMEM((8, 2, CH), jnp.int32),
        pltpu.VMEM((NB, CH, D), jnp.float32),
        pltpu.VMEM((16, D), jnp.float32),
        pltpu.VMEM_SHARED((N, D), jnp.float32),
        pltpu.SemaphoreType.DMA((8,)),
        pltpu.SemaphoreType.DMA((NB,)),
        pltpu.SemaphoreType.DMA((NB,)),
    ],
)

_BLK = 1000
_GRID = N // _BLK


def _tc1_body(x_ref, w_ref, degp_ref, y_ref, dinv_ref):
    deg = jnp.sum(degp_ref[...], axis=0) + 1.0
    d0 = lax.rsqrt(deg)
    dinv = d0 * (1.5 - 0.5 * deg * d0 * d0)
    dinv_ref[...] = dinv
    y_ref[...] = dinv * lax.dot_general(x_ref[...], w_ref[...],
                                        (((1,), (1,)), ((), ())),
                                        preferred_element_type=jnp.float32)


_tc1 = pl.pallas_call(
    _tc1_body,
    grid=(_GRID,),
    in_specs=[
        pl.BlockSpec((_BLK, D), lambda i: (i, 0)),
        pl.BlockSpec((D, D), lambda i: (0, 0)),
        pl.BlockSpec((NWORK, _BLK, 1), lambda i: (0, i, 0)),
    ],
    out_specs=[
        pl.BlockSpec((_BLK, D), lambda i: (i, 0)),
        pl.BlockSpec((_BLK, 1), lambda i: (i, 0)),
    ],
    out_shape=[
        jax.ShapeDtypeStruct((N, D), jnp.float32),
        jax.ShapeDtypeStruct((N, 1), jnp.float32),
    ],
)


def _tc2_body(s_ref, y_ref, dinv_ref, b_ref, w_ref, y2_ref):
    dinv = dinv_ref[...]
    h = dinv * (s_ref[0] + s_ref[1] + y_ref[...]) + b_ref[...]
    h = jnp.where(h >= 0, h, 0.01 * h)
    y2_ref[...] = dinv * lax.dot_general(
        h, w_ref[...], (((1,), (1,)), ((), ())),
        preferred_element_type=jnp.float32)


_tc2 = pl.pallas_call(
    _tc2_body,
    grid=(_GRID,),
    in_specs=[
        pl.BlockSpec((NC, _BLK, D), lambda i: (0, i, 0)),
        pl.BlockSpec((_BLK, D), lambda i: (i, 0)),
        pl.BlockSpec((_BLK, 1), lambda i: (i, 0)),
        pl.BlockSpec((1, D), lambda i: (0, 0)),
        pl.BlockSpec((D, D), lambda i: (0, 0)),
    ],
    out_specs=pl.BlockSpec((_BLK, D), lambda i: (i, 0)),
    out_shape=jax.ShapeDtypeStruct((N, D), jnp.float32),
)


def _tc3_body(s_ref, y_ref, dinv_ref, b_ref, wd_ref, bd_ref, o_ref):
    dinv = dinv_ref[...]
    h = dinv * (s_ref[0] + s_ref[1] + y_ref[...]) + b_ref[...]
    h = jnp.where(h >= 0, h, 0.01 * h)
    r = lax.dot_general(h, wd_ref[...], (((1,), (1,)), ((), ())),
                        preferred_element_type=jnp.float32)
    o_ref[...] = r[:, 0:1] + bd_ref[0, 0]


_tc3 = pl.pallas_call(
    _tc3_body,
    grid=(_GRID,),
    in_specs=[
        pl.BlockSpec((NC, _BLK, D), lambda i: (0, i, 0)),
        pl.BlockSpec((_BLK, D), lambda i: (i, 0)),
        pl.BlockSpec((_BLK, 1), lambda i: (i, 0)),
        pl.BlockSpec((1, D), lambda i: (0, 0)),
        pl.BlockSpec((D, D), lambda i: (0, 0)),
        pl.BlockSpec(memory_space=pltpu.SMEM),
    ],
    out_specs=pl.BlockSpec((_BLK, 1), lambda i: (i, 0)),
    out_shape=jax.ShapeDtypeStruct((N, 1), jnp.float32),
)


def kernel(x, edge_index, W1, b1, W2, b2, Wd, bd):
    ei = edge_index.astype(jnp.int32).reshape(2 * E)
    degp = _deg_kernel(ei).reshape(NWORK, N, 1)
    y1, dinv = _tc1(x, W1, degp)
    s1 = _scat_kernel(ei, y1)
    y2 = _tc2(s1, y1, dinv, b1.reshape(1, D), W2)
    s2 = _scat_kernel(ei, y2)
    wd_pad = jnp.zeros((D, D), jnp.float32).at[0].set(Wd[0])
    return _tc3(s2, y2, dinv, b2.reshape(1, D), wd_pad, bd.reshape(1, 1))

# --- scband reference (transcript-rebuilt; emitter-appended) ---
"""Pipeline reference for scband-gcnmodel-11261404250816 (READ-ONLY COPY).

The authoritative reference and input builder live on the scoring server;
editing this copy changes nothing except your own understanding.
"""

import jax, jax.numpy as jnp
import numpy as np

N_NODES = 10000
N_EDGES = 320000
D = 128


def leaky_relu(x, slope=0.01):
    return jnp.where(x >= 0, x, slope * x)


def gcn_conv(x, edge_index, W, b):
    # PyG GCNConv semantics: add self-loops, symmetric normalization,
    # message = norm * (x W^T)[src], aggregate-sum at dst, add bias.
    n = x.shape[0]
    src = edge_index[0]
    dst = edge_index[1]
    loop = jnp.arange(n, dtype=edge_index.dtype)
    src2 = jnp.concatenate([src, loop])
    dst2 = jnp.concatenate([dst, loop])
    ew = jnp.ones(src2.shape[0], dtype=x.dtype)
    deg = jnp.zeros((n,), dtype=x.dtype).at[dst2].add(ew)
    dinv = jnp.where(deg > 0, jax.lax.rsqrt(deg), 0.0)
    norm = dinv[src2] * dinv[dst2]
    xl = x @ W.T
    msg = jnp.take(xl, src2, axis=0) * norm[:, None]
    out = jnp.zeros((n, W.shape[0]), dtype=x.dtype).at[dst2].add(msg)
    return out + b


def setup_inputs(seed: int = 0) -> dict:
    key = jax.random.key(seed)
    ks = jax.random.split(key, 8)
    x = jax.random.normal(ks[0], (N_NODES, D), dtype=jnp.float32)
    edge_index = jax.random.randint(ks[1], (2, N_EDGES), 0, N_NODES, dtype=jnp.int64)
    s = 1.0 / np.sqrt(D)
    W1 = jax.random.uniform(ks[2], (D, D), jnp.float32, -s, s)
    b1 = jax.random.uniform(ks[3], (D,), jnp.float32, -s, s)
    W2 = jax.random.uniform(ks[4], (D, D), jnp.float32, -s, s)
    b2 = jax.random.uniform(ks[5], (D,), jnp.float32, -s, s)
    Wd = jax.random.uniform(ks[6], (1, D), jnp.float32, -s, s)
    bd = jax.random.uniform(ks[7], (1,), jnp.float32, -s, s)
    return {"x": x, "edge_index": edge_index, "W1": W1, "b1": b1, "W2": W2, "b2": b2, "Wd": Wd, "bd": bd}


def reference(x, edge_index, W1, b1, W2, b2, Wd, bd):
    # GCNBlock with num_channels=[128,128,128], activate_last=True (num_features given)
    h = gcn_conv(x, edge_index, W1, b1)
    h = leaky_relu(h)
    h = gcn_conv(h, edge_index, W2, b2)
    h = leaky_relu(h)
    # final dense head: Linear(128, 1)
    out = h @ Wd.T + bd
    return out

if __name__ == "__main__":
    import jax
    _d = setup_inputs()
    print(jax.jit(kernel)(*tuple(_d.values())))

</pallas_src>

<mosaic_0001>
#map = affine_map<(d0, d1) -> (0)>
#map1 = affine_map<(d0, d1) -> (0, 0)>
#map2 = affine_map<(d0, d1) -> (0, 0, 0)>
module attributes {stable_mosaic.version = 14 : i64} {
  func.func @_scat_body(%arg0: i32, %arg1: i32, %arg2: memref<640000xi32, #tpu.memory_space<hbm>>, %arg3: memref<10000x128xf32, #tpu.memory_space<hbm>>, %arg4: memref<2x10000x128xf32, #tpu.memory_space<hbm>>, %arg5: memref<8x2x128xi32, #tpu.memory_space<vmem>>, %arg6: memref<2x128x128xf32, #tpu.memory_space<vmem>>, %arg7: memref<16x128xf32, #tpu.memory_space<vmem>>, %arg8: memref<10000x128xf32, #tpu.memory_space<vmem_shared>>, %arg9: memref<8x!tpu.dma_semaphore, #tpu.memory_space<semaphore_mem>>, %arg10: memref<2x!tpu.dma_semaphore, #tpu.memory_space<semaphore_mem>>, %arg11: memref<2x!tpu.dma_semaphore, #tpu.memory_space<semaphore_mem>>) attributes {dimension_semantics = [#tpu.dimension_semantics<core_parallel>, #tpu.dimension_semantics<subcore_parallel>], iteration_bounds = array<i64: 2, 16>, scalar_prefetch = 0 : i64, scratch_operands = 7 : i64, tpu.core_type = #tpu.core_type<sc_vector_subcore>, window_params = [{transform_indices = #map}, {transform_indices = #map1}, {transform_indices = #map2}]} {
    %mul3A = arith.constant 16 : i32
    %mul3A_0 = arith.muli %arg0, %mul3A : i32
    %add3A = arith.addi %mul3A_0, %arg1 : i32
    %scan3A = arith.constant 0 : i32
    %scan3A_1 = arith.constant 0 : i32
    %scan3A_2 = arith.constant 128 : i32
    %scan3A_3 = arith.addi %scan3A_1, %scan3A_2 : i32
    %scan3A_4 = arith.constant 1 : i32
    scf.for %scan3A_72 = %scan3A_1 to %scan3A_3 step %scan3A_4  : i32 {
      %broadcast_in_dim3A = arith.constant 0.000000e+00 : f32
      %broadcast_in_dim3A_73 = vector.broadcast %broadcast_in_dim3A : f32 to vector<16xf32>
      %jit3A = arith.constant 8 : i32
      %div3A = arith.divsi %scan3A_72, %jit3A : i32
      %sign3A = arith.constant 0 : i32
      %sign3A_74 = arith.cmpi sgt, %scan3A_72, %sign3A : i32
      %sign3A_75 = arith.extui %sign3A_74 : i1 to i32
      %sign3A_76 = arith.constant 0 : i32
      %sign3A_77 = arith.cmpi slt, %scan3A_72, %sign3A_76 : i32
      %sign3A_78 = arith.extui %sign3A_77 : i1 to i32
      %sign3A_79 = arith.subi %sign3A_75, %sign3A_78 : i32
      %sign3A_80 = arith.constant 0 : i32
      %sign3A_81 = arith.cmpi sgt, %jit3A, %sign3A_80 : i32
      %sign3A_82 = arith.extui %sign3A_81 : i1 to i32
      %sign3A_83 = arith.constant 0 : i32
      %sign3A_84 = arith.cmpi slt, %jit3A, %sign3A_83 : i32
      %sign3A_85 = arith.extui %sign3A_84 : i1 to i32
      %sign3A_86 = arith.subi %sign3A_82, %sign3A_85 : i32
      %ne3A = arith.cmpi ne, %sign3A_79, %sign3A_86 : i32
      %rem3A = arith.remsi %scan3A_72, %jit3A : i32
      %ne3A_87 = arith.constant 0 : i32
      %ne3A_88 = arith.cmpi ne, %rem3A, %ne3A_87 : i32
      %and3A = arith.andi %ne3A, %ne3A_88 : i1
      %sub3A = arith.constant 1 : i32
      %sub3A_89 = arith.subi %div3A, %sub3A : i32
      %select_n3A = arith.select %and3A, %sub3A_89, %div3A : i32
      %jit3A_90 = arith.constant 8 : i32
      %eq3A_91 = arith.constant 0 : i32
      %eq3A_92 = arith.cmpi eq, %jit3A_90, %eq3A_91 : i32
      %jit3A_93 = arith.constant 1 : i32
      %select_n3A_94 = arith.select %eq3A_92, %jit3A_93, %jit3A_90 : i32
      %rem3A_95 = arith.remsi %scan3A_72, %select_n3A_94 : i32
      %ne3A_96 = arith.constant 0 : i32
      %ne3A_97 = arith.cmpi ne, %rem3A_95, %ne3A_96 : i32
      %lt3A = arith.constant 0 : i32
      %lt3A_98 = arith.cmpi slt, %rem3A_95, %lt3A : i32
      %lt3A_99 = arith.constant 0 : i32
      %lt3A_100 = arith.cmpi slt, %select_n3A_94, %lt3A_99 : i32
      %ne3A_101 = arith.xori %lt3A_98, %lt3A_100 : i1
      %and3A_102 = arith.andi %ne3A_101, %ne3A_97 : i1
      %add3A_103 = arith.addi %rem3A_95, %select_n3A_94 : i32
      %select_n3A_104 = arith.select %and3A_102, %add3A_103, %rem3A_95 : i32
      %mul3A_105 = arith.constant 16 : i32
      %mul3A_106 = arith.muli %select_n3A_104, %mul3A_105 : i32
      %swap3A = arith.index_cast %select_n3A : i32 to index
      %swap3A_107 = arith.index_cast %mul3A_106 : i32 to index
      %swap3A_108 = tpu.vector_load %arg7[%swap3A, %swap3A_107] {strides = array<i32>} : memref<16x128xf32, #tpu.memory_space<vmem>>, vector<1x16xf32>,
      %swap3A_109 = vector.shape_cast %swap3A_108 : vector<1x16xf32> to vector<16xf32>
      %swap3A_110 = vector.shape_cast %broadcast_in_dim3A_73 : vector<16xf32> to vector<1x16xf32>
      tpu.vector_store %arg7[%swap3A, %swap3A_107], %swap3A_110 {strides = array<i32>} : memref<16x128xf32, #tpu.memory_space<vmem>>, vector<1x16xf32>,
    }
    %scan3A_5 = arith.constant 128 : i32
    %scan3A_6 = arith.constant 0 : i32
    %scan3A_7 = arith.constant 0 : i32
    %scan3A_8 = arith.constant 39 : i32
    %scan3A_9 = arith.addi %scan3A_7, %scan3A_8 : i32
    %scan3A_10 = arith.constant 1 : i32
    scf.for %scan3A_72 = %scan3A_7 to %scan3A_9 step %scan3A_10  : i32 {
      %mul3A_73 = arith.constant 624 : i32
      %mul3A_74 = arith.muli %arg1, %mul3A_73 : i32
      %mul3A_75 = arith.constant 16 : i32
      %mul3A_76 = arith.muli %scan3A_72, %mul3A_75 : i32
      %add3A_77 = arith.addi %mul3A_74, %mul3A_76 : i32
      %dma_start3A = arith.constant 0 : i32
      %dma_start3A_78 = arith.constant 0 : i32
      %dma_start3A_79 = tpu.memref_slice %arg8[%add3A_77, %dma_start3A_78] : memref<10000x128xf32, #tpu.memory_space<vmem_shared>> -> memref<16x128xf32, #tpu.memory_space<vmem_shared>>
      %dma_start3A_80 = tpu.memref_slice %arg9[%dma_start3A] : memref<8x!tpu.dma_semaphore, #tpu.memory_space<semaphore_mem>> -> memref<1x!tpu.dma_semaphore, #tpu.memory_space<semaphore_mem>>
      %dma_start3A_81 = tpu.memref_squeeze %dma_start3A_80 : memref<1x!tpu.dma_semaphore, #tpu.memory_space<semaphore_mem>> -> memref<!tpu.dma_semaphore, #tpu.memory_space<semaphore_mem>>
      %dma_start3A_82 = arith.constant 0 : i32
      %dma_start3A_83 = tpu.memref_slice %arg8[%add3A_77, %dma_start3A_82] : memref<10000x128xf32, #tpu.memory_space<vmem_shared>> -> memref<16x128xf32, #tpu.memory_space<vmem_shared>>
      tpu.enqueue_dma source(%arg7 : memref<16x128xf32, #tpu.memory_space<vmem>>) target(%dma_start3A_83 : memref<16x128xf32, #tpu.memory_space<vmem_shared>>) target_semaphore(%dma_start3A_81 : memref<!tpu.dma_semaphore, #tpu.memory_space<semaphore_mem>>)
    }
    %scan3A_11 = arith.constant 39 : i32
    %eq3A = arith.constant 15 : i32
    %eq3A_12 = arith.cmpi eq, %arg1, %eq3A : i32
    %convert_element_type3A = arith.extui %eq3A_12 : i1 to i32
    %cond3A = arith.constant 0 : i32
    %cond3A_13 = arith.cmpi ne, %convert_element_type3A, %cond3A : i32
    scf.if %cond3A_13 {
      %dma_start3A = arith.constant 0 : i32
      %dma_start3A_72 = arith.constant 9984 : i32
      %dma_start3A_73 = arith.constant 0 : i32
      %dma_start3A_74 = tpu.memref_slice %arg8[%dma_start3A_72, %dma_start3A_73] : memref<10000x128xf32, #tpu.memory_space<vmem_shared>> -> memref<16x128xf32, #tpu.memory_space<vmem_shared>>
      %dma_start3A_75 = tpu.memref_slice %arg9[%dma_start3A] : memref<8x!tpu.dma_semaphore, #tpu.memory_space<semaphore_mem>> -> memref<1x!tpu.dma_semaphore, #tpu.memory_space<semaphore_mem>>
      %dma_start3A_76 = tpu.memref_squeeze %dma_start3A_75 : memref<1x!tpu.dma_semaphore, #tpu.memory_space<semaphore_mem>> -> memref<!tpu.dma_semaphore, #tpu.memory_space<semaphore_mem>>
      %dma_start3A_77 = arith.constant 9984 : i32
      %dma_start3A_78 = arith.constant 0 : i32
      %dma_start3A_79 = tpu.memref_slice %arg8[%dma_start3A_77, %dma_start3A_78] : memref<10000x128xf32, #tpu.memory_space<vmem_shared>> -> memref<16x128xf32, #tpu.memory_space<vmem_shared>>
      tpu.enqueue_dma source(%arg7 : memref<16x128xf32, #tpu.memory_space<vmem>>) target(%dma_start3A_79 : memref<16x128xf32, #tpu.memory_space<vmem_shared>>) target_semaphore(%dma_start3A_76 : memref<!tpu.dma_semaphore, #tpu.memory_space<semaphore_mem>>)
    } else {
    }
    %scan3A_14 = arith.constant 0 : i32
    %scan3A_15 = arith.constant 0 : i32
    %scan3A_16 = arith.constant 39 : i32
    %scan3A_17 = arith.addi %scan3A_15, %scan3A_16 : i32
    %scan3A_18 = arith.constant 1 : i32
    scf.for %scan3A_72 = %scan3A_15 to %scan3A_17 step %scan3A_18  : i32 {
      %mul3A_73 = arith.constant 624 : i32
      %mul3A_74 = arith.muli %arg1, %mul3A_73 : i32
      %mul3A_75 = arith.constant 16 : i32
      %mul3A_76 = arith.muli %scan3A_72, %mul3A_75 : i32
      %add3A_77 = arith.addi %mul3A_74, %mul3A_76 : i32
      %dma_wait3A_78 = arith.constant 0 : i32
      %dma_wait3A_79 = arith.constant 0 : i32
      %dma_wait3A_80 = tpu.memref_slice %arg8[%add3A_77, %dma_wait3A_79] : memref<10000x128xf32, #tpu.memory_space<vmem_shared>> -> memref<16x128xf32, #tpu.memory_space<vmem_shared>>
      %dma_wait3A_81 = tpu.memref_slice %arg9[%dma_wait3A_78] : memref<8x!tpu.dma_semaphore, #tpu.memory_space<semaphore_mem>> -> memref<1x!tpu.dma_semaphore, #tpu.memory_space<semaphore_mem>>
      %dma_wait3A_82 = tpu.memref_squeeze %dma_wait3A_81 : memref<1x!tpu.dma_semaphore, #tpu.memory_space<semaphore_mem>> -> memref<!tpu.dma_semaphore, #tpu.memory_space<semaphore_mem>>
      %dma_wait3A_83 = arith.constant 0 : i32
      %dma_wait3A_84 = tpu.memref_slice %arg8[%add3A_77, %dma_wait3A_83] : memref<10000x128xf32, #tpu.memory_space<vmem_shared>> -> memref<16x128xf32, #tpu.memory_space<vmem_shared>>
      tpu.wait_dma2 semaphore(%dma_wait3A_82 : memref<!tpu.dma_semaphore, #tpu.memory_space<semaphore_mem>>) src(%arg7 : memref<16x128xf32, #tpu.memory_space<vmem>>) dst(%dma_wait3A_84 : memref<16x128xf32, #tpu.memory_space<vmem_shared>>)
    }
    %scan3A_19 = arith.constant 39 : i32
    %eq3A_20 = arith.constant 15 : i32
    %eq3A_21 = arith.cmpi eq, %arg1, %eq3A_20 : i32
    %convert_element_type3A_22 = arith.extui %eq3A_21 : i1 to i32
    %cond3A_23 = arith.constant 0 : i32
    %cond3A_24 = arith.cmpi ne, %convert_element_type3A_22, %cond3A_23 : i32
    scf.if %cond3A_24 {
      %dma_wait3A_72 = arith.constant 0 : i32
      %dma_wait3A_73 = arith.constant 9984 : i32
      %dma_wait3A_74 = arith.constant 0 : i32
      %dma_wait3A_75 = tpu.memref_slice %arg8[%dma_wait3A_73, %dma_wait3A_74] : memref<10000x128xf32, #tpu.memory_space<vmem_shared>> -> memref<16x128xf32, #tpu.memory_space<vmem_shared>>
      %dma_wait3A_76 = tpu.memref_slice %arg9[%dma_wait3A_72] : memref<8x!tpu.dma_semaphore, #tpu.memory_space<semaphore_mem>> -> memref<1x!tpu.dma_semaphore, #tpu.memory_space<semaphore_mem>>
      %dma_wait3A_77 = tpu.memref_squeeze %dma_wait3A_76 : memref<1x!tpu.dma_semaphore, #tpu.memory_space<semaphore_mem>> -> memref<!tpu.dma_semaphore, #tpu.memory_space<semaphore_mem>>
      %dma_wait3A_78 = arith.constant 9984 : i32
      %dma_wait3A_79 = arith.constant 0 : i32
      %dma_wait3A_80 = tpu.memref_slice %arg8[%dma_wait3A_78, %dma_wait3A_79] : memref<10000x128xf32, #tpu.memory_space<vmem_shared>> -> memref<16x128xf32, #tpu.memory_space<vmem_shared>>
      tpu.wait_dma2 semaphore(%dma_wait3A_77 : memref<!tpu.dma_semaphore, #tpu.memory_space<semaphore_mem>>) src(%arg7 : memref<16x128xf32, #tpu.memory_space<vmem>>) dst(%dma_wait3A_80 : memref<16x128xf32, #tpu.memory_space<vmem_shared>>)
    } else {
    }
    %barrier3A = arith.constant 0 : index
    tpu.barrier barrier_id(%barrier3A)
    %scan3A_25 = arith.constant 0 : i32
    %scan3A_26 = arith.constant 0 : i32
    %scan3A_27 = arith.constant 10 : i32
    %scan3A_28 = arith.addi %scan3A_26, %scan3A_27 : i32
    %scan3A_29 = arith.constant 1 : i32
    scf.for %scan3A_72 = %scan3A_26 to %scan3A_28 step %scan3A_29  : i32 {
      %mul3A_73 = arith.constant 2 : i32
      %mul3A_74 = arith.muli %scan3A_72, %mul3A_73 : i32
      %add3A_75 = arith.constant 0 : i32
      %add3A_76 = arith.addi %mul3A_74, %add3A_75 : i32
      %mul3A_77 = arith.constant 4 : i32
      %mul3A_78 = arith.muli %add3A_76, %mul3A_77 : i32
      %add3A_79 = arith.constant 0 : i32
      %add3A_80 = arith.addi %mul3A_78, %add3A_79 : i32
      %mul3A_81 = arith.constant 32 : i32
      %mul3A_82 = arith.muli %add3A_80, %mul3A_81 : i32
      %add3A_83 = arith.addi %add3A, %mul3A_82 : i32
      %lt3A = arith.constant 2500 : i32
      %lt3A_84 = arith.cmpi slt, %add3A_83, %lt3A : i32
      %convert_element_type3A_85 = arith.extui %lt3A_84 : i1 to i32
      %cond3A_86 = arith.constant 0 : i32
      %cond3A_87 = arith.cmpi ne, %convert_element_type3A_85, %cond3A_86 : i32
      scf.if %cond3A_87 {
        %mul3A_324 = arith.constant 128 : i32
        %mul3A_325 = arith.muli %add3A_83, %mul3A_324 : i32
        %dma_start3A = arith.constant 0 : i32
        %dma_start3A_326 = arith.constant 0 : i32
        %dma_start3A_327 = arith.constant 0 : i32
        %dma_start3A_328 = arith.constant 0 : i32
        %dma_start3A_329 = tpu.memref_slice %arg5[%dma_start3A, %dma_start3A_326, %dma_start3A_328] : memref<8x2x128xi32, #tpu.memory_space<vmem>> -> memref<1x1x128xi32, #tpu.memory_space<vmem>>
        %dma_start3A_330 = tpu.memref_squeeze %dma_start3A_329 : memref<1x1x128xi32, #tpu.memory_space<vmem>> -> memref<128xi32, #tpu.memory_space<vmem>>
        %dma_start3A_331 = tpu.memref_slice %arg2[%mul3A_325] : memref<640000xi32, #tpu.memory_space<hbm>> -> memref<128xi32, #tpu.memory_space<hbm>>
        %dma_start3A_332 = tpu.memref_slice %arg9[%dma_start3A_327] : memref<8x!tpu.dma_semaphore, #tpu.memory_space<semaphore_mem>> -> memref<1x!tpu.dma_semaphore, #tpu.memory_space<semaphore_mem>>
        %dma_start3A_333 = tpu.memref_squeeze %dma_start3A_332 : memref<1x!tpu.dma_semaphore, #tpu.memory_space<semaphore_mem>> -> memref<!tpu.dma_semaphore, #tpu.memory_space<semaphore_mem>>
        %dma_start3A_334 = arith.constant 0 : i32
        %dma_start3A_335 = tpu.memref_slice %arg5[%dma_start3A, %dma_start3A_326, %dma_start3A_334] : memref<8x2x128xi32, #tpu.memory_space<vmem>> -> memref<1x1x128xi32, #tpu.memory_space<vmem>>
        %dma_start3A_336 = tpu.memref_squeeze %dma_start3A_335 : memref<1x1x128xi32, #tpu.memory_space<vmem>> -> memref<128xi32, #tpu.memory_space<vmem>>
        %dma_start3A_337 = tpu.memref_slice %arg2[%mul3A_325] : memref<640000xi32, #tpu.memory_space<hbm>> -> memref<128xi32, #tpu.memory_space<hbm>>
        tpu.enqueue_dma source(%dma_start3A_337 : memref<128xi32, #tpu.memory_space<hbm>>) target(%dma_start3A_336 : memref<128xi32, #tpu.memory_space<vmem>>) target_semaphore(%dma_start3A_333 : memref<!tpu.dma_semaphore, #tpu.memory_space<semaphore_mem>>)
        %mul3A_338 = arith.constant 128 : i32
        %mul3A_339 = arith.muli %add3A_83, %mul3A_338 : i32
        %add3A_340 = arith.constant 320000 : i32
        %add3A_341 = arith.addi %add3A_340, %mul3A_339 : i32
        %dma_start3A_342 = arith.constant 0 : i32
        %dma_start3A_343 = arith.constant 1 : i32
        %dma_start3A_344 = arith.constant 0 : i32
        %dma_start3A_345 = arith.constant 0 : i32
        %dma_start3A_346 = tpu.memref_slice %arg5[%dma_start3A_342, %dma_start3A_343, %dma_start3A_345] : memref<8x2x128xi32, #tpu.memory_space<vmem>> -> memref<1x1x128xi32, #tpu.memory_space<vmem>>
        %dma_start3A_347 = tpu.memref_squeeze %dma_start3A_346 : memref<1x1x128xi32, #tpu.memory_space<vmem>> -> memref<128xi32, #tpu.memory_space<vmem>>
        %dma_start3A_348 = tpu.memref_slice %arg2[%add3A_341] : memref<640000xi32, #tpu.memory_space<hbm>> -> memref<128xi32, #tpu.memory_space<hbm>>
        %dma_start3A_349 = tpu.memref_slice %arg9[%dma_start3A_344] : memref<8x!tpu.dma_semaphore, #tpu.memory_space<semaphore_mem>> -> memref<1x!tpu.dma_semaphore, #tpu.memory_space<semaphore_mem>>
        %dma_start3A_350 = tpu.memref_squeeze %dma_start3A_349 : memref<1x!tpu.dma_semaphore, #tpu.memory_space<semaphore_mem>> -> memref<!tpu.dma_semaphore, #tpu.memory_space<semaphore_mem>>
        %dma_start3A_351 = arith.constant 0 : i32
        %dma_start3A_352 = tpu.memref_slice %arg5[%dma_start3A_342, %dma_start3A_343, %dma_start3A_351] : memref<8x2x128xi32, #tpu.memory_space<vmem>> -> memref<1x1x128xi32, #tpu.memory_space<vmem>>
        %dma_start3A_353 = tpu.memref_squeeze %dma_start3A_352 : memref<1x1x128xi32, #tpu.memory_space<vmem>> -> memref<128xi32, #tpu.memory_space<vmem>>
        %dma_start3A_354 = tpu.memref_slice %arg2[%add3A_341] : memref<640000xi32, #tpu.memory_space<hbm>> -> memref<128xi32, #tpu.memory_space<hbm>>
        tpu.enqueue_dma source(%dma_start3A_354 : memref<128xi32, #tpu.memory_space<hbm>>) target(%dma_start3A_353 : memref<128xi32, #tpu.memory_space<vmem>>) target_semaphore(%dma_start3A_350 : memref<!tpu.dma_semaphore, #tpu.memory_space<semaphore_mem>>)
      } else {
      }
      %add3A_88 = arith.constant 1 : i32
      %add3A_89 = arith.addi %mul3A_78, %add3A_88 : i32
      %mul3A_90 = arith.constant 32 : i32
      %mul3A_91 = arith.muli %add3A_89, %mul3A_90 : i32
      %add3A_92 = arith.addi %add3A, %mul3A_91 : i32
      %lt3A_93 = arith.constant 2500 : i32
      %lt3A_94 = arith.cmpi slt, %add3A_92, %lt3A_93 : i32
      %convert_element_type3A_95 = arith.extui %lt3A_94 : i1 to i32
      %cond3A_96 = arith.constant 0 : i32
      %cond3A_97 = arith.cmpi ne, %convert_element_type3A_95, %cond3A_96 : i32
      scf.if %cond3A_97 {
        %mul3A_324 = arith.constant 128 : i32
        %mul3A_325 = arith.muli %add3A_92, %mul3A_324 : i32
        %dma_start3A = arith.constant 1 : i32
        %dma_start3A_326 = arith.constant 0 : i32
        %dma_start3A_327 = arith.constant 1 : i32
        %dma_start3A_328 = arith.constant 0 : i32
        %dma_start3A_329 = tpu.memref_slice %arg5[%dma_start3A, %dma_start3A_326, %dma_start3A_328] : memref<8x2x128xi32, #tpu.memory_space<vmem>> -> memref<1x1x128xi32, #tpu.memory_space<vmem>>
        %dma_start3A_330 = tpu.memref_squeeze %dma_start3A_329 : memref<1x1x128xi32, #tpu.memory_space<vmem>> -> memref<128xi32, #tpu.memory_space<vmem>>
        %dma_start3A_331 = tpu.memref_slice %arg2[%mul3A_325] : memref<640000xi32, #tpu.memory_space<hbm>> -> memref<128xi32, #tpu.memory_space<hbm>>
        %dma_start3A_332 = tpu.memref_slice %arg9[%dma_start3A_327] : memref<8x!tpu.dma_semaphore, #tpu.memory_space<semaphore_mem>> -> memref<1x!tpu.dma_semaphore, #tpu.memory_space<semaphore_mem>>
        %dma_start3A_333 = tpu.memref_squeeze %dma_start3A_332 : memref<1x!tpu.dma_semaphore, #tpu.memory_space<semaphore_mem>> -> memref<!tpu.dma_semaphore, #tpu.memory_space<semaphore_mem>>
        %dma_start3A_334 = arith.constant 0 : i32
        %dma_start3A_335 = tpu.memref_slice %arg5[%dma_start3A, %dma_start3A_326, %dma_start3A_334] : memref<8x2x128xi32, #tpu.memory_space<vmem>> -> memref<1x1x128xi32, #tpu.memory_space<vmem>>
        %dma_start3A_336 = tpu.memref_squeeze %dma_start3A_335 : memref<1x1x128xi32, #tpu.memory_space<vmem>> -> memref<128xi32, #tpu.memory_space<vmem>>
        %dma_start3A_337 = tpu.memref_slice %arg2[%mul3A_325] : memref<640000xi32, #tpu.memory_space<hbm>> -> memref<128xi32, #tpu.memory_space<hbm>>
        tpu.enqueue_dma source(%dma_start3A_337 : memref<128xi32, #tpu.memory_space<hbm>>) target(%dma_start3A_336 : memref<128xi32, #tpu.memory_space<vmem>>) target_semaphore(%dma_start3A_333 : memref<!tpu.dma_semaphore, #tpu.memory_space<semaphore_mem>>)
        %mul3A_338 = arith.constant 128 : i32
        %mul3A_339 = arith.muli %add3A_92, %mul3A_338 : i32
        %add3A_340 = arith.constant 320000 : i32
        %add3A_341 = arith.addi %add3A_340, %mul3A_339 : i32
        %dma_start3A_342 = arith.constant 1 : i32
        %dma_start3A_343 = arith.constant 1 : i32
        %dma_start3A_344 = arith.constant 1 : i32
        %dma_start3A_345 = arith.constant 0 : i32
        %dma_start3A_346 = tpu.memref_slice %arg5[%dma_start3A_342, %dma_start3A_343, %dma_start3A_345] : memref<8x2x128xi32, #tpu.memory_space<vmem>> -> memref<1x1x128xi32, #tpu.memory_space<vmem>>
        %dma_start3A_347 = tpu.memref_squeeze %dma_start3A_346 : memref<1x1x128xi32, #tpu.memory_space<vmem>> -> memref<128xi32, #tpu.memory_space<vmem>>
        %dma_start3A_348 = tpu.memref_slice %arg2[%add3A_341] : memref<640000xi32, #tpu.memory_space<hbm>> -> memref<128xi32, #tpu.memory_space<hbm>>
        %dma_start3A_349 = tpu.memref_slice %arg9[%dma_start3A_344] : memref<8x!tpu.dma_semaphore, #tpu.memory_space<semaphore_mem>> -> memref<1x!tpu.dma_semaphore, #tpu.memory_space<semaphore_mem>>
        %dma_start3A_350 = tpu.memref_squeeze %dma_start3A_349 : memref<1x!tpu.dma_semaphore, #tpu.memory_space<semaphore_mem>> -> memref<!tpu.dma_semaphore, #tpu.memory_space<semaphore_mem>>
        %dma_start3A_351 = arith.constant 0 : i32
        %dma_start3A_352 = tpu.memref_slice %arg5[%dma_start3A_342, %dma_start3A_343, %dma_start3A_351] : memref<8x2x128xi32, #tpu.memory_space<vmem>> -> memref<1x1x128xi32, #tpu.memory_space<vmem>>
        %dma_start3A_353 = tpu.memref_squeeze %dma_start3A_352 : memref<1x1x128xi32, #tpu.memory_space<vmem>> -> memref<128xi32, #tpu.memory_space<vmem>>
        %dma_start3A_354 = tpu.memref_slice %arg2[%add3A_341] : memref<640000xi32, #tpu.memory_space<hbm>> -> memref<128xi32, #tpu.memory_space<hbm>>
        tpu.enqueue_dma source(%dma_start3A_354 : memref<128xi32, #tpu.memory_space<hbm>>) target(%dma_start3A_353 : memref<128xi32, #tpu.memory_space<vmem>>) target_semaphore(%dma_start3A_350 : memref<!tpu.dma_semaphore, #tpu.memory_space<semaphore_mem>>)
      } else {
      }
      %add3A_98 = arith.constant 2 : i32
      %add3A_99 = arith.addi %mul3A_78, %add3A_98 : i32
      %mul3A_100 = arith.constant 32 : i32
      %mul3A_101 = arith.muli %add3A_99, %mul3A_100 : i32
      %add3A_102 = arith.addi %add3A, %mul3A_101 : i32
      %lt3A_103 = arith.constant 2500 : i32
      %lt3A_104 = arith.cmpi slt, %add3A_102, %lt3A_103 : i32
      %convert_element_type3A_105 = arith.extui %lt3A_104 : i1 to i32
      %cond3A_106 = arith.constant 0 : i32
      %cond3A_107 = arith.cmpi ne, %convert_element_type3A_105, %cond3A_106 : i32
      scf.if %cond3A_107 {
        %mul3A_324 = arith.constant 128 : i32
        %mul3A_325 = arith.muli %add3A_102, %mul3A_324 : i32
        %dma_start3A = arith.constant 2 : i32
        %dma_start3A_326 = arith.constant 0 : i32
        %dma_start3A_327 = arith.constant 2 : i32
        %dma_start3A_328 = arith.constant 0 : i32
        %dma_start3A_329 = tpu.memref_slice %arg5[%dma_start3A, %dma_start3A_326, %dma_start3A_328] : memref<8x2x128xi32, #tpu.memory_space<vmem>> -> memref<1x1x128xi32, #tpu.memory_space<vmem>>
        %dma_start3A_330 = tpu.memref_squeeze %dma_start3A_329 : memref<1x1x128xi32, #tpu.memory_space<vmem>> -> memref<128xi32, #tpu.memory_space<vmem>>
        %dma_start3A_331 = tpu.memref_slice %arg2[%mul3A_325] : memref<640000xi32, #tpu.memory_space<hbm>> -> memref<128xi32, #tpu.memory_space<hbm>>
        %dma_start3A_332 = tpu.memref_slice %arg9[%dma_start3A_327] : memref<8x!tpu.dma_semaphore, #tpu.memory_space<semaphore_mem>> -> memref<1x!tpu.dma_semaphore, #tpu.memory_space<semaphore_mem>>
        %dma_start3A_333 = tpu.memref_squeeze %dma_start3A_332 : memref<1x!tpu.dma_semaphore, #tpu.memory_space<semaphore_mem>> -> memref<!tpu.dma_semaphore, #tpu.memory_space<semaphore_mem>>
        %dma_start3A_334 = arith.constant 0 : i32
        %dma_start3A_335 = tpu.memref_slice %arg5[%dma_start3A, %dma_start3A_326, %dma_start3A_334] : memref<8x2x128xi32, #tpu.memory_space<vmem>> -> memref<1x1x128xi32, #tpu.memory_space<vmem>>
        %dma_start3A_336 = tpu.memref_squeeze %dma_start3A_335 : memref<1x1x128xi32, #tpu.memory_space<vmem>> -> memref<128xi32, #tpu.memory_space<vmem>>
        %dma_start3A_337 = tpu.memref_slice %arg2[%mul3A_325] : memref<640000xi32, #tpu.memory_space<hbm>> -> memref<128xi32, #tpu.memory_space<hbm>>
        tpu.enqueue_dma source(%dma_start3A_337 : memref<128xi32, #tpu.memory_space<hbm>>) target(%dma_start3A_336 : memref<128xi32, #tpu.memory_space<vmem>>) target_semaphore(%dma_start3A_333 : memref<!tpu.dma_semaphore, #tpu.memory_space<semaphore_mem>>)
        %mul3A_338 = arith.constant 128 : i32
        %mul3A_339 = arith.muli %add3A_102, %mul3A_338 : i32
        %add3A_340 = arith.constant 320000 : i32
        %add3A_341 = arith.addi %add3A_340, %mul3A_339 : i32
        %dma_start3A_342 = arith.constant 2 : i32
        %dma_start3A_343 = arith.constant 1 : i32
        %dma_start3A_344 = arith.constant 2 : i32
        %dma_start3A_345 = arith.constant 0 : i32
        %dma_start3A_346 = tpu.memref_slice %arg5[%dma_start3A_342, %dma_start3A_343, %dma_start3A_345] : memref<8x2x128xi32, #tpu.memory_space<vmem>> -> memref<1x1x128xi32, #tpu.memory_space<vmem>>
        %dma_start3A_347 = tpu.memref_squeeze %dma_start3A_346 : memref<1x1x128xi32, #tpu.memory_space<vmem>> -> memref<128xi32, #tpu.memory_space<vmem>>
        %dma_start3A_348 = tpu.memref_slice %arg2[%add3A_341] : memref<640000xi32, #tpu.memory_space<hbm>> -> memref<128xi32, #tpu.memory_space<hbm>>
        %dma_start3A_349 = tpu.memref_slice %arg9[%dma_start3A_344] : memref<8x!tpu.dma_semaphore, #tpu.memory_space<semaphore_mem>> -> memref<1x!tpu.dma_semaphore, #tpu.memory_space<semaphore_mem>>
        %dma_start3A_350 = tpu.memref_squeeze %dma_start3A_349 : memref<1x!tpu.dma_semaphore, #tpu.memory_space<semaphore_mem>> -> memref<!tpu.dma_semaphore, #tpu.memory_space<semaphore_mem>>
        %dma_start3A_351 = arith.constant 0 : i32
        %dma_start3A_352 = tpu.memref_slice %arg5[%dma_start3A_342, %dma_start3A_343, %dma_start3A_351] : memref<8x2x128xi32, #tpu.memory_space<vmem>> -> memref<1x1x128xi32, #tpu.memory_space<vmem>>
        %dma_start3A_353 = tpu.memref_squeeze %dma_start3A_352 : memref<1x1x128xi32, #tpu.memory_space<vmem>> -> memref<128xi32, #tpu.memory_space<vmem>>
        %dma_start3A_354 = tpu.memref_slice %arg2[%add3A_341] : memref<640000xi32, #tpu.memory_space<hbm>> -> memref<128xi32, #tpu.memory_space<hbm>>
        tpu.enqueue_dma source(%dma_start3A_354 : memref<128xi32, #tpu.memory_space<hbm>>) target(%dma_start3A_353 : memref<128xi32, #tpu.memory_space<vmem>>) target_semaphore(%dma_start3A_350 : memref<!tpu.dma_semaphore, #tpu.memory_space<semaphore_mem>>)
      } else {
      }
      %add3A_108 = arith.constant 3 : i32
      %add3A_109 = arith.addi %mul3A_78, %add3A_108 : i32
      %mul3A_110 = arith.constant 32 : i32
      %mul3A_111 = arith.muli %add3A_109, %mul3A_110 : i32
      %add3A_112 = arith.addi %add3A, %mul3A_111 : i32
      %lt3A_113 = arith.constant 2500 : i32
      %lt3A_114 = arith.cmpi slt, %add3A_112, %lt3A_113 : i32
      %convert_element_type3A_115 = arith.extui %lt3A_114 : i1 to i32
      %cond3A_116 = arith.constant 0 : i32
      %cond3A_117 = arith.cmpi ne, %convert_element_type3A_115, %cond3A_116 : i32
      scf.if %cond3A_117 {
        %mul3A_324 = arith.constant 128 : i32
        %mul3A_325 = arith.muli %add3A_112, %mul3A_324 : i32
        %dma_start3A = arith.constant 3 : i32
        %dma_start3A_326 = arith.constant 0 : i32
        %dma_start3A_327 = arith.constant 3 : i32
        %dma_start3A_328 = arith.constant 0 : i32
        %dma_start3A_329 = tpu.memref_slice %arg5[%dma_start3A, %dma_start3A_326, %dma_start3A_328] : memref<8x2x128xi32, #tpu.memory_space<vmem>> -> memref<1x1x128xi32, #tpu.memory_space<vmem>>
        %dma_start3A_330 = tpu.memref_squeeze %dma_start3A_329 : memref<1x1x128xi32, #tpu.memory_space<vmem>> -> memref<128xi32, #tpu.memory_space<vmem>>
        %dma_start3A_331 = tpu.memref_slice %arg2[%mul3A_325] : memref<640000xi32, #tpu.memory_space<hbm>> -> memref<128xi32, #tpu.memory_space<hbm>>
        %dma_start3A_332 = tpu.memref_slice %arg9[%dma_start3A_327] : memref<8x!tpu.dma_semaphore, #tpu.memory_space<semaphore_mem>> -> memref<1x!tpu.dma_semaphore, #tpu.memory_space<semaphore_mem>>
        %dma_start3A_333 = tpu.memref_squeeze %dma_start3A_332 : memref<1x!tpu.dma_semaphore, #tpu.memory_space<semaphore_mem>> -> memref<!tpu.dma_semaphore, #tpu.memory_space<semaphore_mem>>
        %dma_start3A_334 = arith.constant 0 : i32
        %dma_start3A_335 = tpu.memref_slice %arg5[%dma_start3A, %dma_start3A_326, %dma_start3A_334] : memref<8x2x128xi32, #tpu.memory_space<vmem>> -> memref<1x1x128xi32, #tpu.memory_space<vmem>>
        %dma_start3A_336 = tpu.memref_squeeze %dma_start3A_335 : memref<1x1x128xi32, #tpu.memory_space<vmem>> -> memref<128xi32, #tpu.memory_space<vmem>>
        %dma_start3A_337 = tpu.memref_slice %arg2[%mul3A_325] : memref<640000xi32, #tpu.memory_space<hbm>> -> memref<128xi32, #tpu.memory_space<hbm>>
        tpu.enqueue_dma source(%dma_start3A_337 : memref<128xi32, #tpu.memory_space<hbm>>) target(%dma_start3A_336 : memref<128xi32, #tpu.memory_space<vmem>>) target_semaphore(%dma_start3A_333 : memref<!tpu.dma_semaphore, #tpu.memory_space<semaphore_mem>>)
        %mul3A_338 = arith.constant 128 : i32
        %mul3A_339 = arith.muli %add3A_112, %mul3A_338 : i32
        %add3A_340 = arith.constant 320000 : i32
        %add3A_341 = arith.addi %add3A_340, %mul3A_339 : i32
        %dma_start3A_342 = arith.constant 3 : i32
        %dma_start3A_343 = arith.constant 1 : i32
        %dma_start3A_344 = arith.constant 3 : i32
        %dma_start3A_345 = arith.constant 0 : i32
        %dma_start3A_346 = tpu.memref_slice %arg5[%dma_start3A_342, %dma_start3A_343, %dma_start3A_345] : memref<8x2x128xi32, #tpu.memory_space<vmem>> -> memref<1x1x128xi32, #tpu.memory_space<vmem>>
        %dma_start3A_347 = tpu.memref_squeeze %dma_start3A_346 : memref<1x1x128xi32, #tpu.memory_space<vmem>> -> memref<128xi32, #tpu.memory_space<vmem>>
        %dma_start3A_348 = tpu.memref_slice %arg2[%add3A_341] : memref<640000xi32, #tpu.memory_space<hbm>> -> memref<128xi32, #tpu.memory_space<hbm>>
        %dma_start3A_349 = tpu.memref_slice %arg9[%dma_start3A_344] : memref<8x!tpu.dma_semaphore, #tpu.memory_space<semaphore_mem>> -> memref<1x!tpu.dma_semaphore, #tpu.memory_space<semaphore_mem>>
        %dma_start3A_350 = tpu.memref_squeeze %dma_start3A_349 : memref<1x!tpu.dma_semaphore, #tpu.memory_space<semaphore_mem>> -> memref<!tpu.dma_semaphore, #tpu.memory_space<semaphore_mem>>
        %dma_start3A_351 = arith.constant 0 : i32
        %dma_start3A_352 = tpu.memref_slice %arg5[%dma_start3A_342, %dma_start3A_343, %dma_start3A_351] : memref<8x2x128xi32, #tpu.memory_space<vmem>> -> memref<1x1x128xi32, #tpu.memory_space<vmem>>
        %dma_start3A_353 = tpu.memref_squeeze %dma_start3A_352 : memref<1x1x128xi32, #tpu.memory_space<vmem>> -> memref<128xi32, #tpu.memory_space<vmem>>
        %dma_start3A_354 = tpu.memref_slice %arg2[%add3A_341] : memref<640000xi32, #tpu.memory_space<hbm>> -> memref<128xi32, #tpu.memory_space<hbm>>
        tpu.enqueue_dma source(%dma_start3A_354 : memref<128xi32, #tpu.memory_space<hbm>>) target(%dma_start3A_353 : memref<128xi32, #tpu.memory_space<vmem>>) target_semaphore(%dma_start3A_350 : memref<!tpu.dma_semaphore, #tpu.memory_space<semaphore_mem>>)
      } else {
      }
      %add3A_118 = arith.constant 0 : i32
      %add3A_119 = arith.addi %mul3A_78, %add3A_118 : i32
      %mul3A_120 = arith.constant 32 : i32
      %mul3A_121 = arith.muli %add3A_119, %mul3A_120 : i32
      %add3A_122 = arith.addi %add3A, %mul3A_121 : i32
      %lt3A_123 = arith.constant 2500 : i32
      %lt3A_124 = arith.cmpi slt, %add3A_122, %lt3A_123 : i32
      %convert_element_type3A_125 = arith.extui %lt3A_124 : i1 to i32
      %cond3A_126 = arith.constant 0 : i32
      %cond3A_127 = arith.cmpi ne, %convert_element_type3A_125, %cond3A_126 : i32
      scf.if %cond3A_127 {
        %mul3A_324 = arith.constant 128 : i32
        %mul3A_325 = arith.muli %add3A_122, %mul3A_324 : i32
        %dma_wait3A_326 = arith.constant 0 : i32
        %dma_wait3A_327 = arith.constant 0 : i32
        %dma_wait3A_328 = arith.constant 0 : i32
        %dma_wait3A_329 = arith.constant 0 : i32
        %dma_wait3A_330 = tpu.memref_slice %arg5[%dma_wait3A_326, %dma_wait3A_327, %dma_wait3A_329] : memref<8x2x128xi32, #tpu.memory_space<vmem>> -> memref<1x1x128xi32, #tpu.memory_space<vmem>>
        %dma_wait3A_331 = tpu.memref_squeeze %dma_wait3A_330 : memref<1x1x128xi32, #tpu.memory_space<vmem>> -> memref<128xi32, #tpu.memory_space<vmem>>
        %dma_wait3A_332 = tpu.memref_slice %arg2[%mul3A_325] : memref<640000xi32, #tpu.memory_space<hbm>> -> memref<128xi32, #tpu.memory_space<hbm>>
        %dma_wait3A_333 = tpu.memref_slice %arg9[%dma_wait3A_328] : memref<8x!tpu.dma_semaphore, #tpu.memory_space<semaphore_mem>> -> memref<1x!tpu.dma_semaphore, #tpu.memory_space<semaphore_mem>>
        %dma_wait3A_334 = tpu.memref_squeeze %dma_wait3A_333 : memref<1x!tpu.dma_semaphore, #tpu.memory_space<semaphore_mem>> -> memref<!tpu.dma_semaphore, #tpu.memory_space<semaphore_mem>>
        %dma_wait3A_335 = arith.constant 0 : i32
        %dma_wait3A_336 = tpu.memref_slice %arg5[%dma_wait3A_326, %dma_wait3A_327, %dma_wait3A_335] : memref<8x2x128xi32, #tpu.memory_space<vmem>> -> memref<1x1x128xi32, #tpu.memory_space<vmem>>
        %dma_wait3A_337 = tpu.memref_squeeze %dma_wait3A_336 : memref<1x1x128xi32, #tpu.memory_space<vmem>> -> memref<128xi32, #tpu.memory_space<vmem>>
        %dma_wait3A_338 = tpu.memref_slice %arg2[%mul3A_325] : memref<640000xi32, #tpu.memory_space<hbm>> -> memref<128xi32, #tpu.memory_space<hbm>>
        tpu.wait_dma2 semaphore(%dma_wait3A_334 : memref<!tpu.dma_semaphore, #tpu.memory_space<semaphore_mem>>) src(%dma_wait3A_338 : memref<128xi32, #tpu.memory_space<hbm>>) dst(%dma_wait3A_337 : memref<128xi32, #tpu.memory_space<vmem>>)
        %mul3A_339 = arith.constant 128 : i32
        %mul3A_340 = arith.muli %add3A_122, %mul3A_339 : i32
        %add3A_341 = arith.constant 320000 : i32
        %add3A_342 = arith.addi %add3A_341, %mul3A_340 : i32
        %dma_wait3A_343 = arith.constant 0 : i32
        %dma_wait3A_344 = arith.constant 1 : i32
        %dma_wait3A_345 = arith.constant 0 : i32
        %dma_wait3A_346 = arith.constant 0 : i32
        %dma_wait3A_347 = tpu.memref_slice %arg5[%dma_wait3A_343, %dma_wait3A_344, %dma_wait3A_346] : memref<8x2x128xi32, #tpu.memory_space<vmem>> -> memref<1x1x128xi32, #tpu.memory_space<vmem>>
        %dma_wait3A_348 = tpu.memref_squeeze %dma_wait3A_347 : memref<1x1x128xi32, #tpu.memory_space<vmem>> -> memref<128xi32, #tpu.memory_space<vmem>>
        %dma_wait3A_349 = tpu.memref_slice %arg2[%add3A_342] : memref<640000xi32, #tpu.memory_space<hbm>> -> memref<128xi32, #tpu.memory_space<hbm>>
        %dma_wait3A_350 = tpu.memref_slice %arg9[%dma_wait3A_345] : memref<8x!tpu.dma_semaphore, #tpu.memory_space<semaphore_mem>> -> memref<1x!tpu.dma_semaphore, #tpu.memory_space<semaphore_mem>>
        %dma_wait3A_351 = tpu.memref_squeeze %dma_wait3A_350 : memref<1x!tpu.dma_semaphore, #tpu.memory_space<semaphore_mem>> -> memref<!tpu.dma_semaphore, #tpu.memory_space<semaphore_mem>>
        %dma_wait3A_352 = arith.constant 0 : i32
        %dma_wait3A_353 = tpu.memref_slice %arg5[%dma_wait3A_343, %dma_wait3A_344, %dma_wait3A_352] : memref<8x2x128xi32, #tpu.memory_space<vmem>> -> memref<1x1x128xi32, #tpu.memory_space<vmem>>
        %dma_wait3A_354 = tpu.memref_squeeze %dma_wait3A_353 : memref<1x1x128xi32, #tpu.memory_space<vmem>> -> memref<128xi32, #tpu.memory_space<vmem>>
        %dma_wait3A_355 = tpu.memref_slice %arg2[%add3A_342] : memref<640000xi32, #tpu.memory_space<hbm>> -> memref<128xi32, #tpu.memory_space<hbm>>
        tpu.wait_dma2 semaphore(%dma_wait3A_351 : memref<!tpu.dma_semaphore, #tpu.memory_space<semaphore_mem>>) src(%dma_wait3A_355 : memref<128xi32, #tpu.memory_space<hbm>>) dst(%dma_wait3A_354 : memref<128xi32, #tpu.memory_space<vmem>>)
        %gt3A = arith.constant 0 : i32
        %gt3A_356 = arith.cmpi sgt, %scan3A_72, %gt3A : i32
        %convert_element_type3A_357 = arith.extui %gt3A_356 : i1 to i32
        %cond3A_358 = arith.constant 0 : i32
        %cond3A_359 = arith.cmpi ne, %convert_element_type3A_357, %cond3A_358 : i32
        scf.if %cond3A_359 {
          %dma_wait3A_375 = arith.constant 0 : i32
          %dma_wait3A_376 = arith.constant 0 : i32
          %dma_wait3A_377 = arith.constant 1 : i32
          %dma_wait3A_378 = arith.constant 0 : i32
          %dma_wait3A_379 = arith.constant 0 : i32
          %dma_wait3A_380 = arith.constant 0 : i32
          %dma_wait3A_381 = tpu.memref_slice %arg6[%dma_wait3A_375, %dma_wait3A_379, %dma_wait3A_380] : memref<2x128x128xf32, #tpu.memory_space<vmem>> -> memref<1x128x128xf32, #tpu.memory_space<vmem>>
          %dma_wait3A_382 = tpu.memref_squeeze %dma_wait3A_381 : memref<1x128x128xf32, #tpu.memory_space<vmem>> -> memref<128x128xf32, #tpu.memory_space<vmem>>
          %dma_wait3A_383 = arith.constant 0 : i32
          %dma_wait3A_384 = tpu.memref_slice %arg5[%dma_wait3A_376, %dma_wait3A_377, %dma_wait3A_383] : memref<8x2x128xi32, #tpu.memory_space<vmem>> -> memref<1x1x128xi32, #tpu.memory_space<vmem>>
          %dma_wait3A_385 = tpu.memref_squeeze %dma_wait3A_384 : memref<1x1x128xi32, #tpu.memory_space<vmem>> -> memref<128xi32, #tpu.memory_space<vmem>>
          %dma_wait3A_386 = arith.constant 0 : i32
          %dma_wait3A_387 = arith.constant 0 : i32
          %dma_wait3A_388 = tpu.memref_slice %arg8[%dma_wait3A_386, %dma_wait3A_387] : memref<10000x128xf32, #tpu.memory_space<vmem_shared>> -> memref<10000x128xf32, #tpu.memory_space<vmem_shared>>
          %dma_wait3A_389 = tpu.memref_slice %arg11[%dma_wait3A_378] : memref<2x!tpu.dma_semaphore, #tpu.memory_space<semaphore_mem>> -> memref<1x!tpu.dma_semaphore, #tpu.memory_space<semaphore_mem>>
          %dma_wait3A_390 = tpu.memref_squeeze %dma_wait3A_389 : memref<1x!tpu.dma_semaphore, #tpu.memory_space<semaphore_mem>> -> memref<!tpu.dma_semaphore, #tpu.memory_space<semaphore_mem>>
          tpu.wait_indirect_dma semaphore(%dma_wait3A_390 : memref<!tpu.dma_semaphore, #tpu.memory_space<semaphore_mem>>) src(%dma_wait3A_382 : memref<128x128xf32, #tpu.memory_space<vmem>>) dst(%dma_wait3A_388 : memref<10000x128xf32, #tpu.memory_space<vmem_shared>>)
        } else {
        }
        %dma_start3A = arith.constant 0 : i32
        %dma_start3A_360 = arith.constant 0 : i32
        %dma_start3A_361 = arith.constant 0 : i32
        %dma_start3A_362 = arith.constant 0 : i32
        %dma_start3A_363 = arith.constant 0 : i32
        %dma_start3A_364 = arith.constant 0 : i32
        %dma_start3A_365 = tpu.memref_slice %arg6[%dma_start3A_361, %dma_start3A_363, %dma_start3A_364] : memref<2x128x128xf32, #tpu.memory_space<vmem>> -> memref<1x128x128xf32, #tpu.memory_space<vmem>>
        %dma_start3A_366 = tpu.memref_squeeze %dma_start3A_365 : memref<1x128x128xf32, #tpu.memory_space<vmem>> -> memref<128x128xf32, #tpu.memory_space<vmem>>
        %dma_start3A_367 = arith.constant 0 : i32
        %dma_start3A_368 = tpu.memref_slice %arg5[%dma_start3A, %dma_start3A_360, %dma_start3A_367] : memref<8x2x128xi32, #tpu.memory_space<vmem>> -> memref<1x1x128xi32, #tpu.memory_space<vmem>>
        %dma_start3A_369 = tpu.memref_squeeze %dma_start3A_368 : memref<1x1x128xi32, #tpu.memory_space<vmem>> -> memref<128xi32, #tpu.memory_space<vmem>>
        %dma_start3A_370 = arith.constant 0 : i32
        %dma_start3A_371 = arith.constant 0 : i32
        %dma_start3A_372 = tpu.memref_slice %arg3[%dma_start3A_370, %dma_start3A_371] : memref<10000x128xf32, #tpu.memory_space<hbm>> -> memref<10000x128xf32, #tpu.memory_space<hbm>>
        %dma_start3A_373 = tpu.memref_slice %arg10[%dma_start3A_362] : memref<2x!tpu.dma_semaphore, #tpu.memory_space<semaphore_mem>> -> memref<1x!tpu.dma_semaphore, #tpu.memory_space<semaphore_mem>>
        %dma_start3A_374 = tpu.memref_squeeze %dma_start3A_373 : memref<1x!tpu.dma_semaphore, #tpu.memory_space<semaphore_mem>> -> memref<!tpu.dma_semaphore, #tpu.memory_space<semaphore_mem>>
        tpu.enqueue_indirect_dma source(%dma_start3A_372 : memref<10000x128xf32, #tpu.memory_space<hbm>>) target(%dma_start3A_366 : memref<128x128xf32, #tpu.memory_space<vmem>>) offsets(%dma_start3A_369 : memref<128xi32, #tpu.memory_space<vmem>>) semaphore(%dma_start3A_374 : memref<!tpu.dma_semaphore, #tpu.memory_space<semaphore_mem>>)
      } else {
      }
      %add3A_128 = arith.constant 1 : i32
      %add3A_129 = arith.addi %mul3A_78, %add3A_128 : i32
      %mul3A_130 = arith.constant 32 : i32
      %mul3A_131 = arith.muli %add3A_129, %mul3A_130 : i32
      %add3A_132 = arith.addi %add3A, %mul3A_131 : i32
      %lt3A_133 = arith.constant 2500 : i32
      %lt3A_134 = arith.cmpi slt, %add3A_132, %lt3A_133 : i32
      %convert_element_type3A_135 = arith.extui %lt3A_134 : i1 to i32
      %cond3A_136 = arith.constant 0 : i32
      %cond3A_137 = arith.cmpi ne, %convert_element_type3A_135, %cond3A_136 : i32
      scf.if %cond3A_137 {
        %mul3A_324 = arith.constant 128 : i32
        %mul3A_325 = arith.muli %add3A_132, %mul3A_324 : i32
        %dma_wait3A_326 = arith.constant 1 : i32
        %dma_wait3A_327 = arith.constant 0 : i32
        %dma_wait3A_328 = arith.constant 1 : i32
        %dma_wait3A_329 = arith.constant 0 : i32
        %dma_wait3A_330 = tpu.memref_slice %arg5[%dma_wait3A_326, %dma_wait3A_327, %dma_wait3A_329] : memref<8x2x128xi32, #tpu.memory_space<vmem>> -> memref<1x1x128xi32, #tpu.memory_space<vmem>>
        %dma_wait3A_331 = tpu.memref_squeeze %dma_wait3A_330 : memref<1x1x128xi32, #tpu.memory_space<vmem>> -> memref<128xi32, #tpu.memory_space<vmem>>
        %dma_wait3A_332 = tpu.memref_slice %arg2[%mul3A_325] : memref<640000xi32, #tpu.memory_space<hbm>> -> memref<128xi32, #tpu.memory_space<hbm>>
        %dma_wait3A_333 = tpu.memref_slice %arg9[%dma_wait3A_328] : memref<8x!tpu.dma_semaphore, #tpu.memory_space<semaphore_mem>> -> memref<1x!tpu.dma_semaphore, #tpu.memory_space<semaphore_mem>>
        %dma_wait3A_334 = tpu.memref_squeeze %dma_wait3A_333 : memref<1x!tpu.dma_semaphore, #tpu.memory_space<semaphore_mem>> -> memref<!tpu.dma_semaphore, #tpu.memory_space<semaphore_mem>>
        %dma_wait3A_335 = arith.constant 0 : i32
        %dma_wait3A_336 = tpu.memref_slice %arg5[%dma_wait3A_326, %dma_wait3A_327, %dma_wait3A_335] : memref<8x2x128xi32, #tpu.memory_space<vmem>> -> memref<1x1x128xi32, #tpu.memory_space<vmem>>
        %dma_wait3A_337 = tpu.memref_squeeze %dma_wait3A_336 : memref<1x1x128xi32, #tpu.memory_space<vmem>> -> memref<128xi32, #tpu.memory_space<vmem>>
        %dma_wait3A_338 = tpu.memref_slice %arg2[%mul3A_325] : memref<640000xi32, #tpu.memory_space<hbm>> -> memref<128xi32, #tpu.memory_space<hbm>>
        tpu.wait_dma2 semaphore(%dma_wait3A_334 : memref<!tpu.dma_semaphore, #tpu.memory_space<semaphore_mem>>) src(%dma_wait3A_338 : memref<128xi32, #tpu.memory_space<hbm>>) dst(%dma_wait3A_337 : memref<128xi32, #tpu.memory_space<vmem>>)
        %mul3A_339 = arith.constant 128 : i32
        %mul3A_340 = arith.muli %add3A_132, %mul3A_339 : i32
        %add3A_341 = arith.constant 320000 : i32
        %add3A_342 = arith.addi %add3A_341, %mul3A_340 : i32
        %dma_wait3A_343 = arith.constant 1 : i32
        %dma_wait3A_344 = arith.constant 1 : i32
        %dma_wait3A_345 = arith.constant 1 : i32
        %dma_wait3A_346 = arith.constant 0 : i32
        %dma_wait3A_347 = tpu.memref_slice %arg5[%dma_wait3A_343, %dma_wait3A_344, %dma_wait3A_346] : memref<8x2x128xi32, #tpu.memory_space<vmem>> -> memref<1x1x128xi32, #tpu.memory_space<vmem>>
        %dma_wait3A_348 = tpu.memref_squeeze %dma_wait3A_347 : memref<1x1x128xi32, #tpu.memory_space<vmem>> -> memref<128xi32, #tpu.memory_space<vmem>>
        %dma_wait3A_349 = tpu.memref_slice %arg2[%add3A_342] : memref<640000xi32, #tpu.memory_space<hbm>> -> memref<128xi32, #tpu.memory_space<hbm>>
        %dma_wait3A_350 = tpu.memref_slice %arg9[%dma_wait3A_345] : memref<8x!tpu.dma_semaphore, #tpu.memory_space<semaphore_mem>> -> memref<1x!tpu.dma_semaphore, #tpu.memory_space<semaphore_mem>>
        %dma_wait3A_351 = tpu.memref_squeeze %dma_wait3A_350 : memref<1x!tpu.dma_semaphore, #tpu.memory_space<semaphore_mem>> -> memref<!tpu.dma_semaphore, #tpu.memory_space<semaphore_mem>>
        %dma_wait3A_352 = arith.constant 0 : i32
        %dma_wait3A_353 = tpu.memref_slice %arg5[%dma_wait3A_343, %dma_wait3A_344, %dma_wait3A_352] : memref<8x2x128xi32, #tpu.memory_space<vmem>> -> memref<1x1x128xi32, #tpu.memory_space<vmem>>
        %dma_wait3A_354 = tpu.memref_squeeze %dma_wait3A_353 : memref<1x1x128xi32, #tpu.memory_space<vmem>> -> memref<128xi32, #tpu.memory_space<vmem>>
        %dma_wait3A_355 = tpu.memref_slice %arg2[%add3A_342] : memref<640000xi32, #tpu.memory_space<hbm>> -> memref<128xi32, #tpu.memory_space<hbm>>
        tpu.wait_dma2 semaphore(%dma_wait3A_351 : memref<!tpu.dma_semaphore, #tpu.memory_space<semaphore_mem>>) src(%dma_wait3A_355 : memref<128xi32, #tpu.memory_space<hbm>>) dst(%dma_wait3A_354 : memref<128xi32, #tpu.memory_space<vmem>>)
        %gt3A = arith.constant 0 : i32
        %gt3A_356 = arith.cmpi sgt, %scan3A_72, %gt3A : i32
        %convert_element_type3A_357 = arith.extui %gt3A_356 : i1 to i32
        %cond3A_358 = arith.constant 0 : i32
        %cond3A_359 = arith.cmpi ne, %convert_element_type3A_357, %cond3A_358 : i32
        scf.if %cond3A_359 {
          %dma_wait3A_375 = arith.constant 1 : i32
          %dma_wait3A_376 = arith.constant 0 : i32
          %dma_wait3A_377 = arith.constant 1 : i32
          %dma_wait3A_378 = arith.constant 1 : i32
          %dma_wait3A_379 = arith.constant 0 : i32
          %dma_wait3A_380 = arith.constant 0 : i32
          %dma_wait3A_381 = tpu.memref_slice %arg6[%dma_wait3A_375, %dma_wait3A_379, %dma_wait3A_380] : memref<2x128x128xf32, #tpu.memory_space<vmem>> -> memref<1x128x128xf32, #tpu.memory_space<vmem>>
          %dma_wait3A_382 = tpu.memref_squeeze %dma_wait3A_381 : memref<1x128x128xf32, #tpu.memory_space<vmem>> -> memref<128x128xf32, #tpu.memory_space<vmem>>
          %dma_wait3A_383 = arith.constant 0 : i32
          %dma_wait3A_384 = tpu.memref_slice %arg5[%dma_wait3A_376, %dma_wait3A_377, %dma_wait3A_383] : memref<8x2x128xi32, #tpu.memory_space<vmem>> -> memref<1x1x128xi32, #tpu.memory_space<vmem>>
          %dma_wait3A_385 = tpu.memref_squeeze %dma_wait3A_384 : memref<1x1x128xi32, #tpu.memory_space<vmem>> -> memref<128xi32, #tpu.memory_space<vmem>>
          %dma_wait3A_386 = arith.constant 0 : i32
          %dma_wait3A_387 = arith.constant 0 : i32
          %dma_wait3A_388 = tpu.memref_slice %arg8[%dma_wait3A_386, %dma_wait3A_387] : memref<10000x128xf32, #tpu.memory_space<vmem_shared>> -> memref<10000x128xf32, #tpu.memory_space<vmem_shared>>
          %dma_wait3A_389 = tpu.memref_slice %arg11[%dma_wait3A_378] : memref<2x!tpu.dma_semaphore, #tpu.memory_space<semaphore_mem>> -> memref<1x!tpu.dma_semaphore, #tpu.memory_space<semaphore_mem>>
          %dma_wait3A_390 = tpu.memref_squeeze %dma_wait3A_389 : memref<1x!tpu.dma_semaphore, #tpu.memory_space<semaphore_mem>> -> memref<!tpu.dma_semaphore, #tpu.memory_space<semaphore_mem>>
          tpu.wait_indirect_dma semaphore(%dma_wait3A_390 : memref<!tpu.dma_semaphore, #tpu.memory_space<semaphore_mem>>) src(%dma_wait3A_382 : memref<128x128xf32, #tpu.memory_space<vmem>>) dst(%dma_wait3A_388 : memref<10000x128xf32, #tpu.memory_space<vmem_shared>>)
        } else {
        }
        %dma_start3A = arith.constant 1 : i32
        %dma_start3A_360 = arith.constant 0 : i32
        %dma_start3A_361 = arith.constant 1 : i32
        %dma_start3A_362 = arith.constant 1 : i32
        %dma_start3A_363 = arith.constant 0 : i32
        %dma_start3A_364 = arith.constant 0 : i32
        %dma_start3A_365 = tpu.memref_slice %arg6[%dma_start3A_361, %dma_start3A_363, %dma_start3A_364] : memref<2x128x128xf32, #tpu.memory_space<vmem>> -> memref<1x128x128xf32, #tpu.memory_space<vmem>>
        %dma_start3A_366 = tpu.memref_squeeze %dma_start3A_365 : memref<1x128x128xf32, #tpu.memory_space<vmem>> -> memref<128x128xf32, #tpu.memory_space<vmem>>
        %dma_start3A_367 = arith.constant 0 : i32
        %dma_start3A_368 = tpu.memref_slice %arg5[%dma_start3A, %dma_start3A_360, %dma_start3A_367] : memref<8x2x128xi32, #tpu.memory_space<vmem>> -> memref<1x1x128xi32, #tpu.memory_space<vmem>>
        %dma_start3A_369 = tpu.memref_squeeze %dma_start3A_368 : memref<1x1x128xi32, #tpu.memory_space<vmem>> -> memref<128xi32, #tpu.memory_space<vmem>>
        %dma_start3A_370 = arith.constant 0 : i32
        %dma_start3A_371 = arith.constant 0 : i32
        %dma_start3A_372 = tpu.memref_slice %arg3[%dma_start3A_370, %dma_start3A_371] : memref<10000x128xf32, #tpu.memory_space<hbm>> -> memref<10000x128xf32, #tpu.memory_space<hbm>>
        %dma_start3A_373 = tpu.memref_slice %arg10[%dma_start3A_362] : memref<2x!tpu.dma_semaphore, #tpu.memory_space<semaphore_mem>> -> memref<1x!tpu.dma_semaphore, #tpu.memory_space<semaphore_mem>>
        %dma_start3A_374 = tpu.memref_squeeze %dma_start3A_373 : memref<1x!tpu.dma_semaphore, #tpu.memory_space<semaphore_mem>> -> memref<!tpu.dma_semaphore, #tpu.memory_space<semaphore_mem>>
        tpu.enqueue_indirect_dma source(%dma_start3A_372 : memref<10000x128xf32, #tpu.memory_space<hbm>>) target(%dma_start3A_366 : memref<128x128xf32, #tpu.memory_space<vmem>>) offsets(%dma_start3A_369 : memref<128xi32, #tpu.memory_space<vmem>>) semaphore(%dma_start3A_374 : memref<!tpu.dma_semaphore, #tpu.memory_space<semaphore_mem>>)
      } else {
      }
      %add3A_138 = arith.constant 0 : i32
      %add3A_139 = arith.addi %mul3A_78, %add3A_138 : i32
      %mul3A_140 = arith.constant 32 : i32
      %mul3A_141 = arith.muli %add3A_139, %mul3A_140 : i32
      %add3A_142 = arith.addi %add3A, %mul3A_141 : i32
      %lt3A_143 = arith.constant 2500 : i32
      %lt3A_144 = arith.cmpi slt, %add3A_142, %lt3A_143 : i32
      %convert_element_type3A_145 = arith.extui %lt3A_144 : i1 to i32
      %cond3A_146 = arith.constant 0 : i32
      %cond3A_147 = arith.cmpi ne, %convert_element_type3A_145, %cond3A_146 : i32
      scf.if %cond3A_147 {
        %dma_wait3A_324 = arith.constant 0 : i32
        %dma_wait3A_325 = arith.constant 0 : i32
        %dma_wait3A_326 = arith.constant 0 : i32
        %dma_wait3A_327 = arith.constant 0 : i32
        %dma_wait3A_328 = arith.constant 0 : i32
        %dma_wait3A_329 = arith.constant 0 : i32
        %dma_wait3A_330 = tpu.memref_slice %arg6[%dma_wait3A_326, %dma_wait3A_328, %dma_wait3A_329] : memref<2x128x128xf32, #tpu.memory_space<vmem>> -> memref<1x128x128xf32, #tpu.memory_space<vmem>>
        %dma_wait3A_331 = tpu.memref_squeeze %dma_wait3A_330 : memref<1x128x128xf32, #tpu.memory_space<vmem>> -> memref<128x128xf32, #tpu.memory_space<vmem>>
        %dma_wait3A_332 = arith.constant 0 : i32
        %dma_wait3A_333 = tpu.memref_slice %arg5[%dma_wait3A_324, %dma_wait3A_325, %dma_wait3A_332] : memref<8x2x128xi32, #tpu.memory_space<vmem>> -> memref<1x1x128xi32, #tpu.memory_space<vmem>>
        %dma_wait3A_334 = tpu.memref_squeeze %dma_wait3A_333 : memref<1x1x128xi32, #tpu.memory_space<vmem>> -> memref<128xi32, #tpu.memory_space<vmem>>
        %dma_wait3A_335 = arith.constant 0 : i32
        %dma_wait3A_336 = arith.constant 0 : i32
        %dma_wait3A_337 = tpu.memref_slice %arg3[%dma_wait3A_335, %dma_wait3A_336] : memref<10000x128xf32, #tpu.memory_space<hbm>> -> memref<10000x128xf32, #tpu.memory_space<hbm>>
        %dma_wait3A_338 = tpu.memref_slice %arg10[%dma_wait3A_327] : memref<2x!tpu.dma_semaphore, #tpu.memory_space<semaphore_mem>> -> memref<1x!tpu.dma_semaphore, #tpu.memory_space<semaphore_mem>>
        %dma_wait3A_339 = tpu.memref_squeeze %dma_wait3A_338 : memref<1x!tpu.dma_semaphore, #tpu.memory_space<semaphore_mem>> -> memref<!tpu.dma_semaphore, #tpu.memory_space<semaphore_mem>>
        tpu.wait_indirect_dma semaphore(%dma_wait3A_339 : memref<!tpu.dma_semaphore, #tpu.memory_space<semaphore_mem>>) src(%dma_wait3A_337 : memref<10000x128xf32, #tpu.memory_space<hbm>>) dst(%dma_wait3A_331 : memref<128x128xf32, #tpu.memory_space<vmem>>)
        %dma_start3A = arith.constant 0 : i32
        %dma_start3A_340 = arith.constant 0 : i32
        %dma_start3A_341 = arith.constant 1 : i32
        %dma_start3A_342 = arith.constant 0 : i32
        %dma_start3A_343 = arith.constant 0 : i32
        %dma_start3A_344 = arith.constant 0 : i32
        %dma_start3A_345 = tpu.memref_slice %arg6[%dma_start3A, %dma_start3A_343, %dma_start3A_344] : memref<2x128x128xf32, #tpu.memory_space<vmem>> -> memref<1x128x128xf32, #tpu.memory_space<vmem>>
        %dma_start3A_346 = tpu.memref_squeeze %dma_start3A_345 : memref<1x128x128xf32, #tpu.memory_space<vmem>> -> memref<128x128xf32, #tpu.memory_space<vmem>>
        %dma_start3A_347 = arith.constant 0 : i32
        %dma_start3A_348 = tpu.memref_slice %arg5[%dma_start3A_340, %dma_start3A_341, %dma_start3A_347] : memref<8x2x128xi32, #tpu.memory_space<vmem>> -> memref<1x1x128xi32, #tpu.memory_space<vmem>>
        %dma_start3A_349 = tpu.memref_squeeze %dma_start3A_348 : memref<1x1x128xi32, #tpu.memory_space<vmem>> -> memref<128xi32, #tpu.memory_space<vmem>>
        %dma_start3A_350 = arith.constant 0 : i32
        %dma_start3A_351 = arith.constant 0 : i32
        %dma_start3A_352 = tpu.memref_slice %arg8[%dma_start3A_350, %dma_start3A_351] : memref<10000x128xf32, #tpu.memory_space<vmem_shared>> -> memref<10000x128xf32, #tpu.memory_space<vmem_shared>>
        %dma_start3A_353 = tpu.memref_slice %arg11[%dma_start3A_342] : memref<2x!tpu.dma_semaphore, #tpu.memory_space<semaphore_mem>> -> memref<1x!tpu.dma_semaphore, #tpu.memory_space<semaphore_mem>>
        %dma_start3A_354 = tpu.memref_squeeze %dma_start3A_353 : memref<1x!tpu.dma_semaphore, #tpu.memory_space<semaphore_mem>> -> memref<!tpu.dma_semaphore, #tpu.memory_space<semaphore_mem>>
        tpu.enqueue_indirect_dma source(%dma_start3A_346 : memref<128x128xf32, #tpu.memory_space<vmem>>) target(%dma_start3A_352 : memref<10000x128xf32, #tpu.memory_space<vmem_shared>>) offsets(%dma_start3A_349 : memref<128xi32, #tpu.memory_space<vmem>>) semaphore(%dma_start3A_354 : memref<!tpu.dma_semaphore, #tpu.memory_space<semaphore_mem>>) {add = true}
      } else {
      }
      %add3A_148 = arith.constant 2 : i32
      %add3A_149 = arith.addi %mul3A_78, %add3A_148 : i32
      %mul3A_150 = arith.constant 32 : i32
      %mul3A_151 = arith.muli %add3A_149, %mul3A_150 : i32
      %add3A_152 = arith.addi %add3A, %mul3A_151 : i32
      %lt3A_153 = arith.constant 2500 : i32
      %lt3A_154 = arith.cmpi slt, %add3A_152, %lt3A_153 : i32
      %convert_element_type3A_155 = arith.extui %lt3A_154 : i1 to i32
      %cond3A_156 = arith.constant 0 : i32
      %cond3A_157 = arith.cmpi ne, %convert_element_type3A_155, %cond3A_156 : i32
      scf.if %cond3A_157 {
        %mul3A_324 = arith.constant 128 : i32
        %mul3A_325 = arith.muli %add3A_152, %mul3A_324 : i32
        %dma_wait3A_326 = arith.constant 2 : i32
        %dma_wait3A_327 = arith.constant 0 : i32
        %dma_wait3A_328 = arith.constant 2 : i32
        %dma_wait3A_329 = arith.constant 0 : i32
        %dma_wait3A_330 = tpu.memref_slice %arg5[%dma_wait3A_326, %dma_wait3A_327, %dma_wait3A_329] : memref<8x2x128xi32, #tpu.memory_space<vmem>> -> memref<1x1x128xi32, #tpu.memory_space<vmem>>
        %dma_wait3A_331 = tpu.memref_squeeze %dma_wait3A_330 : memref<1x1x128xi32, #tpu.memory_space<vmem>> -> memref<128xi32, #tpu.memory_space<vmem>>
        %dma_wait3A_332 = tpu.memref_slice %arg2[%mul3A_325] : memref<640000xi32, #tpu.memory_space<hbm>> -> memref<128xi32, #tpu.memory_space<hbm>>
        %dma_wait3A_333 = tpu.memref_slice %arg9[%dma_wait3A_328] : memref<8x!tpu.dma_semaphore, #tpu.memory_space<semaphore_mem>> -> memref<1x!tpu.dma_semaphore, #tpu.memory_space<semaphore_mem>>
        %dma_wait3A_334 = tpu.memref_squeeze %dma_wait3A_333 : memref<1x!tpu.dma_semaphore, #tpu.memory_space<semaphore_mem>> -> memref<!tpu.dma_semaphore, #tpu.memory_space<semaphore_mem>>
        %dma_wait3A_335 = arith.constant 0 : i32
        %dma_wait3A_336 = tpu.memref_slice %arg5[%dma_wait3A_326, %dma_wait3A_327, %dma_wait3A_335] : memref<8x2x128xi32, #tpu.memory_space<vmem>> -> memref<1x1x128xi32, #tpu.memory_space<vmem>>
        %dma_wait3A_337 = tpu.memref_squeeze %dma_wait3A_336 : memref<1x1x128xi32, #tpu.memory_space<vmem>> -> memref<128xi32, #tpu.memory_space<vmem>>
        %dma_wait3A_338 = tpu.memref_slice %arg2[%mul3A_325] : memref<640000xi32, #tpu.memory_space<hbm>> -> memref<128xi32, #tpu.memory_space<hbm>>
        tpu.wait_dma2 semaphore(%dma_wait3A_334 : memref<!tpu.dma_semaphore, #tpu.memory_space<semaphore_mem>>) src(%dma_wait3A_338 : memref<128xi32, #tpu.memory_space<hbm>>) dst(%dma_wait3A_337 : memref<128xi32, #tpu.memory_space<vmem>>)
        %mul3A_339 = arith.constant 128 : i32
        %mul3A_340 = arith.muli %add3A_152, %mul3A_339 : i32
        %add3A_341 = arith.constant 320000 : i32
        %add3A_342 = arith.addi %add3A_341, %mul3A_340 : i32
        %dma_wait3A_343 = arith.constant 2 : i32
        %dma_wait3A_344 = arith.constant 1 : i32
        %dma_wait3A_345 = arith.constant 2 : i32
        %dma_wait3A_346 = arith.constant 0 : i32
        %dma_wait3A_347 = tpu.memref_slice %arg5[%dma_wait3A_343, %dma_wait3A_344, %dma_wait3A_346] : memref<8x2x128xi32, #tpu.memory_space<vmem>> -> memref<1x1x128xi32, #tpu.memory_space<vmem>>
        %dma_wait3A_348 = tpu.memref_squeeze %dma_wait3A_347 : memref<1x1x128xi32, #tpu.memory_space<vmem>> -> memref<128xi32, #tpu.memory_space<vmem>>
        %dma_wait3A_349 = tpu.memref_slice %arg2[%add3A_342] : memref<640000xi32, #tpu.memory_space<hbm>> -> memref<128xi32, #tpu.memory_space<hbm>>
        %dma_wait3A_350 = tpu.memref_slice %arg9[%dma_wait3A_345] : memref<8x!tpu.dma_semaphore, #tpu.memory_space<semaphore_mem>> -> memref<1x!tpu.dma_semaphore, #tpu.memory_space<semaphore_mem>>
        %dma_wait3A_351 = tpu.memref_squeeze %dma_wait3A_350 : memref<1x!tpu.dma_semaphore, #tpu.memory_space<semaphore_mem>> -> memref<!tpu.dma_semaphore, #tpu.memory_space<semaphore_mem>>
        %dma_wait3A_352 = arith.constant 0 : i32
        %dma_wait3A_353 = tpu.memref_slice %arg5[%dma_wait3A_343, %dma_wait3A_344, %dma_wait3A_352] : memref<8x2x128xi32, #tpu.memory_space<vmem>> -> memref<1x1x128xi32, #tpu.memory_space<vmem>>
        %dma_wait3A_354 = tpu.memref_squeeze %dma_wait3A_353 : memref<1x1x128xi32, #tpu.memory_space<vmem>> -> memref<128xi32, #tpu.memory_space<vmem>>
        %dma_wait3A_355 = tpu.memref_slice %arg2[%add3A_342] : memref<640000xi32, #tpu.memory_space<hbm>> -> memref<128xi32, #tpu.memory_space<hbm>>
        tpu.wait_dma2 semaphore(%dma_wait3A_351 : memref<!tpu.dma_semaphore, #tpu.memory_space<semaphore_mem>>) src(%dma_wait3A_355 : memref<128xi32, #tpu.memory_space<hbm>>) dst(%dma_wait3A_354 : memref<128xi32, #tpu.memory_space<vmem>>)
        %dma_wait3A_356 = arith.constant 0 : i32
        %dma_wait3A_357 = arith.constant 0 : i32
        %dma_wait3A_358 = arith.constant 1 : i32
        %dma_wait3A_359 = arith.constant 0 : i32
        %dma_wait3A_360 = arith.constant 0 : i32
        %dma_wait3A_361 = arith.constant 0 : i32
        %dma_wait3A_362 = tpu.memref_slice %arg6[%dma_wait3A_356, %dma_wait3A_360, %dma_wait3A_361] : memref<2x128x128xf32, #tpu.memory_space<vmem>> -> memref<1x128x128xf32, #tpu.memory_space<vmem>>
        %dma_wait3A_363 = tpu.memref_squeeze %dma_wait3A_362 : memref<1x128x128xf32, #tpu.memory_space<vmem>> -> memref<128x128xf32, #tpu.memory_space<vmem>>
        %dma_wait3A_364 = arith.constant 0 : i32
        %dma_wait3A_365 = tpu.memref_slice %arg5[%dma_wait3A_357, %dma_wait3A_358, %dma_wait3A_364] : memref<8x2x128xi32, #tpu.memory_space<vmem>> -> memref<1x1x128xi32, #tpu.memory_space<vmem>>
        %dma_wait3A_366 = tpu.memref_squeeze %dma_wait3A_365 : memref<1x1x128xi32, #tpu.memory_space<vmem>> -> memref<128xi32, #tpu.memory_space<vmem>>
        %dma_wait3A_367 = arith.constant 0 : i32
        %dma_wait3A_368 = arith.constant 0 : i32
        %dma_wait3A_369 = tpu.memref_slice %arg8[%dma_wait3A_367, %dma_wait3A_368] : memref<10000x128xf32, #tpu.memory_space<vmem_shared>> -> memref<10000x128xf32, #tpu.memory_space<vmem_shared>>
        %dma_wait3A_370 = tpu.memref_slice %arg11[%dma_wait3A_359] : memref<2x!tpu.dma_semaphore, #tpu.memory_space<semaphore_mem>> -> memref<1x!tpu.dma_semaphore, #tpu.memory_space<semaphore_mem>>
        %dma_wait3A_371 = tpu.memref_squeeze %dma_wait3A_370 : memref<1x!tpu.dma_semaphore, #tpu.memory_space<semaphore_mem>> -> memref<!tpu.dma_semaphore, #tpu.memory_space<semaphore_mem>>
        tpu.wait_indirect_dma semaphore(%dma_wait3A_371 : memref<!tpu.dma_semaphore, #tpu.memory_space<semaphore_mem>>) src(%dma_wait3A_363 : memref<128x128xf32, #tpu.memory_space<vmem>>) dst(%dma_wait3A_369 : memref<10000x128xf32, #tpu.memory_space<vmem_shared>>)
        %dma_start3A = arith.constant 2 : i32
        %dma_start3A_372 = arith.constant 0 : i32
        %dma_start3A_373 = arith.constant 0 : i32
        %dma_start3A_374 = arith.constant 0 : i32
        %dma_start3A_375 = arith.constant 0 : i32
        %dma_start3A_376 = arith.constant 0 : i32
        %dma_start3A_377 = tpu.memref_slice %arg6[%dma_start3A_373, %dma_start3A_375, %dma_start3A_376] : memref<2x128x128xf32, #tpu.memory_space<vmem>> -> memref<1x128x128xf32, #tpu.memory_space<vmem>>
        %dma_start3A_378 = tpu.memref_squeeze %dma_start3A_377 : memref<1x128x128xf32, #tpu.memory_space<vmem>> -> memref<128x128xf32, #tpu.memory_space<vmem>>
        %dma_start3A_379 = arith.constant 0 : i32
        %dma_start3A_380 = tpu.memref_slice %arg5[%dma_start3A, %dma_start3A_372, %dma_start3A_379] : memref<8x2x128xi32, #tpu.memory_space<vmem>> -> memref<1x1x128xi32, #tpu.memory_space<vmem>>
        %dma_start3A_381 = tpu.memref_squeeze %dma_start3A_380 : memref<1x1x128xi32, #tpu.memory_space<vmem>> -> memref<128xi32, #tpu.memory_space<vmem>>
        %dma_start3A_382 = arith.constant 0 : i32
        %dma_start3A_383 = arith.constant 0 : i32
        %dma_start3A_384 = tpu.memref_slice %arg3[%dma_start3A_382, %dma_start3A_383] : memref<10000x128xf32, #tpu.memory_space<hbm>> -> memref<10000x128xf32, #tpu.memory_space<hbm>>
        %dma_start3A_385 = tpu.memref_slice %arg10[%dma_start3A_374] : memref<2x!tpu.dma_semaphore, #tpu.memory_space<semaphore_mem>> -> memref<1x!tpu.dma_semaphore, #tpu.memory_space<semaphore_mem>>
        %dma_start3A_386 = tpu.memref_squeeze %dma_start3A_385 : memref<1x!tpu.dma_semaphore, #tpu.memory_space<semaphore_mem>> -> memref<!tpu.dma_semaphore, #tpu.memory_space<semaphore_mem>>
        tpu.enqueue_indirect_dma source(%dma_start3A_384 : memref<10000x128xf32, #tpu.memory_space<hbm>>) target(%dma_start3A_378 : memref<128x128xf32, #tpu.memory_space<vmem>>) offsets(%dma_start3A_381 : memref<128xi32, #tpu.memory_space<vmem>>) semaphore(%dma_start3A_386 : memref<!tpu.dma_semaphore, #tpu.memory_space<semaphore_mem>>)
      } else {
      }
      %add3A_158 = arith.constant 1 : i32
      %add3A_159 = arith.addi %mul3A_78, %add3A_158 : i32
      %mul3A_160 = arith.constant 32 : i32
      %mul3A_161 = arith.muli %add3A_159, %mul3A_160 : i32
      %add3A_162 = arith.addi %add3A, %mul3A_161 : i32
      %lt3A_163 = arith.constant 2500 : i32
      %lt3A_164 = arith.cmpi slt, %add3A_162, %lt3A_163 : i32
      %convert_element_type3A_165 = arith.extui %lt3A_164 : i1 to i32
      %cond3A_166 = arith.constant 0 : i32
      %cond3A_167 = arith.cmpi ne, %convert_element_type3A_165, %cond3A_166 : i32
      scf.if %cond3A_167 {
        %dma_wait3A_324 = arith.constant 1 : i32
        %dma_wait3A_325 = arith.constant 0 : i32
        %dma_wait3A_326 = arith.constant 1 : i32
        %dma_wait3A_327 = arith.constant 1 : i32
        %dma_wait3A_328 = arith.constant 0 : i32
        %dma_wait3A_329 = arith.constant 0 : i32
        %dma_wait3A_330 = tpu.memref_slice %arg6[%dma_wait3A_326, %dma_wait3A_328, %dma_wait3A_329] : memref<2x128x128xf32, #tpu.memory_space<vmem>> -> memref<1x128x128xf32, #tpu.memory_space<vmem>>
        %dma_wait3A_331 = tpu.memref_squeeze %dma_wait3A_330 : memref<1x128x128xf32, #tpu.memory_space<vmem>> -> memref<128x128xf32, #tpu.memory_space<vmem>>
        %dma_wait3A_332 = arith.constant 0 : i32
        %dma_wait3A_333 = tpu.memref_slice %arg5[%dma_wait3A_324, %dma_wait3A_325, %dma_wait3A_332] : memref<8x2x128xi32, #tpu.memory_space<vmem>> -> memref<1x1x128xi32, #tpu.memory_space<vmem>>
        %dma_wait3A_334 = tpu.memref_squeeze %dma_wait3A_333 : memref<1x1x128xi32, #tpu.memory_space<vmem>> -> memref<128xi32, #tpu.memory_space<vmem>>
        %dma_wait3A_335 = arith.constant 0 : i32
        %dma_wait3A_336 = arith.constant 0 : i32
        %dma_wait3A_337 = tpu.memref_slice %arg3[%dma_wait3A_335, %dma_wait3A_336] : memref<10000x128xf32, #tpu.memory_space<hbm>> -> memref<10000x128xf32, #tpu.memory_space<hbm>>
        %dma_wait3A_338 = tpu.memref_slice %arg10[%dma_wait3A_327] : memref<2x!tpu.dma_semaphore, #tpu.memory_space<semaphore_mem>> -> memref<1x!tpu.dma_semaphore, #tpu.memory_space<semaphore_mem>>
        %dma_wait3A_339 = tpu.memref_squeeze %dma_wait3A_338 : memref<1x!tpu.dma_semaphore, #tpu.memory_space<semaphore_mem>> -> memref<!tpu.dma_semaphore, #tpu.memory_space<semaphore_mem>>
        tpu.wait_indirect_dma semaphore(%dma_wait3A_339 : memref<!tpu.dma_semaphore, #tpu.memory_space<semaphore_mem>>) src(%dma_wait3A_337 : memref<10000x128xf32, #tpu.memory_space<hbm>>) dst(%dma_wait3A_331 : memref<128x128xf32, #tpu.memory_space<vmem>>)
        %dma_start3A = arith.constant 1 : i32
        %dma_start3A_340 = arith.constant 1 : i32
        %dma_start3A_341 = arith.constant 1 : i32
        %dma_start3A_342 = arith.constant 1 : i32
        %dma_start3A_343 = arith.constant 0 : i32
        %dma_start3A_344 = arith.constant 0 : i32
        %dma_start3A_345 = tpu.memref_slice %arg6[%dma_start3A, %dma_start3A_343, %dma_start3A_344] : memref<2x128x128xf32, #tpu.memory_space<vmem>> -> memref<1x128x128xf32, #tpu.memory_space<vmem>>
        %dma_start3A_346 = tpu.memref_squeeze %dma_start3A_345 : memref<1x128x128xf32, #tpu.memory_space<vmem>> -> memref<128x128xf32, #tpu.memory_space<vmem>>
        %dma_start3A_347 = arith.constant 0 : i32
        %dma_start3A_348 = tpu.memref_slice %arg5[%dma_start3A_340, %dma_start3A_341, %dma_start3A_347] : memref<8x2x128xi32, #tpu.memory_space<vmem>> -> memref<1x1x128xi32, #tpu.memory_space<vmem>>
        %dma_start3A_349 = tpu.memref_squeeze %dma_start3A_348 : memref<1x1x128xi32, #tpu.memory_space<vmem>> -> memref<128xi32, #tpu.memory_space<vmem>>
        %dma_start3A_350 = arith.constant 0 : i32
        %dma_start3A_351 = arith.constant 0 : i32
        %dma_start3A_352 = tpu.memref_slice %arg8[%dma_start3A_350, %dma_start3A_351] : memref<10000x128xf32, #tpu.memory_space<vmem_shared>> -> memref<10000x128xf32, #tpu.memory_space<vmem_shared>>
        %dma_start3A_353 = tpu.memref_slice %arg11[%dma_start3A_342] : memref<2x!tpu.dma_semaphore, #tpu.memory_space<semaphore_mem>> -> memref<1x!tpu.dma_semaphore, #tpu.memory_space<semaphore_mem>>
        %dma_start3A_354 = tpu.memref_squeeze %dma_start3A_353 : memref<1x!tpu.dma_semaphore, #tpu.memory_space<semaphore_mem>> -> memref<!tpu.dma_semaphore, #tpu.memory_space<semaphore_mem>>
        tpu.enqueue_indirect_dma source(%dma_start3A_346 : memref<128x128xf32, #tpu.memory_space<vmem>>) target(%dma_start3A_352 : memref<10000x128xf32, #tpu.memory_space<vmem_shared>>) offsets(%dma_start3A_349 : memref<128xi32, #tpu.memory_space<vmem>>) semaphore(%dma_start3A_354 : memref<!tpu.dma_semaphore, #tpu.memory_space<semaphore_mem>>) {add = true}
      } else {
      }
      %add3A_168 = arith.constant 3 : i32
      %add3A_169 = arith.addi %mul3A_78, %add3A_168 : i32
      %mul3A_170 = arith.constant 32 : i32
      %mul3A_171 = arith.muli %add3A_169, %mul3A_170 : i32
      %add3A_172 = arith.addi %add3A, %mul3A_171 : i32
      %lt3A_173 = arith.constant 2500 : i32
      %lt3A_174 = arith.cmpi slt, %add3A_172, %lt3A_173 : i32
      %convert_element_type3A_175 = arith.extui %lt3A_174 : i1 to i32
      %cond3A_176 = arith.constant 0 : i32
      %cond3A_177 = arith.cmpi ne, %convert_element_type3A_175, %cond3A_176 : i32
      scf.if %cond3A_177 {
        %mul3A_324 = arith.constant 128 : i32
        %mul3A_325 = arith.muli %add3A_172, %mul3A_324 : i32
        %dma_wait3A_326 = arith.constant 3 : i32
        %dma_wait3A_327 = arith.constant 0 : i32
        %dma_wait3A_328 = arith.constant 3 : i32
        %dma_wait3A_329 = arith.constant 0 : i32
        %dma_wait3A_330 = tpu.memref_slice %arg5[%dma_wait3A_326, %dma_wait3A_327, %dma_wait3A_329] : memref<8x2x128xi32, #tpu.memory_space<vmem>> -> memref<1x1x128xi32, #tpu.memory_space<vmem>>
        %dma_wait3A_331 = tpu.memref_squeeze %dma_wait3A_330 : memref<1x1x128xi32, #tpu.memory_space<vmem>> -> memref<128xi32, #tpu.memory_space<vmem>>
        %dma_wait3A_332 = tpu.memref_slice %arg2[%mul3A_325] : memref<640000xi32, #tpu.memory_space<hbm>> -> memref<128xi32, #tpu.memory_space<hbm>>
        %dma_wait3A_333 = tpu.memref_slice %arg9[%dma_wait3A_328] : memref<8x!tpu.dma_semaphore, #tpu.memory_space<semaphore_mem>> -> memref<1x!tpu.dma_semaphore, #tpu.memory_space<semaphore_mem>>
        %dma_wait3A_334 = tpu.memref_squeeze %dma_wait3A_333 : memref<1x!tpu.dma_semaphore, #tpu.memory_space<semaphore_mem>> -> memref<!tpu.dma_semaphore, #tpu.memory_space<semaphore_mem>>
        %dma_wait3A_335 = arith.constant 0 : i32
        %dma_wait3A_336 = tpu.memref_slice %arg5[%dma_wait3A_326, %dma_wait3A_327, %dma_wait3A_335] : memref<8x2x128xi32, #tpu.memory_space<vmem>> -> memref<1x1x128xi32, #tpu.memory_space<vmem>>
        %dma_wait3A_337 = tpu.memref_squeeze %dma_wait3A_336 : memref<1x1x128xi32, #tpu.memory_space<vmem>> -> memref<128xi32, #tpu.memory_space<vmem>>
        %dma_wait3A_338 = tpu.memref_slice %arg2[%mul3A_325] : memref<640000xi32, #tpu.memory_space<hbm>> -> memref<128xi32, #tpu.memory_space<hbm>>
        tpu.wait_dma2 semaphore(%dma_wait3A_334 : memref<!tpu.dma_semaphore, #tpu.memory_space<semaphore_mem>>) src(%dma_wait3A_338 : memref<128xi32, #tpu.memory_space<hbm>>) dst(%dma_wait3A_337 : memref<128xi32, #tpu.memory_space<vmem>>)
        %mul3A_339 = arith.constant 128 : i32
        %mul3A_340 = arith.muli %add3A_172, %mul3A_339 : i32
        %add3A_341 = arith.constant 320000 : i32
        %add3A_342 = arith.addi %add3A_341, %mul3A_340 : i32
        %dma_wait3A_343 = arith.constant 3 : i32
        %dma_wait3A_344 = arith.constant 1 : i32
        %dma_wait3A_345 = arith.constant 3 : i32
        %dma_wait3A_346 = arith.constant 0 : i32
        %dma_wait3A_347 = tpu.memref_slice %arg5[%dma_wait3A_343, %dma_wait3A_344, %dma_wait3A_346] : memref<8x2x128xi32, #tpu.memory_space<vmem>> -> memref<1x1x128xi32, #tpu.memory_space<vmem>>
        %dma_wait3A_348 = tpu.memref_squeeze %dma_wait3A_347 : memref<1x1x128xi32, #tpu.memory_space<vmem>> -> memref<128xi32, #tpu.memory_space<vmem>>
        %dma_wait3A_349 = tpu.memref_slice %arg2[%add3A_342] : memref<640000xi32, #tpu.memory_space<hbm>> -> memref<128xi32, #tpu.memory_space<hbm>>
        %dma_wait3A_350 = tpu.memref_slice %arg9[%dma_wait3A_345] : memref<8x!tpu.dma_semaphore, #tpu.memory_space<semaphore_mem>> -> memref<1x!tpu.dma_semaphore, #tpu.memory_space<semaphore_mem>>
        %dma_wait3A_351 = tpu.memref_squeeze %dma_wait3A_350 : memref<1x!tpu.dma_semaphore, #tpu.memory_space<semaphore_mem>> -> memref<!tpu.dma_semaphore, #tpu.memory_space<semaphore_mem>>
        %dma_wait3A_352 = arith.constant 0 : i32
        %dma_wait3A_353 = tpu.memref_slice %arg5[%dma_wait3A_343, %dma_wait3A_344, %dma_wait3A_352] : memref<8x2x128xi32, #tpu.memory_space<vmem>> -> memref<1x1x128xi32, #tpu.memory_space<vmem>>
        %dma_wait3A_354 = tpu.memref_squeeze %dma_wait3A_353 : memref<1x1x128xi32, #tpu.memory_space<vmem>> -> memref<128xi32, #tpu.memory_space<vmem>>
        %dma_wait3A_355 = tpu.memref_slice %arg2[%add3A_342] : memref<640000xi32, #tpu.memory_space<hbm>> -> memref<128xi32, #tpu.memory_space<hbm>>
        tpu.wait_dma2 semaphore(%dma_wait3A_351 : memref<!tpu.dma_semaphore, #tpu.memory_space<semaphore_mem>>) src(%dma_wait3A_355 : memref<128xi32, #tpu.memory_space<hbm>>) dst(%dma_wait3A_354 : memref<128xi32, #tpu.memory_space<vmem>>)
        %dma_wait3A_356 = arith.constant 1 : i32
        %dma_wait3A_357 = arith.constant 0 : i32
        %dma_wait3A_358 = arith.constant 1 : i32
        %dma_wait3A_359 = arith.constant 1 : i32
        %dma_wait3A_360 = arith.constant 0 : i32
        %dma_wait3A_361 = arith.constant 0 : i32
        %dma_wait3A_362 = tpu.memref_slice %arg6[%dma_wait3A_356, %dma_wait3A_360, %dma_wait3A_361] : memref<2x128x128xf32, #tpu.memory_space<vmem>> -> memref<1x128x128xf32, #tpu.memory_space<vmem>>
        %dma_wait3A_363 = tpu.memref_squeeze %dma_wait3A_362 : memref<1x128x128xf32, #tpu.memory_space<vmem>> -> memref<128x128xf32, #tpu.memory_space<vmem>>
        %dma_wait3A_364 = arith.constant 0 : i32
        %dma_wait3A_365 = tpu.memref_slice %arg5[%dma_wait3A_357, %dma_wait3A_358, %dma_wait3A_364] : memref<8x2x128xi32, #tpu.memory_space<vmem>> -> memref<1x1x128xi32, #tpu.memory_space<vmem>>
        %dma_wait3A_366 = tpu.memref_squeeze %dma_wait3A_365 : memref<1x1x128xi32, #tpu.memory_space<vmem>> -> memref<128xi32, #tpu.memory_space<vmem>>
        %dma_wait3A_367 = arith.constant 0 : i32
        %dma_wait3A_368 = arith.constant 0 : i32
        %dma_wait3A_369 = tpu.memref_slice %arg8[%dma_wait3A_367, %dma_wait3A_368] : memref<10000x128xf32, #tpu.memory_space<vmem_shared>> -> memref<10000x128xf32, #tpu.memory_space<vmem_shared>>
        %dma_wait3A_370 = tpu.memref_slice %arg11[%dma_wait3A_359] : memref<2x!tpu.dma_semaphore, #tpu.memory_space<semaphore_mem>> -> memref<1x!tpu.dma_semaphore, #tpu.memory_space<semaphore_mem>>
        %dma_wait3A_371 = tpu.memref_squeeze %dma_wait3A_370 : memref<1x!tpu.dma_semaphore, #tpu.memory_space<semaphore_mem>> -> memref<!tpu.dma_semaphore, #tpu.memory_space<semaphore_mem>>
        tpu.wait_indirect_dma semaphore(%dma_wait3A_371 : memref<!tpu.dma_semaphore, #tpu.memory_space<semaphore_mem>>) src(%dma_wait3A_363 : memref<128x128xf32, #tpu.memory_space<vmem>>) dst(%dma_wait3A_369 : memref<10000x128xf32, #tpu.memory_space<vmem_shared>>)
        %dma_start3A = arith.constant 3 : i32
        %dma_start3A_372 = arith.constant 0 : i32
        %dma_start3A_373 = arith.constant 1 : i32
        %dma_start3A_374 = arith.constant 1 : i32
        %dma_start3A_375 = arith.constant 0 : i32
        %dma_start3A_376 = arith.constant 0 : i32
        %dma_start3A_377 = tpu.memref_slice %arg6[%dma_start3A_373, %dma_start3A_375, %dma_start3A_376] : memref<2x128x128xf32, #tpu.memory_space<vmem>> -> memref<1x128x128xf32, #tpu.memory_space<vmem>>
        %dma_start3A_378 = tpu.memref_squeeze %dma_start3A_377 : memref<1x128x128xf32, #tpu.memory_space<vmem>> -> memref<128x128xf32, #tpu.memory_space<vmem>>
        %dma_start3A_379 = arith.constant 0 : i32
        %dma_start3A_380 = tpu.memref_slice %arg5[%dma_start3A, %dma_start3A_372, %dma_start3A_379] : memref<8x2x128xi32, #tpu.memory_space<vmem>> -> memref<1x1x128xi32, #tpu.memory_space<vmem>>
        %dma_start3A_381 = tpu.memref_squeeze %dma_start3A_380 : memref<1x1x128xi32, #tpu.memory_space<vmem>> -> memref<128xi32, #tpu.memory_space<vmem>>
        %dma_start3A_382 = arith.constant 0 : i32
        %dma_start3A_383 = arith.constant 0 : i32
        %dma_start3A_384 = tpu.memref_slice %arg3[%dma_start3A_382, %dma_start3A_383] : memref<10000x128xf32, #tpu.memory_space<hbm>> -> memref<10000x128xf32, #tpu.memory_space<hbm>>
        %dma_start3A_385 = tpu.memref_slice %arg10[%dma_start3A_374] : memref<2x!tpu.dma_semaphore, #tpu.memory_space<semaphore_mem>> -> memref<1x!tpu.dma_semaphore, #tpu.memory_space<semaphore_mem>>
        %dma_start3A_386 = tpu.memref_squeeze %dma_start3A_385 : memref<1x!tpu.dma_semaphore, #tpu.memory_space<semaphore_mem>> -> memref<!tpu.dma_semaphore, #tpu.memory_space<semaphore_mem>>
        tpu.enqueue_indirect_dma source(%dma_start3A_384 : memref<10000x128xf32, #tpu.memory_space<hbm>>) target(%dma_start3A_378 : memref<128x128xf32, #tpu.memory_space<vmem>>) offsets(%dma_start3A_381 : memref<128xi32, #tpu.memory_space<vmem>>) semaphore(%dma_start3A_386 : memref<!tpu.dma_semaphore, #tpu.memory_space<semaphore_mem>>)
      } else {
      }
      %add3A_178 = arith.constant 2 : i32
      %add3A_179 = arith.addi %mul3A_78, %add3A_178 : i32
      %mul3A_180 = arith.constant 32 : i32
      %mul3A_181 = arith.muli %add3A_179, %mul3A_180 : i32
      %add3A_182 = arith.addi %add3A, %mul3A_181 : i32
      %lt3A_183 = arith.constant 2500 : i32
      %lt3A_184 = arith.cmpi slt, %add3A_182, %lt3A_183 : i32
      %convert_element_type3A_185 = arith.extui %lt3A_184 : i1 to i32
      %cond3A_186 = arith.constant 0 : i32
      %cond3A_187 = arith.cmpi ne, %convert_element_type3A_185, %cond3A_186 : i32
      scf.if %cond3A_187 {
        %dma_wait3A_324 = arith.constant 2 : i32
        %dma_wait3A_325 = arith.constant 0 : i32
        %dma_wait3A_326 = arith.constant 0 : i32
        %dma_wait3A_327 = arith.constant 0 : i32
        %dma_wait3A_328 = arith.constant 0 : i32
        %dma_wait3A_329 = arith.constant 0 : i32
        %dma_wait3A_330 = tpu.memref_slice %arg6[%dma_wait3A_326, %dma_wait3A_328, %dma_wait3A_329] : memref<2x128x128xf32, #tpu.memory_space<vmem>> -> memref<1x128x128xf32, #tpu.memory_space<vmem>>
        %dma_wait3A_331 = tpu.memref_squeeze %dma_wait3A_330 : memref<1x128x128xf32, #tpu.memory_space<vmem>> -> memref<128x128xf32, #tpu.memory_space<vmem>>
        %dma_wait3A_332 = arith.constant 0 : i32
        %dma_wait3A_333 = tpu.memref_slice %arg5[%dma_wait3A_324, %dma_wait3A_325, %dma_wait3A_332] : memref<8x2x128xi32, #tpu.memory_space<vmem>> -> memref<1x1x128xi32, #tpu.memory_space<vmem>>
        %dma_wait3A_334 = tpu.memref_squeeze %dma_wait3A_333 : memref<1x1x128xi32, #tpu.memory_space<vmem>> -> memref<128xi32, #tpu.memory_space<vmem>>
        %dma_wait3A_335 = arith.constant 0 : i32
        %dma_wait3A_336 = arith.constant 0 : i32
        %dma_wait3A_337 = tpu.memref_slice %arg3[%dma_wait3A_335, %dma_wait3A_336] : memref<10000x128xf32, #tpu.memory_space<hbm>> -> memref<10000x128xf32, #tpu.memory_space<hbm>>
        %dma_wait3A_338 = tpu.memref_slice %arg10[%dma_wait3A_327] : memref<2x!tpu.dma_semaphore, #tpu.memory_space<semaphore_mem>> -> memref<1x!tpu.dma_semaphore, #tpu.memory_space<semaphore_mem>>
        %dma_wait3A_339 = tpu.memref_squeeze %dma_wait3A_338 : memref<1x!tpu.dma_semaphore, #tpu.memory_space<semaphore_mem>> -> memref<!tpu.dma_semaphore, #tpu.memory_space<semaphore_mem>>
        tpu.wait_indirect_dma semaphore(%dma_wait3A_339 : memref<!tpu.dma_semaphore, #tpu.memory_space<semaphore_mem>>) src(%dma_wait3A_337 : memref<10000x128xf32, #tpu.memory_space<hbm>>) dst(%dma_wait3A_331 : memref<128x128xf32, #tpu.memory_space<vmem>>)
        %dma_start3A = arith.constant 0 : i32
        %dma_start3A_340 = arith.constant 2 : i32
        %dma_start3A_341 = arith.constant 1 : i32
        %dma_start3A_342 = arith.constant 0 : i32
        %dma_start3A_343 = arith.constant 0 : i32
        %dma_start3A_344 = arith.constant 0 : i32
        %dma_start3A_345 = tpu.memref_slice %arg6[%dma_start3A, %dma_start3A_343, %dma_start3A_344] : memref<2x128x128xf32, #tpu.memory_space<vmem>> -> memref<1x128x128xf32, #tpu.memory_space<vmem>>
        %dma_start3A_346 = tpu.memref_squeeze %dma_start3A_345 : memref<1x128x128xf32, #tpu.memory_space<vmem>> -> memref<128x128xf32, #tpu.memory_space<vmem>>
        %dma_start3A_347 = arith.constant 0 : i32
        %dma_start3A_348 = tpu.memref_slice %arg5[%dma_start3A_340, %dma_start3A_341, %dma_start3A_347] : memref<8x2x128xi32, #tpu.memory_space<vmem>> -> memref<1x1x128xi32, #tpu.memory_space<vmem>>
        %dma_start3A_349 = tpu.memref_squeeze %dma_start3A_348 : memref<1x1x128xi32, #tpu.memory_space<vmem>> -> memref<128xi32, #tpu.memory_space<vmem>>
        %dma_start3A_350 = arith.constant 0 : i32
        %dma_start3A_351 = arith.constant 0 : i32
        %dma_start3A_352 = tpu.memref_slice %arg8[%dma_start3A_350, %dma_start3A_351] : memref<10000x128xf32, #tpu.memory_space<vmem_shared>> -> memref<10000x128xf32, #tpu.memory_space<vmem_shared>>
        %dma_start3A_353 = tpu.memref_slice %arg11[%dma_start3A_342] : memref<2x!tpu.dma_semaphore, #tpu.memory_space<semaphore_mem>> -> memref<1x!tpu.dma_semaphore, #tpu.memory_space<semaphore_mem>>
        %dma_start3A_354 = tpu.memref_squeeze %dma_start3A_353 : memref<1x!tpu.dma_semaphore, #tpu.memory_space<semaphore_mem>> -> memref<!tpu.dma_semaphore, #tpu.memory_space<semaphore_mem>>
        tpu.enqueue_indirect_dma source(%dma_start3A_346 : memref<128x128xf32, #tpu.memory_space<vmem>>) target(%dma_start3A_352 : memref<10000x128xf32, #tpu.memory_space<vmem_shared>>) offsets(%dma_start3A_349 : memref<128xi32, #tpu.memory_space<vmem>>) semaphore(%dma_start3A_354 : memref<!tpu.dma_semaphore, #tpu.memory_space<semaphore_mem>>) {add = true}
      } else {
      }
      %add3A_188 = arith.constant 3 : i32
      %add3A_189 = arith.addi %mul3A_78, %add3A_188 : i32
      %mul3A_190 = arith.constant 32 : i32
      %mul3A_191 = arith.muli %add3A_189, %mul3A_190 : i32
      %add3A_192 = arith.addi %add3A, %mul3A_191 : i32
      %lt3A_193 = arith.constant 2500 : i32
      %lt3A_194 = arith.cmpi slt, %add3A_192, %lt3A_193 : i32
      %convert_element_type3A_195 = arith.extui %lt3A_194 : i1 to i32
      %cond3A_196 = arith.constant 0 : i32
      %cond3A_197 = arith.cmpi ne, %convert_element_type3A_195, %cond3A_196 : i32
      scf.if %cond3A_197 {
        %dma_wait3A_324 = arith.constant 3 : i32
        %dma_wait3A_325 = arith.constant 0 : i32
        %dma_wait3A_326 = arith.constant 1 : i32
        %dma_wait3A_327 = arith.constant 1 : i32
        %dma_wait3A_328 = arith.constant 0 : i32
        %dma_wait3A_329 = arith.constant 0 : i32
        %dma_wait3A_330 = tpu.memref_slice %arg6[%dma_wait3A_326, %dma_wait3A_328, %dma_wait3A_329] : memref<2x128x128xf32, #tpu.memory_space<vmem>> -> memref<1x128x128xf32, #tpu.memory_space<vmem>>
        %dma_wait3A_331 = tpu.memref_squeeze %dma_wait3A_330 : memref<1x128x128xf32, #tpu.memory_space<vmem>> -> memref<128x128xf32, #tpu.memory_space<vmem>>
        %dma_wait3A_332 = arith.constant 0 : i32
        %dma_wait3A_333 = tpu.memref_slice %arg5[%dma_wait3A_324, %dma_wait3A_325, %dma_wait3A_332] : memref<8x2x128xi32, #tpu.memory_space<vmem>> -> memref<1x1x128xi32, #tpu.memory_space<vmem>>
        %dma_wait3A_334 = tpu.memref_squeeze %dma_wait3A_333 : memref<1x1x128xi32, #tpu.memory_space<vmem>> -> memref<128xi32, #tpu.memory_space<vmem>>
        %dma_wait3A_335 = arith.constant 0 : i32
        %dma_wait3A_336 = arith.constant 0 : i32
        %dma_wait3A_337 = tpu.memref_slice %arg3[%dma_wait3A_335, %dma_wait3A_336] : memref<10000x128xf32, #tpu.memory_space<hbm>> -> memref<10000x128xf32, #tpu.memory_space<hbm>>
        %dma_wait3A_338 = tpu.memref_slice %arg10[%dma_wait3A_327] : memref<2x!tpu.dma_semaphore, #tpu.memory_space<semaphore_mem>> -> memref<1x!tpu.dma_semaphore, #tpu.memory_space<semaphore_mem>>
        %dma_wait3A_339 = tpu.memref_squeeze %dma_wait3A_338 : memref<1x!tpu.dma_semaphore, #tpu.memory_space<semaphore_mem>> -> memref<!tpu.dma_semaphore, #tpu.memory_space<semaphore_mem>>
        tpu.wait_indirect_dma semaphore(%dma_wait3A_339 : memref<!tpu.dma_semaphore, #tpu.memory_space<semaphore_mem>>) src(%dma_wait3A_337 : memref<10000x128xf32, #tpu.memory_space<hbm>>) dst(%dma_wait3A_331 : memref<128x128xf32, #tpu.memory_space<vmem>>)
        %dma_start3A = arith.constant 1 : i32
        %dma_start3A_340 = arith.constant 3 : i32
        %dma_start3A_341 = arith.constant 1 : i32
        %dma_start3A_342 = arith.constant 1 : i32
        %dma_start3A_343 = arith.constant 0 : i32
        %dma_start3A_344 = arith.constant 0 : i32
        %dma_start3A_345 = tpu.memref_slice %arg6[%dma_start3A, %dma_start3A_343, %dma_start3A_344] : memref<2x128x128xf32, #tpu.memory_space<vmem>> -> memref<1x128x128xf32, #tpu.memory_space<vmem>>
        %dma_start3A_346 = tpu.memref_squeeze %dma_start3A_345 : memref<1x128x128xf32, #tpu.memory_space<vmem>> -> memref<128x128xf32, #tpu.memory_space<vmem>>
        %dma_start3A_347 = arith.constant 0 : i32
        %dma_start3A_348 = tpu.memref_slice %arg5[%dma_start3A_340, %dma_start3A_341, %dma_start3A_347] : memref<8x2x128xi32, #tpu.memory_space<vmem>> -> memref<1x1x128xi32, #tpu.memory_space<vmem>>
        %dma_start3A_349 = tpu.memref_squeeze %dma_start3A_348 : memref<1x1x128xi32, #tpu.memory_space<vmem>> -> memref<128xi32, #tpu.memory_space<vmem>>
        %dma_start3A_350 = arith.constant 0 : i32
        %dma_start3A_351 = arith.constant 0 : i32
        %dma_start3A_352 = tpu.memref_slice %arg8[%dma_start3A_350, %dma_start3A_351] : memref<10000x128xf32, #tpu.memory_space<vmem_shared>> -> memref<10000x128xf32, #tpu.memory_space<vmem_shared>>
        %dma_start3A_353 = tpu.memref_slice %arg11[%dma_start3A_342] : memref<2x!tpu.dma_semaphore, #tpu.memory_space<semaphore_mem>> -> memref<1x!tpu.dma_semaphore, #tpu.memory_space<semaphore_mem>>
        %dma_start3A_354 = tpu.memref_squeeze %dma_start3A_353 : memref<1x!tpu.dma_semaphore, #tpu.memory_space<semaphore_mem>> -> memref<!tpu.dma_semaphore, #tpu.memory_space<semaphore_mem>>
        tpu.enqueue_indirect_dma source(%dma_start3A_346 : memref<128x128xf32, #tpu.memory_space<vmem>>) target(%dma_start3A_352 : memref<10000x128xf32, #tpu.memory_space<vmem_shared>>) offsets(%dma_start3A_349 : memref<128xi32, #tpu.memory_space<vmem>>) semaphore(%dma_start3A_354 : memref<!tpu.dma_semaphore, #tpu.memory_space<semaphore_mem>>) {add = true}
      } else {
      }
      %mul3A_198 = arith.constant 2 : i32
      %mul3A_199 = arith.muli %scan3A_72, %mul3A_198 : i32
      %add3A_200 = arith.constant 1 : i32
      %add3A_201 = arith.addi %mul3A_199, %add3A_200 : i32
      %mul3A_202 = arith.constant 4 : i32
      %mul3A_203 = arith.muli %add3A_201, %mul3A_202 : i32
      %add3A_204 = arith.constant 0 : i32
      %add3A_205 = arith.addi %mul3A_203, %add3A_204 : i32
      %mul3A_206 = arith.constant 32 : i32
      %mul3A_207 = arith.muli %add3A_205, %mul3A_206 : i32
      %add3A_208 = arith.addi %add3A, %mul3A_207 : i32
      %lt3A_209 = arith.constant 2500 : i32
      %lt3A_210 = arith.cmpi slt, %add3A_208, %lt3A_209 : i32
      %convert_element_type3A_211 = arith.extui %lt3A_210 : i1 to i32
      %cond3A_212 = arith.constant 0 : i32
      %cond3A_213 = arith.cmpi ne, %convert_element_type3A_211, %cond3A_212 : i32
      scf.if %cond3A_213 {
        %mul3A_324 = arith.constant 128 : i32
        %mul3A_325 = arith.muli %add3A_208, %mul3A_324 : i32
        %dma_start3A = arith.constant 4 : i32
        %dma_start3A_326 = arith.constant 0 : i32
        %dma_start3A_327 = arith.constant 4 : i32
        %dma_start3A_328 = arith.constant 0 : i32
        %dma_start3A_329 = tpu.memref_slice %arg5[%dma_start3A, %dma_start3A_326, %dma_start3A_328] : memref<8x2x128xi32, #tpu.memory_space<vmem>> -> memref<1x1x128xi32, #tpu.memory_space<vmem>>
        %dma_start3A_330 = tpu.memref_squeeze %dma_start3A_329 : memref<1x1x128xi32, #tpu.memory_space<vmem>> -> memref<128xi32, #tpu.memory_space<vmem>>
        %dma_start3A_331 = tpu.memref_slice %arg2[%mul3A_325] : memref<640000xi32, #tpu.memory_space<hbm>> -> memref<128xi32, #tpu.memory_space<hbm>>
        %dma_start3A_332 = tpu.memref_slice %arg9[%dma_start3A_327] : memref<8x!tpu.dma_semaphore, #tpu.memory_space<semaphore_mem>> -> memref<1x!tpu.dma_semaphore, #tpu.memory_space<semaphore_mem>>
        %dma_start3A_333 = tpu.memref_squeeze %dma_start3A_332 : memref<1x!tpu.dma_semaphore, #tpu.memory_space<semaphore_mem>> -> memref<!tpu.dma_semaphore, #tpu.memory_space<semaphore_mem>>
        %dma_start3A_334 = arith.constant 0 : i32
        %dma_start3A_335 = tpu.memref_slice %arg5[%dma_start3A, %dma_start3A_326, %dma_start3A_334] : memref<8x2x128xi32, #tpu.memory_space<vmem>> -> memref<1x1x128xi32, #tpu.memory_space<vmem>>
        %dma_start3A_336 = tpu.memref_squeeze %dma_start3A_335 : memref<1x1x128xi32, #tpu.memory_space<vmem>> -> memref<128xi32, #tpu.memory_space<vmem>>
        %dma_start3A_337 = tpu.memref_slice %arg2[%mul3A_325] : memref<640000xi32, #tpu.memory_space<hbm>> -> memref<128xi32, #tpu.memory_space<hbm>>
        tpu.enqueue_dma source(%dma_start3A_337 : memref<128xi32, #tpu.memory_space<hbm>>) target(%dma_start3A_336 : memref<128xi32, #tpu.memory_space<vmem>>) target_semaphore(%dma_start3A_333 : memref<!tpu.dma_semaphore, #tpu.memory_space<semaphore_mem>>)
        %mul3A_338 = arith.constant 128 : i32
        %mul3A_339 = arith.muli %add3A_208, %mul3A_338 : i32
        %add3A_340 = arith.constant 320000 : i32
        %add3A_341 = arith.addi %add3A_340, %mul3A_339 : i32
        %dma_start3A_342 = arith.constant 4 : i32
        %dma_start3A_343 = arith.constant 1 : i32
        %dma_start3A_344 = arith.constant 4 : i32
        %dma_start3A_345 = arith.constant 0 : i32
        %dma_start3A_346 = tpu.memref_slice %arg5[%dma_start3A_342, %dma_start3A_343, %dma_start3A_345] : memref<8x2x128xi32, #tpu.memory_space<vmem>> -> memref<1x1x128xi32, #tpu.memory_space<vmem>>
        %dma_start3A_347 = tpu.memref_squeeze %dma_start3A_346 : memref<1x1x128xi32, #tpu.memory_space<vmem>> -> memref<128xi32, #tpu.memory_space<vmem>>
        %dma_start3A_348 = tpu.memref_slice %arg2[%add3A_341] : memref<640000xi32, #tpu.memory_space<hbm>> -> memref<128xi32, #tpu.memory_space<hbm>>
        %dma_start3A_349 = tpu.memref_slice %arg9[%dma_start3A_344] : memref<8x!tpu.dma_semaphore, #tpu.memory_space<semaphore_mem>> -> memref<1x!tpu.dma_semaphore, #tpu.memory_space<semaphore_mem>>
        %dma_start3A_350 = tpu.memref_squeeze %dma_start3A_349 : memref<1x!tpu.dma_semaphore, #tpu.memory_space<semaphore_mem>> -> memref<!tpu.dma_semaphore, #tpu.memory_space<semaphore_mem>>
        %dma_start3A_351 = arith.constant 0 : i32
        %dma_start3A_352 = tpu.memref_slice %arg5[%dma_start3A_342, %dma_start3A_343, %dma_start3A_351] : memref<8x2x128xi32, #tpu.memory_space<vmem>> -> memref<1x1x128xi32, #tpu.memory_space<vmem>>
        %dma_start3A_353 = tpu.memref_squeeze %dma_start3A_352 : memref<1x1x128xi32, #tpu.memory_space<vmem>> -> memref<128xi32, #tpu.memory_space<vmem>>
        %dma_start3A_354 = tpu.memref_slice %arg2[%add3A_341] : memref<640000xi32, #tpu.memory_space<hbm>> -> memref<128xi32, #tpu.memory_space<hbm>>
        tpu.enqueue_dma source(%dma_start3A_354 : memref<128xi32, #tpu.memory_space<hbm>>) target(%dma_start3A_353 : memref<128xi32, #tpu.memory_space<vmem>>) target_semaphore(%dma_start3A_350 : memref<!tpu.dma_semaphore, #tpu.memory_space<semaphore_mem>>)
      } else {
      }
      %add3A_214 = arith.constant 1 : i32
      %add3A_215 = arith.addi %mul3A_203, %add3A_214 : i32
      %mul3A_216 = arith.constant 32 : i32
      %mul3A_217 = arith.muli %add3A_215, %mul3A_216 : i32
      %add3A_218 = arith.addi %add3A, %mul3A_217 : i32
      %lt3A_219 = arith.constant 2500 : i32
      %lt3A_220 = arith.cmpi slt, %add3A_218, %lt3A_219 : i32
      %convert_element_type3A_221 = arith.extui %lt3A_220 : i1 to i32
      %cond3A_222 = arith.constant 0 : i32
      %cond3A_223 = arith.cmpi ne, %convert_element_type3A_221, %cond3A_222 : i32
      scf.if %cond3A_223 {
        %mul3A_324 = arith.constant 128 : i32
        %mul3A_325 = arith.muli %add3A_218, %mul3A_324 : i32
        %dma_start3A = arith.constant 5 : i32
        %dma_start3A_326 = arith.constant 0 : i32
        %dma_start3A_327 = arith.constant 5 : i32
        %dma_start3A_328 = arith.constant 0 : i32
        %dma_start3A_329 = tpu.memref_slice %arg5[%dma_start3A, %dma_start3A_326, %dma_start3A_328] : memref<8x2x128xi32, #tpu.memory_space<vmem>> -> memref<1x1x128xi32, #tpu.memory_space<vmem>>
        %dma_start3A_330 = tpu.memref_squeeze %dma_start3A_329 : memref<1x1x128xi32, #tpu.memory_space<vmem>> -> memref<128xi32, #tpu.memory_space<vmem>>
        %dma_start3A_331 = tpu.memref_slice %arg2[%mul3A_325] : memref<640000xi32, #tpu.memory_space<hbm>> -> memref<128xi32, #tpu.memory_space<hbm>>
        %dma_start3A_332 = tpu.memref_slice %arg9[%dma_start3A_327] : memref<8x!tpu.dma_semaphore, #tpu.memory_space<semaphore_mem>> -> memref<1x!tpu.dma_semaphore, #tpu.memory_space<semaphore_mem>>
        %dma_start3A_333 = tpu.memref_squeeze %dma_start3A_332 : memref<1x!tpu.dma_semaphore, #tpu.memory_space<semaphore_mem>> -> memref<!tpu.dma_semaphore, #tpu.memory_space<semaphore_mem>>
        %dma_start3A_334 = arith.constant 0 : i32
        %dma_start3A_335 = tpu.memref_slice %arg5[%dma_start3A, %dma_start3A_326, %dma_start3A_334] : memref<8x2x128xi32, #tpu.memory_space<vmem>> -> memref<1x1x128xi32, #tpu.memory_space<vmem>>
        %dma_start3A_336 = tpu.memref_squeeze %dma_start3A_335 : memref<1x1x128xi32, #tpu.memory_space<vmem>> -> memref<128xi32, #tpu.memory_space<vmem>>
        %dma_start3A_337 = tpu.memref_slice %arg2[%mul3A_325] : memref<640000xi32, #tpu.memory_space<hbm>> -> memref<128xi32, #tpu.memory_space<hbm>>
        tpu.enqueue_dma source(%dma_start3A_337 : memref<128xi32, #tpu.memory_space<hbm>>) target(%dma_start3A_336 : memref<128xi32, #tpu.memory_space<vmem>>) target_semaphore(%dma_start3A_333 : memref<!tpu.dma_semaphore, #tpu.memory_space<semaphore_mem>>)
        %mul3A_338 = arith.constant 128 : i32
        %mul3A_339 = arith.muli %add3A_218, %mul3A_338 : i32
        %add3A_340 = arith.constant 320000 : i32
        %add3A_341 = arith.addi %add3A_340, %mul3A_339 : i32
        %dma_start3A_342 = arith.constant 5 : i32
        %dma_start3A_343 = arith.constant 1 : i32
        %dma_start3A_344 = arith.constant 5 : i32
        %dma_start3A_345 = arith.constant 0 : i32
        %dma_start3A_346 = tpu.memref_slice %arg5[%dma_start3A_342, %dma_start3A_343, %dma_start3A_345] : memref<8x2x128xi32, #tpu.memory_space<vmem>> -> memref<1x1x128xi32, #tpu.memory_space<vmem>>
        %dma_start3A_347 = tpu.memref_squeeze %dma_start3A_346 : memref<1x1x128xi32, #tpu.memory_space<vmem>> -> memref<128xi32, #tpu.memory_space<vmem>>
        %dma_start3A_348 = tpu.memref_slice %arg2[%add3A_341] : memref<640000xi32, #tpu.memory_space<hbm>> -> memref<128xi32, #tpu.memory_space<hbm>>
        %dma_start3A_349 = tpu.memref_slice %arg9[%dma_start3A_344] : memref<8x!tpu.dma_semaphore, #tpu.memory_space<semaphore_mem>> -> memref<1x!tpu.dma_semaphore, #tpu.memory_space<semaphore_mem>>
        %dma_start3A_350 = tpu.memref_squeeze %dma_start3A_349 : memref<1x!tpu.dma_semaphore, #tpu.memory_space<semaphore_mem>> -> memref<!tpu.dma_semaphore, #tpu.memory_space<semaphore_mem>>
        %dma_start3A_351 = arith.constant 0 : i32
        %dma_start3A_352 = tpu.memref_slice %arg5[%dma_start3A_342, %dma_start3A_343, %dma_start3A_351] : memref<8x2x128xi32, #tpu.memory_space<vmem>> -> memref<1x1x128xi32, #tpu.memory_space<vmem>>
        %dma_start3A_353 = tpu.memref_squeeze %dma_start3A_352 : memref<1x1x128xi32, #tpu.memory_space<vmem>> -> memref<128xi32, #tpu.memory_space<vmem>>
        %dma_start3A_354 = tpu.memref_slice %arg2[%add3A_341] : memref<640000xi32, #tpu.memory_space<hbm>> -> memref<128xi32, #tpu.memory_space<hbm>>
        tpu.enqueue_dma source(%dma_start3A_354 : memref<128xi32, #tpu.memory_space<hbm>>) target(%dma_start3A_353 : memref<128xi32, #tpu.memory_space<vmem>>) target_semaphore(%dma_start3A_350 : memref<!tpu.dma_semaphore, #tpu.memory_space<semaphore_mem>>)
      } else {
      }
      %add3A_224 = arith.constant 2 : i32
      %add3A_225 = arith.addi %mul3A_203, %add3A_224 : i32
      %mul3A_226 = arith.constant 32 : i32
      %mul3A_227 = arith.muli %add3A_225, %mul3A_226 : i32
      %add3A_228 = arith.addi %add3A, %mul3A_227 : i32
      %lt3A_229 = arith.constant 2500 : i32
      %lt3A_230 = arith.cmpi slt, %add3A_228, %lt3A_229 : i32
      %convert_element_type3A_231 = arith.extui %lt3A_230 : i1 to i32
      %cond3A_232 = arith.constant 0 : i32
      %cond3A_233 = arith.cmpi ne, %convert_element_type3A_231, %cond3A_232 : i32
      scf.if %cond3A_233 {
        %mul3A_324 = arith.constant 128 : i32
        %mul3A_325 = arith.muli %add3A_228, %mul3A_324 : i32
        %dma_start3A = arith.constant 6 : i32
        %dma_start3A_326 = arith.constant 0 : i32
        %dma_start3A_327 = arith.constant 6 : i32
        %dma_start3A_328 = arith.constant 0 : i32
        %dma_start3A_329 = tpu.memref_slice %arg5[%dma_start3A, %dma_start3A_326, %dma_start3A_328] : memref<8x2x128xi32, #tpu.memory_space<vmem>> -> memref<1x1x128xi32, #tpu.memory_space<vmem>>
        %dma_start3A_330 = tpu.memref_squeeze %dma_start3A_329 : memref<1x1x128xi32, #tpu.memory_space<vmem>> -> memref<128xi32, #tpu.memory_space<vmem>>
        %dma_start3A_331 = tpu.memref_slice %arg2[%mul3A_325] : memref<640000xi32, #tpu.memory_space<hbm>> -> memref<128xi32, #tpu.memory_space<hbm>>
        %dma_start3A_332 = tpu.memref_slice %arg9[%dma_start3A_327] : memref<8x!tpu.dma_semaphore, #tpu.memory_space<semaphore_mem>> -> memref<1x!tpu.dma_semaphore, #tpu.memory_space<semaphore_mem>>
        %dma_start3A_333 = tpu.memref_squeeze %dma_start3A_332 : memref<1x!tpu.dma_semaphore, #tpu.memory_space<semaphore_mem>> -> memref<!tpu.dma_semaphore, #tpu.memory_space<semaphore_mem>>
        %dma_start3A_334 = arith.constant 0 : i32
        %dma_start3A_335 = tpu.memref_slice %arg5[%dma_start3A, %dma_start3A_326, %dma_start3A_334] : memref<8x2x128xi32, #tpu.memory_space<vmem>> -> memref<1x1x128xi32, #tpu.memory_space<vmem>>
        %dma_start3A_336 = tpu.memref_squeeze %dma_start3A_335 : memref<1x1x128xi32, #tpu.memory_space<vmem>> -> memref<128xi32, #tpu.memory_space<vmem>>
        %dma_start3A_337 = tpu.memref_slice %arg2[%mul3A_325] : memref<640000xi32, #tpu.memory_space<hbm>> -> memref<128xi32, #tpu.memory_space<hbm>>
        tpu.enqueue_dma source(%dma_start3A_337 : memref<128xi32, #tpu.memory_space<hbm>>) target(%dma_start3A_336 : memref<128xi32, #tpu.memory_space<vmem>>) target_semaphore(%dma_start3A_333 : memref<!tpu.dma_semaphore, #tpu.memory_space<semaphore_mem>>)
        %mul3A_338 = arith.constant 128 : i32
        %mul3A_339 = arith.muli %add3A_228, %mul3A_338 : i32
        %add3A_340 = arith.constant 320000 : i32
        %add3A_341 = arith.addi %add3A_340, %mul3A_339 : i32
        %dma_start3A_342 = arith.constant 6 : i32
        %dma_start3A_343 = arith.constant 1 : i32
        %dma_start3A_344 = arith.constant 6 : i32
        %dma_start3A_345 = arith.constant 0 : i32
        %dma_start3A_346 = tpu.memref_slice %arg5[%dma_start3A_342, %dma_start3A_343, %dma_start3A_345] : memref<8x2x128xi32, #tpu.memory_space<vmem>> -> memref<1x1x128xi32, #tpu.memory_space<vmem>>
        %dma_start3A_347 = tpu.memref_squeeze %dma_start3A_346 : memref<1x1x128xi32, #tpu.memory_space<vmem>> -> memref<128xi32, #tpu.memory_space<vmem>>
        %dma_start3A_348 = tpu.memref_slice %arg2[%add3A_341] : memref<640000xi32, #tpu.memory_space<hbm>> -> memref<128xi32, #tpu.memory_space<hbm>>
        %dma_start3A_349 = tpu.memref_slice %arg9[%dma_start3A_344] : memref<8x!tpu.dma_semaphore, #tpu.memory_space<semaphore_mem>> -> memref<1x!tpu.dma_semaphore, #tpu.memory_space<semaphore_mem>>
        %dma_start3A_350 = tpu.memref_squeeze %dma_start3A_349 : memref<1x!tpu.dma_semaphore, #tpu.memory_space<semaphore_mem>> -> memref<!tpu.dma_semaphore, #tpu.memory_space<semaphore_mem>>
        %dma_start3A_351 = arith.constant 0 : i32
        %dma_start3A_352 = tpu.memref_slice %arg5[%dma_start3A_342, %dma_start3A_343, %dma_start3A_351] : memref<8x2x128xi32, #tpu.memory_space<vmem>> -> memref<1x1x128xi32, #tpu.memory_space<vmem>>
        %dma_start3A_353 = tpu.memref_squeeze %dma_start3A_352 : memref<1x1x128xi32, #tpu.memory_space<vmem>> -> memref<128xi32, #tpu.memory_space<vmem>>
        %dma_start3A_354 = tpu.memref_slice %arg2[%add3A_341] : memref<640000xi32, #tpu.memory_space<hbm>> -> memref<128xi32, #tpu.memory_space<hbm>>
        tpu.enqueue_dma source(%dma_start3A_354 : memref<128xi32, #tpu.memory_space<hbm>>) target(%dma_start3A_353 : memref<128xi32, #tpu.memory_space<vmem>>) target_semaphore(%dma_start3A_350 : memref<!tpu.dma_semaphore, #tpu.memory_space<semaphore_mem>>)
      } else {
      }
      %add3A_234 = arith.constant 3 : i32
      %add3A_235 = arith.addi %mul3A_203, %add3A_234 : i32
      %mul3A_236 = arith.constant 32 : i32
      %mul3A_237 = arith.muli %add3A_235, %mul3A_236 : i32
      %add3A_238 = arith.addi %add3A, %mul3A_237 : i32
      %lt3A_239 = arith.constant 2500 : i32
      %lt3A_240 = arith.cmpi slt, %add3A_238, %lt3A_239 : i32
      %convert_element_type3A_241 = arith.extui %lt3A_240 : i1 to i32
      %cond3A_242 = arith.constant 0 : i32
      %cond3A_243 = arith.cmpi ne, %convert_element_type3A_241, %cond3A_242 : i32
      scf.if %cond3A_243 {
        %mul3A_324 = arith.constant 128 : i32
        %mul3A_325 = arith.muli %add3A_238, %mul3A_324 : i32
        %dma_start3A = arith.constant 7 : i32
        %dma_start3A_326 = arith.constant 0 : i32
        %dma_start3A_327 = arith.constant 7 : i32
        %dma_start3A_328 = arith.constant 0 : i32
        %dma_start3A_329 = tpu.memref_slice %arg5[%dma_start3A, %dma_start3A_326, %dma_start3A_328] : memref<8x2x128xi32, #tpu.memory_space<vmem>> -> memref<1x1x128xi32, #tpu.memory_space<vmem>>
        %dma_start3A_330 = tpu.memref_squeeze %dma_start3A_329 : memref<1x1x128xi32, #tpu.memory_space<vmem>> -> memref<128xi32, #tpu.memory_space<vmem>>
        %dma_start3A_331 = tpu.memref_slice %arg2[%mul3A_325] : memref<640000xi32, #tpu.memory_space<hbm>> -> memref<128xi32, #tpu.memory_space<hbm>>
        %dma_start3A_332 = tpu.memref_slice %arg9[%dma_start3A_327] : memref<8x!tpu.dma_semaphore, #tpu.memory_space<semaphore_mem>> -> memref<1x!tpu.dma_semaphore, #tpu.memory_space<semaphore_mem>>
        %dma_start3A_333 = tpu.memref_squeeze %dma_start3A_332 : memref<1x!tpu.dma_semaphore, #tpu.memory_space<semaphore_mem>> -> memref<!tpu.dma_semaphore, #tpu.memory_space<semaphore_mem>>
        %dma_start3A_334 = arith.constant 0 : i32
        %dma_start3A_335 = tpu.memref_slice %arg5[%dma_start3A, %dma_start3A_326, %dma_start3A_334] : memref<8x2x128xi32, #tpu.memory_space<vmem>> -> memref<1x1x128xi32, #tpu.memory_space<vmem>>
        %dma_start3A_336 = tpu.memref_squeeze %dma_start3A_335 : memref<1x1x128xi32, #tpu.memory_space<vmem>> -> memref<128xi32, #tpu.memory_space<vmem>>
        %dma_start3A_337 = tpu.memref_slice %arg2[%mul3A_325] : memref<640000xi32, #tpu.memory_space<hbm>> -> memref<128xi32, #tpu.memory_space<hbm>>
        tpu.enqueue_dma source(%dma_start3A_337 : memref<128xi32, #tpu.memory_space<hbm>>) target(%dma_start3A_336 : memref<128xi32, #tpu.memory_space<vmem>>) target_semaphore(%dma_start3A_333 : memref<!tpu.dma_semaphore, #tpu.memory_space<semaphore_mem>>)
        %mul3A_338 = arith.constant 128 : i32
        %mul3A_339 = arith.muli %add3A_238, %mul3A_338 : i32
        %add3A_340 = arith.constant 320000 : i32
        %add3A_341 = arith.addi %add3A_340, %mul3A_339 : i32
        %dma_start3A_342 = arith.constant 7 : i32
        %dma_start3A_343 = arith.constant 1 : i32
        %dma_start3A_344 = arith.constant 7 : i32
        %dma_start3A_345 = arith.constant 0 : i32
        %dma_start3A_346 = tpu.memref_slice %arg5[%dma_start3A_342, %dma_start3A_343, %dma_start3A_345] : memref<8x2x128xi32, #tpu.memory_space<vmem>> -> memref<1x1x128xi32, #tpu.memory_space<vmem>>
        %dma_start3A_347 = tpu.memref_squeeze %dma_start3A_346 : memref<1x1x128xi32, #tpu.memory_space<vmem>> -> memref<128xi32, #tpu.memory_space<vmem>>
        %dma_start3A_348 = tpu.memref_slice %arg2[%add3A_341] : memref<640000xi32, #tpu.memory_space<hbm>> -> memref<128xi32, #tpu.memory_space<hbm>>
        %dma_start3A_349 = tpu.memref_slice %arg9[%dma_start3A_344] : memref<8x!tpu.dma_semaphore, #tpu.memory_space<semaphore_mem>> -> memref<1x!tpu.dma_semaphore, #tpu.memory_space<semaphore_mem>>
        %dma_start3A_350 = tpu.memref_squeeze %dma_start3A_349 : memref<1x!tpu.dma_semaphore, #tpu.memory_space<semaphore_mem>> -> memref<!tpu.dma_semaphore, #tpu.memory_space<semaphore_mem>>
        %dma_start3A_351 = arith.constant 0 : i32
        %dma_start3A_352 = tpu.memref_slice %arg5[%dma_start3A_342, %dma_start3A_343, %dma_start3A_351] : memref<8x2x128xi32, #tpu.memory_space<vmem>> -> memref<1x1x128xi32, #tpu.memory_space<vmem>>
        %dma_start3A_353 = tpu.memref_squeeze %dma_start3A_352 : memref<1x1x128xi32, #tpu.memory_space<vmem>> -> memref<128xi32, #tpu.memory_space<vmem>>
        %dma_start3A_354 = tpu.memref_slice %arg2[%add3A_341] : memref<640000xi32, #tpu.memory_space<hbm>> -> memref<128xi32, #tpu.memory_space<hbm>>
        tpu.enqueue_dma source(%dma_start3A_354 : memref<128xi32, #tpu.memory_space<hbm>>) target(%dma_start3A_353 : memref<128xi32, #tpu.memory_space<vmem>>) target_semaphore(%dma_start3A_350 : memref<!tpu.dma_semaphore, #tpu.memory_space<semaphore_mem>>)
      } else {
      }
      %add3A_244 = arith.constant 0 : i32
      %add3A_245 = arith.addi %mul3A_203, %add3A_244 : i32
      %mul3A_246 = arith.constant 32 : i32
      %mul3A_247 = arith.muli %add3A_245, %mul3A_246 : i32
      %add3A_248 = arith.addi %add3A, %mul3A_247 : i32
      %lt3A_249 = arith.constant 2500 : i32
      %lt3A_250 = arith.cmpi slt, %add3A_248, %lt3A_249 : i32
      %convert_element_type3A_251 = arith.extui %lt3A_250 : i1 to i32
      %cond3A_252 = arith.constant 0 : i32
      %cond3A_253 = arith.cmpi ne, %convert_element_type3A_251, %cond3A_252 : i32
      scf.if %cond3A_253 {
        %mul3A_324 = arith.constant 128 : i32
        %mul3A_325 = arith.muli %add3A_248, %mul3A_324 : i32
        %dma_wait3A_326 = arith.constant 4 : i32
        %dma_wait3A_327 = arith.constant 0 : i32
        %dma_wait3A_328 = arith.constant 4 : i32
        %dma_wait3A_329 = arith.constant 0 : i32
        %dma_wait3A_330 = tpu.memref_slice %arg5[%dma_wait3A_326, %dma_wait3A_327, %dma_wait3A_329] : memref<8x2x128xi32, #tpu.memory_space<vmem>> -> memref<1x1x128xi32, #tpu.memory_space<vmem>>
        %dma_wait3A_331 = tpu.memref_squeeze %dma_wait3A_330 : memref<1x1x128xi32, #tpu.memory_space<vmem>> -> memref<128xi32, #tpu.memory_space<vmem>>
        %dma_wait3A_332 = tpu.memref_slice %arg2[%mul3A_325] : memref<640000xi32, #tpu.memory_space<hbm>> -> memref<128xi32, #tpu.memory_space<hbm>>
        %dma_wait3A_333 = tpu.memref_slice %arg9[%dma_wait3A_328] : memref<8x!tpu.dma_semaphore, #tpu.memory_space<semaphore_mem>> -> memref<1x!tpu.dma_semaphore, #tpu.memory_space<semaphore_mem>>
        %dma_wait3A_334 = tpu.memref_squeeze %dma_wait3A_333 : memref<1x!tpu.dma_semaphore, #tpu.memory_space<semaphore_mem>> -> memref<!tpu.dma_semaphore, #tpu.memory_space<semaphore_mem>>
        %dma_wait3A_335 = arith.constant 0 : i32
        %dma_wait3A_336 = tpu.memref_slice %arg5[%dma_wait3A_326, %dma_wait3A_327, %dma_wait3A_335] : memref<8x2x128xi32, #tpu.memory_space<vmem>> -> memref<1x1x128xi32, #tpu.memory_space<vmem>>
        %dma_wait3A_337 = tpu.memref_squeeze %dma_wait3A_336 : memref<1x1x128xi32, #tpu.memory_space<vmem>> -> memref<128xi32, #tpu.memory_space<vmem>>
        %dma_wait3A_338 = tpu.memref_slice %arg2[%mul3A_325] : memref<640000xi32, #tpu.memory_space<hbm>> -> memref<128xi32, #tpu.memory_space<hbm>>
        tpu.wait_dma2 semaphore(%dma_wait3A_334 : memref<!tpu.dma_semaphore, #tpu.memory_space<semaphore_mem>>) src(%dma_wait3A_338 : memref<128xi32, #tpu.memory_space<hbm>>) dst(%dma_wait3A_337 : memref<128xi32, #tpu.memory_space<vmem>>)
        %mul3A_339 = arith.constant 128 : i32
        %mul3A_340 = arith.muli %add3A_248, %mul3A_339 : i32
        %add3A_341 = arith.constant 320000 : i32
        %add3A_342 = arith.addi %add3A_341, %mul3A_340 : i32
        %dma_wait3A_343 = arith.constant 4 : i32
        %dma_wait3A_344 = arith.constant 1 : i32
        %dma_wait3A_345 = arith.constant 4 : i32
        %dma_wait3A_346 = arith.constant 0 : i32
        %dma_wait3A_347 = tpu.memref_slice %arg5[%dma_wait3A_343, %dma_wait3A_344, %dma_wait3A_346] : memref<8x2x128xi32, #tpu.memory_space<vmem>> -> memref<1x1x128xi32, #tpu.memory_space<vmem>>
        %dma_wait3A_348 = tpu.memref_squeeze %dma_wait3A_347 : memref<1x1x128xi32, #tpu.memory_space<vmem>> -> memref<128xi32, #tpu.memory_space<vmem>>
        %dma_wait3A_349 = tpu.memref_slice %arg2[%add3A_342] : memref<640000xi32, #tpu.memory_space<hbm>> -> memref<128xi32, #tpu.memory_space<hbm>>
        %dma_wait3A_350 = tpu.memref_slice %arg9[%dma_wait3A_345] : memref<8x!tpu.dma_semaphore, #tpu.memory_space<semaphore_mem>> -> memref<1x!tpu.dma_semaphore, #tpu.memory_space<semaphore_mem>>
        %dma_wait3A_351 = tpu.memref_squeeze %dma_wait3A_350 : memref<1x!tpu.dma_semaphore, #tpu.memory_space<semaphore_mem>> -> memref<!tpu.dma_semaphore, #tpu.memory_space<semaphore_mem>>
        %dma_wait3A_352 = arith.constant 0 : i32
        %dma_wait3A_353 = tpu.memref_slice %arg5[%dma_wait3A_343, %dma_wait3A_344, %dma_wait3A_352] : memref<8x2x128xi32, #tpu.memory_space<vmem>> -> memref<1x1x128xi32, #tpu.memory_space<vmem>>
        %dma_wait3A_354 = tpu.memref_squeeze %dma_wait3A_353 : memref<1x1x128xi32, #tpu.memory_space<vmem>> -> memref<128xi32, #tpu.memory_space<vmem>>
        %dma_wait3A_355 = tpu.memref_slice %arg2[%add3A_342] : memref<640000xi32, #tpu.memory_space<hbm>> -> memref<128xi32, #tpu.memory_space<hbm>>
        tpu.wait_dma2 semaphore(%dma_wait3A_351 : memref<!tpu.dma_semaphore, #tpu.memory_space<semaphore_mem>>) src(%dma_wait3A_355 : memref<128xi32, #tpu.memory_space<hbm>>) dst(%dma_wait3A_354 : memref<128xi32, #tpu.memory_space<vmem>>)
        %dma_wait3A_356 = arith.constant 0 : i32
        %dma_wait3A_357 = arith.constant 0 : i32
        %dma_wait3A_358 = arith.constant 1 : i32
        %dma_wait3A_359 = arith.constant 0 : i32
        %dma_wait3A_360 = arith.constant 0 : i32
        %dma_wait3A_361 = arith.constant 0 : i32
        %dma_wait3A_362 = tpu.memref_slice %arg6[%dma_wait3A_356, %dma_wait3A_360, %dma_wait3A_361] : memref<2x128x128xf32, #tpu.memory_space<vmem>> -> memref<1x128x128xf32, #tpu.memory_space<vmem>>
        %dma_wait3A_363 = tpu.memref_squeeze %dma_wait3A_362 : memref<1x128x128xf32, #tpu.memory_space<vmem>> -> memref<128x128xf32, #tpu.memory_space<vmem>>
        %dma_wait3A_364 = arith.constant 0 : i32
        %dma_wait3A_365 = tpu.memref_slice %arg5[%dma_wait3A_357, %dma_wait3A_358, %dma_wait3A_364] : memref<8x2x128xi32, #tpu.memory_space<vmem>> -> memref<1x1x128xi32, #tpu.memory_space<vmem>>
        %dma_wait3A_366 = tpu.memref_squeeze %dma_wait3A_365 : memref<1x1x128xi32, #tpu.memory_space<vmem>> -> memref<128xi32, #tpu.memory_space<vmem>>
        %dma_wait3A_367 = arith.constant 0 : i32
        %dma_wait3A_368 = arith.constant 0 : i32
        %dma_wait3A_369 = tpu.memref_slice %arg8[%dma_wait3A_367, %dma_wait3A_368] : memref<10000x128xf32, #tpu.memory_space<vmem_shared>> -> memref<10000x128xf32, #tpu.memory_space<vmem_shared>>
        %dma_wait3A_370 = tpu.memref_slice %arg11[%dma_wait3A_359] : memref<2x!tpu.dma_semaphore, #tpu.memory_space<semaphore_mem>> -> memref<1x!tpu.dma_semaphore, #tpu.memory_space<semaphore_mem>>
        %dma_wait3A_371 = tpu.memref_squeeze %dma_wait3A_370 : memref<1x!tpu.dma_semaphore, #tpu.memory_space<semaphore_mem>> -> memref<!tpu.dma_semaphore, #tpu.memory_space<semaphore_mem>>
        tpu.wait_indirect_dma semaphore(%dma_wait3A_371 : memref<!tpu.dma_semaphore, #tpu.memory_space<semaphore_mem>>) src(%dma_wait3A_363 : memref<128x128xf32, #tpu.memory_space<vmem>>) dst(%dma_wait3A_369 : memref<10000x128xf32, #tpu.memory_space<vmem_shared>>)
        %dma_start3A = arith.constant 4 : i32
        %dma_start3A_372 = arith.constant 0 : i32
        %dma_start3A_373 = arith.constant 0 : i32
        %dma_start3A_374 = arith.constant 0 : i32
        %dma_start3A_375 = arith.constant 0 : i32
        %dma_start3A_376 = arith.constant 0 : i32
        %dma_start3A_377 = tpu.memref_slice %arg6[%dma_start3A_373, %dma_start3A_375, %dma_start3A_376] : memref<2x128x128xf32, #tpu.memory_space<vmem>> -> memref<1x128x128xf32, #tpu.memory_space<vmem>>
        %dma_start3A_378 = tpu.memref_squeeze %dma_start3A_377 : memref<1x128x128xf32, #tpu.memory_space<vmem>> -> memref<128x128xf32, #tpu.memory_space<vmem>>
        %dma_start3A_379 = arith.constant 0 : i32
        %dma_start3A_380 = tpu.memref_slice %arg5[%dma_start3A, %dma_start3A_372, %dma_start3A_379] : memref<8x2x128xi32, #tpu.memory_space<vmem>> -> memref<1x1x128xi32, #tpu.memory_space<vmem>>
        %dma_start3A_381 = tpu.memref_squeeze %dma_start3A_380 : memref<1x1x128xi32, #tpu.memory_space<vmem>> -> memref<128xi32, #tpu.memory_space<vmem>>
        %dma_start3A_382 = arith.constant 0 : i32
        %dma_start3A_383 = arith.constant 0 : i32
        %dma_start3A_384 = tpu.memref_slice %arg3[%dma_start3A_382, %dma_start3A_383] : memref<10000x128xf32, #tpu.memory_space<hbm>> -> memref<10000x128xf32, #tpu.memory_space<hbm>>
        %dma_start3A_385 = tpu.memref_slice %arg10[%dma_start3A_374] : memref<2x!tpu.dma_semaphore, #tpu.memory_space<semaphore_mem>> -> memref<1x!tpu.dma_semaphore, #tpu.memory_space<semaphore_mem>>
        %dma_start3A_386 = tpu.memref_squeeze %dma_start3A_385 : memref<1x!tpu.dma_semaphore, #tpu.memory_space<semaphore_mem>> -> memref<!tpu.dma_semaphore, #tpu.memory_space<semaphore_mem>>
        tpu.enqueue_indirect_dma source(%dma_start3A_384 : memref<10000x128xf32, #tpu.memory_space<hbm>>) target(%dma_start3A_378 : memref<128x128xf32, #tpu.memory_space<vmem>>) offsets(%dma_start3A_381 : memref<128xi32, #tpu.memory_space<vmem>>) semaphore(%dma_start3A_386 : memref<!tpu.dma_semaphore, #tpu.memory_space<semaphore_mem>>)
      } else {
      }
      %add3A_254 = arith.constant 1 : i32
      %add3A_255 = arith.addi %mul3A_203, %add3A_254 : i32
      %mul3A_256 = arith.constant 32 : i32
      %mul3A_257 = arith.muli %add3A_255, %mul3A_256 : i32
      %add3A_258 = arith.addi %add3A, %mul3A_257 : i32
      %lt3A_259 = arith.constant 2500 : i32
      %lt3A_260 = arith.cmpi slt, %add3A_258, %lt3A_259 : i32
      %convert_element_type3A_261 = arith.extui %lt3A_260 : i1 to i32
      %cond3A_262 = arith.constant 0 : i32
      %cond3A_263 = arith.cmpi ne, %convert_element_type3A_261, %cond3A_262 : i32
      scf.if %cond3A_263 {
        %mul3A_324 = arith.constant 128 : i32
        %mul3A_325 = arith.muli %add3A_258, %mul3A_324 : i32
        %dma_wait3A_326 = arith.constant 5 : i32
        %dma_wait3A_327 = arith.constant 0 : i32
        %dma_wait3A_328 = arith.constant 5 : i32
        %dma_wait3A_329 = arith.constant 0 : i32
        %dma_wait3A_330 = tpu.memref_slice %arg5[%dma_wait3A_326, %dma_wait3A_327, %dma_wait3A_329] : memref<8x2x128xi32, #tpu.memory_space<vmem>> -> memref<1x1x128xi32, #tpu.memory_space<vmem>>
        %dma_wait3A_331 = tpu.memref_squeeze %dma_wait3A_330 : memref<1x1x128xi32, #tpu.memory_space<vmem>> -> memref<128xi32, #tpu.memory_space<vmem>>
        %dma_wait3A_332 = tpu.memref_slice %arg2[%mul3A_325] : memref<640000xi32, #tpu.memory_space<hbm>> -> memref<128xi32, #tpu.memory_space<hbm>>
        %dma_wait3A_333 = tpu.memref_slice %arg9[%dma_wait3A_328] : memref<8x!tpu.dma_semaphore, #tpu.memory_space<semaphore_mem>> -> memref<1x!tpu.dma_semaphore, #tpu.memory_space<semaphore_mem>>
        %dma_wait3A_334 = tpu.memref_squeeze %dma_wait3A_333 : memref<1x!tpu.dma_semaphore, #tpu.memory_space<semaphore_mem>> -> memref<!tpu.dma_semaphore, #tpu.memory_space<semaphore_mem>>
        %dma_wait3A_335 = arith.constant 0 : i32
        %dma_wait3A_336 = tpu.memref_slice %arg5[%dma_wait3A_326, %dma_wait3A_327, %dma_wait3A_335] : memref<8x2x128xi32, #tpu.memory_space<vmem>> -> memref<1x1x128xi32, #tpu.memory_space<vmem>>
        %dma_wait3A_337 = tpu.memref_squeeze %dma_wait3A_336 : memref<1x1x128xi32, #tpu.memory_space<vmem>> -> memref<128xi32, #tpu.memory_space<vmem>>
        %dma_wait3A_338 = tpu.memref_slice %arg2[%mul3A_325] : memref<640000xi32, #tpu.memory_space<hbm>> -> memref<128xi32, #tpu.memory_space<hbm>>
        tpu.wait_dma2 semaphore(%dma_wait3A_334 : memref<!tpu.dma_semaphore, #tpu.memory_space<semaphore_mem>>) src(%dma_wait3A_338 : memref<128xi32, #tpu.memory_space<hbm>>) dst(%dma_wait3A_337 : memref<128xi32, #tpu.memory_space<vmem>>)
        %mul3A_339 = arith.constant 128 : i32
        %mul3A_340 = arith.muli %add3A_258, %mul3A_339 : i32
        %add3A_341 = arith.constant 320000 : i32
        %add3A_342 = arith.addi %add3A_341, %mul3A_340 : i32
        %dma_wait3A_343 = arith.constant 5 : i32
        %dma_wait3A_344 = arith.constant 1 : i32
        %dma_wait3A_345 = arith.constant 5 : i32
        %dma_wait3A_346 = arith.constant 0 : i32
        %dma_wait3A_347 = tpu.memref_slice %arg5[%dma_wait3A_343, %dma_wait3A_344, %dma_wait3A_346] : memref<8x2x128xi32, #tpu.memory_space<vmem>> -> memref<1x1x128xi32, #tpu.memory_space<vmem>>
        %dma_wait3A_348 = tpu.memref_squeeze %dma_wait3A_347 : memref<1x1x128xi32, #tpu.memory_space<vmem>> -> memref<128xi32, #tpu.memory_space<vmem>>
        %dma_wait3A_349 = tpu.memref_slice %arg2[%add3A_342] : memref<640000xi32, #tpu.memory_space<hbm>> -> memref<128xi32, #tpu.memory_space<hbm>>
        %dma_wait3A_350 = tpu.memref_slice %arg9[%dma_wait3A_345] : memref<8x!tpu.dma_semaphore, #tpu.memory_space<semaphore_mem>> -> memref<1x!tpu.dma_semaphore, #tpu.memory_space<semaphore_mem>>
        %dma_wait3A_351 = tpu.memref_squeeze %dma_wait3A_350 : memref<1x!tpu.dma_semaphore, #tpu.memory_space<semaphore_mem>> -> memref<!tpu.dma_semaphore, #tpu.memory_space<semaphore_mem>>
        %dma_wait3A_352 = arith.constant 0 : i32
        %dma_wait3A_353 = tpu.memref_slice %arg5[%dma_wait3A_343, %dma_wait3A_344, %dma_wait3A_352] : memref<8x2x128xi32, #tpu.memory_space<vmem>> -> memref<1x1x128xi32, #tpu.memory_space<vmem>>
        %dma_wait3A_354 = tpu.memref_squeeze %dma_wait3A_353 : memref<1x1x128xi32, #tpu.memory_space<vmem>> -> memref<128xi32, #tpu.memory_space<vmem>>
        %dma_wait3A_355 = tpu.memref_slice %arg2[%add3A_342] : memref<640000xi32, #tpu.memory_space<hbm>> -> memref<128xi32, #tpu.memory_space<hbm>>
        tpu.wait_dma2 semaphore(%dma_wait3A_351 : memref<!tpu.dma_semaphore, #tpu.memory_space<semaphore_mem>>) src(%dma_wait3A_355 : memref<128xi32, #tpu.memory_space<hbm>>) dst(%dma_wait3A_354 : memref<128xi32, #tpu.memory_space<vmem>>)
        %dma_wait3A_356 = arith.constant 1 : i32
        %dma_wait3A_357 = arith.constant 0 : i32
        %dma_wait3A_358 = arith.constant 1 : i32
        %dma_wait3A_359 = arith.constant 1 : i32
        %dma_wait3A_360 = arith.constant 0 : i32
        %dma_wait3A_361 = arith.constant 0 : i32
        %dma_wait3A_362 = tpu.memref_slice %arg6[%dma_wait3A_356, %dma_wait3A_360, %dma_wait3A_361] : memref<2x128x128xf32, #tpu.memory_space<vmem>> -> memref<1x128x128xf32, #tpu.memory_space<vmem>>
        %dma_wait3A_363 = tpu.memref_squeeze %dma_wait3A_362 : memref<1x128x128xf32, #tpu.memory_space<vmem>> -> memref<128x128xf32, #tpu.memory_space<vmem>>
        %dma_wait3A_364 = arith.constant 0 : i32
        %dma_wait3A_365 = tpu.memref_slice %arg5[%dma_wait3A_357, %dma_wait3A_358, %dma_wait3A_364] : memref<8x2x128xi32, #tpu.memory_space<vmem>> -> memref<1x1x128xi32, #tpu.memory_space<vmem>>
        %dma_wait3A_366 = tpu.memref_squeeze %dma_wait3A_365 : memref<1x1x128xi32, #tpu.memory_space<vmem>> -> memref<128xi32, #tpu.memory_space<vmem>>
        %dma_wait3A_367 = arith.constant 0 : i32
        %dma_wait3A_368 = arith.constant 0 : i32
        %dma_wait3A_369 = tpu.memref_slice %arg8[%dma_wait3A_367, %dma_wait3A_368] : memref<10000x128xf32, #tpu.memory_space<vmem_shared>> -> memref<10000x128xf32, #tpu.memory_space<vmem_shared>>
        %dma_wait3A_370 = tpu.memref_slice %arg11[%dma_wait3A_359] : memref<2x!tpu.dma_semaphore, #tpu.memory_space<semaphore_mem>> -> memref<1x!tpu.dma_semaphore, #tpu.memory_space<semaphore_mem>>
        %dma_wait3A_371 = tpu.memref_squeeze %dma_wait3A_370 : memref<1x!tpu.dma_semaphore, #tpu.memory_space<semaphore_mem>> -> memref<!tpu.dma_semaphore, #tpu.memory_space<semaphore_mem>>
        tpu.wait_indirect_dma semaphore(%dma_wait3A_371 : memref<!tpu.dma_semaphore, #tpu.memory_space<semaphore_mem>>) src(%dma_wait3A_363 : memref<128x128xf32, #tpu.memory_space<vmem>>) dst(%dma_wait3A_369 : memref<10000x128xf32, #tpu.memory_space<vmem_shared>>)
        %dma_start3A = arith.constant 5 : i32
        %dma_start3A_372 = arith.constant 0 : i32
        %dma_start3A_373 = arith.constant 1 : i32
        %dma_start3A_374 = arith.constant 1 : i32
        %dma_start3A_375 = arith.constant 0 : i32
        %dma_start3A_376 = arith.constant 0 : i32
        %dma_start3A_377 = tpu.memref_slice %arg6[%dma_start3A_373, %dma_start3A_375, %dma_start3A_376] : memref<2x128x128xf32, #tpu.memory_space<vmem>> -> memref<1x128x128xf32, #tpu.memory_space<vmem>>
        %dma_start3A_378 = tpu.memref_squeeze %dma_start3A_377 : memref<1x128x128xf32, #tpu.memory_space<vmem>> -> memref<128x128xf32, #tpu.memory_space<vmem>>
        %dma_start3A_379 = arith.constant 0 : i32
        %dma_start3A_380 = tpu.memref_slice %arg5[%dma_start3A, %dma_start3A_372, %dma_start3A_379] : memref<8x2x128xi32, #tpu.memory_space<vmem>> -> memref<1x1x128xi32, #tpu.memory_space<vmem>>
        %dma_start3A_381 = tpu.memref_squeeze %dma_start3A_380 : memref<1x1x128xi32, #tpu.memory_space<vmem>> -> memref<128xi32, #tpu.memory_space<vmem>>
        %dma_start3A_382 = arith.constant 0 : i32
        %dma_start3A_383 = arith.constant 0 : i32
        %dma_start3A_384 = tpu.memref_slice %arg3[%dma_start3A_382, %dma_start3A_383] : memref<10000x128xf32, #tpu.memory_space<hbm>> -> memref<10000x128xf32, #tpu.memory_space<hbm>>
        %dma_start3A_385 = tpu.memref_slice %arg10[%dma_start3A_374] : memref<2x!tpu.dma_semaphore, #tpu.memory_space<semaphore_mem>> -> memref<1x!tpu.dma_semaphore, #tpu.memory_space<semaphore_mem>>
        %dma_start3A_386 = tpu.memref_squeeze %dma_start3A_385 : memref<1x!tpu.dma_semaphore, #tpu.memory_space<semaphore_mem>> -> memref<!tpu.dma_semaphore, #tpu.memory_space<semaphore_mem>>
        tpu.enqueue_indirect_dma source(%dma_start3A_384 : memref<10000x128xf32, #tpu.memory_space<hbm>>) target(%dma_start3A_378 : memref<128x128xf32, #tpu.memory_space<vmem>>) offsets(%dma_start3A_381 : memref<128xi32, #tpu.memory_space<vmem>>) semaphore(%dma_start3A_386 : memref<!tpu.dma_semaphore, #tpu.memory_space<semaphore_mem>>)
      } else {
      }
      %add3A_264 = arith.constant 0 : i32
      %add3A_265 = arith.addi %mul3A_203, %add3A_264 : i32
      %mul3A_266 = arith.constant 32 : i32
      %mul3A_267 = arith.muli %add3A_265, %mul3A_266 : i32
      %add3A_268 = arith.addi %add3A, %mul3A_267 : i32
      %lt3A_269 = arith.constant 2500 : i32
      %lt3A_270 = arith.cmpi slt, %add3A_268, %lt3A_269 : i32
      %convert_element_type3A_271 = arith.extui %lt3A_270 : i1 to i32
      %cond3A_272 = arith.constant 0 : i32
      %cond3A_273 = arith.cmpi ne, %convert_element_type3A_271, %cond3A_272 : i32
      scf.if %cond3A_273 {
        %dma_wait3A_324 = arith.constant 4 : i32
        %dma_wait3A_325 = arith.constant 0 : i32
        %dma_wait3A_326 = arith.constant 0 : i32
        %dma_wait3A_327 = arith.constant 0 : i32
        %dma_wait3A_328 = arith.constant 0 : i32
        %dma_wait3A_329 = arith.constant 0 : i32
        %dma_wait3A_330 = tpu.memref_slice %arg6[%dma_wait3A_326, %dma_wait3A_328, %dma_wait3A_329] : memref<2x128x128xf32, #tpu.memory_space<vmem>> -> memref<1x128x128xf32, #tpu.memory_space<vmem>>
        %dma_wait3A_331 = tpu.memref_squeeze %dma_wait3A_330 : memref<1x128x128xf32, #tpu.memory_space<vmem>> -> memref<128x128xf32, #tpu.memory_space<vmem>>
        %dma_wait3A_332 = arith.constant 0 : i32
        %dma_wait3A_333 = tpu.memref_slice %arg5[%dma_wait3A_324, %dma_wait3A_325, %dma_wait3A_332] : memref<8x2x128xi32, #tpu.memory_space<vmem>> -> memref<1x1x128xi32, #tpu.memory_space<vmem>>
        %dma_wait3A_334 = tpu.memref_squeeze %dma_wait3A_333 : memref<1x1x128xi32, #tpu.memory_space<vmem>> -> memref<128xi32, #tpu.memory_space<vmem>>
        %dma_wait3A_335 = arith.constant 0 : i32
        %dma_wait3A_336 = arith.constant 0 : i32
        %dma_wait3A_337 = tpu.memref_slice %arg3[%dma_wait3A_335, %dma_wait3A_336] : memref<10000x128xf32, #tpu.memory_space<hbm>> -> memref<10000x128xf32, #tpu.memory_space<hbm>>
        %dma_wait3A_338 = tpu.memref_slice %arg10[%dma_wait3A_327] : memref<2x!tpu.dma_semaphore, #tpu.memory_space<semaphore_mem>> -> memref<1x!tpu.dma_semaphore, #tpu.memory_space<semaphore_mem>>
        %dma_wait3A_339 = tpu.memref_squeeze %dma_wait3A_338 : memref<1x!tpu.dma_semaphore, #tpu.memory_space<semaphore_mem>> -> memref<!tpu.dma_semaphore, #tpu.memory_space<semaphore_mem>>
        tpu.wait_indirect_dma semaphore(%dma_wait3A_339 : memref<!tpu.dma_semaphore, #tpu.memory_space<semaphore_mem>>) src(%dma_wait3A_337 : memref<10000x128xf32, #tpu.memory_space<hbm>>) dst(%dma_wait3A_331 : memref<128x128xf32, #tpu.memory_space<vmem>>)
        %dma_start3A = arith.constant 0 : i32
        %dma_start3A_340 = arith.constant 4 : i32
        %dma_start3A_341 = arith.constant 1 : i32
        %dma_start3A_342 = arith.constant 0 : i32
        %dma_start3A_343 = arith.constant 0 : i32
        %dma_start3A_344 = arith.constant 0 : i32
        %dma_start3A_345 = tpu.memref_slice %arg6[%dma_start3A, %dma_start3A_343, %dma_start3A_344] : memref<2x128x128xf32, #tpu.memory_space<vmem>> -> memref<1x128x128xf32, #tpu.memory_space<vmem>>
        %dma_start3A_346 = tpu.memref_squeeze %dma_start3A_345 : memref<1x128x128xf32, #tpu.memory_space<vmem>> -> memref<128x128xf32, #tpu.memory_space<vmem>>
        %dma_start3A_347 = arith.constant 0 : i32
        %dma_start3A_348 = tpu.memref_slice %arg5[%dma_start3A_340, %dma_start3A_341, %dma_start3A_347] : memref<8x2x128xi32, #tpu.memory_space<vmem>> -> memref<1x1x128xi32, #tpu.memory_space<vmem>>
        %dma_start3A_349 = tpu.memref_squeeze %dma_start3A_348 : memref<1x1x128xi32, #tpu.memory_space<vmem>> -> memref<128xi32, #tpu.memory_space<vmem>>
        %dma_start3A_350 = arith.constant 0 : i32
        %dma_start3A_351 = arith.constant 0 : i32
        %dma_start3A_352 = tpu.memref_slice %arg8[%dma_start3A_350, %dma_start3A_351] : memref<10000x128xf32, #tpu.memory_space<vmem_shared>> -> memref<10000x128xf32, #tpu.memory_space<vmem_shared>>
        %dma_start3A_353 = tpu.memref_slice %arg11[%dma_start3A_342] : memref<2x!tpu.dma_semaphore, #tpu.memory_space<semaphore_mem>> -> memref<1x!tpu.dma_semaphore, #tpu.memory_space<semaphore_mem>>
        %dma_start3A_354 = tpu.memref_squeeze %dma_start3A_353 : memref<1x!tpu.dma_semaphore, #tpu.memory_space<semaphore_mem>> -> memref<!tpu.dma_semaphore, #tpu.memory_space<semaphore_mem>>
        tpu.enqueue_indirect_dma source(%dma_start3A_346 : memref<128x128xf32, #tpu.memory_space<vmem>>) target(%dma_start3A_352 : memref<10000x128xf32, #tpu.memory_space<vmem_shared>>) offsets(%dma_start3A_349 : memref<128xi32, #tpu.memory_space<vmem>>) semaphore(%dma_start3A_354 : memref<!tpu.dma_semaphore, #tpu.memory_space<semaphore_mem>>) {add = true}
      } else {
      }
      %add3A_274 = arith.constant 2 : i32
      %add3A_275 = arith.addi %mul3A_203, %add3A_274 : i32
      %mul3A_276 = arith.constant 32 : i32
      %mul3A_277 = arith.muli %add3A_275, %mul3A_276 : i32
      %add3A_278 = arith.addi %add3A, %mul3A_277 : i32
      %lt3A_279 = arith.constant 2500 : i32
      %lt3A_280 = arith.cmpi slt, %add3A_278, %lt3A_279 : i32
      %convert_element_type3A_281 = arith.extui %lt3A_280 : i1 to i32
      %cond3A_282 = arith.constant 0 : i32
      %cond3A_283 = arith.cmpi ne, %convert_element_type3A_281, %cond3A_282 : i32
      scf.if %cond3A_283 {
        %mul3A_324 = arith.constant 128 : i32
        %mul3A_325 = arith.muli %add3A_278, %mul3A_324 : i32
        %dma_wait3A_326 = arith.constant 6 : i32
        %dma_wait3A_327 = arith.constant 0 : i32
        %dma_wait3A_328 = arith.constant 6 : i32
        %dma_wait3A_329 = arith.constant 0 : i32
        %dma_wait3A_330 = tpu.memref_slice %arg5[%dma_wait3A_326, %dma_wait3A_327, %dma_wait3A_329] : memref<8x2x128xi32, #tpu.memory_space<vmem>> -> memref<1x1x128xi32, #tpu.memory_space<vmem>>
        %dma_wait3A_331 = tpu.memref_squeeze %dma_wait3A_330 : memref<1x1x128xi32, #tpu.memory_space<vmem>> -> memref<128xi32, #tpu.memory_space<vmem>>
        %dma_wait3A_332 = tpu.memref_slice %arg2[%mul3A_325] : memref<640000xi32, #tpu.memory_space<hbm>> -> memref<128xi32, #tpu.memory_space<hbm>>
        %dma_wait3A_333 = tpu.memref_slice %arg9[%dma_wait3A_328] : memref<8x!tpu.dma_semaphore, #tpu.memory_space<semaphore_mem>> -> memref<1x!tpu.dma_semaphore, #tpu.memory_space<semaphore_mem>>
        %dma_wait3A_334 = tpu.memref_squeeze %dma_wait3A_333 : memref<1x!tpu.dma_semaphore, #tpu.memory_space<semaphore_mem>> -> memref<!tpu.dma_semaphore, #tpu.memory_space<semaphore_mem>>
        %dma_wait3A_335 = arith.constant 0 : i32
        %dma_wait3A_336 = tpu.memref_slice %arg5[%dma_wait3A_326, %dma_wait3A_327, %dma_wait3A_335] : memref<8x2x128xi32, #tpu.memory_space<vmem>> -> memref<1x1x128xi32, #tpu.memory_space<vmem>>
        %dma_wait3A_337 = tpu.memref_squeeze %dma_wait3A_336 : memref<1x1x128xi32, #tpu.memory_space<vmem>> -> memref<128xi32, #tpu.memory_space<vmem>>
        %dma_wait3A_338 = tpu.memref_slice %arg2[%mul3A_325] : memref<640000xi32, #tpu.memory_space<hbm>> -> memref<128xi32, #tpu.memory_space<hbm>>
        tpu.wait_dma2 semaphore(%dma_wait3A_334 : memref<!tpu.dma_semaphore, #tpu.memory_space<semaphore_mem>>) src(%dma_wait3A_338 : memref<128xi32, #tpu.memory_space<hbm>>) dst(%dma_wait3A_337 : memref<128xi32, #tpu.memory_space<vmem>>)
        %mul3A_339 = arith.constant 128 : i32
        %mul3A_340 = arith.muli %add3A_278, %mul3A_339 : i32
        %add3A_341 = arith.constant 320000 : i32
        %add3A_342 = arith.addi %add3A_341, %mul3A_340 : i32
        %dma_wait3A_343 = arith.constant 6 : i32
        %dma_wait3A_344 = arith.constant 1 : i32
        %dma_wait3A_345 = arith.constant 6 : i32
        %dma_wait3A_346 = arith.constant 0 : i32
        %dma_wait3A_347 = tpu.memref_slice %arg5[%dma_wait3A_343, %dma_wait3A_344, %dma_wait3A_346] : memref<8x2x128xi32, #tpu.memory_space<vmem>> -> memref<1x1x128xi32, #tpu.memory_space<vmem>>
        %dma_wait3A_348 = tpu.memref_squeeze %dma_wait3A_347 : memref<1x1x128xi32, #tpu.memory_space<vmem>> -> memref<128xi32, #tpu.memory_space<vmem>>
        %dma_wait3A_349 = tpu.memref_slice %arg2[%add3A_342] : memref<640000xi32, #tpu.memory_space<hbm>> -> memref<128xi32, #tpu.memory_space<hbm>>
        %dma_wait3A_350 = tpu.memref_slice %arg9[%dma_wait3A_345] : memref<8x!tpu.dma_semaphore, #tpu.memory_space<semaphore_mem>> -> memref<1x!tpu.dma_semaphore, #tpu.memory_space<semaphore_mem>>
        %dma_wait3A_351 = tpu.memref_squeeze %dma_wait3A_350 : memref<1x!tpu.dma_semaphore, #tpu.memory_space<semaphore_mem>> -> memref<!tpu.dma_semaphore, #tpu.memory_space<semaphore_mem>>
        %dma_wait3A_352 = arith.constant 0 : i32
        %dma_wait3A_353 = tpu.memref_slice %arg5[%dma_wait3A_343, %dma_wait3A_344, %dma_wait3A_352] : memref<8x2x128xi32, #tpu.memory_space<vmem>> -> memref<1x1x128xi32, #tpu.memory_space<vmem>>
        %dma_wait3A_354 = tpu.memref_squeeze %dma_wait3A_353 : memref<1x1x128xi32, #tpu.memory_space<vmem>> -> memref<128xi32, #tpu.memory_space<vmem>>
        %dma_wait3A_355 = tpu.memref_slice %arg2[%add3A_342] : memref<640000xi32, #tpu.memory_space<hbm>> -> memref<128xi32, #tpu.memory_space<hbm>>
        tpu.wait_dma2 semaphore(%dma_wait3A_351 : memref<!tpu.dma_semaphore, #tpu.memory_space<semaphore_mem>>) src(%dma_wait3A_355 : memref<128xi32, #tpu.memory_space<hbm>>) dst(%dma_wait3A_354 : memref<128xi32, #tpu.memory_space<vmem>>)
        %dma_wait3A_356 = arith.constant 0 : i32
        %dma_wait3A_357 = arith.constant 0 : i32
        %dma_wait3A_358 = arith.constant 1 : i32
        %dma_wait3A_359 = arith.constant 0 : i32
        %dma_wait3A_360 = arith.constant 0 : i32
        %dma_wait3A_361 = arith.constant 0 : i32
        %dma_wait3A_362 = tpu.memref_slice %arg6[%dma_wait3A_356, %dma_wait3A_360, %dma_wait3A_361] : memref<2x128x128xf32, #tpu.memory_space<vmem>> -> memref<1x128x128xf32, #tpu.memory_space<vmem>>
        %dma_wait3A_363 = tpu.memref_squeeze %dma_wait3A_362 : memref<1x128x128xf32, #tpu.memory_space<vmem>> -> memref<128x128xf32, #tpu.memory_space<vmem>>
        %dma_wait3A_364 = arith.constant 0 : i32
        %dma_wait3A_365 = tpu.memref_slice %arg5[%dma_wait3A_357, %dma_wait3A_358, %dma_wait3A_364] : memref<8x2x128xi32, #tpu.memory_space<vmem>> -> memref<1x1x128xi32, #tpu.memory_space<vmem>>
        %dma_wait3A_366 = tpu.memref_squeeze %dma_wait3A_365 : memref<1x1x128xi32, #tpu.memory_space<vmem>> -> memref<128xi32, #tpu.memory_space<vmem>>
        %dma_wait3A_367 = arith.constant 0 : i32
        %dma_wait3A_368 = arith.constant 0 : i32
        %dma_wait3A_369 = tpu.memref_slice %arg8[%dma_wait3A_367, %dma_wait3A_368] : memref<10000x128xf32, #tpu.memory_space<vmem_shared>> -> memref<10000x128xf32, #tpu.memory_space<vmem_shared>>
        %dma_wait3A_370 = tpu.memref_slice %arg11[%dma_wait3A_359] : memref<2x!tpu.dma_semaphore, #tpu.memory_space<semaphore_mem>> -> memref<1x!tpu.dma_semaphore, #tpu.memory_space<semaphore_mem>>
        %dma_wait3A_371 = tpu.memref_squeeze %dma_wait3A_370 : memref<1x!tpu.dma_semaphore, #tpu.memory_space<semaphore_mem>> -> memref<!tpu.dma_semaphore, #tpu.memory_space<semaphore_mem>>
        tpu.wait_indirect_dma semaphore(%dma_wait3A_371 : memref<!tpu.dma_semaphore, #tpu.memory_space<semaphore_mem>>) src(%dma_wait3A_363 : memref<128x128xf32, #tpu.memory_space<vmem>>) dst(%dma_wait3A_369 : memref<10000x128xf32, #tpu.memory_space<vmem_shared>>)
        %dma_start3A = arith.constant 6 : i32
        %dma_start3A_372 = arith.constant 0 : i32
        %dma_start3A_373 = arith.constant 0 : i32
        %dma_start3A_374 = arith.constant 0 : i32
        %dma_start3A_375 = arith.constant 0 : i32
        %dma_start3A_376 = arith.constant 0 : i32
        %dma_start3A_377 = tpu.memref_slice %arg6[%dma_start3A_373, %dma_start3A_375, %dma_start3A_376] : memref<2x128x128xf32, #tpu.memory_space<vmem>> -> memref<1x128x128xf32, #tpu.memory_space<vmem>>
        %dma_start3A_378 = tpu.memref_squeeze %dma_start3A_377 : memref<1x128x128xf32, #tpu.memory_space<vmem>> -> memref<128x128xf32, #tpu.memory_space<vmem>>
        %dma_start3A_379 = arith.constant 0 : i32
        %dma_start3A_380 = tpu.memref_slice %arg5[%dma_start3A, %dma_start3A_372, %dma_start3A_379] : memref<8x2x128xi32, #tpu.memory_space<vmem>> -> memref<1x1x128xi32, #tpu.memory_space<vmem>>
        %dma_start3A_381 = tpu.memref_squeeze %dma_start3A_380 : memref<1x1x128xi32, #tpu.memory_space<vmem>> -> memref<128xi32, #tpu.memory_space<vmem>>
        %dma_start3A_382 = arith.constant 0 : i32
        %dma_start3A_383 = arith.constant 0 : i32
        %dma_start3A_384 = tpu.memref_slice %arg3[%dma_start3A_382, %dma_start3A_383] : memref<10000x128xf32, #tpu.memory_space<hbm>> -> memref<10000x128xf32, #tpu.memory_space<hbm>>
        %dma_start3A_385 = tpu.memref_slice %arg10[%dma_start3A_374] : memref<2x!tpu.dma_semaphore, #tpu.memory_space<semaphore_mem>> -> memref<1x!tpu.dma_semaphore, #tpu.memory_space<semaphore_mem>>
        %dma_start3A_386 = tpu.memref_squeeze %dma_start3A_385 : memref<1x!tpu.dma_semaphore, #tpu.memory_space<semaphore_mem>> -> memref<!tpu.dma_semaphore, #tpu.memory_space<semaphore_mem>>
        tpu.enqueue_indirect_dma source(%dma_start3A_384 : memref<10000x128xf32, #tpu.memory_space<hbm>>) target(%dma_start3A_378 : memref<128x128xf32, #tpu.memory_space<vmem>>) offsets(%dma_start3A_381 : memref<128xi32, #tpu.memory_space<vmem>>) semaphore(%dma_start3A_386 : memref<!tpu.dma_semaphore, #tpu.memory_space<semaphore_mem>>)
      } else {
      }
      %add3A_284 = arith.constant 1 : i32
      %add3A_285 = arith.addi %mul3A_203, %add3A_284 : i32
      %mul3A_286 = arith.constant 32 : i32
      %mul3A_287 = arith.muli %add3A_285, %mul3A_286 : i32
      %add3A_288 = arith.addi %add3A, %mul3A_287 : i32
      %lt3A_289 = arith.constant 2500 : i32
      %lt3A_290 = arith.cmpi slt, %add3A_288, %lt3A_289 : i32
      %convert_element_type3A_291 = arith.extui %lt3A_290 : i1 to i32
      %cond3A_292 = arith.constant 0 : i32
      %cond3A_293 = arith.cmpi ne, %convert_element_type3A_291, %cond3A_292 : i32
      scf.if %cond3A_293 {
        %dma_wait3A_324 = arith.constant 5 : i32
        %dma_wait3A_325 = arith.constant 0 : i32
        %dma_wait3A_326 = arith.constant 1 : i32
        %dma_wait3A_327 = arith.constant 1 : i32
        %dma_wait3A_328 = arith.constant 0 : i32
        %dma_wait3A_329 = arith.constant 0 : i32
        %dma_wait3A_330 = tpu.memref_slice %arg6[%dma_wait3A_326, %dma_wait3A_328, %dma_wait3A_329] : memref<2x128x128xf32, #tpu.memory_space<vmem>> -> memref<1x128x128xf32, #tpu.memory_space<vmem>>
        %dma_wait3A_331 = tpu.memref_squeeze %dma_wait3A_330 : memref<1x128x128xf32, #tpu.memory_space<vmem>> -> memref<128x128xf32, #tpu.memory_space<vmem>>
        %dma_wait3A_332 = arith.constant 0 : i32
        %dma_wait3A_333 = tpu.memref_slice %arg5[%dma_wait3A_324, %dma_wait3A_325, %dma_wait3A_332] : memref<8x2x128xi32, #tpu.memory_space<vmem>> -> memref<1x1x128xi32, #tpu.memory_space<vmem>>
        %dma_wait3A_334 = tpu.memref_squeeze %dma_wait3A_333 : memref<1x1x128xi32, #tpu.memory_space<vmem>> -> memref<128xi32, #tpu.memory_space<vmem>>
        %dma_wait3A_335 = arith.constant 0 : i32
        %dma_wait3A_336 = arith.constant 0 : i32
        %dma_wait3A_337 = tpu.memref_slice %arg3[%dma_wait3A_335, %dma_wait3A_336] : memref<10000x128xf32, #tpu.memory_space<hbm>> -> memref<10000x128xf32, #tpu.memory_space<hbm>>
        %dma_wait3A_338 = tpu.memref_slice %arg10[%dma_wait3A_327] : memref<2x!tpu.dma_semaphore, #tpu.memory_space<semaphore_mem>> -> memref<1x!tpu.dma_semaphore, #tpu.memory_space<semaphore_mem>>
        %dma_wait3A_339 = tpu.memref_squeeze %dma_wait3A_338 : memref<1x!tpu.dma_semaphore, #tpu.memory_space<semaphore_mem>> -> memref<!tpu.dma_semaphore, #tpu.memory_space<semaphore_mem>>
        tpu.wait_indirect_dma semaphore(%dma_wait3A_339 : memref<!tpu.dma_semaphore, #tpu.memory_space<semaphore_mem>>) src(%dma_wait3A_337 : memref<10000x128xf32, #tpu.memory_space<hbm>>) dst(%dma_wait3A_331 : memref<128x128xf32, #tpu.memory_space<vmem>>)
        %dma_start3A = arith.constant 1 : i32
        %dma_start3A_340 = arith.constant 5 : i32
        %dma_start3A_341 = arith.constant 1 : i32
        %dma_start3A_342 = arith.constant 1 : i32
        %dma_start3A_343 = arith.constant 0 : i32
        %dma_start3A_344 = arith.constant 0 : i32
        %dma_start3A_345 = tpu.memref_slice %arg6[%dma_start3A, %dma_start3A_343, %dma_start3A_344] : memref<2x128x128xf32, #tpu.memory_space<vmem>> -> memref<1x128x128xf32, #tpu.memory_space<vmem>>
        %dma_start3A_346 = tpu.memref_squeeze %dma_start3A_345 : memref<1x128x128xf32, #tpu.memory_space<vmem>> -> memref<128x128xf32, #tpu.memory_space<vmem>>
        %dma_start3A_347 = arith.constant 0 : i32
        %dma_start3A_348 = tpu.memref_slice %arg5[%dma_start3A_340, %dma_start3A_341, %dma_start3A_347] : memref<8x2x128xi32, #tpu.memory_space<vmem>> -> memref<1x1x128xi32, #tpu.memory_space<vmem>>
        %dma_start3A_349 = tpu.memref_squeeze %dma_start3A_348 : memref<1x1x128xi32, #tpu.memory_space<vmem>> -> memref<128xi32, #tpu.memory_space<vmem>>
        %dma_start3A_350 = arith.constant 0 : i32
        %dma_start3A_351 = arith.constant 0 : i32
        %dma_start3A_352 = tpu.memref_slice %arg8[%dma_start3A_350, %dma_start3A_351] : memref<10000x128xf32, #tpu.memory_space<vmem_shared>> -> memref<10000x128xf32, #tpu.memory_space<vmem_shared>>
        %dma_start3A_353 = tpu.memref_slice %arg11[%dma_start3A_342] : memref<2x!tpu.dma_semaphore, #tpu.memory_space<semaphore_mem>> -> memref<1x!tpu.dma_semaphore, #tpu.memory_space<semaphore_mem>>
        %dma_start3A_354 = tpu.memref_squeeze %dma_start3A_353 : memref<1x!tpu.dma_semaphore, #tpu.memory_space<semaphore_mem>> -> memref<!tpu.dma_semaphore, #tpu.memory_space<semaphore_mem>>
        tpu.enqueue_indirect_dma source(%dma_start3A_346 : memref<128x128xf32, #tpu.memory_space<vmem>>) target(%dma_start3A_352 : memref<10000x128xf32, #tpu.memory_space<vmem_shared>>) offsets(%dma_start3A_349 : memref<128xi32, #tpu.memory_space<vmem>>) semaphore(%dma_start3A_354 : memref<!tpu.dma_semaphore, #tpu.memory_space<semaphore_mem>>) {add = true}
      } else {
      }
      %add3A_294 = arith.constant 3 : i32
      %add3A_295 = arith.addi %mul3A_203, %add3A_294 : i32
      %mul3A_296 = arith.constant 32 : i32
      %mul3A_297 = arith.muli %add3A_295, %mul3A_296 : i32
      %add3A_298 = arith.addi %add3A, %mul3A_297 : i32
      %lt3A_299 = arith.constant 2500 : i32
      %lt3A_300 = arith.cmpi slt, %add3A_298, %lt3A_299 : i32
      %convert_element_type3A_301 = arith.extui %lt3A_300 : i1 to i32
      %cond3A_302 = arith.constant 0 : i32
      %cond3A_303 = arith.cmpi ne, %convert_element_type3A_301, %cond3A_302 : i32
      scf.if %cond3A_303 {
        %mul3A_324 = arith.constant 128 : i32
        %mul3A_325 = arith.muli %add3A_298, %mul3A_324 : i32
        %dma_wait3A_326 = arith.constant 7 : i32
        %dma_wait3A_327 = arith.constant 0 : i32
        %dma_wait3A_328 = arith.constant 7 : i32
        %dma_wait3A_329 = arith.constant 0 : i32
        %dma_wait3A_330 = tpu.memref_slice %arg5[%dma_wait3A_326, %dma_wait3A_327, %dma_wait3A_329] : memref<8x2x128xi32, #tpu.memory_space<vmem>> -> memref<1x1x128xi32, #tpu.memory_space<vmem>>
        %dma_wait3A_331 = tpu.memref_squeeze %dma_wait3A_330 : memref<1x1x128xi32, #tpu.memory_space<vmem>> -> memref<128xi32, #tpu.memory_space<vmem>>
        %dma_wait3A_332 = tpu.memref_slice %arg2[%mul3A_325] : memref<640000xi32, #tpu.memory_space<hbm>> -> memref<128xi32, #tpu.memory_space<hbm>>
        %dma_wait3A_333 = tpu.memref_slice %arg9[%dma_wait3A_328] : memref<8x!tpu.dma_semaphore, #tpu.memory_space<semaphore_mem>> -> memref<1x!tpu.dma_semaphore, #tpu.memory_space<semaphore_mem>>
        %dma_wait3A_334 = tpu.memref_squeeze %dma_wait3A_333 : memref<1x!tpu.dma_semaphore, #tpu.memory_space<semaphore_mem>> -> memref<!tpu.dma_semaphore, #tpu.memory_space<semaphore_mem>>
        %dma_wait3A_335 = arith.constant 0 : i32
        %dma_wait3A_336 = tpu.memref_slice %arg5[%dma_wait3A_326, %dma_wait3A_327, %dma_wait3A_335] : memref<8x2x128xi32, #tpu.memory_space<vmem>> -> memref<1x1x128xi32, #tpu.memory_space<vmem>>
        %dma_wait3A_337 = tpu.memref_squeeze %dma_wait3A_336 : memref<1x1x128xi32, #tpu.memory_space<vmem>> -> memref<128xi32, #tpu.memory_space<vmem>>
        %dma_wait3A_338 = tpu.memref_slice %arg2[%mul3A_325] : memref<640000xi32, #tpu.memory_space<hbm>> -> memref<128xi32, #tpu.memory_space<hbm>>
        tpu.wait_dma2 semaphore(%dma_wait3A_334 : memref<!tpu.dma_semaphore, #tpu.memory_space<semaphore_mem>>) src(%dma_wait3A_338 : memref<128xi32, #tpu.memory_space<hbm>>) dst(%dma_wait3A_337 : memref<128xi32, #tpu.memory_space<vmem>>)
        %mul3A_339 = arith.constant 128 : i32
        %mul3A_340 = arith.muli %add3A_298, %mul3A_339 : i32
        %add3A_341 = arith.constant 320000 : i32
        %add3A_342 = arith.addi %add3A_341, %mul3A_340 : i32
        %dma_wait3A_343 = arith.constant 7 : i32
        %dma_wait3A_344 = arith.constant 1 : i32
        %dma_wait3A_345 = arith.constant 7 : i32
        %dma_wait3A_346 = arith.constant 0 : i32
        %dma_wait3A_347 = tpu.memref_slice %arg5[%dma_wait3A_343, %dma_wait3A_344, %dma_wait3A_346] : memref<8x2x128xi32, #tpu.memory_space<vmem>> -> memref<1x1x128xi32, #tpu.memory_space<vmem>>
        %dma_wait3A_348 = tpu.memref_squeeze %dma_wait3A_347 : memref<1x1x128xi32, #tpu.memory_space<vmem>> -> memref<128xi32, #tpu.memory_space<vmem>>
        %dma_wait3A_349 = tpu.memref_slice %arg2[%add3A_342] : memref<640000xi32, #tpu.memory_space<hbm>> -> memref<128xi32, #tpu.memory_space<hbm>>
        %dma_wait3A_350 = tpu.memref_slice %arg9[%dma_wait3A_345] : memref<8x!tpu.dma_semaphore, #tpu.memory_space<semaphore_mem>> -> memref<1x!tpu.dma_semaphore, #tpu.memory_space<semaphore_mem>>
        %dma_wait3A_351 = tpu.memref_squeeze %dma_wait3A_350 : memref<1x!tpu.dma_semaphore, #tpu.memory_space<semaphore_mem>> -> memref<!tpu.dma_semaphore, #tpu.memory_space<semaphore_mem>>
        %dma_wait3A_352 = arith.constant 0 : i32
        %dma_wait3A_353 = tpu.memref_slice %arg5[%dma_wait3A_343, %dma_wait3A_344, %dma_wait3A_352] : memref<8x2x128xi32, #tpu.memory_space<vmem>> -> memref<1x1x128xi32, #tpu.memory_space<vmem>>
        %dma_wait3A_354 = tpu.memref_squeeze %dma_wait3A_353 : memref<1x1x128xi32, #tpu.memory_space<vmem>> -> memref<128xi32, #tpu.memory_space<vmem>>
        %dma_wait3A_355 = tpu.memref_slice %arg2[%add3A_342] : memref<640000xi32, #tpu.memory_space<hbm>> -> memref<128xi32, #tpu.memory_space<hbm>>
        tpu.wait_dma2 semaphore(%dma_wait3A_351 : memref<!tpu.dma_semaphore, #tpu.memory_space<semaphore_mem>>) src(%dma_wait3A_355 : memref<128xi32, #tpu.memory_space<hbm>>) dst(%dma_wait3A_354 : memref<128xi32, #tpu.memory_space<vmem>>)
        %dma_wait3A_356 = arith.constant 1 : i32
        %dma_wait3A_357 = arith.constant 0 : i32
        %dma_wait3A_358 = arith.constant 1 : i32
        %dma_wait3A_359 = arith.constant 1 : i32
        %dma_wait3A_360 = arith.constant 0 : i32
        %dma_wait3A_361 = arith.constant 0 : i32
        %dma_wait3A_362 = tpu.memref_slice %arg6[%dma_wait3A_356, %dma_wait3A_360, %dma_wait3A_361] : memref<2x128x128xf32, #tpu.memory_space<vmem>> -> memref<1x128x128xf32, #tpu.memory_space<vmem>>
        %dma_wait3A_363 = tpu.memref_squeeze %dma_wait3A_362 : memref<1x128x128xf32, #tpu.memory_space<vmem>> -> memref<128x128xf32, #tpu.memory_space<vmem>>
        %dma_wait3A_364 = arith.constant 0 : i32
        %dma_wait3A_365 = tpu.memref_slice %arg5[%dma_wait3A_357, %dma_wait3A_358, %dma_wait3A_364] : memref<8x2x128xi32, #tpu.memory_space<vmem>> -> memref<1x1x128xi32, #tpu.memory_space<vmem>>
        %dma_wait3A_366 = tpu.memref_squeeze %dma_wait3A_365 : memref<1x1x128xi32, #tpu.memory_space<vmem>> -> memref<128xi32, #tpu.memory_space<vmem>>
        %dma_wait3A_367 = arith.constant 0 : i32
        %dma_wait3A_368 = arith.constant 0 : i32
        %dma_wait3A_369 = tpu.memref_slice %arg8[%dma_wait3A_367, %dma_wait3A_368] : memref<10000x128xf32, #tpu.memory_space<vmem_shared>> -> memref<10000x128xf32, #tpu.memory_space<vmem_shared>>
        %dma_wait3A_370 = tpu.memref_slice %arg11[%dma_wait3A_359] : memref<2x!tpu.dma_semaphore, #tpu.memory_space<semaphore_mem>> -> memref<1x!tpu.dma_semaphore, #tpu.memory_space<semaphore_mem>>
        %dma_wait3A_371 = tpu.memref_squeeze %dma_wait3A_370 : memref<1x!tpu.dma_semaphore, #tpu.memory_space<semaphore_mem>> -> memref<!tpu.dma_semaphore, #tpu.memory_space<semaphore_mem>>
        tpu.wait_indirect_dma semaphore(%dma_wait3A_371 : memref<!tpu.dma_semaphore, #tpu.memory_space<semaphore_mem>>) src(%dma_wait3A_363 : memref<128x128xf32, #tpu.memory_space<vmem>>) dst(%dma_wait3A_369 : memref<10000x128xf32, #tpu.memory_space<vmem_shared>>)
        %dma_start3A = arith.constant 7 : i32
        %dma_start3A_372 = arith.constant 0 : i32
        %dma_start3A_373 = arith.constant 1 : i32
        %dma_start3A_374 = arith.constant 1 : i32
        %dma_start3A_375 = arith.constant 0 : i32
        %dma_start3A_376 = arith.constant 0 : i32
        %dma_start3A_377 = tpu.memref_slice %arg6[%dma_start3A_373, %dma_start3A_375, %dma_start3A_376] : memref<2x128x128xf32, #tpu.memory_space<vmem>> -> memref<1x128x128xf32, #tpu.memory_space<vmem>>
        %dma_start3A_378 = tpu.memref_squeeze %dma_start3A_377 : memref<1x128x128xf32, #tpu.memory_space<vmem>> -> memref<128x128xf32, #tpu.memory_space<vmem>>
        %dma_start3A_379 = arith.constant 0 : i32
        %dma_start3A_380 = tpu.memref_slice %arg5[%dma_start3A, %dma_start3A_372, %dma_start3A_379] : memref<8x2x128xi32, #tpu.memory_space<vmem>> -> memref<1x1x128xi32, #tpu.memory_space<vmem>>
        %dma_start3A_381 = tpu.memref_squeeze %dma_start3A_380 : memref<1x1x128xi32, #tpu.memory_space<vmem>> -> memref<128xi32, #tpu.memory_space<vmem>>
        %dma_start3A_382 = arith.constant 0 : i32
        %dma_start3A_383 = arith.constant 0 : i32
        %dma_start3A_384 = tpu.memref_slice %arg3[%dma_start3A_382, %dma_start3A_383] : memref<10000x128xf32, #tpu.memory_space<hbm>> -> memref<10000x128xf32, #tpu.memory_space<hbm>>
        %dma_start3A_385 = tpu.memref_slice %arg10[%dma_start3A_374] : memref<2x!tpu.dma_semaphore, #tpu.memory_space<semaphore_mem>> -> memref<1x!tpu.dma_semaphore, #tpu.memory_space<semaphore_mem>>
        %dma_start3A_386 = tpu.memref_squeeze %dma_start3A_385 : memref<1x!tpu.dma_semaphore, #tpu.memory_space<semaphore_mem>> -> memref<!tpu.dma_semaphore, #tpu.memory_space<semaphore_mem>>
        tpu.enqueue_indirect_dma source(%dma_start3A_384 : memref<10000x128xf32, #tpu.memory_space<hbm>>) target(%dma_start3A_378 : memref<128x128xf32, #tpu.memory_space<vmem>>) offsets(%dma_start3A_381 : memref<128xi32, #tpu.memory_space<vmem>>) semaphore(%dma_start3A_386 : memref<!tpu.dma_semaphore, #tpu.memory_space<semaphore_mem>>)
      } else {
      }
      %add3A_304 = arith.constant 2 : i32
      %add3A_305 = arith.addi %mul3A_203, %add3A_304 : i32
      %mul3A_306 = arith.constant 32 : i32
      %mul3A_307 = arith.muli %add3A_305, %mul3A_306 : i32
      %add3A_308 = arith.addi %add3A, %mul3A_307 : i32
      %lt3A_309 = arith.constant 2500 : i32
      %lt3A_310 = arith.cmpi slt, %add3A_308, %lt3A_309 : i32
      %convert_element_type3A_311 = arith.extui %lt3A_310 : i1 to i32
      %cond3A_312 = arith.constant 0 : i32
      %cond3A_313 = arith.cmpi ne, %convert_element_type3A_311, %cond3A_312 : i32
      scf.if %cond3A_313 {
        %dma_wait3A_324 = arith.constant 6 : i32
        %dma_wait3A_325 = arith.constant 0 : i32
        %dma_wait3A_326 = arith.constant 0 : i32
        %dma_wait3A_327 = arith.constant 0 : i32
        %dma_wait3A_328 = arith.constant 0 : i32
        %dma_wait3A_329 = arith.constant 0 : i32
        %dma_wait3A_330 = tpu.memref_slice %arg6[%dma_wait3A_326, %dma_wait3A_328, %dma_wait3A_329] : memref<2x128x128xf32, #tpu.memory_space<vmem>> -> memref<1x128x128xf32, #tpu.memory_space<vmem>>
        %dma_wait3A_331 = tpu.memref_squeeze %dma_wait3A_330 : memref<1x128x128xf32, #tpu.memory_space<vmem>> -> memref<128x128xf32, #tpu.memory_space<vmem>>
        %dma_wait3A_332 = arith.constant 0 : i32
        %dma_wait3A_333 = tpu.memref_slice %arg5[%dma_wait3A_324, %dma_wait3A_325, %dma_wait3A_332] : memref<8x2x128xi32, #tpu.memory_space<vmem>> -> memref<1x1x128xi32, #tpu.memory_space<vmem>>
        %dma_wait3A_334 = tpu.memref_squeeze %dma_wait3A_333 : memref<1x1x128xi32, #tpu.memory_space<vmem>> -> memref<128xi32, #tpu.memory_space<vmem>>
        %dma_wait3A_335 = arith.constant 0 : i32
        %dma_wait3A_336 = arith.constant 0 : i32
        %dma_wait3A_337 = tpu.memref_slice %arg3[%dma_wait3A_335, %dma_wait3A_336] : memref<10000x128xf32, #tpu.memory_space<hbm>> -> memref<10000x128xf32, #tpu.memory_space<hbm>>
        %dma_wait3A_338 = tpu.memref_slice %arg10[%dma_wait3A_327] : memref<2x!tpu.dma_semaphore, #tpu.memory_space<semaphore_mem>> -> memref<1x!tpu.dma_semaphore, #tpu.memory_space<semaphore_mem>>
        %dma_wait3A_339 = tpu.memref_squeeze %dma_wait3A_338 : memref<1x!tpu.dma_semaphore, #tpu.memory_space<semaphore_mem>> -> memref<!tpu.dma_semaphore, #tpu.memory_space<semaphore_mem>>
        tpu.wait_indirect_dma semaphore(%dma_wait3A_339 : memref<!tpu.dma_semaphore, #tpu.memory_space<semaphore_mem>>) src(%dma_wait3A_337 : memref<10000x128xf32, #tpu.memory_space<hbm>>) dst(%dma_wait3A_331 : memref<128x128xf32, #tpu.memory_space<vmem>>)
        %dma_start3A = arith.constant 0 : i32
        %dma_start3A_340 = arith.constant 6 : i32
        %dma_start3A_341 = arith.constant 1 : i32
        %dma_start3A_342 = arith.constant 0 : i32
        %dma_start3A_343 = arith.constant 0 : i32
        %dma_start3A_344 = arith.constant 0 : i32
        %dma_start3A_345 = tpu.memref_slice %arg6[%dma_start3A, %dma_start3A_343, %dma_start3A_344] : memref<2x128x128xf32, #tpu.memory_space<vmem>> -> memref<1x128x128xf32, #tpu.memory_space<vmem>>
        %dma_start3A_346 = tpu.memref_squeeze %dma_start3A_345 : memref<1x128x128xf32, #tpu.memory_space<vmem>> -> memref<128x128xf32, #tpu.memory_space<vmem>>
        %dma_start3A_347 = arith.constant 0 : i32
        %dma_start3A_348 = tpu.memref_slice %arg5[%dma_start3A_340, %dma_start3A_341, %dma_start3A_347] : memref<8x2x128xi32, #tpu.memory_space<vmem>> -> memref<1x1x128xi32, #tpu.memory_space<vmem>>
        %dma_start3A_349 = tpu.memref_squeeze %dma_start3A_348 : memref<1x1x128xi32, #tpu.memory_space<vmem>> -> memref<128xi32, #tpu.memory_space<vmem>>
        %dma_start3A_350 = arith.constant 0 : i32
        %dma_start3A_351 = arith.constant 0 : i32
        %dma_start3A_352 = tpu.memref_slice %arg8[%dma_start3A_350, %dma_start3A_351] : memref<10000x128xf32, #tpu.memory_space<vmem_shared>> -> memref<10000x128xf32, #tpu.memory_space<vmem_shared>>
        %dma_start3A_353 = tpu.memref_slice %arg11[%dma_start3A_342] : memref<2x!tpu.dma_semaphore, #tpu.memory_space<semaphore_mem>> -> memref<1x!tpu.dma_semaphore, #tpu.memory_space<semaphore_mem>>
        %dma_start3A_354 = tpu.memref_squeeze %dma_start3A_353 : memref<1x!tpu.dma_semaphore, #tpu.memory_space<semaphore_mem>> -> memref<!tpu.dma_semaphore, #tpu.memory_space<semaphore_mem>>
        tpu.enqueue_indirect_dma source(%dma_start3A_346 : memref<128x128xf32, #tpu.memory_space<vmem>>) target(%dma_start3A_352 : memref<10000x128xf32, #tpu.memory_space<vmem_shared>>) offsets(%dma_start3A_349 : memref<128xi32, #tpu.memory_space<vmem>>) semaphore(%dma_start3A_354 : memref<!tpu.dma_semaphore, #tpu.memory_space<semaphore_mem>>) {add = true}
      } else {
      }
      %add3A_314 = arith.constant 3 : i32
      %add3A_315 = arith.addi %mul3A_203, %add3A_314 : i32
      %mul3A_316 = arith.constant 32 : i32
      %mul3A_317 = arith.muli %add3A_315, %mul3A_316 : i32
      %add3A_318 = arith.addi %add3A, %mul3A_317 : i32
      %lt3A_319 = arith.constant 2500 : i32
      %lt3A_320 = arith.cmpi slt, %add3A_318, %lt3A_319 : i32
      %convert_element_type3A_321 = arith.extui %lt3A_320 : i1 to i32
      %cond3A_322 = arith.constant 0 : i32
      %cond3A_323 = arith.cmpi ne, %convert_element_type3A_321, %cond3A_322 : i32
      scf.if %cond3A_323 {
        %dma_wait3A_324 = arith.constant 7 : i32
        %dma_wait3A_325 = arith.constant 0 : i32
        %dma_wait3A_326 = arith.constant 1 : i32
        %dma_wait3A_327 = arith.constant 1 : i32
        %dma_wait3A_328 = arith.constant 0 : i32
        %dma_wait3A_329 = arith.constant 0 : i32
        %dma_wait3A_330 = tpu.memref_slice %arg6[%dma_wait3A_326, %dma_wait3A_328, %dma_wait3A_329] : memref<2x128x128xf32, #tpu.memory_space<vmem>> -> memref<1x128x128xf32, #tpu.memory_space<vmem>>
        %dma_wait3A_331 = tpu.memref_squeeze %dma_wait3A_330 : memref<1x128x128xf32, #tpu.memory_space<vmem>> -> memref<128x128xf32, #tpu.memory_space<vmem>>
        %dma_wait3A_332 = arith.constant 0 : i32
        %dma_wait3A_333 = tpu.memref_slice %arg5[%dma_wait3A_324, %dma_wait3A_325, %dma_wait3A_332] : memref<8x2x128xi32, #tpu.memory_space<vmem>> -> memref<1x1x128xi32, #tpu.memory_space<vmem>>
        %dma_wait3A_334 = tpu.memref_squeeze %dma_wait3A_333 : memref<1x1x128xi32, #tpu.memory_space<vmem>> -> memref<128xi32, #tpu.memory_space<vmem>>
        %dma_wait3A_335 = arith.constant 0 : i32
        %dma_wait3A_336 = arith.constant 0 : i32
        %dma_wait3A_337 = tpu.memref_slice %arg3[%dma_wait3A_335, %dma_wait3A_336] : memref<10000x128xf32, #tpu.memory_space<hbm>> -> memref<10000x128xf32, #tpu.memory_space<hbm>>
        %dma_wait3A_338 = tpu.memref_slice %arg10[%dma_wait3A_327] : memref<2x!tpu.dma_semaphore, #tpu.memory_space<semaphore_mem>> -> memref<1x!tpu.dma_semaphore, #tpu.memory_space<semaphore_mem>>
        %dma_wait3A_339 = tpu.memref_squeeze %dma_wait3A_338 : memref<1x!tpu.dma_semaphore, #tpu.memory_space<semaphore_mem>> -> memref<!tpu.dma_semaphore, #tpu.memory_space<semaphore_mem>>
        tpu.wait_indirect_dma semaphore(%dma_wait3A_339 : memref<!tpu.dma_semaphore, #tpu.memory_space<semaphore_mem>>) src(%dma_wait3A_337 : memref<10000x128xf32, #tpu.memory_space<hbm>>) dst(%dma_wait3A_331 : memref<128x128xf32, #tpu.memory_space<vmem>>)
        %dma_start3A = arith.constant 1 : i32
        %dma_start3A_340 = arith.constant 7 : i32
        %dma_start3A_341 = arith.constant 1 : i32
        %dma_start3A_342 = arith.constant 1 : i32
        %dma_start3A_343 = arith.constant 0 : i32
        %dma_start3A_344 = arith.constant 0 : i32
        %dma_start3A_345 = tpu.memref_slice %arg6[%dma_start3A, %dma_start3A_343, %dma_start3A_344] : memref<2x128x128xf32, #tpu.memory_space<vmem>> -> memref<1x128x128xf32, #tpu.memory_space<vmem>>
        %dma_start3A_346 = tpu.memref_squeeze %dma_start3A_345 : memref<1x128x128xf32, #tpu.memory_space<vmem>> -> memref<128x128xf32, #tpu.memory_space<vmem>>
        %dma_start3A_347 = arith.constant 0 : i32
        %dma_start3A_348 = tpu.memref_slice %arg5[%dma_start3A_340, %dma_start3A_341, %dma_start3A_347] : memref<8x2x128xi32, #tpu.memory_space<vmem>> -> memref<1x1x128xi32, #tpu.memory_space<vmem>>
        %dma_start3A_349 = tpu.memref_squeeze %dma_start3A_348 : memref<1x1x128xi32, #tpu.memory_space<vmem>> -> memref<128xi32, #tpu.memory_space<vmem>>
        %dma_start3A_350 = arith.constant 0 : i32
        %dma_start3A_351 = arith.constant 0 : i32
        %dma_start3A_352 = tpu.memref_slice %arg8[%dma_start3A_350, %dma_start3A_351] : memref<10000x128xf32, #tpu.memory_space<vmem_shared>> -> memref<10000x128xf32, #tpu.memory_space<vmem_shared>>
        %dma_start3A_353 = tpu.memref_slice %arg11[%dma_start3A_342] : memref<2x!tpu.dma_semaphore, #tpu.memory_space<semaphore_mem>> -> memref<1x!tpu.dma_semaphore, #tpu.memory_space<semaphore_mem>>
        %dma_start3A_354 = tpu.memref_squeeze %dma_start3A_353 : memref<1x!tpu.dma_semaphore, #tpu.memory_space<semaphore_mem>> -> memref<!tpu.dma_semaphore, #tpu.memory_space<semaphore_mem>>
        tpu.enqueue_indirect_dma source(%dma_start3A_346 : memref<128x128xf32, #tpu.memory_space<vmem>>) target(%dma_start3A_352 : memref<10000x128xf32, #tpu.memory_space<vmem_shared>>) offsets(%dma_start3A_349 : memref<128xi32, #tpu.memory_space<vmem>>) semaphore(%dma_start3A_354 : memref<!tpu.dma_semaphore, #tpu.memory_space<semaphore_mem>>) {add = true}
      } else {
      }
    }
    %scan3A_30 = arith.constant 10 : i32
    %dma_wait3A = arith.constant 0 : i32
    %dma_wait3A_31 = arith.constant 0 : i32
    %dma_wait3A_32 = arith.constant 1 : i32
    %dma_wait3A_33 = arith.constant 0 : i32
    %dma_wait3A_34 = arith.constant 0 : i32
    %dma_wait3A_35 = arith.constant 0 : i32
    %dma_wait3A_36 = tpu.memref_slice %arg6[%dma_wait3A, %dma_wait3A_34, %dma_wait3A_35] : memref<2x128x128xf32, #tpu.memory_space<vmem>> -> memref<1x128x128xf32, #tpu.memory_space<vmem>>
    %dma_wait3A_37 = tpu.memref_squeeze %dma_wait3A_36 : memref<1x128x128xf32, #tpu.memory_space<vmem>> -> memref<128x128xf32, #tpu.memory_space<vmem>>
    %dma_wait3A_38 = arith.constant 0 : i32
    %dma_wait3A_39 = tpu.memref_slice %arg5[%dma_wait3A_31, %dma_wait3A_32, %dma_wait3A_38] : memref<8x2x128xi32, #tpu.memory_space<vmem>> -> memref<1x1x128xi32, #tpu.memory_space<vmem>>
    %dma_wait3A_40 = tpu.memref_squeeze %dma_wait3A_39 : memref<1x1x128xi32, #tpu.memory_space<vmem>> -> memref<128xi32, #tpu.memory_space<vmem>>
    %dma_wait3A_41 = arith.constant 0 : i32
    %dma_wait3A_42 = arith.constant 0 : i32
    %dma_wait3A_43 = tpu.memref_slice %arg8[%dma_wait3A_41, %dma_wait3A_42] : memref<10000x128xf32, #tpu.memory_space<vmem_shared>> -> memref<10000x128xf32, #tpu.memory_space<vmem_shared>>
    %dma_wait3A_44 = tpu.memref_slice %arg11[%dma_wait3A_33] : memref<2x!tpu.dma_semaphore, #tpu.memory_space<semaphore_mem>> -> memref<1x!tpu.dma_semaphore, #tpu.memory_space<semaphore_mem>>
    %dma_wait3A_45 = tpu.memref_squeeze %dma_wait3A_44 : memref<1x!tpu.dma_semaphore, #tpu.memory_space<semaphore_mem>> -> memref<!tpu.dma_semaphore, #tpu.memory_space<semaphore_mem>>
    tpu.wait_indirect_dma semaphore(%dma_wait3A_45 : memref<!tpu.dma_semaphore, #tpu.memory_space<semaphore_mem>>) src(%dma_wait3A_37 : memref<128x128xf32, #tpu.memory_space<vmem>>) dst(%dma_wait3A_43 : memref<10000x128xf32, #tpu.memory_space<vmem_shared>>)
    %dma_wait3A_46 = arith.constant 1 : i32
    %dma_wait3A_47 = arith.constant 0 : i32
    %dma_wait3A_48 = arith.constant 1 : i32
    %dma_wait3A_49 = arith.constant 1 : i32
    %dma_wait3A_50 = arith.constant 0 : i32
    %dma_wait3A_51 = arith.constant 0 : i32
    %dma_wait3A_52 = tpu.memref_slice %arg6[%dma_wait3A_46, %dma_wait3A_50, %dma_wait3A_51] : memref<2x128x128xf32, #tpu.memory_space<vmem>> -> memref<1x128x128xf32, #tpu.memory_space<vmem>>
    %dma_wait3A_53 = tpu.memref_squeeze %dma_wait3A_52 : memref<1x128x128xf32, #tpu.memory_space<vmem>> -> memref<128x128xf32, #tpu.memory_space<vmem>>
    %dma_wait3A_54 = arith.constant 0 : i32
    %dma_wait3A_55 = tpu.memref_slice %arg5[%dma_wait3A_47, %dma_wait3A_48, %dma_wait3A_54] : memref<8x2x128xi32, #tpu.memory_space<vmem>> -> memref<1x1x128xi32, #tpu.memory_space<vmem>>
    %dma_wait3A_56 = tpu.memref_squeeze %dma_wait3A_55 : memref<1x1x128xi32, #tpu.memory_space<vmem>> -> memref<128xi32, #tpu.memory_space<vmem>>
    %dma_wait3A_57 = arith.constant 0 : i32
    %dma_wait3A_58 = arith.constant 0 : i32
    %dma_wait3A_59 = tpu.memref_slice %arg8[%dma_wait3A_57, %dma_wait3A_58] : memref<10000x128xf32, #tpu.memory_space<vmem_shared>> -> memref<10000x128xf32, #tpu.memory_space<vmem_shared>>
    %dma_wait3A_60 = tpu.memref_slice %arg11[%dma_wait3A_49] : memref<2x!tpu.dma_semaphore, #tpu.memory_space<semaphore_mem>> -> memref<1x!tpu.dma_semaphore, #tpu.memory_space<semaphore_mem>>
    %dma_wait3A_61 = tpu.memref_squeeze %dma_wait3A_60 : memref<1x!tpu.dma_semaphore, #tpu.memory_space<semaphore_mem>> -> memref<!tpu.dma_semaphore, #tpu.memory_space<semaphore_mem>>
    tpu.wait_indirect_dma semaphore(%dma_wait3A_61 : memref<!tpu.dma_semaphore, #tpu.memory_space<semaphore_mem>>) src(%dma_wait3A_53 : memref<128x128xf32, #tpu.memory_space<vmem>>) dst(%dma_wait3A_59 : memref<10000x128xf32, #tpu.memory_space<vmem_shared>>)
    %barrier3A_62 = arith.constant 0 : index
    tpu.barrier barrier_id(%barrier3A_62)
    %mul3A_63 = arith.constant 624 : i32
    %mul3A_64 = arith.muli %arg1, %mul3A_63 : i32
    %mul3A_65 = arith.constant 624 : i32
    %mul3A_66 = arith.muli %arg1, %mul3A_65 : i32
    "tpu.region"() ({
      %run_scoped3A = tpu.sem_alloc : memref<!tpu.dma_semaphore, #tpu.memory_space<semaphore_mem>>
      %dma_start3A = arith.constant 0 : i32
      %dma_start3A_72 = tpu.memref_slice %arg4[%arg0, %mul3A_66, %dma_start3A] : memref<2x10000x128xf32, #tpu.memory_space<hbm>> -> memref<1x624x128xf32, #tpu.memory_space<hbm>>
      %dma_start3A_73 = tpu.memref_squeeze %dma_start3A_72 : memref<1x624x128xf32, #tpu.memory_space<hbm>> -> memref<624x128xf32, #tpu.memory_space<hbm>>
      %dma_start3A_74 = arith.constant 0 : i32
      %dma_start3A_75 = tpu.memref_slice %arg8[%mul3A_64, %dma_start3A_74] : memref<10000x128xf32, #tpu.memory_space<vmem_shared>> -> memref<624x128xf32, #tpu.memory_space<vmem_shared>>
      tpu.enqueue_dma source(%dma_start3A_75 : memref<624x128xf32, #tpu.memory_space<vmem_shared>>) target(%dma_start3A_73 : memref<624x128xf32, #tpu.memory_space<hbm>>) target_semaphore(%run_scoped3A : memref<!tpu.dma_semaphore, #tpu.memory_space<semaphore_mem>>)
      %dma_wait3A_76 = arith.constant 0 : i32
      %dma_wait3A_77 = tpu.memref_slice %arg4[%arg0, %mul3A_66, %dma_wait3A_76] : memref<2x10000x128xf32, #tpu.memory_space<hbm>> -> memref<1x624x128xf32, #tpu.memory_space<hbm>>
      %dma_wait3A_78 = tpu.memref_squeeze %dma_wait3A_77 : memref<1x624x128xf32, #tpu.memory_space<hbm>> -> memref<624x128xf32, #tpu.memory_space<hbm>>
      %dma_wait3A_79 = arith.constant 0 : i32
      %dma_wait3A_80 = tpu.memref_slice %arg8[%mul3A_64, %dma_wait3A_79] : memref<10000x128xf32, #tpu.memory_space<vmem_shared>> -> memref<624x128xf32, #tpu.memory_space<vmem_shared>>
      tpu.wait_dma2 semaphore(%run_scoped3A : memref<!tpu.dma_semaphore, #tpu.memory_space<semaphore_mem>>) src(%dma_wait3A_80 : memref<624x128xf32, #tpu.memory_space<vmem_shared>>) dst(%dma_wait3A_78 : memref<624x128xf32, #tpu.memory_space<hbm>>)
      tpu.yield
    }) : () -> ()
    %eq3A_67 = arith.constant 15 : i32
    %eq3A_68 = arith.cmpi eq, %arg1, %eq3A_67 : i32
    %convert_element_type3A_69 = arith.extui %eq3A_68 : i1 to i32
    %cond3A_70 = arith.constant 0 : i32
    %cond3A_71 = arith.cmpi ne, %convert_element_type3A_69, %cond3A_70 : i32
    scf.if %cond3A_71 {
      "tpu.region"() ({
        %run_scoped3A = tpu.sem_alloc : memref<!tpu.dma_semaphore, #tpu.memory_space<semaphore_mem>>
        %dma_start3A = arith.constant 9984 : i32
        %dma_start3A_72 = arith.constant 0 : i32
        %dma_start3A_73 = tpu.memref_slice %arg4[%arg0, %dma_start3A, %dma_start3A_72] : memref<2x10000x128xf32, #tpu.memory_space<hbm>> -> memref<1x16x128xf32, #tpu.memory_space<hbm>>
        %dma_start3A_74 = tpu.memref_squeeze %dma_start3A_73 : memref<1x16x128xf32, #tpu.memory_space<hbm>> -> memref<16x128xf32, #tpu.memory_space<hbm>>
        %dma_start3A_75 = arith.constant 9984 : i32
        %dma_start3A_76 = arith.constant 0 : i32
        %dma_start3A_77 = tpu.memref_slice %arg8[%dma_start3A_75, %dma_start3A_76] : memref<10000x128xf32, #tpu.memory_space<vmem_shared>> -> memref<16x128xf32, #tpu.memory_space<vmem_shared>>
        tpu.enqueue_dma source(%dma_start3A_77 : memref<16x128xf32, #tpu.memory_space<vmem_shared>>) target(%dma_start3A_74 : memref<16x128xf32, #tpu.memory_space<hbm>>) target_semaphore(%run_scoped3A : memref<!tpu.dma_semaphore, #tpu.memory_space<semaphore_mem>>)
        %dma_wait3A_78 = arith.constant 9984 : i32
        %dma_wait3A_79 = arith.constant 0 : i32
        %dma_wait3A_80 = tpu.memref_slice %arg4[%arg0, %dma_wait3A_78, %dma_wait3A_79] : memref<2x10000x128xf32, #tpu.memory_space<hbm>> -> memref<1x16x128xf32, #tpu.memory_space<hbm>>
        %dma_wait3A_81 = tpu.memref_squeeze %dma_wait3A_80 : memref<1x16x128xf32, #tpu.memory_space<hbm>> -> memref<16x128xf32, #tpu.memory_space<hbm>>
        %dma_wait3A_82 = arith.constant 9984 : i32
        %dma_wait3A_83 = arith.constant 0 : i32
        %dma_wait3A_84 = tpu.memref_slice %arg8[%dma_wait3A_82, %dma_wait3A_83] : memref<10000x128xf32, #tpu.memory_space<vmem_shared>> -> memref<16x128xf32, #tpu.memory_space<vmem_shared>>
        tpu.wait_dma2 semaphore(%run_scoped3A : memref<!tpu.dma_semaphore, #tpu.memory_space<semaphore_mem>>) src(%dma_wait3A_84 : memref<16x128xf32, #tpu.memory_space<vmem_shared>>) dst(%dma_wait3A_81 : memref<16x128xf32, #tpu.memory_space<hbm>>)
        tpu.yield
      }) : () -> ()
    } else {
    }
    return
  }
}

#map = affine_map<(d0, d1) -> (0)>
module attributes {stable_mosaic.version = 14 : i64} {
  func.func @_deg_body(%arg0: i32, %arg1: i32, %arg2: memref<640000xi32, #tpu.memory_space<hbm>>, %arg3: memref<320000xf32, #tpu.memory_space<hbm>>, %arg4: memref<2000xi32, #tpu.memory_space<vmem>>, %arg5: memref<2000xi32, #tpu.memory_space<vmem>>, %arg6: memref<10000xf32, #tpu.memory_space<vmem>>, %arg7: memref<2x!tpu.dma_semaphore, #tpu.memory_space<semaphore_mem>>) attributes {dimension_semantics = [#tpu.dimension_semantics<core_parallel>, #tpu.dimension_semantics<subcore_parallel>], iteration_bounds = array<i64: 2, 16>, scalar_prefetch = 0 : i64, scratch_operands = 4 : i64, tpu.core_type = #tpu.core_type<sc_vector_subcore>, window_params = [{transform_indices = #map}, {transform_indices = #map}]} {
    %mul3A = arith.constant 16 : i32
    %mul3A_0 = arith.muli %arg0, %mul3A : i32
    %add3A = arith.addi %mul3A_0, %arg1 : i32
    %scan3A = arith.constant 0 : i32
    %scan3A_1 = arith.constant 0 : i32
    %scan3A_2 = arith.constant 625 : i32
    %scan3A_3 = arith.addi %scan3A_1, %scan3A_2 : i32
    %scan3A_4 = arith.constant 1 : i32
    scf.for %scan3A_109 = %scan3A_1 to %scan3A_3 step %scan3A_4  : i32 {
      %broadcast_in_dim3A_110 = arith.constant 0.000000e+00 : f32
      %broadcast_in_dim3A_111 = vector.broadcast %broadcast_in_dim3A_110 : f32 to vector<16xf32>
      %mul3A_112 = arith.constant 16 : i32
      %mul3A_113 = arith.muli %scan3A_109, %mul3A_112 : i32
      %swap3A = arith.index_cast %mul3A_113 : i32 to index
      %swap3A_114 = tpu.vector_load %arg6[%swap3A] {strides = array<i32>} : memref<10000xf32, #tpu.memory_space<vmem>>, vector<16xf32>,
      tpu.vector_store %arg6[%swap3A], %broadcast_in_dim3A_111 {strides = array<i32>} : memref<10000xf32, #tpu.memory_space<vmem>>, vector<16xf32>,
    }
    %scan3A_5 = arith.constant 625 : i32
    %broadcast_in_dim3A = arith.constant 1.000000e+00 : f32
    %broadcast_in_dim3A_6 = vector.broadcast %broadcast_in_dim3A : f32 to vector<16xf32>
    %mul3A_7 = arith.constant 10000 : i32
    %mul3A_8 = arith.muli %add3A, %mul3A_7 : i32
    %add3A_9 = arith.constant 320000 : i32
    %add3A_10 = arith.addi %add3A_9, %mul3A_8 : i32
    %dma_start3A = arith.constant 0 : i32
    %dma_start3A_11 = tpu.memref_slice %arg2[%add3A_10] : memref<640000xi32, #tpu.memory_space<hbm>> -> memref<2000xi32, #tpu.memory_space<hbm>>
    %dma_start3A_12 = tpu.memref_slice %arg7[%dma_start3A] : memref<2x!tpu.dma_semaphore, #tpu.memory_space<semaphore_mem>> -> memref<1x!tpu.dma_semaphore, #tpu.memory_space<semaphore_mem>>
    %dma_start3A_13 = tpu.memref_squeeze %dma_start3A_12 : memref<1x!tpu.dma_semaphore, #tpu.memory_space<semaphore_mem>> -> memref<!tpu.dma_semaphore, #tpu.memory_space<semaphore_mem>>
    %dma_start3A_14 = tpu.memref_slice %arg2[%add3A_10] : memref<640000xi32, #tpu.memory_space<hbm>> -> memref<2000xi32, #tpu.memory_space<hbm>>
    tpu.enqueue_dma source(%dma_start3A_14 : memref<2000xi32, #tpu.memory_space<hbm>>) target(%arg4 : memref<2000xi32, #tpu.memory_space<vmem>>) target_semaphore(%dma_start3A_13 : memref<!tpu.dma_semaphore, #tpu.memory_space<semaphore_mem>>)
    %add3A_15 = arith.constant 2000 : i32
    %add3A_16 = arith.addi %add3A_10, %add3A_15 : i32
    %dma_start3A_17 = arith.constant 1 : i32
    %dma_start3A_18 = tpu.memref_slice %arg2[%add3A_16] : memref<640000xi32, #tpu.memory_space<hbm>> -> memref<2000xi32, #tpu.memory_space<hbm>>
    %dma_start3A_19 = tpu.memref_slice %arg7[%dma_start3A_17] : memref<2x!tpu.dma_semaphore, #tpu.memory_space<semaphore_mem>> -> memref<1x!tpu.dma_semaphore, #tpu.memory_space<semaphore_mem>>
    %dma_start3A_20 = tpu.memref_squeeze %dma_start3A_19 : memref<1x!tpu.dma_semaphore, #tpu.memory_space<semaphore_mem>> -> memref<!tpu.dma_semaphore, #tpu.memory_space<semaphore_mem>>
    %dma_start3A_21 = tpu.memref_slice %arg2[%add3A_16] : memref<640000xi32, #tpu.memory_space<hbm>> -> memref<2000xi32, #tpu.memory_space<hbm>>
    tpu.enqueue_dma source(%dma_start3A_21 : memref<2000xi32, #tpu.memory_space<hbm>>) target(%arg5 : memref<2000xi32, #tpu.memory_space<vmem>>) target_semaphore(%dma_start3A_20 : memref<!tpu.dma_semaphore, #tpu.memory_space<semaphore_mem>>)
    %add3A_22 = arith.constant 0 : i32
    %add3A_23 = arith.addi %add3A_10, %add3A_22 : i32
    %dma_wait3A = arith.constant 0 : i32
    %dma_wait3A_24 = tpu.memref_slice %arg2[%add3A_23] : memref<640000xi32, #tpu.memory_space<hbm>> -> memref<2000xi32, #tpu.memory_space<hbm>>
    %dma_wait3A_25 = tpu.memref_slice %arg7[%dma_wait3A] : memref<2x!tpu.dma_semaphore, #tpu.memory_space<semaphore_mem>> -> memref<1x!tpu.dma_semaphore, #tpu.memory_space<semaphore_mem>>
    %dma_wait3A_26 = tpu.memref_squeeze %dma_wait3A_25 : memref<1x!tpu.dma_semaphore, #tpu.memory_space<semaphore_mem>> -> memref<!tpu.dma_semaphore, #tpu.memory_space<semaphore_mem>>
    %dma_wait3A_27 = tpu.memref_slice %arg2[%add3A_23] : memref<640000xi32, #tpu.memory_space<hbm>> -> memref<2000xi32, #tpu.memory_space<hbm>>
    tpu.wait_dma2 semaphore(%dma_wait3A_26 : memref<!tpu.dma_semaphore, #tpu.memory_space<semaphore_mem>>) src(%dma_wait3A_27 : memref<2000xi32, #tpu.memory_space<hbm>>) dst(%arg4 : memref<2000xi32, #tpu.memory_space<vmem>>)
    %scan3A_28 = arith.constant 0 : i32
    %scan3A_29 = arith.constant 0 : i32
    %scan3A_30 = arith.constant 125 : i32
    %scan3A_31 = arith.addi %scan3A_29, %scan3A_30 : i32
    %scan3A_32 = arith.constant 1 : i32
    scf.for %scan3A_109 = %scan3A_29 to %scan3A_31 step %scan3A_32  : i32 {
      %mul3A_110 = arith.constant 16 : i32
      %mul3A_111 = arith.muli %scan3A_109, %mul3A_110 : i32
      %get3A = arith.index_cast %mul3A_111 : i32 to index
      %get3A_112 = tpu.vector_load %arg4[%get3A] {strides = array<i32>} : memref<2000xi32, #tpu.memory_space<vmem>>, vector<16xi32>,
      tpu.vector_store_idx %arg6[%get3A_112], %broadcast_in_dim3A_6 {add = true} : memref<10000xf32, #tpu.memory_space<vmem>>[vector<16xi32>], vector<16xf32>,
    }
    %scan3A_33 = arith.constant 125 : i32
    %add3A_34 = arith.constant 4000 : i32
    %add3A_35 = arith.addi %add3A_10, %add3A_34 : i32
    %dma_start3A_36 = arith.constant 0 : i32
    %dma_start3A_37 = tpu.memref_slice %arg2[%add3A_35] : memref<640000xi32, #tpu.memory_space<hbm>> -> memref<2000xi32, #tpu.memory_space<hbm>>
    %dma_start3A_38 = tpu.memref_slice %arg7[%dma_start3A_36] : memref<2x!tpu.dma_semaphore, #tpu.memory_space<semaphore_mem>> -> memref<1x!tpu.dma_semaphore, #tpu.memory_space<semaphore_mem>>
    %dma_start3A_39 = tpu.memref_squeeze %dma_start3A_38 : memref<1x!tpu.dma_semaphore, #tpu.memory_space<semaphore_mem>> -> memref<!tpu.dma_semaphore, #tpu.memory_space<semaphore_mem>>
    %dma_start3A_40 = tpu.memref_slice %arg2[%add3A_35] : memref<640000xi32, #tpu.memory_space<hbm>> -> memref<2000xi32, #tpu.memory_space<hbm>>
    tpu.enqueue_dma source(%dma_start3A_40 : memref<2000xi32, #tpu.memory_space<hbm>>) target(%arg4 : memref<2000xi32, #tpu.memory_space<vmem>>) target_semaphore(%dma_start3A_39 : memref<!tpu.dma_semaphore, #tpu.memory_space<semaphore_mem>>)
    %add3A_41 = arith.constant 2000 : i32
    %add3A_42 = arith.addi %add3A_10, %add3A_41 : i32
    %dma_wait3A_43 = arith.constant 1 : i32
    %dma_wait3A_44 = tpu.memref_slice %arg2[%add3A_42] : memref<640000xi32, #tpu.memory_space<hbm>> -> memref<2000xi32, #tpu.memory_space<hbm>>
    %dma_wait3A_45 = tpu.memref_slice %arg7[%dma_wait3A_43] : memref<2x!tpu.dma_semaphore, #tpu.memory_space<semaphore_mem>> -> memref<1x!tpu.dma_semaphore, #tpu.memory_space<semaphore_mem>>
    %dma_wait3A_46 = tpu.memref_squeeze %dma_wait3A_45 : memref<1x!tpu.dma_semaphore, #tpu.memory_space<semaphore_mem>> -> memref<!tpu.dma_semaphore, #tpu.memory_space<semaphore_mem>>
    %dma_wait3A_47 = tpu.memref_slice %arg2[%add3A_42] : memref<640000xi32, #tpu.memory_space<hbm>> -> memref<2000xi32, #tpu.memory_space<hbm>>
    tpu.wait_dma2 semaphore(%dma_wait3A_46 : memref<!tpu.dma_semaphore, #tpu.memory_space<semaphore_mem>>) src(%dma_wait3A_47 : memref<2000xi32, #tpu.memory_space<hbm>>) dst(%arg5 : memref<2000xi32, #tpu.memory_space<vmem>>)
    %scan3A_48 = arith.constant 0 : i32
    %scan3A_49 = arith.constant 0 : i32
    %scan3A_50 = arith.constant 125 : i32
    %scan3A_51 = arith.addi %scan3A_49, %scan3A_50 : i32
    %scan3A_52 = arith.constant 1 : i32
    scf.for %scan3A_109 = %scan3A_49 to %scan3A_51 step %scan3A_52  : i32 {
      %mul3A_110 = arith.constant 16 : i32
      %mul3A_111 = arith.muli %scan3A_109, %mul3A_110 : i32
      %get3A = arith.index_cast %mul3A_111 : i32 to index
      %get3A_112 = tpu.vector_load %arg5[%get3A] {strides = array<i32>} : memref<2000xi32, #tpu.memory_space<vmem>>, vector<16xi32>,
      tpu.vector_store_idx %arg6[%get3A_112], %broadcast_in_dim3A_6 {add = true} : memref<10000xf32, #tpu.memory_space<vmem>>[vector<16xi32>], vector<16xf32>,
    }
    %scan3A_53 = arith.constant 125 : i32
    %add3A_54 = arith.constant 6000 : i32
    %add3A_55 = arith.addi %add3A_10, %add3A_54 : i32
    %dma_start3A_56 = arith.constant 1 : i32
    %dma_start3A_57 = tpu.memref_slice %arg2[%add3A_55] : memref<640000xi32, #tpu.memory_space<hbm>> -> memref<2000xi32, #tpu.memory_space<hbm>>
    %dma_start3A_58 = tpu.memref_slice %arg7[%dma_start3A_56] : memref<2x!tpu.dma_semaphore, #tpu.memory_space<semaphore_mem>> -> memref<1x!tpu.dma_semaphore, #tpu.memory_space<semaphore_mem>>
    %dma_start3A_59 = tpu.memref_squeeze %dma_start3A_58 : memref<1x!tpu.dma_semaphore, #tpu.memory_space<semaphore_mem>> -> memref<!tpu.dma_semaphore, #tpu.memory_space<semaphore_mem>>
    %dma_start3A_60 = tpu.memref_slice %arg2[%add3A_55] : memref<640000xi32, #tpu.memory_space<hbm>> -> memref<2000xi32, #tpu.memory_space<hbm>>
    tpu.enqueue_dma source(%dma_start3A_60 : memref<2000xi32, #tpu.memory_space<hbm>>) target(%arg5 : memref<2000xi32, #tpu.memory_space<vmem>>) target_semaphore(%dma_start3A_59 : memref<!tpu.dma_semaphore, #tpu.memory_space<semaphore_mem>>)
    %add3A_61 = arith.constant 4000 : i32
    %add3A_62 = arith.addi %add3A_10, %add3A_61 : i32
    %dma_wait3A_63 = arith.constant 0 : i32
    %dma_wait3A_64 = tpu.memref_slice %arg2[%add3A_62] : memref<640000xi32, #tpu.memory_space<hbm>> -> memref<2000xi32, #tpu.memory_space<hbm>>
    %dma_wait3A_65 = tpu.memref_slice %arg7[%dma_wait3A_63] : memref<2x!tpu.dma_semaphore, #tpu.memory_space<semaphore_mem>> -> memref<1x!tpu.dma_semaphore, #tpu.memory_space<semaphore_mem>>
    %dma_wait3A_66 = tpu.memref_squeeze %dma_wait3A_65 : memref<1x!tpu.dma_semaphore, #tpu.memory_space<semaphore_mem>> -> memref<!tpu.dma_semaphore, #tpu.memory_space<semaphore_mem>>
    %dma_wait3A_67 = tpu.memref_slice %arg2[%add3A_62] : memref<640000xi32, #tpu.memory_space<hbm>> -> memref<2000xi32, #tpu.memory_space<hbm>>
    tpu.wait_dma2 semaphore(%dma_wait3A_66 : memref<!tpu.dma_semaphore, #tpu.memory_space<semaphore_mem>>) src(%dma_wait3A_67 : memref<2000xi32, #tpu.memory_space<hbm>>) dst(%arg4 : memref<2000xi32, #tpu.memory_space<vmem>>)
    %scan3A_68 = arith.constant 0 : i32
    %scan3A_69 = arith.constant 0 : i32
    %scan3A_70 = arith.constant 125 : i32
    %scan3A_71 = arith.addi %scan3A_69, %scan3A_70 : i32
    %scan3A_72 = arith.constant 1 : i32
    scf.for %scan3A_109 = %scan3A_69 to %scan3A_71 step %scan3A_72  : i32 {
      %mul3A_110 = arith.constant 16 : i32
      %mul3A_111 = arith.muli %scan3A_109, %mul3A_110 : i32
      %get3A = arith.index_cast %mul3A_111 : i32 to index
      %get3A_112 = tpu.vector_load %arg4[%get3A] {strides = array<i32>} : memref<2000xi32, #tpu.memory_space<vmem>>, vector<16xi32>,
      tpu.vector_store_idx %arg6[%get3A_112], %broadcast_in_dim3A_6 {add = true} : memref<10000xf32, #tpu.memory_space<vmem>>[vector<16xi32>], vector<16xf32>,
    }
    %scan3A_73 = arith.constant 125 : i32
    %add3A_74 = arith.constant 8000 : i32
    %add3A_75 = arith.addi %add3A_10, %add3A_74 : i32
    %dma_start3A_76 = arith.constant 0 : i32
    %dma_start3A_77 = tpu.memref_slice %arg2[%add3A_75] : memref<640000xi32, #tpu.memory_space<hbm>> -> memref<2000xi32, #tpu.memory_space<hbm>>
    %dma_start3A_78 = tpu.memref_slice %arg7[%dma_start3A_76] : memref<2x!tpu.dma_semaphore, #tpu.memory_space<semaphore_mem>> -> memref<1x!tpu.dma_semaphore, #tpu.memory_space<semaphore_mem>>
    %dma_start3A_79 = tpu.memref_squeeze %dma_start3A_78 : memref<1x!tpu.dma_semaphore, #tpu.memory_space<semaphore_mem>> -> memref<!tpu.dma_semaphore, #tpu.memory_space<semaphore_mem>>
    %dma_start3A_80 = tpu.memref_slice %arg2[%add3A_75] : memref<640000xi32, #tpu.memory_space<hbm>> -> memref<2000xi32, #tpu.memory_space<hbm>>
    tpu.enqueue_dma source(%dma_start3A_80 : memref<2000xi32, #tpu.memory_space<hbm>>) target(%arg4 : memref<2000xi32, #tpu.memory_space<vmem>>) target_semaphore(%dma_start3A_79 : memref<!tpu.dma_semaphore, #tpu.memory_space<semaphore_mem>>)
    %add3A_81 = arith.constant 6000 : i32
    %add3A_82 = arith.addi %add3A_10, %add3A_81 : i32
    %dma_wait3A_83 = arith.constant 1 : i32
    %dma_wait3A_84 = tpu.memref_slice %arg2[%add3A_82] : memref<640000xi32, #tpu.memory_space<hbm>> -> memref<2000xi32, #tpu.memory_space<hbm>>
    %dma_wait3A_85 = tpu.memref_slice %arg7[%dma_wait3A_83] : memref<2x!tpu.dma_semaphore, #tpu.memory_space<semaphore_mem>> -> memref<1x!tpu.dma_semaphore, #tpu.memory_space<semaphore_mem>>
    %dma_wait3A_86 = tpu.memref_squeeze %dma_wait3A_85 : memref<1x!tpu.dma_semaphore, #tpu.memory_space<semaphore_mem>> -> memref<!tpu.dma_semaphore, #tpu.memory_space<semaphore_mem>>
    %dma_wait3A_87 = tpu.memref_slice %arg2[%add3A_82] : memref<640000xi32, #tpu.memory_space<hbm>> -> memref<2000xi32, #tpu.memory_space<hbm>>
    tpu.wait_dma2 semaphore(%dma_wait3A_86 : memref<!tpu.dma_semaphore, #tpu.memory_space<semaphore_mem>>) src(%dma_wait3A_87 : memref<2000xi32, #tpu.memory_space<hbm>>) dst(%arg5 : memref<2000xi32, #tpu.memory_space<vmem>>)
    %scan3A_88 = arith.constant 0 : i32
    %scan3A_89 = arith.constant 0 : i32
    %scan3A_90 = arith.constant 125 : i32
    %scan3A_91 = arith.addi %scan3A_89, %scan3A_90 : i32
    %scan3A_92 = arith.constant 1 : i32
    scf.for %scan3A_109 = %scan3A_89 to %scan3A_91 step %scan3A_92  : i32 {
      %mul3A_110 = arith.constant 16 : i32
      %mul3A_111 = arith.muli %scan3A_109, %mul3A_110 : i32
      %get3A = arith.index_cast %mul3A_111 : i32 to index
      %get3A_112 = tpu.vector_load %arg5[%get3A] {strides = array<i32>} : memref<2000xi32, #tpu.memory_space<vmem>>, vector<16xi32>,
      tpu.vector_store_idx %arg6[%get3A_112], %broadcast_in_dim3A_6 {add = true} : memref<10000xf32, #tpu.memory_space<vmem>>[vector<16xi32>], vector<16xf32>,
    }
    %scan3A_93 = arith.constant 125 : i32
    %add3A_94 = arith.constant 8000 : i32
    %add3A_95 = arith.addi %add3A_10, %add3A_94 : i32
    %dma_wait3A_96 = arith.constant 0 : i32
    %dma_wait3A_97 = tpu.memref_slice %arg2[%add3A_95] : memref<640000xi32, #tpu.memory_space<hbm>> -> memref<2000xi32, #tpu.memory_space<hbm>>
    %dma_wait3A_98 = tpu.memref_slice %arg7[%dma_wait3A_96] : memref<2x!tpu.dma_semaphore, #tpu.memory_space<semaphore_mem>> -> memref<1x!tpu.dma_semaphore, #tpu.memory_space<semaphore_mem>>
    %dma_wait3A_99 = tpu.memref_squeeze %dma_wait3A_98 : memref<1x!tpu.dma_semaphore, #tpu.memory_space<semaphore_mem>> -> memref<!tpu.dma_semaphore, #tpu.memory_space<semaphore_mem>>
    %dma_wait3A_100 = tpu.memref_slice %arg2[%add3A_95] : memref<640000xi32, #tpu.memory_space<hbm>> -> memref<2000xi32, #tpu.memory_space<hbm>>
    tpu.wait_dma2 semaphore(%dma_wait3A_99 : memref<!tpu.dma_semaphore, #tpu.memory_space<semaphore_mem>>) src(%dma_wait3A_100 : memref<2000xi32, #tpu.memory_space<hbm>>) dst(%arg4 : memref<2000xi32, #tpu.memory_space<vmem>>)
    %scan3A_101 = arith.constant 0 : i32
    %scan3A_102 = arith.constant 0 : i32
    %scan3A_103 = arith.constant 125 : i32
    %scan3A_104 = arith.addi %scan3A_102, %scan3A_103 : i32
    %scan3A_105 = arith.constant 1 : i32
    scf.for %scan3A_109 = %scan3A_102 to %scan3A_104 step %scan3A_105  : i32 {
      %mul3A_110 = arith.constant 16 : i32
      %mul3A_111 = arith.muli %scan3A_109, %mul3A_110 : i32
      %get3A = arith.index_cast %mul3A_111 : i32 to index
      %get3A_112 = tpu.vector_load %arg4[%get3A] {strides = array<i32>} : memref<2000xi32, #tpu.memory_space<vmem>>, vector<16xi32>,
      tpu.vector_store_idx %arg6[%get3A_112], %broadcast_in_dim3A_6 {add = true} : memref<10000xf32, #tpu.memory_space<vmem>>[vector<16xi32>], vector<16xf32>,
    }
    %scan3A_106 = arith.constant 125 : i32
    %mul3A_107 = arith.constant 10000 : i32
    %mul3A_108 = arith.muli %add3A, %mul3A_107 : i32
    "tpu.region"() ({
      %run_scoped3A = tpu.sem_alloc : memref<!tpu.dma_semaphore, #tpu.memory_space<semaphore_mem>>
      %dma_start3A_109 = tpu.memref_slice %arg3[%mul3A_108] : memref<320000xf32, #tpu.memory_space<hbm>> -> memref<10000xf32, #tpu.memory_space<hbm>>
      %dma_start3A_110 = tpu.memref_slice %arg3[%mul3A_108] : memref<320000xf32, #tpu.memory_space<hbm>> -> memref<10000xf32, #tpu.memory_space<hbm>>
      tpu.enqueue_dma source(%arg6 : memref<10000xf32, #tpu.memory_space<vmem>>) target(%dma_start3A_110 : memref<10000xf32, #tpu.memory_space<hbm>>) target_semaphore(%run_scoped3A : memref<!tpu.dma_semaphore, #tpu.memory_space<semaphore_mem>>)
      %dma_wait3A_111 = tpu.memref_slice %arg3[%mul3A_108] : memref<320000xf32, #tpu.memory_space<hbm>> -> memref<10000xf32, #tpu.memory_space<hbm>>
      %dma_wait3A_112 = tpu.memref_slice %arg3[%mul3A_108] : memref<320000xf32, #tpu.memory_space<hbm>> -> memref<10000xf32, #tpu.memory_space<hbm>>
      tpu.wait_dma2 semaphore(%run_scoped3A : memref<!tpu.dma_semaphore, #tpu.memory_space<semaphore_mem>>) src(%arg6 : memref<10000xf32, #tpu.memory_space<vmem>>) dst(%dma_wait3A_112 : memref<10000xf32, #tpu.memory_space<hbm>>)
      tpu.yield
    }) : () -> ()
    return
  }
}

#map = affine_map<(d0, d1) -> (0)>
#map1 = affine_map<(d0, d1) -> (0, 0)>
#map2 = affine_map<(d0, d1) -> (0, 0, 0)>
module attributes {stable_mosaic.version = 14 : i64} {
  func.func @_scat_body(%arg0: i32, %arg1: i32, %arg2: memref<640000xi32, #tpu.memory_space<hbm>>, %arg3: memref<10000x128xf32, #tpu.memory_space<hbm>>, %arg4: memref<2x10000x128xf32, #tpu.memory_space<hbm>>, %arg5: memref<8x2x128xi32, #tpu.memory_space<vmem>>, %arg6: memref<2x128x128xf32, #tpu.memory_space<vmem>>, %arg7: memref<16x128xf32, #tpu.memory_space<vmem>>, %arg8: memref<10000x128xf32, #tpu.memory_space<vmem_shared>>, %arg9: memref<8x!tpu.dma_semaphore, #tpu.memory_space<semaphore_mem>>, %arg10: memref<2x!tpu.dma_semaphore, #tpu.memory_space<semaphore_mem>>, %arg11: memref<2x!tpu.dma_semaphore, #tpu.memory_space<semaphore_mem>>) attributes {dimension_semantics = [#tpu.dimension_semantics<core_parallel>, #tpu.dimension_semantics<subcore_parallel>], iteration_bounds = array<i64: 2, 16>, scalar_prefetch = 0 : i64, scratch_operands = 7 : i64, tpu.core_type = #tpu.core_type<sc_vector_subcore>, window_params = [{transform_indices = #map}, {transform_indices = #map1}, {transform_indices = #map2}]} {
    %mul3A = arith.constant 16 : i32
    %mul3A_0 = arith.muli %arg0, %mul3A : i32
    %add3A = arith.addi %mul3A_0, %arg1 : i32
    %scan3A = arith.constant 0 : i32
    %scan3A_1 = arith.constant 0 : i32
    %scan3A_2 = arith.constant 128 : i32
    %scan3A_3 = arith.addi %scan3A_1, %scan3A_2 : i32
    %scan3A_4 = arith.constant 1 : i32
    scf.for %scan3A_72 = %scan3A_1 to %scan3A_3 step %scan3A_4  : i32 {
      %broadcast_in_dim3A = arith.constant 0.000000e+00 : f32
      %broadcast_in_dim3A_73 = vector.broadcast %broadcast_in_dim3A : f32 to vector<16xf32>
      %jit3A = arith.constant 8 : i32
      %div3A = arith.divsi %scan3A_72, %jit3A : i32
      %sign3A = arith.constant 0 : i32
      %sign3A_74 = arith.cmpi sgt, %scan3A_72, %sign3A : i32
      %sign3A_75 = arith.extui %sign3A_74 : i1 to i32
      %sign3A_76 = arith.constant 0 : i32
      %sign3A_77 = arith.cmpi slt, %scan3A_72, %sign3A_76 : i32
      %sign3A_78 = arith.extui %sign3A_77 : i1 to i32
      %sign3A_79 = arith.subi %sign3A_75, %sign3A_78 : i32
      %sign3A_80 = arith.constant 0 : i32
      %sign3A_81 = arith.cmpi sgt, %jit3A, %sign3A_80 : i32
      %sign3A_82 = arith.extui %sign3A_81 : i1 to i32
      %sign3A_83 = arith.constant 0 : i32
      %sign3A_84 = arith.cmpi slt, %jit3A, %sign3A_83 : i32
      %sign3A_85 = arith.extui %sign3A_84 : i1 to i32
      %sign3A_86 = arith.subi %sign3A_82, %sign3A_85 : i32
      %ne3A = arith.cmpi ne, %sign3A_79, %sign3A_86 : i32
      %rem3A = arith.remsi %scan3A_72, %jit3A : i32
      %ne3A_87 = arith.constant 0 : i32
      %ne3A_88 = arith.cmpi ne, %rem3A, %ne3A_87 : i32
      %and3A = arith.andi %ne3A, %ne3A_88 : i1
      %sub3A = arith.constant 1 : i32
      %sub3A_89 = arith.subi %div3A, %sub3A : i32
      %select_n3A = arith.select %and3A, %sub3A_89, %div3A : i32
      %jit3A_90 = arith.constant 8 : i32
      %eq3A_91 = arith.constant 0 : i32
      %eq3A_92 = arith.cmpi eq, %jit3A_90, %eq3A_91 : i32
      %jit3A_93 = arith.constant 1 : i32
      %select_n3A_94 = arith.select %eq3A_92, %jit3A_93, %jit3A_90 : i32
      %rem3A_95 = arith.remsi %scan3A_72, %select_n3A_94 : i32
      %ne3A_96 = arith.constant 0 : i32
      %ne3A_97 = arith.cmpi ne, %rem3A_95, %ne3A_96 : i32
      %lt3A = arith.constant 0 : i32
      %lt3A_98 = arith.cmpi slt, %rem3A_95, %lt3A : i32
      %lt3A_99 = arith.constant 0 : i32
      %lt3A_100 = arith.cmpi slt, %select_n3A_94, %lt3A_99 : i32
      %ne3A_101 = arith.xori %lt3A_98, %lt3A_100 : i1
      %and3A_102 = arith.andi %ne3A_101, %ne3A_97 : i1
      %add3A_103 = arith.addi %rem3A_95, %select_n3A_94 : i32
      %select_n3A_104 = arith.select %and3A_102, %add3A_103, %rem3A_95 : i32
      %mul3A_105 = arith.constant 16 : i32
      %mul3A_106 = arith.muli %select_n3A_104, %mul3A_105 : i32
      %swap3A = arith.index_cast %select_n3A : i32 to index
      %swap3A_107 = arith.index_cast %mul3A_106 : i32 to index
      %swap3A_108 = tpu.vector_load %arg7[%swap3A, %swap3A_107] {strides = array<i32>} : memref<16x128xf32, #tpu.memory_space<vmem>>, vector<1x16xf32>,
      %swap3A_109 = vector.shape_cast %swap3A_108 : vector<1x16xf32> to vector<16xf32>
      %swap3A_110 = vector.shape_cast %broadcast_in_dim3A_73 : vector<16xf32> to vector<1x16xf32>
      tpu.vector_store %arg7[%swap3A, %swap3A_107], %swap3A_110 {strides = array<i32>} : memref<16x128xf32, #tpu.memory_space<vmem>>, vector<1x16xf32>,
    }
    %scan3A_5 = arith.constant 128 : i32
    %scan3A_6 = arith.constant 0 : i32
    %scan3A_7 = arith.constant 0 : i32
    %scan3A_8 = arith.constant 39 : i32
    %scan3A_9 = arith.addi %scan3A_7, %scan3A_8 : i32
    %scan3A_10 = arith.constant 1 : i32
    scf.for %scan3A_72 = %scan3A_7 to %scan3A_9 step %scan3A_10  : i32 {
      %mul3A_73 = arith.constant 624 : i32
      %mul3A_74 = arith.muli %arg1, %mul3A_73 : i32
      %mul3A_75 = arith.constant 16 : i32
      %mul3A_76 = arith.muli %scan3A_72, %mul3A_75 : i32
      %add3A_77 = arith.addi %mul3A_74, %mul3A_76 : i32
      %dma_start3A = arith.constant 0 : i32
      %dma_start3A_78 = arith.constant 0 : i32
      %dma_start3A_79 = tpu.memref_slice %arg8[%add3A_77, %dma_start3A_78] : memref<10000x128xf32, #tpu.memory_space<vmem_shared>> -> memref<16x128xf32, #tpu.memory_space<vmem_shared>>
      %dma_start3A_80 = tpu.memref_slice %arg9[%dma_start3A] : memref<8x!tpu.dma_semaphore, #tpu.memory_space<semaphore_mem>> -> memref<1x!tpu.dma_semaphore, #tpu.memory_space<semaphore_mem>>
      %dma_start3A_81 = tpu.memref_squeeze %dma_start3A_80 : memref<1x!tpu.dma_semaphore, #tpu.memory_space<semaphore_mem>> -> memref<!tpu.dma_semaphore, #tpu.memory_space<semaphore_mem>>
      %dma_start3A_82 = arith.constant 0 : i32
      %dma_start3A_83 = tpu.memref_slice %arg8[%add3A_77, %dma_start3A_82] : memref<10000x128xf32, #tpu.memory_space<vmem_shared>> -> memref<16x128xf32, #tpu.memory_space<vmem_shared>>
      tpu.enqueue_dma source(%arg7 : memref<16x128xf32, #tpu.memory_space<vmem>>) target(%dma_start3A_83 : memref<16x128xf32, #tpu.memory_space<vmem_shared>>) target_semaphore(%dma_start3A_81 : memref<!tpu.dma_semaphore, #tpu.memory_space<semaphore_mem>>)
    }
    %scan3A_11 = arith.constant 39 : i32
    %eq3A = arith.constant 15 : i32
    %eq3A_12 = arith.cmpi eq, %arg1, %eq3A : i32
    %convert_element_type3A = arith.extui %eq3A_12 : i1 to i32
    %cond3A = arith.constant 0 : i32
    %cond3A_13 = arith.cmpi ne, %convert_element_type3A, %cond3A : i32
    scf.if %cond3A_13 {
      %dma_start3A = arith.constant 0 : i32
      %dma_start3A_72 = arith.constant 9984 : i32
      %dma_start3A_73 = arith.constant 0 : i32
      %dma_start3A_74 = tpu.memref_slice %arg8[%dma_start3A_72, %dma_start3A_73] : memref<10000x128xf32, #tpu.memory_space<vmem_shared>> -> memref<16x128xf32, #tpu.memory_space<vmem_shared>>
      %dma_start3A_75 = tpu.memref_slice %arg9[%dma_start3A] : memref<8x!tpu.dma_semaphore, #tpu.memory_space<semaphore_mem>> -> memref<1x!tpu.dma_semaphore, #tpu.memory_space<semaphore_mem>>
      %dma_start3A_76 = tpu.memref_squeeze %dma_start3A_75 : memref<1x!tpu.dma_semaphore, #tpu.memory_space<semaphore_mem>> -> memref<!tpu.dma_semaphore, #tpu.memory_space<semaphore_mem>>
      %dma_start3A_77 = arith.constant 9984 : i32
      %dma_start3A_78 = arith.constant 0 : i32
      %dma_start3A_79 = tpu.memref_slice %arg8[%dma_start3A_77, %dma_start3A_78] : memref<10000x128xf32, #tpu.memory_space<vmem_shared>> -> memref<16x128xf32, #tpu.memory_space<vmem_shared>>
      tpu.enqueue_dma source(%arg7 : memref<16x128xf32, #tpu.memory_space<vmem>>) target(%dma_start3A_79 : memref<16x128xf32, #tpu.memory_space<vmem_shared>>) target_semaphore(%dma_start3A_76 : memref<!tpu.dma_semaphore, #tpu.memory_space<semaphore_mem>>)
    } else {
    }
    %scan3A_14 = arith.constant 0 : i32
    %scan3A_15 = arith.constant 0 : i32
    %scan3A_16 = arith.constant 39 : i32
    %scan3A_17 = arith.addi %scan3A_15, %scan3A_16 : i32
    %scan3A_18 = arith.constant 1 : i32
    scf.for %scan3A_72 = %scan3A_15 to %scan3A_17 step %scan3A_18  : i32 {
      %mul3A_73 = arith.constant 624 : i32
      %mul3A_74 = arith.muli %arg1, %mul3A_73 : i32
      %mul3A_75 = arith.constant 16 : i32
      %mul3A_76 = arith.muli %scan3A_72, %mul3A_75 : i32
      %add3A_77 = arith.addi %mul3A_74, %mul3A_76 : i32
      %dma_wait3A_78 = arith.constant 0 : i32
      %dma_wait3A_79 = arith.constant 0 : i32
      %dma_wait3A_80 = tpu.memref_slice %arg8[%add3A_77, %dma_wait3A_79] : memref<10000x128xf32, #tpu.memory_space<vmem_shared>> -> memref<16x128xf32, #tpu.memory_space<vmem_shared>>
      %dma_wait3A_81 = tpu.memref_slice %arg9[%dma_wait3A_78] : memref<8x!tpu.dma_semaphore, #tpu.memory_space<semaphore_mem>> -> memref<1x!tpu.dma_semaphore, #tpu.memory_space<semaphore_mem>>
      %dma_wait3A_82 = tpu.memref_squeeze %dma_wait3A_81 : memref<1x!tpu.dma_semaphore, #tpu.memory_space<semaphore_mem>> -> memref<!tpu.dma_semaphore, #tpu.memory_space<semaphore_mem>>
      %dma_wait3A_83 = arith.constant 0 : i32
      %dma_wait3A_84 = tpu.memref_slice %arg8[%add3A_77, %dma_wait3A_83] : memref<10000x128xf32, #tpu.memory_space<vmem_shared>> -> memref<16x128xf32, #tpu.memory_space<vmem_shared>>
      tpu.wait_dma2 semaphore(%dma_wait3A_82 : memref<!tpu.dma_semaphore, #tpu.memory_space<semaphore_mem>>) src(%arg7 : memref<16x128xf32, #tpu.memory_space<vmem>>) dst(%dma_wait3A_84 : memref<16x128xf32, #tpu.memory_space<vmem_shared>>)
    }
    %scan3A_19 = arith.constant 39 : i32
    %eq3A_20 = arith.constant 15 : i32
    %eq3A_21 = arith.cmpi eq, %arg1, %eq3A_20 : i32
    %convert_element_type3A_22 = arith.extui %eq3A_21 : i1 to i32
    %cond3A_23 = arith.constant 0 : i32
    %cond3A_24 = arith.cmpi ne, %convert_element_type3A_22, %cond3A_23 : i32
    scf.if %cond3A_24 {
      %dma_wait3A_72 = arith.constant 0 : i32
      %dma_wait3A_73 = arith.constant 9984 : i32
      %dma_wait3A_74 = arith.constant 0 : i32
      %dma_wait3A_75 = tpu.memref_slice %arg8[%dma_wait3A_73, %dma_wait3A_74] : memref<10000x128xf32, #tpu.memory_space<vmem_shared>> -> memref<16x128xf32, #tpu.memory_space<vmem_shared>>
      %dma_wait3A_76 = tpu.memref_slice %arg9[%dma_wait3A_72] : memref<8x!tpu.dma_semaphore, #tpu.memory_space<semaphore_mem>> -> memref<1x!tpu.dma_semaphore, #tpu.memory_space<semaphore_mem>>
      %dma_wait3A_77 = tpu.memref_squeeze %dma_wait3A_76 : memref<1x!tpu.dma_semaphore, #tpu.memory_space<semaphore_mem>> -> memref<!tpu.dma_semaphore, #tpu.memory_space<semaphore_mem>>
      %dma_wait3A_78 = arith.constant 9984 : i32
      %dma_wait3A_79 = arith.constant 0 : i32
      %dma_wait3A_80 = tpu.memref_slice %arg8[%dma_wait3A_78, %dma_wait3A_79] : memref<10000x128xf32, #tpu.memory_space<vmem_shared>> -> memref<16x128xf32, #tpu.memory_space<vmem_shared>>
      tpu.wait_dma2 semaphore(%dma_wait3A_77 : memref<!tpu.dma_semaphore, #tpu.memory_space<semaphore_mem>>) src(%arg7 : memref<16x128xf32, #tpu.memory_space<vmem>>) dst(%dma_wait3A_80 : memref<16x128xf32, #tpu.memory_space<vmem_shared>>)
    } else {
    }
    %barrier3A = arith.constant 0 : index
    tpu.barrier barrier_id(%barrier3A)
    %scan3A_25 = arith.constant 0 : i32
    %scan3A_26 = arith.constant 0 : i32
    %scan3A_27 = arith.constant 10 : i32
    %scan3A_28 = arith.addi %scan3A_26, %scan3A_27 : i32
    %scan3A_29 = arith.constant 1 : i32
    scf.for %scan3A_72 = %scan3A_26 to %scan3A_28 step %scan3A_29  : i32 {
      %mul3A_73 = arith.constant 2 : i32
      %mul3A_74 = arith.muli %scan3A_72, %mul3A_73 : i32
      %add3A_75 = arith.constant 0 : i32
      %add3A_76 = arith.addi %mul3A_74, %add3A_75 : i32
      %mul3A_77 = arith.constant 4 : i32
      %mul3A_78 = arith.muli %add3A_76, %mul3A_77 : i32
      %add3A_79 = arith.constant 0 : i32
      %add3A_80 = arith.addi %mul3A_78, %add3A_79 : i32
      %mul3A_81 = arith.constant 32 : i32
      %mul3A_82 = arith.muli %add3A_80, %mul3A_81 : i32
      %add3A_83 = arith.addi %add3A, %mul3A_82 : i32
      %lt3A = arith.constant 2500 : i32
      %lt3A_84 = arith.cmpi slt, %add3A_83, %lt3A : i32
      %convert_element_type3A_85 = arith.extui %lt3A_84 : i1 to i32
      %cond3A_86 = arith.constant 0 : i32
      %cond3A_87 = arith.cmpi ne, %convert_element_type3A_85, %cond3A_86 : i32
      scf.if %cond3A_87 {
        %mul3A_324 = arith.constant 128 : i32
        %mul3A_325 = arith.muli %add3A_83, %mul3A_324 : i32
        %dma_start3A = arith.constant 0 : i32
        %dma_start3A_326 = arith.constant 0 : i32
        %dma_start3A_327 = arith.constant 0 : i32
        %dma_start3A_328 = arith.constant 0 : i32
        %dma_start3A_329 = tpu.memref_slice %arg5[%dma_start3A, %dma_start3A_326, %dma_start3A_328] : memref<8x2x128xi32, #tpu.memory_space<vmem>> -> memref<1x1x128xi32, #tpu.memory_space<vmem>>
        %dma_start3A_330 = tpu.memref_squeeze %dma_start3A_329 : memref<1x1x128xi32, #tpu.memory_space<vmem>> -> memref<128xi32, #tpu.memory_space<vmem>>
        %dma_start3A_331 = tpu.memref_slice %arg2[%mul3A_325] : memref<640000xi32, #tpu.memory_space<hbm>> -> memref<128xi32, #tpu.memory_space<hbm>>
        %dma_start3A_332 = tpu.memref_slice %arg9[%dma_start3A_327] : memref<8x!tpu.dma_semaphore, #tpu.memory_space<semaphore_mem>> -> memref<1x!tpu.dma_semaphore, #tpu.memory_space<semaphore_mem>>
        %dma_start3A_333 = tpu.memref_squeeze %dma_start3A_332 : memref<1x!tpu.dma_semaphore, #tpu.memory_space<semaphore_mem>> -> memref<!tpu.dma_semaphore, #tpu.memory_space<semaphore_mem>>
        %dma_start3A_334 = arith.constant 0 : i32
        %dma_start3A_335 = tpu.memref_slice %arg5[%dma_start3A, %dma_start3A_326, %dma_start3A_334] : memref<8x2x128xi32, #tpu.memory_space<vmem>> -> memref<1x1x128xi32, #tpu.memory_space<vmem>>
        %dma_start3A_336 = tpu.memref_squeeze %dma_start3A_335 : memref<1x1x128xi32, #tpu.memory_space<vmem>> -> memref<128xi32, #tpu.memory_space<vmem>>
        %dma_start3A_337 = tpu.memref_slice %arg2[%mul3A_325] : memref<640000xi32, #tpu.memory_space<hbm>> -> memref<128xi32, #tpu.memory_space<hbm>>
        tpu.enqueue_dma source(%dma_start3A_337 : memref<128xi32, #tpu.memory_space<hbm>>) target(%dma_start3A_336 : memref<128xi32, #tpu.memory_space<vmem>>) target_semaphore(%dma_start3A_333 : memref<!tpu.dma_semaphore, #tpu.memory_space<semaphore_mem>>)
        %mul3A_338 = arith.constant 128 : i32
        %mul3A_339 = arith.muli %add3A_83, %mul3A_338 : i32
        %add3A_340 = arith.constant 320000 : i32
        %add3A_341 = arith.addi %add3A_340, %mul3A_339 : i32
        %dma_start3A_342 = arith.constant 0 : i32
        %dma_start3A_343 = arith.constant 1 : i32
        %dma_start3A_344 = arith.constant 0 : i32
        %dma_start3A_345 = arith.constant 0 : i32
        %dma_start3A_346 = tpu.memref_slice %arg5[%dma_start3A_342, %dma_start3A_343, %dma_start3A_345] : memref<8x2x128xi32, #tpu.memory_space<vmem>> -> memref<1x1x128xi32, #tpu.memory_space<vmem>>
        %dma_start3A_347 = tpu.memref_squeeze %dma_start3A_346 : memref<1x1x128xi32, #tpu.memory_space<vmem>> -> memref<128xi32, #tpu.memory_space<vmem>>
        %dma_start3A_348 = tpu.memref_slice %arg2[%add3A_341] : memref<640000xi32, #tpu.memory_space<hbm>> -> memref<128xi32, #tpu.memory_space<hbm>>
        %dma_start3A_349 = tpu.memref_slice %arg9[%dma_start3A_344] : memref<8x!tpu.dma_semaphore, #tpu.memory_space<semaphore_mem>> -> memref<1x!tpu.dma_semaphore, #tpu.memory_space<semaphore_mem>>
        %dma_start3A_350 = tpu.memref_squeeze %dma_start3A_349 : memref<1x!tpu.dma_semaphore, #tpu.memory_space<semaphore_mem>> -> memref<!tpu.dma_semaphore, #tpu.memory_space<semaphore_mem>>
        %dma_start3A_351 = arith.constant 0 : i32
        %dma_start3A_352 = tpu.memref_slice %arg5[%dma_start3A_342, %dma_start3A_343, %dma_start3A_351] : memref<8x2x128xi32, #tpu.memory_space<vmem>> -> memref<1x1x128xi32, #tpu.memory_space<vmem>>
        %dma_start3A_353 = tpu.memref_squeeze %dma_start3A_352 : memref<1x1x128xi32, #tpu.memory_space<vmem>> -> memref<128xi32, #tpu.memory_space<vmem>>
        %dma_start3A_354 = tpu.memref_slice %arg2[%add3A_341] : memref<640000xi32, #tpu.memory_space<hbm>> -> memref<128xi32, #tpu.memory_space<hbm>>
        tpu.enqueue_dma source(%dma_start3A_354 : memref<128xi32, #tpu.memory_space<hbm>>) target(%dma_start3A_353 : memref<128xi32, #tpu.memory_space<vmem>>) target_semaphore(%dma_start3A_350 : memref<!tpu.dma_semaphore, #tpu.memory_space<semaphore_mem>>)
      } else {
      }
      %add3A_88 = arith.constant 1 : i32
      %add3A_89 = arith.addi %mul3A_78, %add3A_88 : i32
      %mul3A_90 = arith.constant 32 : i32
      %mul3A_91 = arith.muli %add3A_89, %mul3A_90 : i32
      %add3A_92 = arith.addi %add3A, %mul3A_91 : i32
      %lt3A_93 = arith.constant 2500 : i32
      %lt3A_94 = arith.cmpi slt, %add3A_92, %lt3A_93 : i32
      %convert_element_type3A_95 = arith.extui %lt3A_94 : i1 to i32
      %cond3A_96 = arith.constant 0 : i32
      %cond3A_97 = arith.cmpi ne, %convert_element_type3A_95, %cond3A_96 : i32
      scf.if %cond3A_97 {
        %mul3A_324 = arith.constant 128 : i32
        %mul3A_325 = arith.muli %add3A_92, %mul3A_324 : i32
        %dma_start3A = arith.constant 1 : i32
        %dma_start3A_326 = arith.constant 0 : i32
        %dma_start3A_327 = arith.constant 1 : i32
        %dma_start3A_328 = arith.constant 0 : i32
        %dma_start3A_329 = tpu.memref_slice %arg5[%dma_start3A, %dma_start3A_326, %dma_start3A_328] : memref<8x2x128xi32, #tpu.memory_space<vmem>> -> memref<1x1x128xi32, #tpu.memory_space<vmem>>
        %dma_start3A_330 = tpu.memref_squeeze %dma_start3A_329 : memref<1x1x128xi32, #tpu.memory_space<vmem>> -> memref<128xi32, #tpu.memory_space<vmem>>
        %dma_start3A_331 = tpu.memref_slice %arg2[%mul3A_325] : memref<640000xi32, #tpu.memory_space<hbm>> -> memref<128xi32, #tpu.memory_space<hbm>>
        %dma_start3A_332 = tpu.memref_slice %arg9[%dma_start3A_327] : memref<8x!tpu.dma_semaphore, #tpu.memory_space<semaphore_mem>> -> memref<1x!tpu.dma_semaphore, #tpu.memory_space<semaphore_mem>>
        %dma_start3A_333 = tpu.memref_squeeze %dma_start3A_332 : memref<1x!tpu.dma_semaphore, #tpu.memory_space<semaphore_mem>> -> memref<!tpu.dma_semaphore, #tpu.memory_space<semaphore_mem>>
        %dma_start3A_334 = arith.constant 0 : i32
        %dma_start3A_335 = tpu.memref_slice %arg5[%dma_start3A, %dma_start3A_326, %dma_start3A_334] : memref<8x2x128xi32, #tpu.memory_space<vmem>> -> memref<1x1x128xi32, #tpu.memory_space<vmem>>
        %dma_start3A_336 = tpu.memref_squeeze %dma_start3A_335 : memref<1x1x128xi32, #tpu.memory_space<vmem>> -> memref<128xi32, #tpu.memory_space<vmem>>
        %dma_start3A_337 = tpu.memref_slice %arg2[%mul3A_325] : memref<640000xi32, #tpu.memory_space<hbm>> -> memref<128xi32, #tpu.memory_space<hbm>>
        tpu.enqueue_dma source(%dma_start3A_337 : memref<128xi32, #tpu.memory_space<hbm>>) target(%dma_start3A_336 : memref<128xi32, #tpu.memory_space<vmem>>) target_semaphore(%dma_start3A_333 : memref<!tpu.dma_semaphore, #tpu.memory_space<semaphore_mem>>)
        %mul3A_338 = arith.constant 128 : i32
        %mul3A_339 = arith.muli %add3A_92, %mul3A_338 : i32
        %add3A_340 = arith.constant 320000 : i32
        %add3A_341 = arith.addi %add3A_340, %mul3A_339 : i32
        %dma_start3A_342 = arith.constant 1 : i32
        %dma_start3A_343 = arith.constant 1 : i32
        %dma_start3A_344 = arith.constant 1 : i32
        %dma_start3A_345 = arith.constant 0 : i32
        %dma_start3A_346 = tpu.memref_slice %arg5[%dma_start3A_342, %dma_start3A_343, %dma_start3A_345] : memref<8x2x128xi32, #tpu.memory_space<vmem>> -> memref<1x1x128xi32, #tpu.memory_space<vmem>>
        %dma_start3A_347 = tpu.memref_squeeze %dma_start3A_346 : memref<1x1x128xi32, #tpu.memory_space<vmem>> -> memref<128xi32, #tpu.memory_space<vmem>>
        %dma_start3A_348 = tpu.memref_slice %arg2[%add3A_341] : memref<640000xi32, #tpu.memory_space<hbm>> -> memref<128xi32, #tpu.memory_space<hbm>>
        %dma_start3A_349 = tpu.memref_slice %arg9[%dma_start3A_344] : memref<8x!tpu.dma_semaphore, #tpu.memory_space<semaphore_mem>> -> memref<1x!tpu.dma_semaphore, #tpu.memory_space<semaphore_mem>>
        %dma_start3A_350 = tpu.memref_squeeze %dma_start3A_349 : memref<1x!tpu.dma_semaphore, #tpu.memory_space<semaphore_mem>> -> memref<!tpu.dma_semaphore, #tpu.memory_space<semaphore_mem>>
        %dma_start3A_351 = arith.constant 0 : i32
        %dma_start3A_352 = tpu.memref_slice %arg5[%dma_start3A_342, %dma_start3A_343, %dma_start3A_351] : memref<8x2x128xi32, #tpu.memory_space<vmem>> -> memref<1x1x128xi32, #tpu.memory_space<vmem>>
        %dma_start3A_353 = tpu.memref_squeeze %dma_start3A_352 : memref<1x1x128xi32, #tpu.memory_space<vmem>> -> memref<128xi32, #tpu.memory_space<vmem>>
        %dma_start3A_354 = tpu.memref_slice %arg2[%add3A_341] : memref<640000xi32, #tpu.memory_space<hbm>> -> memref<128xi32, #tpu.memory_space<hbm>>
        tpu.enqueue_dma source(%dma_start3A_354 : memref<128xi32, #tpu.memory_space<hbm>>) target(%dma_start3A_353 : memref<128xi32, #tpu.memory_space<vmem>>) target_semaphore(%dma_start3A_350 : memref<!tpu.dma_semaphore, #tpu.memory_space<semaphore_mem>>)
      } else {
      }
      %add3A_98 = arith.constant 2 : i32
      %add3A_99 = arith.addi %mul3A_78, %add3A_98 : i32
      %mul3A_100 = arith.constant 32 : i32
      %mul3A_101 = arith.muli %add3A_99, %mul3A_100 : i32
      %add3A_102 = arith.addi %add3A, %mul3A_101 : i32
      %lt3A_103 = arith.constant 2500 : i32
      %lt3A_104 = arith.cmpi slt, %add3A_102, %lt3A_103 : i32
      %convert_element_type3A_105 = arith.extui %lt3A_104 : i1 to i32
      %cond3A_106 = arith.constant 0 : i32
      %cond3A_107 = arith.cmpi ne, %convert_element_type3A_105, %cond3A_106 : i32
      scf.if %cond3A_107 {
        %mul3A_324 = arith.constant 128 : i32
        %mul3A_325 = arith.muli %add3A_102, %mul3A_324 : i32
        %dma_start3A = arith.constant 2 : i32
        %dma_start3A_326 = arith.constant 0 : i32
        %dma_start3A_327 = arith.constant 2 : i32
        %dma_start3A_328 = arith.constant 0 : i32
        %dma_start3A_329 = tpu.memref_slice %arg5[%dma_start3A, %dma_start3A_326, %dma_start3A_328] : memref<8x2x128xi32, #tpu.memory_space<vmem>> -> memref<1x1x128xi32, #tpu.memory_space<vmem>>
        %dma_start3A_330 = tpu.memref_squeeze %dma_start3A_329 : memref<1x1x128xi32, #tpu.memory_space<vmem>> -> memref<128xi32, #tpu.memory_space<vmem>>
        %dma_start3A_331 = tpu.memref_slice %arg2[%mul3A_325] : memref<640000xi32, #tpu.memory_space<hbm>> -> memref<128xi32, #tpu.memory_space<hbm>>
        %dma_start3A_332 = tpu.memref_slice %arg9[%dma_start3A_327] : memref<8x!tpu.dma_semaphore, #tpu.memory_space<semaphore_mem>> -> memref<1x!tpu.dma_semaphore, #tpu.memory_space<semaphore_mem>>
        %dma_start3A_333 = tpu.memref_squeeze %dma_start3A_332 : memref<1x!tpu.dma_semaphore, #tpu.memory_space<semaphore_mem>> -> memref<!tpu.dma_semaphore, #tpu.memory_space<semaphore_mem>>
        %dma_start3A_334 = arith.constant 0 : i32
        %dma_start3A_335 = tpu.memref_slice %arg5[%dma_start3A, %dma_start3A_326, %dma_start3A_334] : memref<8x2x128xi32, #tpu.memory_space<vmem>> -> memref<1x1x128xi32, #tpu.memory_space<vmem>>
        %dma_start3A_336 = tpu.memref_squeeze %dma_start3A_335 : memref<1x1x128xi32, #tpu.memory_space<vmem>> -> memref<128xi32, #tpu.memory_space<vmem>>
        %dma_start3A_337 = tpu.memref_slice %arg2[%mul3A_325] : memref<640000xi32, #tpu.memory_space<hbm>> -> memref<128xi32, #tpu.memory_space<hbm>>
        tpu.enqueue_dma source(%dma_start3A_337 : memref<128xi32, #tpu.memory_space<hbm>>) target(%dma_start3A_336 : memref<128xi32, #tpu.memory_space<vmem>>) target_semaphore(%dma_start3A_333 : memref<!tpu.dma_semaphore, #tpu.memory_space<semaphore_mem>>)
        %mul3A_338 = arith.constant 128 : i32
        %mul3A_339 = arith.muli %add3A_102, %mul3A_338 : i32
        %add3A_340 = arith.constant 320000 : i32
        %add3A_341 = arith.addi %add3A_340, %mul3A_339 : i32
        %dma_start3A_342 = arith.constant 2 : i32
        %dma_start3A_343 = arith.constant 1 : i32
        %dma_start3A_344 = arith.constant 2 : i32
        %dma_start3A_345 = arith.constant 0 : i32
        %dma_start3A_346 = tpu.memref_slice %arg5[%dma_start3A_342, %dma_start3A_343, %dma_start3A_345] : memref<8x2x128xi32, #tpu.memory_space<vmem>> -> memref<1x1x128xi32, #tpu.memory_space<vmem>>
        %dma_start3A_347 = tpu.memref_squeeze %dma_start3A_346 : memref<1x1x128xi32, #tpu.memory_space<vmem>> -> memref<128xi32, #tpu.memory_space<vmem>>
        %dma_start3A_348 = tpu.memref_slice %arg2[%add3A_341] : memref<640000xi32, #tpu.memory_space<hbm>> -> memref<128xi32, #tpu.memory_space<hbm>>
        %dma_start3A_349 = tpu.memref_slice %arg9[%dma_start3A_344] : memref<8x!tpu.dma_semaphore, #tpu.memory_space<semaphore_mem>> -> memref<1x!tpu.dma_semaphore, #tpu.memory_space<semaphore_mem>>
        %dma_start3A_350 = tpu.memref_squeeze %dma_start3A_349 : memref<1x!tpu.dma_semaphore, #tpu.memory_space<semaphore_mem>> -> memref<!tpu.dma_semaphore, #tpu.memory_space<semaphore_mem>>
        %dma_start3A_351 = arith.constant 0 : i32
        %dma_start3A_352 = tpu.memref_slice %arg5[%dma_start3A_342, %dma_start3A_343, %dma_start3A_351] : memref<8x2x128xi32, #tpu.memory_space<vmem>> -> memref<1x1x128xi32, #tpu.memory_space<vmem>>
        %dma_start3A_353 = tpu.memref_squeeze %dma_start3A_352 : memref<1x1x128xi32, #tpu.memory_space<vmem>> -> memref<128xi32, #tpu.memory_space<vmem>>
        %dma_start3A_354 = tpu.memref_slice %arg2[%add3A_341] : memref<640000xi32, #tpu.memory_space<hbm>> -> memref<128xi32, #tpu.memory_space<hbm>>
        tpu.enqueue_dma source(%dma_start3A_354 : memref<128xi32, #tpu.memory_space<hbm>>) target(%dma_start3A_353 : memref<128xi32, #tpu.memory_space<vmem>>) target_semaphore(%dma_start3A_350 : memref<!tpu.dma_semaphore, #tpu.memory_space<semaphore_mem>>)
      } else {
      }
      %add3A_108 = arith.constant 3 : i32
      %add3A_109 = arith.addi %mul3A_78, %add3A_108 : i32
      %mul3A_110 = arith.constant 32 : i32
      %mul3A_111 = arith.muli %add3A_109, %mul3A_110 : i32
      %add3A_112 = arith.addi %add3A, %mul3A_111 : i32
      %lt3A_113 = arith.constant 2500 : i32
      %lt3A_114 = arith.cmpi slt, %add3A_112, %lt3A_113 : i32
      %convert_element_type3A_115 = arith.extui %lt3A_114 : i1 to i32
      %cond3A_116 = arith.constant 0 : i32
      %cond3A_117 = arith.cmpi ne, %convert_element_type3A_115, %cond3A_116 : i32
      scf.if %cond3A_117 {
        %mul3A_324 = arith.constant 128 : i32
        %mul3A_325 = arith.muli %add3A_112, %mul3A_324 : i32
        %dma_start3A = arith.constant 3 : i32
        %dma_start3A_326 = arith.constant 0 : i32
        %dma_start3A_327 = arith.constant 3 : i32
        %dma_start3A_328 = arith.constant 0 : i32
        %dma_start3A_329 = tpu.memref_slice %arg5[%dma_start3A, %dma_start3A_326, %dma_start3A_328] : memref<8x2x128xi32, #tpu.memory_space<vmem>> -> memref<1x1x128xi32, #tpu.memory_space<vmem>>
        %dma_start3A_330 = tpu.memref_squeeze %dma_start3A_329 : memref<1x1x128xi32, #tpu.memory_space<vmem>> -> memref<128xi32, #tpu.memory_space<vmem>>
        %dma_start3A_331 = tpu.memref_slice %arg2[%mul3A_325] : memref<640000xi32, #tpu.memory_space<hbm>> -> memref<128xi32, #tpu.memory_space<hbm>>
        %dma_start3A_332 = tpu.memref_slice %arg9[%dma_start3A_327] : memref<8x!tpu.dma_semaphore, #tpu.memory_space<semaphore_mem>> -> memref<1x!tpu.dma_semaphore, #tpu.memory_space<semaphore_mem>>
        %dma_start3A_333 = tpu.memref_squeeze %dma_start3A_332 : memref<1x!tpu.dma_semaphore, #tpu.memory_space<semaphore_mem>> -> memref<!tpu.dma_semaphore, #tpu.memory_space<semaphore_mem>>
        %dma_start3A_334 = arith.constant 0 : i32
        %dma_start3A_335 = tpu.memref_slice %arg5[%dma_start3A, %dma_start3A_326, %dma_start3A_334] : memref<8x2x128xi32, #tpu.memory_space<vmem>> -> memref<1x1x128xi32, #tpu.memory_space<vmem>>
        %dma_start3A_336 = tpu.memref_squeeze %dma_start3A_335 : memref<1x1x128xi32, #tpu.memory_space<vmem>> -> memref<128xi32, #tpu.memory_space<vmem>>
        %dma_start3A_337 = tpu.memref_slice %arg2[%mul3A_325] : memref<640000xi32, #tpu.memory_space<hbm>> -> memref<128xi32, #tpu.memory_space<hbm>>
        tpu.enqueue_dma source(%dma_start3A_337 : memref<128xi32, #tpu.memory_space<hbm>>) target(%dma_start3A_336 : memref<128xi32, #tpu.memory_space<vmem>>) target_semaphore(%dma_start3A_333 : memref<!tpu.dma_semaphore, #tpu.memory_space<semaphore_mem>>)
        %mul3A_338 = arith.constant 128 : i32
        %mul3A_339 = arith.muli %add3A_112, %mul3A_338 : i32
        %add3A_340 = arith.constant 320000 : i32
        %add3A_341 = arith.addi %add3A_340, %mul3A_339 : i32
        %dma_start3A_342 = arith.constant 3 : i32
        %dma_start3A_343 = arith.constant 1 : i32
        %dma_start3A_344 = arith.constant 3 : i32
        %dma_start3A_345 = arith.constant 0 : i32
        %dma_start3A_346 = tpu.memref_slice %arg5[%dma_start3A_342, %dma_start3A_343, %dma_start3A_345] : memref<8x2x128xi32, #tpu.memory_space<vmem>> -> memref<1x1x128xi32, #tpu.memory_space<vmem>>
        %dma_start3A_347 = tpu.memref_squeeze %dma_start3A_346 : memref<1x1x128xi32, #tpu.memory_space<vmem>> -> memref<128xi32, #tpu.memory_space<vmem>>
        %dma_start3A_348 = tpu.memref_slice %arg2[%add3A_341] : memref<640000xi32, #tpu.memory_space<hbm>> -> memref<128xi32, #tpu.memory_space<hbm>>
        %dma_start3A_349 = tpu.memref_slice %arg9[%dma_start3A_344] : memref<8x!tpu.dma_semaphore, #tpu.memory_space<semaphore_mem>> -> memref<1x!tpu.dma_semaphore, #tpu.memory_space<semaphore_mem>>
        %dma_start3A_350 = tpu.memref_squeeze %dma_start3A_349 : memref<1x!tpu.dma_semaphore, #tpu.memory_space<semaphore_mem>> -> memref<!tpu.dma_semaphore, #tpu.memory_space<semaphore_mem>>
        %dma_start3A_351 = arith.constant 0 : i32
        %dma_start3A_352 = tpu.memref_slice %arg5[%dma_start3A_342, %dma_start3A_343, %dma_start3A_351] : memref<8x2x128xi32, #tpu.memory_space<vmem>> -> memref<1x1x128xi32, #tpu.memory_space<vmem>>
        %dma_start3A_353 = tpu.memref_squeeze %dma_start3A_352 : memref<1x1x128xi32, #tpu.memory_space<vmem>> -> memref<128xi32, #tpu.memory_space<vmem>>
        %dma_start3A_354 = tpu.memref_slice %arg2[%add3A_341] : memref<640000xi32, #tpu.memory_space<hbm>> -> memref<128xi32, #tpu.memory_space<hbm>>
        tpu.enqueue_dma source(%dma_start3A_354 : memref<128xi32, #tpu.memory_space<hbm>>) target(%dma_start3A_353 : memref<128xi32, #tpu.memory_space<vmem>>) target_semaphore(%dma_start3A_350 : memref<!tpu.dma_semaphore, #tpu.memory_space<semaphore_mem>>)
      } else {
      }
      %add3A_118 = arith.constant 0 : i32
      %add3A_119 = arith.addi %mul3A_78, %add3A_118 : i32
      %mul3A_120 = arith.constant 32 : i32
      %mul3A_121 = arith.muli %add3A_119, %mul3A_120 : i32
      %add3A_122 = arith.addi %add3A, %mul3A_121 : i32
      %lt3A_123 = arith.constant 2500 : i32
      %lt3A_124 = arith.cmpi slt, %add3A_122, %lt3A_123 : i32
      %convert_element_type3A_125 = arith.extui %lt3A_124 : i1 to i32
      %cond3A_126 = arith.constant 0 : i32
      %cond3A_127 = arith.cmpi ne, %convert_element_type3A_125, %cond3A_126 : i32
      scf.if %cond3A_127 {
        %mul3A_324 = arith.constant 128 : i32
        %mul3A_325 = arith.muli %add3A_122, %mul3A_324 : i32
        %dma_wait3A_326 = arith.constant 0 : i32
        %dma_wait3A_327 = arith.constant 0 : i32
        %dma_wait3A_328 = arith.constant 0 : i32
        %dma_wait3A_329 = arith.constant 0 : i32
        %dma_wait3A_330 = tpu.memref_slice %arg5[%dma_wait3A_326, %dma_wait3A_327, %dma_wait3A_329] : memref<8x2x128xi32, #tpu.memory_space<vmem>> -> memref<1x1x128xi32, #tpu.memory_space<vmem>>
        %dma_wait3A_331 = tpu.memref_squeeze %dma_wait3A_330 : memref<1x1x128xi32, #tpu.memory_space<vmem>> -> memref<128xi32, #tpu.memory_space<vmem>>
        %dma_wait3A_332 = tpu.memref_slice %arg2[%mul3A_325] : memref<640000xi32, #tpu.memory_space<hbm>> -> memref<128xi32, #tpu.memory_space<hbm>>
        %dma_wait3A_333 = tpu.memref_slice %arg9[%dma_wait3A_328] : memref<8x!tpu.dma_semaphore, #tpu.memory_space<semaphore_mem>> -> memref<1x!tpu.dma_semaphore, #tpu.memory_space<semaphore_mem>>
        %dma_wait3A_334 = tpu.memref_squeeze %dma_wait3A_333 : memref<1x!tpu.dma_semaphore, #tpu.memory_space<semaphore_mem>> -> memref<!tpu.dma_semaphore, #tpu.memory_space<semaphore_mem>>
        %dma_wait3A_335 = arith.constant 0 : i32
        %dma_wait3A_336 = tpu.memref_slice %arg5[%dma_wait3A_326, %dma_wait3A_327, %dma_wait3A_335] : memref<8x2x128xi32, #tpu.memory_space<vmem>> -> memref<1x1x128xi32, #tpu.memory_space<vmem>>
        %dma_wait3A_337 = tpu.memref_squeeze %dma_wait3A_336 : memref<1x1x128xi32, #tpu.memory_space<vmem>> -> memref<128xi32, #tpu.memory_space<vmem>>
        %dma_wait3A_338 = tpu.memref_slice %arg2[%mul3A_325] : memref<640000xi32, #tpu.memory_space<hbm>> -> memref<128xi32, #tpu.memory_space<hbm>>
        tpu.wait_dma2 semaphore(%dma_wait3A_334 : memref<!tpu.dma_semaphore, #tpu.memory_space<semaphore_mem>>) src(%dma_wait3A_338 : memref<128xi32, #tpu.memory_space<hbm>>) dst(%dma_wait3A_337 : memref<128xi32, #tpu.memory_space<vmem>>)
        %mul3A_339 = arith.constant 128 : i32
        %mul3A_340 = arith.muli %add3A_122, %mul3A_339 : i32
        %add3A_341 = arith.constant 320000 : i32
        %add3A_342 = arith.addi %add3A_341, %mul3A_340 : i32
        %dma_wait3A_343 = arith.constant 0 : i32
        %dma_wait3A_344 = arith.constant 1 : i32
        %dma_wait3A_345 = arith.constant 0 : i32
        %dma_wait3A_346 = arith.constant 0 : i32
        %dma_wait3A_347 = tpu.memref_slice %arg5[%dma_wait3A_343, %dma_wait3A_344, %dma_wait3A_346] : memref<8x2x128xi32, #tpu.memory_space<vmem>> -> memref<1x1x128xi32, #tpu.memory_space<vmem>>
        %dma_wait3A_348 = tpu.memref_squeeze %dma_wait3A_347 : memref<1x1x128xi32, #tpu.memory_space<vmem>> -> memref<128xi32, #tpu.memory_space<vmem>>
        %dma_wait3A_349 = tpu.memref_slice %arg2[%add3A_342] : memref<640000xi32, #tpu.memory_space<hbm>> -> memref<128xi32, #tpu.memory_space<hbm>>
        %dma_wait3A_350 = tpu.memref_slice %arg9[%dma_wait3A_345] : memref<8x!tpu.dma_semaphore, #tpu.memory_space<semaphore_mem>> -> memref<1x!tpu.dma_semaphore, #tpu.memory_space<semaphore_mem>>
        %dma_wait3A_351 = tpu.memref_squeeze %dma_wait3A_350 : memref<1x!tpu.dma_semaphore, #tpu.memory_space<semaphore_mem>> -> memref<!tpu.dma_semaphore, #tpu.memory_space<semaphore_mem>>
        %dma_wait3A_352 = arith.constant 0 : i32
        %dma_wait3A_353 = tpu.memref_slice %arg5[%dma_wait3A_343, %dma_wait3A_344, %dma_wait3A_352] : memref<8x2x128xi32, #tpu.memory_space<vmem>> -> memref<1x1x128xi32, #tpu.memory_space<vmem>>
        %dma_wait3A_354 = tpu.memref_squeeze %dma_wait3A_353 : memref<1x1x128xi32, #tpu.memory_space<vmem>> -> memref<128xi32, #tpu.memory_space<vmem>>
        %dma_wait3A_355 = tpu.memref_slice %arg2[%add3A_342] : memref<640000xi32, #tpu.memory_space<hbm>> -> memref<128xi32, #tpu.memory_space<hbm>>
        tpu.wait_dma2 semaphore(%dma_wait3A_351 : memref<!tpu.dma_semaphore, #tpu.memory_space<semaphore_mem>>) src(%dma_wait3A_355 : memref<128xi32, #tpu.memory_space<hbm>>) dst(%dma_wait3A_354 : memref<128xi32, #tpu.memory_space<vmem>>)
        %gt3A = arith.constant 0 : i32
        %gt3A_356 = arith.cmpi sgt, %scan3A_72, %gt3A : i32
        %convert_element_type3A_357 = arith.extui %gt3A_356 : i1 to i32
        %cond3A_358 = arith.constant 0 : i32
        %cond3A_359 = arith.cmpi ne, %convert_element_type3A_357, %cond3A_358 : i32
        scf.if %cond3A_359 {
          %dma_wait3A_375 = arith.constant 0 : i32
          %dma_wait3A_376 = arith.constant 0 : i32
          %dma_wait3A_377 = arith.constant 1 : i32
          %dma_wait3A_378 = arith.constant 0 : i32
          %dma_wait3A_379 = arith.constant 0 : i32
          %dma_wait3A_380 = arith.constant 0 : i32
          %dma_wait3A_381 = tpu.memref_slice %arg6[%dma_wait3A_375, %dma_wait3A_379, %dma_wait3A_380] : memref<2x128x128xf32, #tpu.memory_space<vmem>> -> memref<1x128x128xf32, #tpu.memory_space<vmem>>
          %dma_wait3A_382 = tpu.memref_squeeze %dma_wait3A_381 : memref<1x128x128xf32, #tpu.memory_space<vmem>> -> memref<128x128xf32, #tpu.memory_space<vmem>>
          %dma_wait3A_383 = arith.constant 0 : i32
          %dma_wait3A_384 = tpu.memref_slice %arg5[%dma_wait3A_376, %dma_wait3A_377, %dma_wait3A_383] : memref<8x2x128xi32, #tpu.memory_space<vmem>> -> memref<1x1x128xi32, #tpu.memory_space<vmem>>
          %dma_wait3A_385 = tpu.memref_squeeze %dma_wait3A_384 : memref<1x1x128xi32, #tpu.memory_space<vmem>> -> memref<128xi32, #tpu.memory_space<vmem>>
          %dma_wait3A_386 = arith.constant 0 : i32
          %dma_wait3A_387 = arith.constant 0 : i32
          %dma_wait3A_388 = tpu.memref_slice %arg8[%dma_wait3A_386, %dma_wait3A_387] : memref<10000x128xf32, #tpu.memory_space<vmem_shared>> -> memref<10000x128xf32, #tpu.memory_space<vmem_shared>>
          %dma_wait3A_389 = tpu.memref_slice %arg11[%dma_wait3A_378] : memref<2x!tpu.dma_semaphore, #tpu.memory_space<semaphore_mem>> -> memref<1x!tpu.dma_semaphore, #tpu.memory_space<semaphore_mem>>
          %dma_wait3A_390 = tpu.memref_squeeze %dma_wait3A_389 : memref<1x!tpu.dma_semaphore, #tpu.memory_space<semaphore_mem>> -> memref<!tpu.dma_semaphore, #tpu.memory_space<semaphore_mem>>
          tpu.wait_indirect_dma semaphore(%dma_wait3A_390 : memref<!tpu.dma_semaphore, #tpu.memory_space<semaphore_mem>>) src(%dma_wait3A_382 : memref<128x128xf32, #tpu.memory_space<vmem>>) dst(%dma_wait3A_388 : memref<10000x128xf32, #tpu.memory_space<vmem_shared>>)
        } else {
        }
        %dma_start3A = arith.constant 0 : i32
        %dma_start3A_360 = arith.constant 0 : i32
        %dma_start3A_361 = arith.constant 0 : i32
        %dma_start3A_362 = arith.constant 0 : i32
        %dma_start3A_363 = arith.constant 0 : i32
        %dma_start3A_364 = arith.constant 0 : i32
        %dma_start3A_365 = tpu.memref_slice %arg6[%dma_start3A_361, %dma_start3A_363, %dma_start3A_364] : memref<2x128x128xf32, #tpu.memory_space<vmem>> -> memref<1x128x128xf32, #tpu.memory_space<vmem>>
        %dma_start3A_366 = tpu.memref_squeeze %dma_start3A_365 : memref<1x128x128xf32, #tpu.memory_space<vmem>> -> memref<128x128xf32, #tpu.memory_space<vmem>>
        %dma_start3A_367 = arith.constant 0 : i32
        %dma_start3A_368 = tpu.memref_slice %arg5[%dma_start3A, %dma_start3A_360, %dma_start3A_367] : memref<8x2x128xi32, #tpu.memory_space<vmem>> -> memref<1x1x128xi32, #tpu.memory_space<vmem>>
        %dma_start3A_369 = tpu.memref_squeeze %dma_start3A_368 : memref<1x1x128xi32, #tpu.memory_space<vmem>> -> memref<128xi32, #tpu.memory_space<vmem>>
        %dma_start3A_370 = arith.constant 0 : i32
        %dma_start3A_371 = arith.constant 0 : i32
        %dma_start3A_372 = tpu.memref_slice %arg3[%dma_start3A_370, %dma_start3A_371] : memref<10000x128xf32, #tpu.memory_space<hbm>> -> memref<10000x128xf32, #tpu.memory_space<hbm>>
        %dma_start3A_373 = tpu.memref_slice %arg10[%dma_start3A_362] : memref<2x!tpu.dma_semaphore, #tpu.memory_space<semaphore_mem>> -> memref<1x!tpu.dma_semaphore, #tpu.memory_space<semaphore_mem>>
        %dma_start3A_374 = tpu.memref_squeeze %dma_start3A_373 : memref<1x!tpu.dma_semaphore, #tpu.memory_space<semaphore_mem>> -> memref<!tpu.dma_semaphore, #tpu.memory_space<semaphore_mem>>
        tpu.enqueue_indirect_dma source(%dma_start3A_372 : memref<10000x128xf32, #tpu.memory_space<hbm>>) target(%dma_start3A_366 : memref<128x128xf32, #tpu.memory_space<vmem>>) offsets(%dma_start3A_369 : memref<128xi32, #tpu.memory_space<vmem>>) semaphore(%dma_start3A_374 : memref<!tpu.dma_semaphore, #tpu.memory_space<semaphore_mem>>)
      } else {
      }
      %add3A_128 = arith.constant 1 : i32
      %add3A_129 = arith.addi %mul3A_78, %add3A_128 : i32
      %mul3A_130 = arith.constant 32 : i32
      %mul3A_131 = arith.muli %add3A_129, %mul3A_130 : i32
      %add3A_132 = arith.addi %add3A, %mul3A_131 : i32
      %lt3A_133 = arith.constant 2500 : i32
      %lt3A_134 = arith.cmpi slt, %add3A_132, %lt3A_133 : i32
      %convert_element_type3A_135 = arith.extui %lt3A_134 : i1 to i32
      %cond3A_136 = arith.constant 0 : i32
      %cond3A_137 = arith.cmpi ne, %convert_element_type3A_135, %cond3A_136 : i32
      scf.if %cond3A_137 {
        %mul3A_324 = arith.constant 128 : i32
        %mul3A_325 = arith.muli %add3A_132, %mul3A_324 : i32
        %dma_wait3A_326 = arith.constant 1 : i32
        %dma_wait3A_327 = arith.constant 0 : i32
        %dma_wait3A_328 = arith.constant 1 : i32
        %dma_wait3A_329 = arith.constant 0 : i32
        %dma_wait3A_330 = tpu.memref_slice %arg5[%dma_wait3A_326, %dma_wait3A_327, %dma_wait3A_329] : memref<8x2x128xi32, #tpu.memory_space<vmem>> -> memref<1x1x128xi32, #tpu.memory_space<vmem>>
        %dma_wait3A_331 = tpu.memref_squeeze %dma_wait3A_330 : memref<1x1x128xi32, #tpu.memory_space<vmem>> -> memref<128xi32, #tpu.memory_space<vmem>>
        %dma_wait3A_332 = tpu.memref_slice %arg2[%mul3A_325] : memref<640000xi32, #tpu.memory_space<hbm>> -> memref<128xi32, #tpu.memory_space<hbm>>
        %dma_wait3A_333 = tpu.memref_slice %arg9[%dma_wait3A_328] : memref<8x!tpu.dma_semaphore, #tpu.memory_space<semaphore_mem>> -> memref<1x!tpu.dma_semaphore, #tpu.memory_space<semaphore_mem>>
        %dma_wait3A_334 = tpu.memref_squeeze %dma_wait3A_333 : memref<1x!tpu.dma_semaphore, #tpu.memory_space<semaphore_mem>> -> memref<!tpu.dma_semaphore, #tpu.memory_space<semaphore_mem>>
        %dma_wait3A_335 = arith.constant 0 : i32
        %dma_wait3A_336 = tpu.memref_slice %arg5[%dma_wait3A_326, %dma_wait3A_327, %dma_wait3A_335] : memref<8x2x128xi32, #tpu.memory_space<vmem>> -> memref<1x1x128xi32, #tpu.memory_space<vmem>>
        %dma_wait3A_337 = tpu.memref_squeeze %dma_wait3A_336 : memref<1x1x128xi32, #tpu.memory_space<vmem>> -> memref<128xi32, #tpu.memory_space<vmem>>
        %dma_wait3A_338 = tpu.memref_slice %arg2[%mul3A_325] : memref<640000xi32, #tpu.memory_space<hbm>> -> memref<128xi32, #tpu.memory_space<hbm>>
        tpu.wait_dma2 semaphore(%dma_wait3A_334 : memref<!tpu.dma_semaphore, #tpu.memory_space<semaphore_mem>>) src(%dma_wait3A_338 : memref<128xi32, #tpu.memory_space<hbm>>) dst(%dma_wait3A_337 : memref<128xi32, #tpu.memory_space<vmem>>)
        %mul3A_339 = arith.constant 128 : i32
        %mul3A_340 = arith.muli %add3A_132, %mul3A_339 : i32
        %add3A_341 = arith.constant 320000 : i32
        %add3A_342 = arith.addi %add3A_341, %mul3A_340 : i32
        %dma_wait3A_343 = arith.constant 1 : i32
        %dma_wait3A_344 = arith.constant 1 : i32
        %dma_wait3A_345 = arith.constant 1 : i32
        %dma_wait3A_346 = arith.constant 0 : i32
        %dma_wait3A_347 = tpu.memref_slice %arg5[%dma_wait3A_343, %dma_wait3A_344, %dma_wait3A_346] : memref<8x2x128xi32, #tpu.memory_space<vmem>> -> memref<1x1x128xi32, #tpu.memory_space<vmem>>
        %dma_wait3A_348 = tpu.memref_squeeze %dma_wait3A_347 : memref<1x1x128xi32, #tpu.memory_space<vmem>> -> memref<128xi32, #tpu.memory_space<vmem>>
        %dma_wait3A_349 = tpu.memref_slice %arg2[%add3A_342] : memref<640000xi32, #tpu.memory_space<hbm>> -> memref<128xi32, #tpu.memory_space<hbm>>
        %dma_wait3A_350 = tpu.memref_slice %arg9[%dma_wait3A_345] : memref<8x!tpu.dma_semaphore, #tpu.memory_space<semaphore_mem>> -> memref<1x!tpu.dma_semaphore, #tpu.memory_space<semaphore_mem>>
        %dma_wait3A_351 = tpu.memref_squeeze %dma_wait3A_350 : memref<1x!tpu.dma_semaphore, #tpu.memory_space<semaphore_mem>> -> memref<!tpu.dma_semaphore, #tpu.memory_space<semaphore_mem>>
        %dma_wait3A_352 = arith.constant 0 : i32
        %dma_wait3A_353 = tpu.memref_slice %arg5[%dma_wait3A_343, %dma_wait3A_344, %dma_wait3A_352] : memref<8x2x128xi32, #tpu.memory_space<vmem>> -> memref<1x1x128xi32, #tpu.memory_space<vmem>>
        %dma_wait3A_354 = tpu.memref_squeeze %dma_wait3A_353 : memref<1x1x128xi32, #tpu.memory_space<vmem>> -> memref<128xi32, #tpu.memory_space<vmem>>
        %dma_wait3A_355 = tpu.memref_slice %arg2[%add3A_342] : memref<640000xi32, #tpu.memory_space<hbm>> -> memref<128xi32, #tpu.memory_space<hbm>>
        tpu.wait_dma2 semaphore(%dma_wait3A_351 : memref<!tpu.dma_semaphore, #tpu.memory_space<semaphore_mem>>) src(%dma_wait3A_355 : memref<128xi32, #tpu.memory_space<hbm>>) dst(%dma_wait3A_354 : memref<128xi32, #tpu.memory_space<vmem>>)
        %gt3A = arith.constant 0 : i32
        %gt3A_356 = arith.cmpi sgt, %scan3A_72, %gt3A : i32
        %convert_element_type3A_357 = arith.extui %gt3A_356 : i1 to i32
        %cond3A_358 = arith.constant 0 : i32
        %cond3A_359 = arith.cmpi ne, %convert_element_type3A_357, %cond3A_358 : i32
        scf.if %cond3A_359 {
          %dma_wait3A_375 = arith.constant 1 : i32
          %dma_wait3A_376 = arith.constant 0 : i32
          %dma_wait3A_377 = arith.constant 1 : i32
          %dma_wait3A_378 = arith.constant 1 : i32
          %dma_wait3A_379 = arith.constant 0 : i32
          %dma_wait3A_380 = arith.constant 0 : i32
          %dma_wait3A_381 = tpu.memref_slice %arg6[%dma_wait3A_375, %dma_wait3A_379, %dma_wait3A_380] : memref<2x128x128xf32, #tpu.memory_space<vmem>> -> memref<1x128x128xf32, #tpu.memory_space<vmem>>
          %dma_wait3A_382 = tpu.memref_squeeze %dma_wait3A_381 : memref<1x128x128xf32, #tpu.memory_space<vmem>> -> memref<128x128xf32, #tpu.memory_space<vmem>>
          %dma_wait3A_383 = arith.constant 0 : i32
          %dma_wait3A_384 = tpu.memref_slice %arg5[%dma_wait3A_376, %dma_wait3A_377, %dma_wait3A_383] : memref<8x2x128xi32, #tpu.memory_space<vmem>> -> memref<1x1x128xi32, #tpu.memory_space<vmem>>
          %dma_wait3A_385 = tpu.memref_squeeze %dma_wait3A_384 : memref<1x1x128xi32, #tpu.memory_space<vmem>> -> memref<128xi32, #tpu.memory_space<vmem>>
          %dma_wait3A_386 = arith.constant 0 : i32
          %dma_wait3A_387 = arith.constant 0 : i32
          %dma_wait3A_388 = tpu.memref_slice %arg8[%dma_wait3A_386, %dma_wait3A_387] : memref<10000x128xf32, #tpu.memory_space<vmem_shared>> -> memref<10000x128xf32, #tpu.memory_space<vmem_shared>>
          %dma_wait3A_389 = tpu.memref_slice %arg11[%dma_wait3A_378] : memref<2x!tpu.dma_semaphore, #tpu.memory_space<semaphore_mem>> -> memref<1x!tpu.dma_semaphore, #tpu.memory_space<semaphore_mem>>
          %dma_wait3A_390 = tpu.memref_squeeze %dma_wait3A_389 : memref<1x!tpu.dma_semaphore, #tpu.memory_space<semaphore_mem>> -> memref<!tpu.dma_semaphore, #tpu.memory_space<semaphore_mem>>
          tpu.wait_indirect_dma semaphore(%dma_wait3A_390 : memref<!tpu.dma_semaphore, #tpu.memory_space<semaphore_mem>>) src(%dma_wait3A_382 : memref<128x128xf32, #tpu.memory_space<vmem>>) dst(%dma_wait3A_388 : memref<10000x128xf32, #tpu.memory_space<vmem_shared>>)
        } else {
        }
        %dma_start3A = arith.constant 1 : i32
        %dma_start3A_360 = arith.constant 0 : i32
        %dma_start3A_361 = arith.constant 1 : i32
        %dma_start3A_362 = arith.constant 1 : i32
        %dma_start3A_363 = arith.constant 0 : i32
        %dma_start3A_364 = arith.constant 0 : i32
        %dma_start3A_365 = tpu.memref_slice %arg6[%dma_start3A_361, %dma_start3A_363, %dma_start3A_364] : memref<2x128x128xf32, #tpu.memory_space<vmem>> -> memref<1x128x128xf32, #tpu.memory_space<vmem>>
        %dma_start3A_366 = tpu.memref_squeeze %dma_start3A_365 : memref<1x128x128xf32, #tpu.memory_space<vmem>> -> memref<128x128xf32, #tpu.memory_space<vmem>>
        %dma_start3A_367 = arith.constant 0 : i32
        %dma_start3A_368 = tpu.memref_slice %arg5[%dma_start3A, %dma_start3A_360, %dma_start3A_367] : memref<8x2x128xi32, #tpu.memory_space<vmem>> -> memref<1x1x128xi32, #tpu.memory_space<vmem>>
        %dma_start3A_369 = tpu.memref_squeeze %dma_start3A_368 : memref<1x1x128xi32, #tpu.memory_space<vmem>> -> memref<128xi32, #tpu.memory_space<vmem>>
        %dma_start3A_370 = arith.constant 0 : i32
        %dma_start3A_371 = arith.constant 0 : i32
        %dma_start3A_372 = tpu.memref_slice %arg3[%dma_start3A_370, %dma_start3A_371] : memref<10000x128xf32, #tpu.memory_space<hbm>> -> memref<10000x128xf32, #tpu.memory_space<hbm>>
        %dma_start3A_373 = tpu.memref_slice %arg10[%dma_start3A_362] : memref<2x!tpu.dma_semaphore, #tpu.memory_space<semaphore_mem>> -> memref<1x!tpu.dma_semaphore, #tpu.memory_space<semaphore_mem>>
        %dma_start3A_374 = tpu.memref_squeeze %dma_start3A_373 : memref<1x!tpu.dma_semaphore, #tpu.memory_space<semaphore_mem>> -> memref<!tpu.dma_semaphore, #tpu.memory_space<semaphore_mem>>
        tpu.enqueue_indirect_dma source(%dma_start3A_372 : memref<10000x128xf32, #tpu.memory_space<hbm>>) target(%dma_start3A_366 : memref<128x128xf32, #tpu.memory_space<vmem>>) offsets(%dma_start3A_369 : memref<128xi32, #tpu.memory_space<vmem>>) semaphore(%dma_start3A_374 : memref<!tpu.dma_semaphore, #tpu.memory_space<semaphore_mem>>)
      } else {
      }
      %add3A_138 = arith.constant 0 : i32
      %add3A_139 = arith.addi %mul3A_78, %add3A_138 : i32
      %mul3A_140 = arith.constant 32 : i32
      %mul3A_141 = arith.muli %add3A_139, %mul3A_140 : i32
      %add3A_142 = arith.addi %add3A, %mul3A_141 : i32
      %lt3A_143 = arith.constant 2500 : i32
      %lt3A_144 = arith.cmpi slt, %add3A_142, %lt3A_143 : i32
      %convert_element_type3A_145 = arith.extui %lt3A_144 : i1 to i32
      %cond3A_146 = arith.constant 0 : i32
      %cond3A_147 = arith.cmpi ne, %convert_element_type3A_145, %cond3A_146 : i32
      scf.if %cond3A_147 {
        %dma_wait3A_324 = arith.constant 0 : i32
        %dma_wait3A_325 = arith.constant 0 : i32
        %dma_wait3A_326 = arith.constant 0 : i32
        %dma_wait3A_327 = arith.constant 0 : i32
        %dma_wait3A_328 = arith.constant 0 : i32
        %dma_wait3A_329 = arith.constant 0 : i32
        %dma_wait3A_330 = tpu.memref_slice %arg6[%dma_wait3A_326, %dma_wait3A_328, %dma_wait3A_329] : memref<2x128x128xf32, #tpu.memory_space<vmem>> -> memref<1x128x128xf32, #tpu.memory_space<vmem>>
        %dma_wait3A_331 = tpu.memref_squeeze %dma_wait3A_330 : memref<1x128x128xf32, #tpu.memory_space<vmem>> -> memref<128x128xf32, #tpu.memory_space<vmem>>
        %dma_wait3A_332 = arith.constant 0 : i32
        %dma_wait3A_333 = tpu.memref_slice %arg5[%dma_wait3A_324, %dma_wait3A_325, %dma_wait3A_332] : memref<8x2x128xi32, #tpu.memory_space<vmem>> -> memref<1x1x128xi32, #tpu.memory_space<vmem>>
        %dma_wait3A_334 = tpu.memref_squeeze %dma_wait3A_333 : memref<1x1x128xi32, #tpu.memory_space<vmem>> -> memref<128xi32, #tpu.memory_space<vmem>>
        %dma_wait3A_335 = arith.constant 0 : i32
        %dma_wait3A_336 = arith.constant 0 : i32
        %dma_wait3A_337 = tpu.memref_slice %arg3[%dma_wait3A_335, %dma_wait3A_336] : memref<10000x128xf32, #tpu.memory_space<hbm>> -> memref<10000x128xf32, #tpu.memory_space<hbm>>
        %dma_wait3A_338 = tpu.memref_slice %arg10[%dma_wait3A_327] : memref<2x!tpu.dma_semaphore, #tpu.memory_space<semaphore_mem>> -> memref<1x!tpu.dma_semaphore, #tpu.memory_space<semaphore_mem>>
        %dma_wait3A_339 = tpu.memref_squeeze %dma_wait3A_338 : memref<1x!tpu.dma_semaphore, #tpu.memory_space<semaphore_mem>> -> memref<!tpu.dma_semaphore, #tpu.memory_space<semaphore_mem>>
        tpu.wait_indirect_dma semaphore(%dma_wait3A_339 : memref<!tpu.dma_semaphore, #tpu.memory_space<semaphore_mem>>) src(%dma_wait3A_337 : memref<10000x128xf32, #tpu.memory_space<hbm>>) dst(%dma_wait3A_331 : memref<128x128xf32, #tpu.memory_space<vmem>>)
        %dma_start3A = arith.constant 0 : i32
        %dma_start3A_340 = arith.constant 0 : i32
        %dma_start3A_341 = arith.constant 1 : i32
        %dma_start3A_342 = arith.constant 0 : i32
        %dma_start3A_343 = arith.constant 0 : i32
        %dma_start3A_344 = arith.constant 0 : i32
        %dma_start3A_345 = tpu.memref_slice %arg6[%dma_start3A, %dma_start3A_343, %dma_start3A_344] : memref<2x128x128xf32, #tpu.memory_space<vmem>> -> memref<1x128x128xf32, #tpu.memory_space<vmem>>
        %dma_start3A_346 = tpu.memref_squeeze %dma_start3A_345 : memref<1x128x128xf32, #tpu.memory_space<vmem>> -> memref<128x128xf32, #tpu.memory_space<vmem>>
        %dma_start3A_347 = arith.constant 0 : i32
        %dma_start3A_348 = tpu.memref_slice %arg5[%dma_start3A_340, %dma_start3A_341, %dma_start3A_347] : memref<8x2x128xi32, #tpu.memory_space<vmem>> -> memref<1x1x128xi32, #tpu.memory_space<vmem>>
        %dma_start3A_349 = tpu.memref_squeeze %dma_start3A_348 : memref<1x1x128xi32, #tpu.memory_space<vmem>> -> memref<128xi32, #tpu.memory_space<vmem>>
        %dma_start3A_350 = arith.constant 0 : i32
        %dma_start3A_351 = arith.constant 0 : i32
        %dma_start3A_352 = tpu.memref_slice %arg8[%dma_start3A_350, %dma_start3A_351] : memref<10000x128xf32, #tpu.memory_space<vmem_shared>> -> memref<10000x128xf32, #tpu.memory_space<vmem_shared>>
        %dma_start3A_353 = tpu.memref_slice %arg11[%dma_start3A_342] : memref<2x!tpu.dma_semaphore, #tpu.memory_space<semaphore_mem>> -> memref<1x!tpu.dma_semaphore, #tpu.memory_space<semaphore_mem>>
        %dma_start3A_354 = tpu.memref_squeeze %dma_start3A_353 : memref<1x!tpu.dma_semaphore, #tpu.memory_space<semaphore_mem>> -> memref<!tpu.dma_semaphore, #tpu.memory_space<semaphore_mem>>
        tpu.enqueue_indirect_dma source(%dma_start3A_346 : memref<128x128xf32, #tpu.memory_space<vmem>>) target(%dma_start3A_352 : memref<10000x128xf32, #tpu.memory_space<vmem_shared>>) offsets(%dma_start3A_349 : memref<128xi32, #tpu.memory_space<vmem>>) semaphore(%dma_start3A_354 : memref<!tpu.dma_semaphore, #tpu.memory_space<semaphore_mem>>) {add = true}
      } else {
      }
      %add3A_148 = arith.constant 2 : i32
      %add3A_149 = arith.addi %mul3A_78, %add3A_148 : i32
      %mul3A_150 = arith.constant 32 : i32
      %mul3A_151 = arith.muli %add3A_149, %mul3A_150 : i32
      %add3A_152 = arith.addi %add3A, %mul3A_151 : i32
      %lt3A_153 = arith.constant 2500 : i32
      %lt3A_154 = arith.cmpi slt, %add3A_152, %lt3A_153 : i32
      %convert_element_type3A_155 = arith.extui %lt3A_154 : i1 to i32
      %cond3A_156 = arith.constant 0 : i32
      %cond3A_157 = arith.cmpi ne, %convert_element_type3A_155, %cond3A_156 : i32
      scf.if %cond3A_157 {
        %mul3A_324 = arith.constant 128 : i32
        %mul3A_325 = arith.muli %add3A_152, %mul3A_324 : i32
        %dma_wait3A_326 = arith.constant 2 : i32
        %dma_wait3A_327 = arith.constant 0 : i32
        %dma_wait3A_328 = arith.constant 2 : i32
        %dma_wait3A_329 = arith.constant 0 : i32
        %dma_wait3A_330 = tpu.memref_slice %arg5[%dma_wait3A_326, %dma_wait3A_327, %dma_wait3A_329] : memref<8x2x128xi32, #tpu.memory_space<vmem>> -> memref<1x1x128xi32, #tpu.memory_space<vmem>>
        %dma_wait3A_331 = tpu.memref_squeeze %dma_wait3A_330 : memref<1x1x128xi32, #tpu.memory_space<vmem>> -> memref<128xi32, #tpu.memory_space<vmem>>
        %dma_wait3A_332 = tpu.memref_slice %arg2[%mul3A_325] : memref<640000xi32, #tpu.memory_space<hbm>> -> memref<128xi32, #tpu.memory_space<hbm>>
        %dma_wait3A_333 = tpu.memref_slice %arg9[%dma_wait3A_328] : memref<8x!tpu.dma_semaphore, #tpu.memory_space<semaphore_mem>> -> memref<1x!tpu.dma_semaphore, #tpu.memory_space<semaphore_mem>>
        %dma_wait3A_334 = tpu.memref_squeeze %dma_wait3A_333 : memref<1x!tpu.dma_semaphore, #tpu.memory_space<semaphore_mem>> -> memref<!tpu.dma_semaphore, #tpu.memory_space<semaphore_mem>>
        %dma_wait3A_335 = arith.constant 0 : i32
        %dma_wait3A_336 = tpu.memref_slice %arg5[%dma_wait3A_326, %dma_wait3A_327, %dma_wait3A_335] : memref<8x2x128xi32, #tpu.memory_space<vmem>> -> memref<1x1x128xi32, #tpu.memory_space<vmem>>
        %dma_wait3A_337 = tpu.memref_squeeze %dma_wait3A_336 : memref<1x1x128xi32, #tpu.memory_space<vmem>> -> memref<128xi32, #tpu.memory_space<vmem>>
        %dma_wait3A_338 = tpu.memref_slice %arg2[%mul3A_325] : memref<640000xi32, #tpu.memory_space<hbm>> -> memref<128xi32, #tpu.memory_space<hbm>>
        tpu.wait_dma2 semaphore(%dma_wait3A_334 : memref<!tpu.dma_semaphore, #tpu.memory_space<semaphore_mem>>) src(%dma_wait3A_338 : memref<128xi32, #tpu.memory_space<hbm>>) dst(%dma_wait3A_337 : memref<128xi32, #tpu.memory_space<vmem>>)
        %mul3A_339 = arith.constant 128 : i32
        %mul3A_340 = arith.muli %add3A_152, %mul3A_339 : i32
        %add3A_341 = arith.constant 320000 : i32
        %add3A_342 = arith.addi %add3A_341, %mul3A_340 : i32
        %dma_wait3A_343 = arith.constant 2 : i32
        %dma_wait3A_344 = arith.constant 1 : i32
        %dma_wait3A_345 = arith.constant 2 : i32
        %dma_wait3A_346 = arith.constant 0 : i32
        %dma_wait3A_347 = tpu.memref_slice %arg5[%dma_wait3A_343, %dma_wait3A_344, %dma_wait3A_346] : memref<8x2x128xi32, #tpu.memory_space<vmem>> -> memref<1x1x128xi32, #tpu.memory_space<vmem>>
        %dma_wait3A_348 = tpu.memref_squeeze %dma_wait3A_347 : memref<1x1x128xi32, #tpu.memory_space<vmem>> -> memref<128xi32, #tpu.memory_space<vmem>>
        %dma_wait3A_349 = tpu.memref_slice %arg2[%add3A_342] : memref<640000xi32, #tpu.memory_space<hbm>> -> memref<128xi32, #tpu.memory_space<hbm>>
        %dma_wait3A_350 = tpu.memref_slice %arg9[%dma_wait3A_345] : memref<8x!tpu.dma_semaphore, #tpu.memory_space<semaphore_mem>> -> memref<1x!tpu.dma_semaphore, #tpu.memory_space<semaphore_mem>>
        %dma_wait3A_351 = tpu.memref_squeeze %dma_wait3A_350 : memref<1x!tpu.dma_semaphore, #tpu.memory_space<semaphore_mem>> -> memref<!tpu.dma_semaphore, #tpu.memory_space<semaphore_mem>>
        %dma_wait3A_352 = arith.constant 0 : i32
        %dma_wait3A_353 = tpu.memref_slice %arg5[%dma_wait3A_343, %dma_wait3A_344, %dma_wait3A_352] : memref<8x2x128xi32, #tpu.memory_space<vmem>> -> memref<1x1x128xi32, #tpu.memory_space<vmem>>
        %dma_wait3A_354 = tpu.memref_squeeze %dma_wait3A_353 : memref<1x1x128xi32, #tpu.memory_space<vmem>> -> memref<128xi32, #tpu.memory_space<vmem>>
        %dma_wait3A_355 = tpu.memref_slice %arg2[%add3A_342] : memref<640000xi32, #tpu.memory_space<hbm>> -> memref<128xi32, #tpu.memory_space<hbm>>
        tpu.wait_dma2 semaphore(%dma_wait3A_351 : memref<!tpu.dma_semaphore, #tpu.memory_space<semaphore_mem>>) src(%dma_wait3A_355 : memref<128xi32, #tpu.memory_space<hbm>>) dst(%dma_wait3A_354 : memref<128xi32, #tpu.memory_space<vmem>>)
        %dma_wait3A_356 = arith.constant 0 : i32
        %dma_wait3A_357 = arith.constant 0 : i32
        %dma_wait3A_358 = arith.constant 1 : i32
        %dma_wait3A_359 = arith.constant 0 : i32
        %dma_wait3A_360 = arith.constant 0 : i32
        %dma_wait3A_361 = arith.constant 0 : i32
        %dma_wait3A_362 = tpu.memref_slice %arg6[%dma_wait3A_356, %dma_wait3A_360, %dma_wait3A_361] : memref<2x128x128xf32, #tpu.memory_space<vmem>> -> memref<1x128x128xf32, #tpu.memory_space<vmem>>
        %dma_wait3A_363 = tpu.memref_squeeze %dma_wait3A_362 : memref<1x128x128xf32, #tpu.memory_space<vmem>> -> memref<128x128xf32, #tpu.memory_space<vmem>>
        %dma_wait3A_364 = arith.constant 0 : i32
        %dma_wait3A_365 = tpu.memref_slice %arg5[%dma_wait3A_357, %dma_wait3A_358, %dma_wait3A_364] : memref<8x2x128xi32, #tpu.memory_space<vmem>> -> memref<1x1x128xi32, #tpu.memory_space<vmem>>
        %dma_wait3A_366 = tpu.memref_squeeze %dma_wait3A_365 : memref<1x1x128xi32, #tpu.memory_space<vmem>> -> memref<128xi32, #tpu.memory_space<vmem>>
        %dma_wait3A_367 = arith.constant 0 : i32
        %dma_wait3A_368 = arith.constant 0 : i32
        %dma_wait3A_369 = tpu.memref_slice %arg8[%dma_wait3A_367, %dma_wait3A_368] : memref<10000x128xf32, #tpu.memory_space<vmem_shared>> -> memref<10000x128xf32, #tpu.memory_space<vmem_shared>>
        %dma_wait3A_370 = tpu.memref_slice %arg11[%dma_wait3A_359] : memref<2x!tpu.dma_semaphore, #tpu.memory_space<semaphore_mem>> -> memref<1x!tpu.dma_semaphore, #tpu.memory_space<semaphore_mem>>
        %dma_wait3A_371 = tpu.memref_squeeze %dma_wait3A_370 : memref<1x!tpu.dma_semaphore, #tpu.memory_space<semaphore_mem>> -> memref<!tpu.dma_semaphore, #tpu.memory_space<semaphore_mem>>
        tpu.wait_indirect_dma semaphore(%dma_wait3A_371 : memref<!tpu.dma_semaphore, #tpu.memory_space<semaphore_mem>>) src(%dma_wait3A_363 : memref<128x128xf32, #tpu.memory_space<vmem>>) dst(%dma_wait3A_369 : memref<10000x128xf32, #tpu.memory_space<vmem_shared>>)
        %dma_start3A = arith.constant 2 : i32
        %dma_start3A_372 = arith.constant 0 : i32
        %dma_start3A_373 = arith.constant 0 : i32
        %dma_start3A_374 = arith.constant 0 : i32
        %dma_start3A_375 = arith.constant 0 : i32
        %dma_start3A_376 = arith.constant 0 : i32
        %dma_start3A_377 = tpu.memref_slice %arg6[%dma_start3A_373, %dma_start3A_375, %dma_start3A_376] : memref<2x128x128xf32, #tpu.memory_space<vmem>> -> memref<1x128x128xf32, #tpu.memory_space<vmem>>
        %dma_start3A_378 = tpu.memref_squeeze %dma_start3A_377 : memref<1x128x128xf32, #tpu.memory_space<vmem>> -> memref<128x128xf32, #tpu.memory_space<vmem>>
        %dma_start3A_379 = arith.constant 0 : i32
        %dma_start3A_380 = tpu.memref_slice %arg5[%dma_start3A, %dma_start3A_372, %dma_start3A_379] : memref<8x2x128xi32, #tpu.memory_space<vmem>> -> memref<1x1x128xi32, #tpu.memory_space<vmem>>
        %dma_start3A_381 = tpu.memref_squeeze %dma_start3A_380 : memref<1x1x128xi32, #tpu.memory_space<vmem>> -> memref<128xi32, #tpu.memory_space<vmem>>
        %dma_start3A_382 = arith.constant 0 : i32
        %dma_start3A_383 = arith.constant 0 : i32
        %dma_start3A_384 = tpu.memref_slice %arg3[%dma_start3A_382, %dma_start3A_383] : memref<10000x128xf32, #tpu.memory_space<hbm>> -> memref<10000x128xf32, #tpu.memory_space<hbm>>
        %dma_start3A_385 = tpu.memref_slice %arg10[%dma_start3A_374] : memref<2x!tpu.dma_semaphore, #tpu.memory_space<semaphore_mem>> -> memref<1x!tpu.dma_semaphore, #tpu.memory_space<semaphore_mem>>
        %dma_start3A_386 = tpu.memref_squeeze %dma_start3A_385 : memref<1x!tpu.dma_semaphore, #tpu.memory_space<semaphore_mem>> -> memref<!tpu.dma_semaphore, #tpu.memory_space<semaphore_mem>>
        tpu.enqueue_indirect_dma source(%dma_start3A_384 : memref<10000x128xf32, #tpu.memory_space<hbm>>) target(%dma_start3A_378 : memref<128x128xf32, #tpu.memory_space<vmem>>) offsets(%dma_start3A_381 : memref<128xi32, #tpu.memory_space<vmem>>) semaphore(%dma_start3A_386 : memref<!tpu.dma_semaphore, #tpu.memory_space<semaphore_mem>>)
      } else {
      }
      %add3A_158 = arith.constant 1 : i32
      %add3A_159 = arith.addi %mul3A_78, %add3A_158 : i32
      %mul3A_160 = arith.constant 32 : i32
      %mul3A_161 = arith.muli %add3A_159, %mul3A_160 : i32
      %add3A_162 = arith.addi %add3A, %mul3A_161 : i32
      %lt3A_163 = arith.constant 2500 : i32
      %lt3A_164 = arith.cmpi slt, %add3A_162, %lt3A_163 : i32
      %convert_element_type3A_165 = arith.extui %lt3A_164 : i1 to i32
      %cond3A_166 = arith.constant 0 : i32
      %cond3A_167 = arith.cmpi ne, %convert_element_type3A_165, %cond3A_166 : i32
      scf.if %cond3A_167 {
        %dma_wait3A_324 = arith.constant 1 : i32
        %dma_wait3A_325 = arith.constant 0 : i32
        %dma_wait3A_326 = arith.constant 1 : i32
        %dma_wait3A_327 = arith.constant 1 : i32
        %dma_wait3A_328 = arith.constant 0 : i32
        %dma_wait3A_329 = arith.constant 0 : i32
        %dma_wait3A_330 = tpu.memref_slice %arg6[%dma_wait3A_326, %dma_wait3A_328, %dma_wait3A_329] : memref<2x128x128xf32, #tpu.memory_space<vmem>> -> memref<1x128x128xf32, #tpu.memory_space<vmem>>
        %dma_wait3A_331 = tpu.memref_squeeze %dma_wait3A_330 : memref<1x128x128xf32, #tpu.memory_space<vmem>> -> memref<128x128xf32, #tpu.memory_space<vmem>>
        %dma_wait3A_332 = arith.constant 0 : i32
        %dma_wait3A_333 = tpu.memref_slice %arg5[%dma_wait3A_324, %dma_wait3A_325, %dma_wait3A_332] : memref<8x2x128xi32, #tpu.memory_space<vmem>> -> memref<1x1x128xi32, #tpu.memory_space<vmem>>
        %dma_wait3A_334 = tpu.memref_squeeze %dma_wait3A_333 : memref<1x1x128xi32, #tpu.memory_space<vmem>> -> memref<128xi32, #tpu.memory_space<vmem>>
        %dma_wait3A_335 = arith.constant 0 : i32
        %dma_wait3A_336 = arith.constant 0 : i32
        %dma_wait3A_337 = tpu.memref_slice %arg3[%dma_wait3A_335, %dma_wait3A_336] : memref<10000x128xf32, #tpu.memory_space<hbm>> -> memref<10000x128xf32, #tpu.memory_space<hbm>>
        %dma_wait3A_338 = tpu.memref_slice %arg10[%dma_wait3A_327] : memref<2x!tpu.dma_semaphore, #tpu.memory_space<semaphore_mem>> -> memref<1x!tpu.dma_semaphore, #tpu.memory_space<semaphore_mem>>
        %dma_wait3A_339 = tpu.memref_squeeze %dma_wait3A_338 : memref<1x!tpu.dma_semaphore, #tpu.memory_space<semaphore_mem>> -> memref<!tpu.dma_semaphore, #tpu.memory_space<semaphore_mem>>
        tpu.wait_indirect_dma semaphore(%dma_wait3A_339 : memref<!tpu.dma_semaphore, #tpu.memory_space<semaphore_mem>>) src(%dma_wait3A_337 : memref<10000x128xf32, #tpu.memory_space<hbm>>) dst(%dma_wait3A_331 : memref<128x128xf32, #tpu.memory_space<vmem>>)
        %dma_start3A = arith.constant 1 : i32
        %dma_start3A_340 = arith.constant 1 : i32
        %dma_start3A_341 = arith.constant 1 : i32
        %dma_start3A_342 = arith.constant 1 : i32
        %dma_start3A_343 = arith.constant 0 : i32
        %dma_start3A_344 = arith.constant 0 : i32
        %dma_start3A_345 = tpu.memref_slice %arg6[%dma_start3A, %dma_start3A_343, %dma_start3A_344] : memref<2x128x128xf32, #tpu.memory_space<vmem>> -> memref<1x128x128xf32, #tpu.memory_space<vmem>>
        %dma_start3A_346 = tpu.memref_squeeze %dma_start3A_345 : memref<1x128x128xf32, #tpu.memory_space<vmem>> -> memref<128x128xf32, #tpu.memory_space<vmem>>
        %dma_start3A_347 = arith.constant 0 : i32
        %dma_start3A_348 = tpu.memref_slice %arg5[%dma_start3A_340, %dma_start3A_341, %dma_start3A_347] : memref<8x2x128xi32, #tpu.memory_space<vmem>> -> memref<1x1x128xi32, #tpu.memory_space<vmem>>
        %dma_start3A_349 = tpu.memref_squeeze %dma_start3A_348 : memref<1x1x128xi32, #tpu.memory_space<vmem>> -> memref<128xi32, #tpu.memory_space<vmem>>
        %dma_start3A_350 = arith.constant 0 : i32
        %dma_start3A_351 = arith.constant 0 : i32
        %dma_start3A_352 = tpu.memref_slice %arg8[%dma_start3A_350, %dma_start3A_351] : memref<10000x128xf32, #tpu.memory_space<vmem_shared>> -> memref<10000x128xf32, #tpu.memory_space<vmem_shared>>
        %dma_start3A_353 = tpu.memref_slice %arg11[%dma_start3A_342] : memref<2x!tpu.dma_semaphore, #tpu.memory_space<semaphore_mem>> -> memref<1x!tpu.dma_semaphore, #tpu.memory_space<semaphore_mem>>
        %dma_start3A_354 = tpu.memref_squeeze %dma_start3A_353 : memref<1x!tpu.dma_semaphore, #tpu.memory_space<semaphore_mem>> -> memref<!tpu.dma_semaphore, #tpu.memory_space<semaphore_mem>>
        tpu.enqueue_indirect_dma source(%dma_start3A_346 : memref<128x128xf32, #tpu.memory_space<vmem>>) target(%dma_start3A_352 : memref<10000x128xf32, #tpu.memory_space<vmem_shared>>) offsets(%dma_start3A_349 : memref<128xi32, #tpu.memory_space<vmem>>) semaphore(%dma_start3A_354 : memref<!tpu.dma_semaphore, #tpu.memory_space<semaphore_mem>>) {add = true}
      } else {
      }
      %add3A_168 = arith.constant 3 : i32
      %add3A_169 = arith.addi %mul3A_78, %add3A_168 : i32
      %mul3A_170 = arith.constant 32 : i32
      %mul3A_171 = arith.muli %add3A_169, %mul3A_170 : i32
      %add3A_172 = arith.addi %add3A, %mul3A_171 : i32
      %lt3A_173 = arith.constant 2500 : i32
      %lt3A_174 = arith.cmpi slt, %add3A_172, %lt3A_173 : i32
      %convert_element_type3A_175 = arith.extui %lt3A_174 : i1 to i32
      %cond3A_176 = arith.constant 0 : i32
      %cond3A_177 = arith.cmpi ne, %convert_element_type3A_175, %cond3A_176 : i32
      scf.if %cond3A_177 {
        %mul3A_324 = arith.constant 128 : i32
        %mul3A_325 = arith.muli %add3A_172, %mul3A_324 : i32
        %dma_wait3A_326 = arith.constant 3 : i32
        %dma_wait3A_327 = arith.constant 0 : i32
        %dma_wait3A_328 = arith.constant 3 : i32
        %dma_wait3A_329 = arith.constant 0 : i32
        %dma_wait3A_330 = tpu.memref_slice %arg5[%dma_wait3A_326, %dma_wait3A_327, %dma_wait3A_329] : memref<8x2x128xi32, #tpu.memory_space<vmem>> -> memref<1x1x128xi32, #tpu.memory_space<vmem>>
        %dma_wait3A_331 = tpu.memref_squeeze %dma_wait3A_330 : memref<1x1x128xi32, #tpu.memory_space<vmem>> -> memref<128xi32, #tpu.memory_space<vmem>>
        %dma_wait3A_332 = tpu.memref_slice %arg2[%mul3A_325] : memref<640000xi32, #tpu.memory_space<hbm>> -> memref<128xi32, #tpu.memory_space<hbm>>
        %dma_wait3A_333 = tpu.memref_slice %arg9[%dma_wait3A_328] : memref<8x!tpu.dma_semaphore, #tpu.memory_space<semaphore_mem>> -> memref<1x!tpu.dma_semaphore, #tpu.memory_space<semaphore_mem>>
        %dma_wait3A_334 = tpu.memref_squeeze %dma_wait3A_333 : memref<1x!tpu.dma_semaphore, #tpu.memory_space<semaphore_mem>> -> memref<!tpu.dma_semaphore, #tpu.memory_space<semaphore_mem>>
        %dma_wait3A_335 = arith.constant 0 : i32
        %dma_wait3A_336 = tpu.memref_slice %arg5[%dma_wait3A_326, %dma_wait3A_327, %dma_wait3A_335] : memref<8x2x128xi32, #tpu.memory_space<vmem>> -> memref<1x1x128xi32, #tpu.memory_space<vmem>>
        %dma_wait3A_337 = tpu.memref_squeeze %dma_wait3A_336 : memref<1x1x128xi32, #tpu.memory_space<vmem>> -> memref<128xi32, #tpu.memory_space<vmem>>
        %dma_wait3A_338 = tpu.memref_slice %arg2[%mul3A_325] : memref<640000xi32, #tpu.memory_space<hbm>> -> memref<128xi32, #tpu.memory_space<hbm>>
        tpu.wait_dma2 semaphore(%dma_wait3A_334 : memref<!tpu.dma_semaphore, #tpu.memory_space<semaphore_mem>>) src(%dma_wait3A_338 : memref<128xi32, #tpu.memory_space<hbm>>) dst(%dma_wait3A_337 : memref<128xi32, #tpu.memory_space<vmem>>)
        %mul3A_339 = arith.constant 128 : i32
        %mul3A_340 = arith.muli %add3A_172, %mul3A_339 : i32
        %add3A_341 = arith.constant 320000 : i32
        %add3A_342 = arith.addi %add3A_341, %mul3A_340 : i32
        %dma_wait3A_343 = arith.constant 3 : i32
        %dma_wait3A_344 = arith.constant 1 : i32
        %dma_wait3A_345 = arith.constant 3 : i32
        %dma_wait3A_346 = arith.constant 0 : i32
        %dma_wait3A_347 = tpu.memref_slice %arg5[%dma_wait3A_343, %dma_wait3A_344, %dma_wait3A_346] : memref<8x2x128xi32, #tpu.memory_space<vmem>> -> memref<1x1x128xi32, #tpu.memory_space<vmem>>
        %dma_wait3A_348 = tpu.memref_squeeze %dma_wait3A_347 : memref<1x1x128xi32, #tpu.memory_space<vmem>> -> memref<128xi32, #tpu.memory_space<vmem>>
        %dma_wait3A_349 = tpu.memref_slice %arg2[%add3A_342] : memref<640000xi32, #tpu.memory_space<hbm>> -> memref<128xi32, #tpu.memory_space<hbm>>
        %dma_wait3A_350 = tpu.memref_slice %arg9[%dma_wait3A_345] : memref<8x!tpu.dma_semaphore, #tpu.memory_space<semaphore_mem>> -> memref<1x!tpu.dma_semaphore, #tpu.memory_space<semaphore_mem>>
        %dma_wait3A_351 = tpu.memref_squeeze %dma_wait3A_350 : memref<1x!tpu.dma_semaphore, #tpu.memory_space<semaphore_mem>> -> memref<!tpu.dma_semaphore, #tpu.memory_space<semaphore_mem>>
        %dma_wait3A_352 = arith.constant 0 : i32
        %dma_wait3A_353 = tpu.memref_slice %arg5[%dma_wait3A_343, %dma_wait3A_344, %dma_wait3A_352] : memref<8x2x128xi32, #tpu.memory_space<vmem>> -> memref<1x1x128xi32, #tpu.memory_space<vmem>>
        %dma_wait3A_354 = tpu.memref_squeeze %dma_wait3A_353 : memref<1x1x128xi32, #tpu.memory_space<vmem>> -> memref<128xi32, #tpu.memory_space<vmem>>
        %dma_wait3A_355 = tpu.memref_slice %arg2[%add3A_342] : memref<640000xi32, #tpu.memory_space<hbm>> -> memref<128xi32, #tpu.memory_space<hbm>>
        tpu.wait_dma2 semaphore(%dma_wait3A_351 : memref<!tpu.dma_semaphore, #tpu.memory_space<semaphore_mem>>) src(%dma_wait3A_355 : memref<128xi32, #tpu.memory_space<hbm>>) dst(%dma_wait3A_354 : memref<128xi32, #tpu.memory_space<vmem>>)
        %dma_wait3A_356 = arith.constant 1 : i32
        %dma_wait3A_357 = arith.constant 0 : i32
        %dma_wait3A_358 = arith.constant 1 : i32
        %dma_wait3A_359 = arith.constant 1 : i32
        %dma_wait3A_360 = arith.constant 0 : i32
        %dma_wait3A_361 = arith.constant 0 : i32
        %dma_wait3A_362 = tpu.memref_slice %arg6[%dma_wait3A_356, %dma_wait3A_360, %dma_wait3A_361] : memref<2x128x128xf32, #tpu.memory_space<vmem>> -> memref<1x128x128xf32, #tpu.memory_space<vmem>>
        %dma_wait3A_363 = tpu.memref_squeeze %dma_wait3A_362 : memref<1x128x128xf32, #tpu.memory_space<vmem>> -> memref<128x128xf32, #tpu.memory_space<vmem>>
        %dma_wait3A_364 = arith.constant 0 : i32
        %dma_wait3A_365 = tpu.memref_slice %arg5[%dma_wait3A_357, %dma_wait3A_358, %dma_wait3A_364] : memref<8x2x128xi32, #tpu.memory_space<vmem>> -> memref<1x1x128xi32, #tpu.memory_space<vmem>>
        %dma_wait3A_366 = tpu.memref_squeeze %dma_wait3A_365 : memref<1x1x128xi32, #tpu.memory_space<vmem>> -> memref<128xi32, #tpu.memory_space<vmem>>
        %dma_wait3A_367 = arith.constant 0 : i32
        %dma_wait3A_368 = arith.constant 0 : i32
        %dma_wait3A_369 = tpu.memref_slice %arg8[%dma_wait3A_367, %dma_wait3A_368] : memref<10000x128xf32, #tpu.memory_space<vmem_shared>> -> memref<10000x128xf32, #tpu.memory_space<vmem_shared>>
        %dma_wait3A_370 = tpu.memref_slice %arg11[%dma_wait3A_359] : memref<2x!tpu.dma_semaphore, #tpu.memory_space<semaphore_mem>> -> memref<1x!tpu.dma_semaphore, #tpu.memory_space<semaphore_mem>>
        %dma_wait3A_371 = tpu.memref_squeeze %dma_wait3A_370 : memref<1x!tpu.dma_semaphore, #tpu.memory_space<semaphore_mem>> -> memref<!tpu.dma_semaphore, #tpu.memory_space<semaphore_mem>>
        tpu.wait_indirect_dma semaphore(%dma_wait3A_371 : memref<!tpu.dma_semaphore, #tpu.memory_space<semaphore_mem>>) src(%dma_wait3A_363 : memref<128x128xf32, #tpu.memory_space<vmem>>) dst(%dma_wait3A_369 : memref<10000x128xf32, #tpu.memory_space<vmem_shared>>)
        %dma_start3A = arith.constant 3 : i32
        %dma_start3A_372 = arith.constant 0 : i32
        %dma_start3A_373 = arith.constant 1 : i32
        %dma_start3A_374 = arith.constant 1 : i32
        %dma_start3A_375 = arith.constant 0 : i32
        %dma_start3A_376 = arith.constant 0 : i32
        %dma_start3A_377 = tpu.memref_slice %arg6[%dma_start3A_373, %dma_start3A_375, %dma_start3A_376] : memref<2x128x128xf32, #tpu.memory_space<vmem>> -> memref<1x128x128xf32, #tpu.memory_space<vmem>>
        %dma_start3A_378 = tpu.memref_squeeze %dma_start3A_377 : memref<1x128x128xf32, #tpu.memory_space<vmem>> -> memref<128x128xf32, #tpu.memory_space<vmem>>
        %dma_start3A_379 = arith.constant 0 : i32
        %dma_start3A_380 = tpu.memref_slice %arg5[%dma_start3A, %dma_start3A_372, %dma_start3A_379] : memref<8x2x128xi32, #tpu.memory_space<vmem>> -> memref<1x1x128xi32, #tpu.memory_space<vmem>>
        %dma_start3A_381 = tpu.memref_squeeze %dma_start3A_380 : memref<1x1x128xi32, #tpu.memory_space<vmem>> -> memref<128xi32, #tpu.memory_space<vmem>>
        %dma_start3A_382 = arith.constant 0 : i32
        %dma_start3A_383 = arith.constant 0 : i32
        %dma_start3A_384 = tpu.memref_slice %arg3[%dma_start3A_382, %dma_start3A_383] : memref<10000x128xf32, #tpu.memory_space<hbm>> -> memref<10000x128xf32, #tpu.memory_space<hbm>>
        %dma_start3A_385 = tpu.memref_slice %arg10[%dma_start3A_374] : memref<2x!tpu.dma_semaphore, #tpu.memory_space<semaphore_mem>> -> memref<1x!tpu.dma_semaphore, #tpu.memory_space<semaphore_mem>>
        %dma_start3A_386 = tpu.memref_squeeze %dma_start3A_385 : memref<1x!tpu.dma_semaphore, #tpu.memory_space<semaphore_mem>> -> memref<!tpu.dma_semaphore, #tpu.memory_space<semaphore_mem>>
        tpu.enqueue_indirect_dma source(%dma_start3A_384 : memref<10000x128xf32, #tpu.memory_space<hbm>>) target(%dma_start3A_378 : memref<128x128xf32, #tpu.memory_space<vmem>>) offsets(%dma_start3A_381 : memref<128xi32, #tpu.memory_space<vmem>>) semaphore(%dma_start3A_386 : memref<!tpu.dma_semaphore, #tpu.memory_space<semaphore_mem>>)
      } else {
      }
      %add3A_178 = arith.constant 2 : i32
      %add3A_179 = arith.addi %mul3A_78, %add3A_178 : i32
      %mul3A_180 = arith.constant 32 : i32
      %mul3A_181 = arith.muli %add3A_179, %mul3A_180 : i32
      %add3A_182 = arith.addi %add3A, %mul3A_181 : i32
      %lt3A_183 = arith.constant 2500 : i32
      %lt3A_184 = arith.cmpi slt, %add3A_182, %lt3A_183 : i32
      %convert_element_type3A_185 = arith.extui %lt3A_184 : i1 to i32
      %cond3A_186 = arith.constant 0 : i32
      %cond3A_187 = arith.cmpi ne, %convert_element_type3A_185, %cond3A_186 : i32
      scf.if %cond3A_187 {
        %dma_wait3A_324 = arith.constant 2 : i32
        %dma_wait3A_325 = arith.constant 0 : i32
        %dma_wait3A_326 = arith.constant 0 : i32
        %dma_wait3A_327 = arith.constant 0 : i32
        %dma_wait3A_328 = arith.constant 0 : i32
        %dma_wait3A_329 = arith.constant 0 : i32
        %dma_wait3A_330 = tpu.memref_slice %arg6[%dma_wait3A_326, %dma_wait3A_328, %dma_wait3A_329] : memref<2x128x128xf32, #tpu.memory_space<vmem>> -> memref<1x128x128xf32, #tpu.memory_space<vmem>>
        %dma_wait3A_331 = tpu.memref_squeeze %dma_wait3A_330 : memref<1x128x128xf32, #tpu.memory_space<vmem>> -> memref<128x128xf32, #tpu.memory_space<vmem>>
        %dma_wait3A_332 = arith.constant 0 : i32
        %dma_wait3A_333 = tpu.memref_slice %arg5[%dma_wait3A_324, %dma_wait3A_325, %dma_wait3A_332] : memref<8x2x128xi32, #tpu.memory_space<vmem>> -> memref<1x1x128xi32, #tpu.memory_space<vmem>>
        %dma_wait3A_334 = tpu.memref_squeeze %dma_wait3A_333 : memref<1x1x128xi32, #tpu.memory_space<vmem>> -> memref<128xi32, #tpu.memory_space<vmem>>
        %dma_wait3A_335 = arith.constant 0 : i32
        %dma_wait3A_336 = arith.constant 0 : i32
        %dma_wait3A_337 = tpu.memref_slice %arg3[%dma_wait3A_335, %dma_wait3A_336] : memref<10000x128xf32, #tpu.memory_space<hbm>> -> memref<10000x128xf32, #tpu.memory_space<hbm>>
        %dma_wait3A_338 = tpu.memref_slice %arg10[%dma_wait3A_327] : memref<2x!tpu.dma_semaphore, #tpu.memory_space<semaphore_mem>> -> memref<1x!tpu.dma_semaphore, #tpu.memory_space<semaphore_mem>>
        %dma_wait3A_339 = tpu.memref_squeeze %dma_wait3A_338 : memref<1x!tpu.dma_semaphore, #tpu.memory_space<semaphore_mem>> -> memref<!tpu.dma_semaphore, #tpu.memory_space<semaphore_mem>>
        tpu.wait_indirect_dma semaphore(%dma_wait3A_339 : memref<!tpu.dma_semaphore, #tpu.memory_space<semaphore_mem>>) src(%dma_wait3A_337 : memref<10000x128xf32, #tpu.memory_space<hbm>>) dst(%dma_wait3A_331 : memref<128x128xf32, #tpu.memory_space<vmem>>)
        %dma_start3A = arith.constant 0 : i32
        %dma_start3A_340 = arith.constant 2 : i32
        %dma_start3A_341 = arith.constant 1 : i32
        %dma_start3A_342 = arith.constant 0 : i32
        %dma_start3A_343 = arith.constant 0 : i32
        %dma_start3A_344 = arith.constant 0 : i32
        %dma_start3A_345 = tpu.memref_slice %arg6[%dma_start3A, %dma_start3A_343, %dma_start3A_344] : memref<2x128x128xf32, #tpu.memory_space<vmem>> -> memref<1x128x128xf32, #tpu.memory_space<vmem>>
        %dma_start3A_346 = tpu.memref_squeeze %dma_start3A_345 : memref<1x128x128xf32, #tpu.memory_space<vmem>> -> memref<128x128xf32, #tpu.memory_space<vmem>>
        %dma_start3A_347 = arith.constant 0 : i32
        %dma_start3A_348 = tpu.memref_slice %arg5[%dma_start3A_340, %dma_start3A_341, %dma_start3A_347] : memref<8x2x128xi32, #tpu.memory_space<vmem>> -> memref<1x1x128xi32, #tpu.memory_space<vmem>>
        %dma_start3A_349 = tpu.memref_squeeze %dma_start3A_348 : memref<1x1x128xi32, #tpu.memory_space<vmem>> -> memref<128xi32, #tpu.memory_space<vmem>>
        %dma_start3A_350 = arith.constant 0 : i32
        %dma_start3A_351 = arith.constant 0 : i32
        %dma_start3A_352 = tpu.memref_slice %arg8[%dma_start3A_350, %dma_start3A_351] : memref<10000x128xf32, #tpu.memory_space<vmem_shared>> -> memref<10000x128xf32, #tpu.memory_space<vmem_shared>>
        %dma_start3A_353 = tpu.memref_slice %arg11[%dma_start3A_342] : memref<2x!tpu.dma_semaphore, #tpu.memory_space<semaphore_mem>> -> memref<1x!tpu.dma_semaphore, #tpu.memory_space<semaphore_mem>>
        %dma_start3A_354 = tpu.memref_squeeze %dma_start3A_353 : memref<1x!tpu.dma_semaphore, #tpu.memory_space<semaphore_mem>> -> memref<!tpu.dma_semaphore, #tpu.memory_space<semaphore_mem>>
        tpu.enqueue_indirect_dma source(%dma_start3A_346 : memref<128x128xf32, #tpu.memory_space<vmem>>) target(%dma_start3A_352 : memref<10000x128xf32, #tpu.memory_space<vmem_shared>>) offsets(%dma_start3A_349 : memref<128xi32, #tpu.memory_space<vmem>>) semaphore(%dma_start3A_354 : memref<!tpu.dma_semaphore, #tpu.memory_space<semaphore_mem>>) {add = true}
      } else {
      }
      %add3A_188 = arith.constant 3 : i32
      %add3A_189 = arith.addi %mul3A_78, %add3A_188 : i32
      %mul3A_190 = arith.constant 32 : i32
      %mul3A_191 = arith.muli %add3A_189, %mul3A_190 : i32
      %add3A_192 = arith.addi %add3A, %mul3A_191 : i32
      %lt3A_193 = arith.constant 2500 : i32
      %lt3A_194 = arith.cmpi slt, %add3A_192, %lt3A_193 : i32
      %convert_element_type3A_195 = arith.extui %lt3A_194 : i1 to i32
      %cond3A_196 = arith.constant 0 : i32
      %cond3A_197 = arith.cmpi ne, %convert_element_type3A_195, %cond3A_196 : i32
      scf.if %cond3A_197 {
        %dma_wait3A_324 = arith.constant 3 : i32
        %dma_wait3A_325 = arith.constant 0 : i32
        %dma_wait3A_326 = arith.constant 1 : i32
        %dma_wait3A_327 = arith.constant 1 : i32
        %dma_wait3A_328 = arith.constant 0 : i32
        %dma_wait3A_329 = arith.constant 0 : i32
        %dma_wait3A_330 = tpu.memref_slice %arg6[%dma_wait3A_326, %dma_wait3A_328, %dma_wait3A_329] : memref<2x128x128xf32, #tpu.memory_space<vmem>> -> memref<1x128x128xf32, #tpu.memory_space<vmem>>
        %dma_wait3A_331 = tpu.memref_squeeze %dma_wait3A_330 : memref<1x128x128xf32, #tpu.memory_space<vmem>> -> memref<128x128xf32, #tpu.memory_space<vmem>>
        %dma_wait3A_332 = arith.constant 0 : i32
        %dma_wait3A_333 = tpu.memref_slice %arg5[%dma_wait3A_324, %dma_wait3A_325, %dma_wait3A_332] : memref<8x2x128xi32, #tpu.memory_space<vmem>> -> memref<1x1x128xi32, #tpu.memory_space<vmem>>
        %dma_wait3A_334 = tpu.memref_squeeze %dma_wait3A_333 : memref<1x1x128xi32, #tpu.memory_space<vmem>> -> memref<128xi32, #tpu.memory_space<vmem>>
        %dma_wait3A_335 = arith.constant 0 : i32
        %dma_wait3A_336 = arith.constant 0 : i32
        %dma_wait3A_337 = tpu.memref_slice %arg3[%dma_wait3A_335, %dma_wait3A_336] : memref<10000x128xf32, #tpu.memory_space<hbm>> -> memref<10000x128xf32, #tpu.memory_space<hbm>>
        %dma_wait3A_338 = tpu.memref_slice %arg10[%dma_wait3A_327] : memref<2x!tpu.dma_semaphore, #tpu.memory_space<semaphore_mem>> -> memref<1x!tpu.dma_semaphore, #tpu.memory_space<semaphore_mem>>
        %dma_wait3A_339 = tpu.memref_squeeze %dma_wait3A_338 : memref<1x!tpu.dma_semaphore, #tpu.memory_space<semaphore_mem>> -> memref<!tpu.dma_semaphore, #tpu.memory_space<semaphore_mem>>
        tpu.wait_indirect_dma semaphore(%dma_wait3A_339 : memref<!tpu.dma_semaphore, #tpu.memory_space<semaphore_mem>>) src(%dma_wait3A_337 : memref<10000x128xf32, #tpu.memory_space<hbm>>) dst(%dma_wait3A_331 : memref<128x128xf32, #tpu.memory_space<vmem>>)
        %dma_start3A = arith.constant 1 : i32
        %dma_start3A_340 = arith.constant 3 : i32
        %dma_start3A_341 = arith.constant 1 : i32
        %dma_start3A_342 = arith.constant 1 : i32
        %dma_start3A_343 = arith.constant 0 : i32
        %dma_start3A_344 = arith.constant 0 : i32
        %dma_start3A_345 = tpu.memref_slice %arg6[%dma_start3A, %dma_start3A_343, %dma_start3A_344] : memref<2x128x128xf32, #tpu.memory_space<vmem>> -> memref<1x128x128xf32, #tpu.memory_space<vmem>>
        %dma_start3A_346 = tpu.memref_squeeze %dma_start3A_345 : memref<1x128x128xf32, #tpu.memory_space<vmem>> -> memref<128x128xf32, #tpu.memory_space<vmem>>
        %dma_start3A_347 = arith.constant 0 : i32
        %dma_start3A_348 = tpu.memref_slice %arg5[%dma_start3A_340, %dma_start3A_341, %dma_start3A_347] : memref<8x2x128xi32, #tpu.memory_space<vmem>> -> memref<1x1x128xi32, #tpu.memory_space<vmem>>
        %dma_start3A_349 = tpu.memref_squeeze %dma_start3A_348 : memref<1x1x128xi32, #tpu.memory_space<vmem>> -> memref<128xi32, #tpu.memory_space<vmem>>
        %dma_start3A_350 = arith.constant 0 : i32
        %dma_start3A_351 = arith.constant 0 : i32
        %dma_start3A_352 = tpu.memref_slice %arg8[%dma_start3A_350, %dma_start3A_351] : memref<10000x128xf32, #tpu.memory_space<vmem_shared>> -> memref<10000x128xf32, #tpu.memory_space<vmem_shared>>
        %dma_start3A_353 = tpu.memref_slice %arg11[%dma_start3A_342] : memref<2x!tpu.dma_semaphore, #tpu.memory_space<semaphore_mem>> -> memref<1x!tpu.dma_semaphore, #tpu.memory_space<semaphore_mem>>
        %dma_start3A_354 = tpu.memref_squeeze %dma_start3A_353 : memref<1x!tpu.dma_semaphore, #tpu.memory_space<semaphore_mem>> -> memref<!tpu.dma_semaphore, #tpu.memory_space<semaphore_mem>>
        tpu.enqueue_indirect_dma source(%dma_start3A_346 : memref<128x128xf32, #tpu.memory_space<vmem>>) target(%dma_start3A_352 : memref<10000x128xf32, #tpu.memory_space<vmem_shared>>) offsets(%dma_start3A_349 : memref<128xi32, #tpu.memory_space<vmem>>) semaphore(%dma_start3A_354 : memref<!tpu.dma_semaphore, #tpu.memory_space<semaphore_mem>>) {add = true}
      } else {
      }
      %mul3A_198 = arith.constant 2 : i32
      %mul3A_199 = arith.muli %scan3A_72, %mul3A_198 : i32
      %add3A_200 = arith.constant 1 : i32
      %add3A_201 = arith.addi %mul3A_199, %add3A_200 : i32
      %mul3A_202 = arith.constant 4 : i32
      %mul3A_203 = arith.muli %add3A_201, %mul3A_202 : i32
      %add3A_204 = arith.constant 0 : i32
      %add3A_205 = arith.addi %mul3A_203, %add3A_204 : i32
      %mul3A_206 = arith.constant 32 : i32
      %mul3A_207 = arith.muli %add3A_205, %mul3A_206 : i32
      %add3A_208 = arith.addi %add3A, %mul3A_207 : i32
      %lt3A_209 = arith.constant 2500 : i32
      %lt3A_210 = arith.cmpi slt, %add3A_208, %lt3A_209 : i32
      %convert_element_type3A_211 = arith.extui %lt3A_210 : i1 to i32
      %cond3A_212 = arith.constant 0 : i32
      %cond3A_213 = arith.cmpi ne, %convert_element_type3A_211, %cond3A_212 : i32
      scf.if %cond3A_213 {
        %mul3A_324 = arith.constant 128 : i32
        %mul3A_325 = arith.muli %add3A_208, %mul3A_324 : i32
        %dma_start3A = arith.constant 4 : i32
        %dma_start3A_326 = arith.constant 0 : i32
        %dma_start3A_327 = arith.constant 4 : i32
        %dma_start3A_328 = arith.constant 0 : i32
        %dma_start3A_329 = tpu.memref_slice %arg5[%dma_start3A, %dma_start3A_326, %dma_start3A_328] : memref<8x2x128xi32, #tpu.memory_space<vmem>> -> memref<1x1x128xi32, #tpu.memory_space<vmem>>
        %dma_start3A_330 = tpu.memref_squeeze %dma_start3A_329 : memref<1x1x128xi32, #tpu.memory_space<vmem>> -> memref<128xi32, #tpu.memory_space<vmem>>
        %dma_start3A_331 = tpu.memref_slice %arg2[%mul3A_325] : memref<640000xi32, #tpu.memory_space<hbm>> -> memref<128xi32, #tpu.memory_space<hbm>>
        %dma_start3A_332 = tpu.memref_slice %arg9[%dma_start3A_327] : memref<8x!tpu.dma_semaphore, #tpu.memory_space<semaphore_mem>> -> memref<1x!tpu.dma_semaphore, #tpu.memory_space<semaphore_mem>>
        %dma_start3A_333 = tpu.memref_squeeze %dma_start3A_332 : memref<1x!tpu.dma_semaphore, #tpu.memory_space<semaphore_mem>> -> memref<!tpu.dma_semaphore, #tpu.memory_space<semaphore_mem>>
        %dma_start3A_334 = arith.constant 0 : i32
        %dma_start3A_335 = tpu.memref_slice %arg5[%dma_start3A, %dma_start3A_326, %dma_start3A_334] : memref<8x2x128xi32, #tpu.memory_space<vmem>> -> memref<1x1x128xi32, #tpu.memory_space<vmem>>
        %dma_start3A_336 = tpu.memref_squeeze %dma_start3A_335 : memref<1x1x128xi32, #tpu.memory_space<vmem>> -> memref<128xi32, #tpu.memory_space<vmem>>
        %dma_start3A_337 = tpu.memref_slice %arg2[%mul3A_325] : memref<640000xi32, #tpu.memory_space<hbm>> -> memref<128xi32, #tpu.memory_space<hbm>>
        tpu.enqueue_dma source(%dma_start3A_337 : memref<128xi32, #tpu.memory_space<hbm>>) target(%dma_start3A_336 : memref<128xi32, #tpu.memory_space<vmem>>) target_semaphore(%dma_start3A_333 : memref<!tpu.dma_semaphore, #tpu.memory_space<semaphore_mem>>)
        %mul3A_338 = arith.constant 128 : i32
        %mul3A_339 = arith.muli %add3A_208, %mul3A_338 : i32
        %add3A_340 = arith.constant 320000 : i32
        %add3A_341 = arith.addi %add3A_340, %mul3A_339 : i32
        %dma_start3A_342 = arith.constant 4 : i32
        %dma_start3A_343 = arith.constant 1 : i32
        %dma_start3A_344 = arith.constant 4 : i32
        %dma_start3A_345 = arith.constant 0 : i32
        %dma_start3A_346 = tpu.memref_slice %arg5[%dma_start3A_342, %dma_start3A_343, %dma_start3A_345] : memref<8x2x128xi32, #tpu.memory_space<vmem>> -> memref<1x1x128xi32, #tpu.memory_space<vmem>>
        %dma_start3A_347 = tpu.memref_squeeze %dma_start3A_346 : memref<1x1x128xi32, #tpu.memory_space<vmem>> -> memref<128xi32, #tpu.memory_space<vmem>>
        %dma_start3A_348 = tpu.memref_slice %arg2[%add3A_341] : memref<640000xi32, #tpu.memory_space<hbm>> -> memref<128xi32, #tpu.memory_space<hbm>>
        %dma_start3A_349 = tpu.memref_slice %arg9[%dma_start3A_344] : memref<8x!tpu.dma_semaphore, #tpu.memory_space<semaphore_mem>> -> memref<1x!tpu.dma_semaphore, #tpu.memory_space<semaphore_mem>>
        %dma_start3A_350 = tpu.memref_squeeze %dma_start3A_349 : memref<1x!tpu.dma_semaphore, #tpu.memory_space<semaphore_mem>> -> memref<!tpu.dma_semaphore, #tpu.memory_space<semaphore_mem>>
        %dma_start3A_351 = arith.constant 0 : i32
        %dma_start3A_352 = tpu.memref_slice %arg5[%dma_start3A_342, %dma_start3A_343, %dma_start3A_351] : memref<8x2x128xi32, #tpu.memory_space<vmem>> -> memref<1x1x128xi32, #tpu.memory_space<vmem>>
        %dma_start3A_353 = tpu.memref_squeeze %dma_start3A_352 : memref<1x1x128xi32, #tpu.memory_space<vmem>> -> memref<128xi32, #tpu.memory_space<vmem>>
        %dma_start3A_354 = tpu.memref_slice %arg2[%add3A_341] : memref<640000xi32, #tpu.memory_space<hbm>> -> memref<128xi32, #tpu.memory_space<hbm>>
        tpu.enqueue_dma source(%dma_start3A_354 : memref<128xi32, #tpu.memory_space<hbm>>) target(%dma_start3A_353 : memref<128xi32, #tpu.memory_space<vmem>>) target_semaphore(%dma_start3A_350 : memref<!tpu.dma_semaphore, #tpu.memory_space<semaphore_mem>>)
      } else {
      }
      %add3A_214 = arith.constant 1 : i32
      %add3A_215 = arith.addi %mul3A_203, %add3A_214 : i32
      %mul3A_216 = arith.constant 32 : i32
      %mul3A_217 = arith.muli %add3A_215, %mul3A_216 : i32
      %add3A_218 = arith.addi %add3A, %mul3A_217 : i32
      %lt3A_219 = arith.constant 2500 : i32
      %lt3A_220 = arith.cmpi slt, %add3A_218, %lt3A_219 : i32
      %convert_element_type3A_221 = arith.extui %lt3A_220 : i1 to i32
      %cond3A_222 = arith.constant 0 : i32
      %cond3A_223 = arith.cmpi ne, %convert_element_type3A_221, %cond3A_222 : i32
      scf.if %cond3A_223 {
        %mul3A_324 = arith.constant 128 : i32
        %mul3A_325 = arith.muli %add3A_218, %mul3A_324 : i32
        %dma_start3A = arith.constant 5 : i32
        %dma_start3A_326 = arith.constant 0 : i32
        %dma_start3A_327 = arith.constant 5 : i32
        %dma_start3A_328 = arith.constant 0 : i32
        %dma_start3A_329 = tpu.memref_slice %arg5[%dma_start3A, %dma_start3A_326, %dma_start3A_328] : memref<8x2x128xi32, #tpu.memory_space<vmem>> -> memref<1x1x128xi32, #tpu.memory_space<vmem>>
        %dma_start3A_330 = tpu.memref_squeeze %dma_start3A_329 : memref<1x1x128xi32, #tpu.memory_space<vmem>> -> memref<128xi32, #tpu.memory_space<vmem>>
        %dma_start3A_331 = tpu.memref_slice %arg2[%mul3A_325] : memref<640000xi32, #tpu.memory_space<hbm>> -> memref<128xi32, #tpu.memory_space<hbm>>
        %dma_start3A_332 = tpu.memref_slice %arg9[%dma_start3A_327] : memref<8x!tpu.dma_semaphore, #tpu.memory_space<semaphore_mem>> -> memref<1x!tpu.dma_semaphore, #tpu.memory_space<semaphore_mem>>
        %dma_start3A_333 = tpu.memref_squeeze %dma_start3A_332 : memref<1x!tpu.dma_semaphore, #tpu.memory_space<semaphore_mem>> -> memref<!tpu.dma_semaphore, #tpu.memory_space<semaphore_mem>>
        %dma_start3A_334 = arith.constant 0 : i32
        %dma_start3A_335 = tpu.memref_slice %arg5[%dma_start3A, %dma_start3A_326, %dma_start3A_334] : memref<8x2x128xi32, #tpu.memory_space<vmem>> -> memref<1x1x128xi32, #tpu.memory_space<vmem>>
        %dma_start3A_336 = tpu.memref_squeeze %dma_start3A_335 : memref<1x1x128xi32, #tpu.memory_space<vmem>> -> memref<128xi32, #tpu.memory_space<vmem>>
        %dma_start3A_337 = tpu.memref_slice %arg2[%mul3A_325] : memref<640000xi32, #tpu.memory_space<hbm>> -> memref<128xi32, #tpu.memory_space<hbm>>
        tpu.enqueue_dma source(%dma_start3A_337 : memref<128xi32, #tpu.memory_space<hbm>>) target(%dma_start3A_336 : memref<128xi32, #tpu.memory_space<vmem>>) target_semaphore(%dma_start3A_333 : memref<!tpu.dma_semaphore, #tpu.memory_space<semaphore_mem>>)
        %mul3A_338 = arith.constant 128 : i32
        %mul3A_339 = arith.muli %add3A_218, %mul3A_338 : i32
        %add3A_340 = arith.constant 320000 : i32
        %add3A_341 = arith.addi %add3A_340, %mul3A_339 : i32
        %dma_start3A_342 = arith.constant 5 : i32
        %dma_start3A_343 = arith.constant 1 : i32
        %dma_start3A_344 = arith.constant 5 : i32
        %dma_start3A_345 = arith.constant 0 : i32
        %dma_start3A_346 = tpu.memref_slice %arg5[%dma_start3A_342, %dma_start3A_343, %dma_start3A_345] : memref<8x2x128xi32, #tpu.memory_space<vmem>> -> memref<1x1x128xi32, #tpu.memory_space<vmem>>
        %dma_start3A_347 = tpu.memref_squeeze %dma_start3A_346 : memref<1x1x128xi32, #tpu.memory_space<vmem>> -> memref<128xi32, #tpu.memory_space<vmem>>
        %dma_start3A_348 = tpu.memref_slice %arg2[%add3A_341] : memref<640000xi32, #tpu.memory_space<hbm>> -> memref<128xi32, #tpu.memory_space<hbm>>
        %dma_start3A_349 = tpu.memref_slice %arg9[%dma_start3A_344] : memref<8x!tpu.dma_semaphore, #tpu.memory_space<semaphore_mem>> -> memref<1x!tpu.dma_semaphore, #tpu.memory_space<semaphore_mem>>
        %dma_start3A_350 = tpu.memref_squeeze %dma_start3A_349 : memref<1x!tpu.dma_semaphore, #tpu.memory_space<semaphore_mem>> -> memref<!tpu.dma_semaphore, #tpu.memory_space<semaphore_mem>>
        %dma_start3A_351 = arith.constant 0 : i32
        %dma_start3A_352 = tpu.memref_slice %arg5[%dma_start3A_342, %dma_start3A_343, %dma_start3A_351] : memref<8x2x128xi32, #tpu.memory_space<vmem>> -> memref<1x1x128xi32, #tpu.memory_space<vmem>>
        %dma_start3A_353 = tpu.memref_squeeze %dma_start3A_352 : memref<1x1x128xi32, #tpu.memory_space<vmem>> -> memref<128xi32, #tpu.memory_space<vmem>>
        %dma_start3A_354 = tpu.memref_slice %arg2[%add3A_341] : memref<640000xi32, #tpu.memory_space<hbm>> -> memref<128xi32, #tpu.memory_space<hbm>>
        tpu.enqueue_dma source(%dma_start3A_354 : memref<128xi32, #tpu.memory_space<hbm>>) target(%dma_start3A_353 : memref<128xi32, #tpu.memory_space<vmem>>) target_semaphore(%dma_start3A_350 : memref<!tpu.dma_semaphore, #tpu.memory_space<semaphore_mem>>)
      } else {
      }
      %add3A_224 = arith.constant 2 : i32
      %add3A_225 = arith.addi %mul3A_203, %add3A_224 : i32
      %mul3A_226 = arith.constant 32 : i32
      %mul3A_227 = arith.muli %add3A_225, %mul3A_226 : i32
      %add3A_228 = arith.addi %add3A, %mul3A_227 : i32
      %lt3A_229 = arith.constant 2500 : i32
      %lt3A_230 = arith.cmpi slt, %add3A_228, %lt3A_229 : i32
      %convert_element_type3A_231 = arith.extui %lt3A_230 : i1 to i32
      %cond3A_232 = arith.constant 0 : i32
      %cond3A_233 = arith.cmpi ne, %convert_element_type3A_231, %cond3A_232 : i32
      scf.if %cond3A_233 {
        %mul3A_324 = arith.constant 128 : i32
        %mul3A_325 = arith.muli %add3A_228, %mul3A_324 : i32
        %dma_start3A = arith.constant 6 : i32
        %dma_start3A_326 = arith.constant 0 : i32
        %dma_start3A_327 = arith.constant 6 : i32
        %dma_start3A_328 = arith.constant 0 : i32
        %dma_start3A_329 = tpu.memref_slice %arg5[%dma_start3A, %dma_start3A_326, %dma_start3A_328] : memref<8x2x128xi32, #tpu.memory_space<vmem>> -> memref<1x1x128xi32, #tpu.memory_space<vmem>>
        %dma_start3A_330 = tpu.memref_squeeze %dma_start3A_329 : memref<1x1x128xi32, #tpu.memory_space<vmem>> -> memref<128xi32, #tpu.memory_space<vmem>>
        %dma_start3A_331 = tpu.memref_slice %arg2[%mul3A_325] : memref<640000xi32, #tpu.memory_space<hbm>> -> memref<128xi32, #tpu.memory_space<hbm>>
        %dma_start3A_332 = tpu.memref_slice %arg9[%dma_start3A_327] : memref<8x!tpu.dma_semaphore, #tpu.memory_space<semaphore_mem>> -> memref<1x!tpu.dma_semaphore, #tpu.memory_space<semaphore_mem>>
        %dma_start3A_333 = tpu.memref_squeeze %dma_start3A_332 : memref<1x!tpu.dma_semaphore, #tpu.memory_space<semaphore_mem>> -> memref<!tpu.dma_semaphore, #tpu.memory_space<semaphore_mem>>
        %dma_start3A_334 = arith.constant 0 : i32
        %dma_start3A_335 = tpu.memref_slice %arg5[%dma_start3A, %dma_start3A_326, %dma_start3A_334] : memref<8x2x128xi32, #tpu.memory_space<vmem>> -> memref<1x1x128xi32, #tpu.memory_space<vmem>>
        %dma_start3A_336 = tpu.memref_squeeze %dma_start3A_335 : memref<1x1x128xi32, #tpu.memory_space<vmem>> -> memref<128xi32, #tpu.memory_space<vmem>>
        %dma_start3A_337 = tpu.memref_slice %arg2[%mul3A_325] : memref<640000xi32, #tpu.memory_space<hbm>> -> memref<128xi32, #tpu.memory_space<hbm>>
        tpu.enqueue_dma source(%dma_start3A_337 : memref<128xi32, #tpu.memory_space<hbm>>) target(%dma_start3A_336 : memref<128xi32, #tpu.memory_space<vmem>>) target_semaphore(%dma_start3A_333 : memref<!tpu.dma_semaphore, #tpu.memory_space<semaphore_mem>>)
        %mul3A_338 = arith.constant 128 : i32
        %mul3A_339 = arith.muli %add3A_228, %mul3A_338 : i32
        %add3A_340 = arith.constant 320000 : i32
        %add3A_341 = arith.addi %add3A_340, %mul3A_339 : i32
        %dma_start3A_342 = arith.constant 6 : i32
        %dma_start3A_343 = arith.constant 1 : i32
        %dma_start3A_344 = arith.constant 6 : i32
        %dma_start3A_345 = arith.constant 0 : i32
        %dma_start3A_346 = tpu.memref_slice %arg5[%dma_start3A_342, %dma_start3A_343, %dma_start3A_345] : memref<8x2x128xi32, #tpu.memory_space<vmem>> -> memref<1x1x128xi32, #tpu.memory_space<vmem>>
        %dma_start3A_347 = tpu.memref_squeeze %dma_start3A_346 : memref<1x1x128xi32, #tpu.memory_space<vmem>> -> memref<128xi32, #tpu.memory_space<vmem>>
        %dma_start3A_348 = tpu.memref_slice %arg2[%add3A_341] : memref<640000xi32, #tpu.memory_space<hbm>> -> memref<128xi32, #tpu.memory_space<hbm>>
        %dma_start3A_349 = tpu.memref_slice %arg9[%dma_start3A_344] : memref<8x!tpu.dma_semaphore, #tpu.memory_space<semaphore_mem>> -> memref<1x!tpu.dma_semaphore, #tpu.memory_space<semaphore_mem>>
        %dma_start3A_350 = tpu.memref_squeeze %dma_start3A_349 : memref<1x!tpu.dma_semaphore, #tpu.memory_space<semaphore_mem>> -> memref<!tpu.dma_semaphore, #tpu.memory_space<semaphore_mem>>
        %dma_start3A_351 = arith.constant 0 : i32
        %dma_start3A_352 = tpu.memref_slice %arg5[%dma_start3A_342, %dma_start3A_343, %dma_start3A_351] : memref<8x2x128xi32, #tpu.memory_space<vmem>> -> memref<1x1x128xi32, #tpu.memory_space<vmem>>
        %dma_start3A_353 = tpu.memref_squeeze %dma_start3A_352 : memref<1x1x128xi32, #tpu.memory_space<vmem>> -> memref<128xi32, #tpu.memory_space<vmem>>
        %dma_start3A_354 = tpu.memref_slice %arg2[%add3A_341] : memref<640000xi32, #tpu.memory_space<hbm>> -> memref<128xi32, #tpu.memory_space<hbm>>
        tpu.enqueue_dma source(%dma_start3A_354 : memref<128xi32, #tpu.memory_space<hbm>>) target(%dma_start3A_353 : memref<128xi32, #tpu.memory_space<vmem>>) target_semaphore(%dma_start3A_350 : memref<!tpu.dma_semaphore, #tpu.memory_space<semaphore_mem>>)
      } else {
      }
      %add3A_234 = arith.constant 3 : i32
      %add3A_235 = arith.addi %mul3A_203, %add3A_234 : i32
      %mul3A_236 = arith.constant 32 : i32
      %mul3A_237 = arith.muli %add3A_235, %mul3A_236 : i32
      %add3A_238 = arith.addi %add3A, %mul3A_237 : i32
      %lt3A_239 = arith.constant 2500 : i32
      %lt3A_240 = arith.cmpi slt, %add3A_238, %lt3A_239 : i32
      %convert_element_type3A_241 = arith.extui %lt3A_240 : i1 to i32
      %cond3A_242 = arith.constant 0 : i32
      %cond3A_243 = arith.cmpi ne, %convert_element_type3A_241, %cond3A_242 : i32
      scf.if %cond3A_243 {
        %mul3A_324 = arith.constant 128 : i32
        %mul3A_325 = arith.muli %add3A_238, %mul3A_324 : i32
        %dma_start3A = arith.constant 7 : i32
        %dma_start3A_326 = arith.constant 0 : i32
        %dma_start3A_327 = arith.constant 7 : i32
        %dma_start3A_328 = arith.constant 0 : i32
        %dma_start3A_329 = tpu.memref_slice %arg5[%dma_start3A, %dma_start3A_326, %dma_start3A_328] : memref<8x2x128xi32, #tpu.memory_space<vmem>> -> memref<1x1x128xi32, #tpu.memory_space<vmem>>
        %dma_start3A_330 = tpu.memref_squeeze %dma_start3A_329 : memref<1x1x128xi32, #tpu.memory_space<vmem>> -> memref<128xi32, #tpu.memory_space<vmem>>
        %dma_start3A_331 = tpu.memref_slice %arg2[%mul3A_325] : memref<640000xi32, #tpu.memory_space<hbm>> -> memref<128xi32, #tpu.memory_space<hbm>>
        %dma_start3A_332 = tpu.memref_slice %arg9[%dma_start3A_327] : memref<8x!tpu.dma_semaphore, #tpu.memory_space<semaphore_mem>> -> memref<1x!tpu.dma_semaphore, #tpu.memory_space<semaphore_mem>>
        %dma_start3A_333 = tpu.memref_squeeze %dma_start3A_332 : memref<1x!tpu.dma_semaphore, #tpu.memory_space<semaphore_mem>> -> memref<!tpu.dma_semaphore, #tpu.memory_space<semaphore_mem>>
        %dma_start3A_334 = arith.constant 0 : i32
        %dma_start3A_335 = tpu.memref_slice %arg5[%dma_start3A, %dma_start3A_326, %dma_start3A_334] : memref<8x2x128xi32, #tpu.memory_space<vmem>> -> memref<1x1x128xi32, #tpu.memory_space<vmem>>
        %dma_start3A_336 = tpu.memref_squeeze %dma_start3A_335 : memref<1x1x128xi32, #tpu.memory_space<vmem>> -> memref<128xi32, #tpu.memory_space<vmem>>
        %dma_start3A_337 = tpu.memref_slice %arg2[%mul3A_325] : memref<640000xi32, #tpu.memory_space<hbm>> -> memref<128xi32, #tpu.memory_space<hbm>>
        tpu.enqueue_dma source(%dma_start3A_337 : memref<128xi32, #tpu.memory_space<hbm>>) target(%dma_start3A_336 : memref<128xi32, #tpu.memory_space<vmem>>) target_semaphore(%dma_start3A_333 : memref<!tpu.dma_semaphore, #tpu.memory_space<semaphore_mem>>)
        %mul3A_338 = arith.constant 128 : i32
        %mul3A_339 = arith.muli %add3A_238, %mul3A_338 : i32
        %add3A_340 = arith.constant 320000 : i32
        %add3A_341 = arith.addi %add3A_340, %mul3A_339 : i32
        %dma_start3A_342 = arith.constant 7 : i32
        %dma_start3A_343 = arith.constant 1 : i32
        %dma_start3A_344 = arith.constant 7 : i32
        %dma_start3A_345 = arith.constant 0 : i32
        %dma_start3A_346 = tpu.memref_slice %arg5[%dma_start3A_342, %dma_start3A_343, %dma_start3A_345] : memref<8x2x128xi32, #tpu.memory_space<vmem>> -> memref<1x1x128xi32, #tpu.memory_space<vmem>>
        %dma_start3A_347 = tpu.memref_squeeze %dma_start3A_346 : memref<1x1x128xi32, #tpu.memory_space<vmem>> -> memref<128xi32, #tpu.memory_space<vmem>>
        %dma_start3A_348 = tpu.memref_slice %arg2[%add3A_341] : memref<640000xi32, #tpu.memory_space<hbm>> -> memref<128xi32, #tpu.memory_space<hbm>>
        %dma_start3A_349 = tpu.memref_slice %arg9[%dma_start3A_344] : memref<8x!tpu.dma_semaphore, #tpu.memory_space<semaphore_mem>> -> memref<1x!tpu.dma_semaphore, #tpu.memory_space<semaphore_mem>>
        %dma_start3A_350 = tpu.memref_squeeze %dma_start3A_349 : memref<1x!tpu.dma_semaphore, #tpu.memory_space<semaphore_mem>> -> memref<!tpu.dma_semaphore, #tpu.memory_space<semaphore_mem>>
        %dma_start3A_351 = arith.constant 0 : i32
        %dma_start3A_352 = tpu.memref_slice %arg5[%dma_start3A_342, %dma_start3A_343, %dma_start3A_351] : memref<8x2x128xi32, #tpu.memory_space<vmem>> -> memref<1x1x128xi32, #tpu.memory_space<vmem>>
        %dma_start3A_353 = tpu.memref_squeeze %dma_start3A_352 : memref<1x1x128xi32, #tpu.memory_space<vmem>> -> memref<128xi32, #tpu.memory_space<vmem>>
        %dma_start3A_354 = tpu.memref_slice %arg2[%add3A_341] : memref<640000xi32, #tpu.memory_space<hbm>> -> memref<128xi32, #tpu.memory_space<hbm>>
        tpu.enqueue_dma source(%dma_start3A_354 : memref<128xi32, #tpu.memory_space<hbm>>) target(%dma_start3A_353 : memref<128xi32, #tpu.memory_space<vmem>>) target_semaphore(%dma_start3A_350 : memref<!tpu.dma_semaphore, #tpu.memory_space<semaphore_mem>>)
      } else {
      }
      %add3A_244 = arith.constant 0 : i32
      %add3A_245 = arith.addi %mul3A_203, %add3A_244 : i32
      %mul3A_246 = arith.constant 32 : i32
      %mul3A_247 = arith.muli %add3A_245, %mul3A_246 : i32
      %add3A_248 = arith.addi %add3A, %mul3A_247 : i32
      %lt3A_249 = arith.constant 2500 : i32
      %lt3A_250 = arith.cmpi slt, %add3A_248, %lt3A_249 : i32
      %convert_element_type3A_251 = arith.extui %lt3A_250 : i1 to i32
      %cond3A_252 = arith.constant 0 : i32
      %cond3A_253 = arith.cmpi ne, %convert_element_type3A_251, %cond3A_252 : i32
      scf.if %cond3A_253 {
        %mul3A_324 = arith.constant 128 : i32
        %mul3A_325 = arith.muli %add3A_248, %mul3A_324 : i32
        %dma_wait3A_326 = arith.constant 4 : i32
        %dma_wait3A_327 = arith.constant 0 : i32
        %dma_wait3A_328 = arith.constant 4 : i32
        %dma_wait3A_329 = arith.constant 0 : i32
        %dma_wait3A_330 = tpu.memref_slice %arg5[%dma_wait3A_326, %dma_wait3A_327, %dma_wait3A_329] : memref<8x2x128xi32, #tpu.memory_space<vmem>> -> memref<1x1x128xi32, #tpu.memory_space<vmem>>
        %dma_wait3A_331 = tpu.memref_squeeze %dma_wait3A_330 : memref<1x1x128xi32, #tpu.memory_space<vmem>> -> memref<128xi32, #tpu.memory_space<vmem>>
        %dma_wait3A_332 = tpu.memref_slice %arg2[%mul3A_325] : memref<640000xi32, #tpu.memory_space<hbm>> -> memref<128xi32, #tpu.memory_space<hbm>>
        %dma_wait3A_333 = tpu.memref_slice %arg9[%dma_wait3A_328] : memref<8x!tpu.dma_semaphore, #tpu.memory_space<semaphore_mem>> -> memref<1x!tpu.dma_semaphore, #tpu.memory_space<semaphore_mem>>
        %dma_wait3A_334 = tpu.memref_squeeze %dma_wait3A_333 : memref<1x!tpu.dma_semaphore, #tpu.memory_space<semaphore_mem>> -> memref<!tpu.dma_semaphore, #tpu.memory_space<semaphore_mem>>
        %dma_wait3A_335 = arith.constant 0 : i32
        %dma_wait3A_336 = tpu.memref_slice %arg5[%dma_wait3A_326, %dma_wait3A_327, %dma_wait3A_335] : memref<8x2x128xi32, #tpu.memory_space<vmem>> -> memref<1x1x128xi32, #tpu.memory_space<vmem>>
        %dma_wait3A_337 = tpu.memref_squeeze %dma_wait3A_336 : memref<1x1x128xi32, #tpu.memory_space<vmem>> -> memref<128xi32, #tpu.memory_space<vmem>>
        %dma_wait3A_338 = tpu.memref_slice %arg2[%mul3A_325] : memref<640000xi32, #tpu.memory_space<hbm>> -> memref<128xi32, #tpu.memory_space<hbm>>
        tpu.wait_dma2 semaphore(%dma_wait3A_334 : memref<!tpu.dma_semaphore, #tpu.memory_space<semaphore_mem>>) src(%dma_wait3A_338 : memref<128xi32, #tpu.memory_space<hbm>>) dst(%dma_wait3A_337 : memref<128xi32, #tpu.memory_space<vmem>>)
        %mul3A_339 = arith.constant 128 : i32
        %mul3A_340 = arith.muli %add3A_248, %mul3A_339 : i32
        %add3A_341 = arith.constant 320000 : i32
        %add3A_342 = arith.addi %add3A_341, %mul3A_340 : i32
        %dma_wait3A_343 = arith.constant 4 : i32
        %dma_wait3A_344 = arith.constant 1 : i32
        %dma_wait3A_345 = arith.constant 4 : i32
        %dma_wait3A_346 = arith.constant 0 : i32
        %dma_wait3A_347 = tpu.memref_slice %arg5[%dma_wait3A_343, %dma_wait3A_344, %dma_wait3A_346] : memref<8x2x128xi32, #tpu.memory_space<vmem>> -> memref<1x1x128xi32, #tpu.memory_space<vmem>>
        %dma_wait3A_348 = tpu.memref_squeeze %dma_wait3A_347 : memref<1x1x128xi32, #tpu.memory_space<vmem>> -> memref<128xi32, #tpu.memory_space<vmem>>
        %dma_wait3A_349 = tpu.memref_slice %arg2[%add3A_342] : memref<640000xi32, #tpu.memory_space<hbm>> -> memref<128xi32, #tpu.memory_space<hbm>>
        %dma_wait3A_350 = tpu.memref_slice %arg9[%dma_wait3A_345] : memref<8x!tpu.dma_semaphore, #tpu.memory_space<semaphore_mem>> -> memref<1x!tpu.dma_semaphore, #tpu.memory_space<semaphore_mem>>
        %dma_wait3A_351 = tpu.memref_squeeze %dma_wait3A_350 : memref<1x!tpu.dma_semaphore, #tpu.memory_space<semaphore_mem>> -> memref<!tpu.dma_semaphore, #tpu.memory_space<semaphore_mem>>
        %dma_wait3A_352 = arith.constant 0 : i32
        %dma_wait3A_353 = tpu.memref_slice %arg5[%dma_wait3A_343, %dma_wait3A_344, %dma_wait3A_352] : memref<8x2x128xi32, #tpu.memory_space<vmem>> -> memref<1x1x128xi32, #tpu.memory_space<vmem>>
        %dma_wait3A_354 = tpu.memref_squeeze %dma_wait3A_353 : memref<1x1x128xi32, #tpu.memory_space<vmem>> -> memref<128xi32, #tpu.memory_space<vmem>>
        %dma_wait3A_355 = tpu.memref_slice %arg2[%add3A_342] : memref<640000xi32, #tpu.memory_space<hbm>> -> memref<128xi32, #tpu.memory_space<hbm>>
        tpu.wait_dma2 semaphore(%dma_wait3A_351 : memref<!tpu.dma_semaphore, #tpu.memory_space<semaphore_mem>>) src(%dma_wait3A_355 : memref<128xi32, #tpu.memory_space<hbm>>) dst(%dma_wait3A_354 : memref<128xi32, #tpu.memory_space<vmem>>)
        %dma_wait3A_356 = arith.constant 0 : i32
        %dma_wait3A_357 = arith.constant 0 : i32
        %dma_wait3A_358 = arith.constant 1 : i32
        %dma_wait3A_359 = arith.constant 0 : i32
        %dma_wait3A_360 = arith.constant 0 : i32
        %dma_wait3A_361 = arith.constant 0 : i32
        %dma_wait3A_362 = tpu.memref_slice %arg6[%dma_wait3A_356, %dma_wait3A_360, %dma_wait3A_361] : memref<2x128x128xf32, #tpu.memory_space<vmem>> -> memref<1x128x128xf32, #tpu.memory_space<vmem>>
        %dma_wait3A_363 = tpu.memref_squeeze %dma_wait3A_362 : memref<1x128x128xf32, #tpu.memory_space<vmem>> -> memref<128x128xf32, #tpu.memory_space<vmem>>
        %dma_wait3A_364 = arith.constant 0 : i32
        %dma_wait3A_365 = tpu.memref_slice %arg5[%dma_wait3A_357, %dma_wait3A_358, %dma_wait3A_364] : memref<8x2x128xi32, #tpu.memory_space<vmem>> -> memref<1x1x128xi32, #tpu.memory_space<vmem>>
        %dma_wait3A_366 = tpu.memref_squeeze %dma_wait3A_365 : memref<1x1x128xi32, #tpu.memory_space<vmem>> -> memref<128xi32, #tpu.memory_space<vmem>>
        %dma_wait3A_367 = arith.constant 0 : i32
        %dma_wait3A_368 = arith.constant 0 : i32
        %dma_wait3A_369 = tpu.memref_slice %arg8[%dma_wait3A_367, %dma_wait3A_368] : memref<10000x128xf32, #tpu.memory_space<vmem_shared>> -> memref<10000x128xf32, #tpu.memory_space<vmem_shared>>
        %dma_wait3A_370 = tpu.memref_slice %arg11[%dma_wait3A_359] : memref<2x!tpu.dma_semaphore, #tpu.memory_space<semaphore_mem>> -> memref<1x!tpu.dma_semaphore, #tpu.memory_space<semaphore_mem>>
        %dma_wait3A_371 = tpu.memref_squeeze %dma_wait3A_370 : memref<1x!tpu.dma_semaphore, #tpu.memory_space<semaphore_mem>> -> memref<!tpu.dma_semaphore, #tpu.memory_space<semaphore_mem>>
        tpu.wait_indirect_dma semaphore(%dma_wait3A_371 : memref<!tpu.dma_semaphore, #tpu.memory_space<semaphore_mem>>) src(%dma_wait3A_363 : memref<128x128xf32, #tpu.memory_space<vmem>>) dst(%dma_wait3A_369 : memref<10000x128xf32, #tpu.memory_space<vmem_shared>>)
        %dma_start3A = arith.constant 4 : i32
        %dma_start3A_372 = arith.constant 0 : i32
        %dma_start3A_373 = arith.constant 0 : i32
        %dma_start3A_374 = arith.constant 0 : i32
        %dma_start3A_375 = arith.constant 0 : i32
        %dma_start3A_376 = arith.constant 0 : i32
        %dma_start3A_377 = tpu.memref_slice %arg6[%dma_start3A_373, %dma_start3A_375, %dma_start3A_376] : memref<2x128x128xf32, #tpu.memory_space<vmem>> -> memref<1x128x128xf32, #tpu.memory_space<vmem>>
        %dma_start3A_378 = tpu.memref_squeeze %dma_start3A_377 : memref<1x128x128xf32, #tpu.memory_space<vmem>> -> memref<128x128xf32, #tpu.memory_space<vmem>>
        %dma_start3A_379 = arith.constant 0 : i32
        %dma_start3A_380 = tpu.memref_slice %arg5[%dma_start3A, %dma_start3A_372, %dma_start3A_379] : memref<8x2x128xi32, #tpu.memory_space<vmem>> -> memref<1x1x128xi32, #tpu.memory_space<vmem>>
        %dma_start3A_381 = tpu.memref_squeeze %dma_start3A_380 : memref<1x1x128xi32, #tpu.memory_space<vmem>> -> memref<128xi32, #tpu.memory_space<vmem>>
        %dma_start3A_382 = arith.constant 0 : i32
        %dma_start3A_383 = arith.constant 0 : i32
        %dma_start3A_384 = tpu.memref_slice %arg3[%dma_start3A_382, %dma_start3A_383] : memref<10000x128xf32, #tpu.memory_space<hbm>> -> memref<10000x128xf32, #tpu.memory_space<hbm>>
        %dma_start3A_385 = tpu.memref_slice %arg10[%dma_start3A_374] : memref<2x!tpu.dma_semaphore, #tpu.memory_space<semaphore_mem>> -> memref<1x!tpu.dma_semaphore, #tpu.memory_space<semaphore_mem>>
        %dma_start3A_386 = tpu.memref_squeeze %dma_start3A_385 : memref<1x!tpu.dma_semaphore, #tpu.memory_space<semaphore_mem>> -> memref<!tpu.dma_semaphore, #tpu.memory_space<semaphore_mem>>
        tpu.enqueue_indirect_dma source(%dma_start3A_384 : memref<10000x128xf32, #tpu.memory_space<hbm>>) target(%dma_start3A_378 : memref<128x128xf32, #tpu.memory_space<vmem>>) offsets(%dma_start3A_381 : memref<128xi32, #tpu.memory_space<vmem>>) semaphore(%dma_start3A_386 : memref<!tpu.dma_semaphore, #tpu.memory_space<semaphore_mem>>)
      } else {
      }
      %add3A_254 = arith.constant 1 : i32
      %add3A_255 = arith.addi %mul3A_203, %add3A_254 : i32
      %mul3A_256 = arith.constant 32 : i32
      %mul3A_257 = arith.muli %add3A_255, %mul3A_256 : i32
      %add3A_258 = arith.addi %add3A, %mul3A_257 : i32
      %lt3A_259 = arith.constant 2500 : i32
      %lt3A_260 = arith.cmpi slt, %add3A_258, %lt3A_259 : i32
      %convert_element_type3A_261 = arith.extui %lt3A_260 : i1 to i32
      %cond3A_262 = arith.constant 0 : i32
      %cond3A_263 = arith.cmpi ne, %convert_element_type3A_261, %cond3A_262 : i32
      scf.if %cond3A_263 {
        %mul3A_324 = arith.constant 128 : i32
        %mul3A_325 = arith.muli %add3A_258, %mul3A_324 : i32
        %dma_wait3A_326 = arith.constant 5 : i32
        %dma_wait3A_327 = arith.constant 0 : i32
        %dma_wait3A_328 = arith.constant 5 : i32
        %dma_wait3A_329 = arith.constant 0 : i32
        %dma_wait3A_330 = tpu.memref_slice %arg5[%dma_wait3A_326, %dma_wait3A_327, %dma_wait3A_329] : memref<8x2x128xi32, #tpu.memory_space<vmem>> -> memref<1x1x128xi32, #tpu.memory_space<vmem>>
        %dma_wait3A_331 = tpu.memref_squeeze %dma_wait3A_330 : memref<1x1x128xi32, #tpu.memory_space<vmem>> -> memref<128xi32, #tpu.memory_space<vmem>>
        %dma_wait3A_332 = tpu.memref_slice %arg2[%mul3A_325] : memref<640000xi32, #tpu.memory_space<hbm>> -> memref<128xi32, #tpu.memory_space<hbm>>
        %dma_wait3A_333 = tpu.memref_slice %arg9[%dma_wait3A_328] : memref<8x!tpu.dma_semaphore, #tpu.memory_space<semaphore_mem>> -> memref<1x!tpu.dma_semaphore, #tpu.memory_space<semaphore_mem>>
        %dma_wait3A_334 = tpu.memref_squeeze %dma_wait3A_333 : memref<1x!tpu.dma_semaphore, #tpu.memory_space<semaphore_mem>> -> memref<!tpu.dma_semaphore, #tpu.memory_space<semaphore_mem>>
        %dma_wait3A_335 = arith.constant 0 : i32
        %dma_wait3A_336 = tpu.memref_slice %arg5[%dma_wait3A_326, %dma_wait3A_327, %dma_wait3A_335] : memref<8x2x128xi32, #tpu.memory_space<vmem>> -> memref<1x1x128xi32, #tpu.memory_space<vmem>>
        %dma_wait3A_337 = tpu.memref_squeeze %dma_wait3A_336 : memref<1x1x128xi32, #tpu.memory_space<vmem>> -> memref<128xi32, #tpu.memory_space<vmem>>
        %dma_wait3A_338 = tpu.memref_slice %arg2[%mul3A_325] : memref<640000xi32, #tpu.memory_space<hbm>> -> memref<128xi32, #tpu.memory_space<hbm>>
        tpu.wait_dma2 semaphore(%dma_wait3A_334 : memref<!tpu.dma_semaphore, #tpu.memory_space<semaphore_mem>>) src(%dma_wait3A_338 : memref<128xi32, #tpu.memory_space<hbm>>) dst(%dma_wait3A_337 : memref<128xi32, #tpu.memory_space<vmem>>)
        %mul3A_339 = arith.constant 128 : i32
        %mul3A_340 = arith.muli %add3A_258, %mul3A_339 : i32
        %add3A_341 = arith.constant 320000 : i32
        %add3A_342 = arith.addi %add3A_341, %mul3A_340 : i32
        %dma_wait3A_343 = arith.constant 5 : i32
        %dma_wait3A_344 = arith.constant 1 : i32
        %dma_wait3A_345 = arith.constant 5 : i32
        %dma_wait3A_346 = arith.constant 0 : i32
        %dma_wait3A_347 = tpu.memref_slice %arg5[%dma_wait3A_343, %dma_wait3A_344, %dma_wait3A_346] : memref<8x2x128xi32, #tpu.memory_space<vmem>> -> memref<1x1x128xi32, #tpu.memory_space<vmem>>
        %dma_wait3A_348 = tpu.memref_squeeze %dma_wait3A_347 : memref<1x1x128xi32, #tpu.memory_space<vmem>> -> memref<128xi32, #tpu.memory_space<vmem>>
        %dma_wait3A_349 = tpu.memref_slice %arg2[%add3A_342] : memref<640000xi32, #tpu.memory_space<hbm>> -> memref<128xi32, #tpu.memory_space<hbm>>
        %dma_wait3A_350 = tpu.memref_slice %arg9[%dma_wait3A_345] : memref<8x!tpu.dma_semaphore, #tpu.memory_space<semaphore_mem>> -> memref<1x!tpu.dma_semaphore, #tpu.memory_space<semaphore_mem>>
        %dma_wait3A_351 = tpu.memref_squeeze %dma_wait3A_350 : memref<1x!tpu.dma_semaphore, #tpu.memory_space<semaphore_mem>> -> memref<!tpu.dma_semaphore, #tpu.memory_space<semaphore_mem>>
        %dma_wait3A_352 = arith.constant 0 : i32
        %dma_wait3A_353 = tpu.memref_slice %arg5[%dma_wait3A_343, %dma_wait3A_344, %dma_wait3A_352] : memref<8x2x128xi32, #tpu.memory_space<vmem>> -> memref<1x1x128xi32, #tpu.memory_space<vmem>>
        %dma_wait3A_354 = tpu.memref_squeeze %dma_wait3A_353 : memref<1x1x128xi32, #tpu.memory_space<vmem>> -> memref<128xi32, #tpu.memory_space<vmem>>
        %dma_wait3A_355 = tpu.memref_slice %arg2[%add3A_342] : memref<640000xi32, #tpu.memory_space<hbm>> -> memref<128xi32, #tpu.memory_space<hbm>>
        tpu.wait_dma2 semaphore(%dma_wait3A_351 : memref<!tpu.dma_semaphore, #tpu.memory_space<semaphore_mem>>) src(%dma_wait3A_355 : memref<128xi32, #tpu.memory_space<hbm>>) dst(%dma_wait3A_354 : memref<128xi32, #tpu.memory_space<vmem>>)
        %dma_wait3A_356 = arith.constant 1 : i32
        %dma_wait3A_357 = arith.constant 0 : i32
        %dma_wait3A_358 = arith.constant 1 : i32
        %dma_wait3A_359 = arith.constant 1 : i32
        %dma_wait3A_360 = arith.constant 0 : i32
        %dma_wait3A_361 = arith.constant 0 : i32
        %dma_wait3A_362 = tpu.memref_slice %arg6[%dma_wait3A_356, %dma_wait3A_360, %dma_wait3A_361] : memref<2x128x128xf32, #tpu.memory_space<vmem>> -> memref<1x128x128xf32, #tpu.memory_space<vmem>>
        %dma_wait3A_363 = tpu.memref_squeeze %dma_wait3A_362 : memref<1x128x128xf32, #tpu.memory_space<vmem>> -> memref<128x128xf32, #tpu.memory_space<vmem>>
        %dma_wait3A_364 = arith.constant 0 : i32
        %dma_wait3A_365 = tpu.memref_slice %arg5[%dma_wait3A_357, %dma_wait3A_358, %dma_wait3A_364] : memref<8x2x128xi32, #tpu.memory_space<vmem>> -> memref<1x1x128xi32, #tpu.memory_space<vmem>>
        %dma_wait3A_366 = tpu.memref_squeeze %dma_wait3A_365 : memref<1x1x128xi32, #tpu.memory_space<vmem>> -> memref<128xi32, #tpu.memory_space<vmem>>
        %dma_wait3A_367 = arith.constant 0 : i32
        %dma_wait3A_368 = arith.constant 0 : i32
        %dma_wait3A_369 = tpu.memref_slice %arg8[%dma_wait3A_367, %dma_wait3A_368] : memref<10000x128xf32, #tpu.memory_space<vmem_shared>> -> memref<10000x128xf32, #tpu.memory_space<vmem_shared>>
        %dma_wait3A_370 = tpu.memref_slice %arg11[%dma_wait3A_359] : memref<2x!tpu.dma_semaphore, #tpu.memory_space<semaphore_mem>> -> memref<1x!tpu.dma_semaphore, #tpu.memory_space<semaphore_mem>>
        %dma_wait3A_371 = tpu.memref_squeeze %dma_wait3A_370 : memref<1x!tpu.dma_semaphore, #tpu.memory_space<semaphore_mem>> -> memref<!tpu.dma_semaphore, #tpu.memory_space<semaphore_mem>>
        tpu.wait_indirect_dma semaphore(%dma_wait3A_371 : memref<!tpu.dma_semaphore, #tpu.memory_space<semaphore_mem>>) src(%dma_wait3A_363 : memref<128x128xf32, #tpu.memory_space<vmem>>) dst(%dma_wait3A_369 : memref<10000x128xf32, #tpu.memory_space<vmem_shared>>)
        %dma_start3A = arith.constant 5 : i32
        %dma_start3A_372 = arith.constant 0 : i32
        %dma_start3A_373 = arith.constant 1 : i32
        %dma_start3A_374 = arith.constant 1 : i32
        %dma_start3A_375 = arith.constant 0 : i32
        %dma_start3A_376 = arith.constant 0 : i32
        %dma_start3A_377 = tpu.memref_slice %arg6[%dma_start3A_373, %dma_start3A_375, %dma_start3A_376] : memref<2x128x128xf32, #tpu.memory_space<vmem>> -> memref<1x128x128xf32, #tpu.memory_space<vmem>>
        %dma_start3A_378 = tpu.memref_squeeze %dma_start3A_377 : memref<1x128x128xf32, #tpu.memory_space<vmem>> -> memref<128x128xf32, #tpu.memory_space<vmem>>
        %dma_start3A_379 = arith.constant 0 : i32
        %dma_start3A_380 = tpu.memref_slice %arg5[%dma_start3A, %dma_start3A_372, %dma_start3A_379] : memref<8x2x128xi32, #tpu.memory_space<vmem>> -> memref<1x1x128xi32, #tpu.memory_space<vmem>>
        %dma_start3A_381 = tpu.memref_squeeze %dma_start3A_380 : memref<1x1x128xi32, #tpu.memory_space<vmem>> -> memref<128xi32, #tpu.memory_space<vmem>>
        %dma_start3A_382 = arith.constant 0 : i32
        %dma_start3A_383 = arith.constant 0 : i32
        %dma_start3A_384 = tpu.memref_slice %arg3[%dma_start3A_382, %dma_start3A_383] : memref<10000x128xf32, #tpu.memory_space<hbm>> -> memref<10000x128xf32, #tpu.memory_space<hbm>>
        %dma_start3A_385 = tpu.memref_slice %arg10[%dma_start3A_374] : memref<2x!tpu.dma_semaphore, #tpu.memory_space<semaphore_mem>> -> memref<1x!tpu.dma_semaphore, #tpu.memory_space<semaphore_mem>>
        %dma_start3A_386 = tpu.memref_squeeze %dma_start3A_385 : memref<1x!tpu.dma_semaphore, #tpu.memory_space<semaphore_mem>> -> memref<!tpu.dma_semaphore, #tpu.memory_space<semaphore_mem>>
        tpu.enqueue_indirect_dma source(%dma_start3A_384 : memref<10000x128xf32, #tpu.memory_space<hbm>>) target(%dma_start3A_378 : memref<128x128xf32, #tpu.memory_space<vmem>>) offsets(%dma_start3A_381 : memref<128xi32, #tpu.memory_space<vmem>>) semaphore(%dma_start3A_386 : memref<!tpu.dma_semaphore, #tpu.memory_space<semaphore_mem>>)
      } else {
      }
      %add3A_264 = arith.constant 0 : i32
      %add3A_265 = arith.addi %mul3A_203, %add3A_264 : i32
      %mul3A_266 = arith.constant 32 : i32
      %mul3A_267 = arith.muli %add3A_265, %mul3A_266 : i32
      %add3A_268 = arith.addi %add3A, %mul3A_267 : i32
      %lt3A_269 = arith.constant 2500 : i32
      %lt3A_270 = arith.cmpi slt, %add3A_268, %lt3A_269 : i32
      %convert_element_type3A_271 = arith.extui %lt3A_270 : i1 to i32
      %cond3A_272 = arith.constant 0 : i32
      %cond3A_273 = arith.cmpi ne, %convert_element_type3A_271, %cond3A_272 : i32
      scf.if %cond3A_273 {
        %dma_wait3A_324 = arith.constant 4 : i32
        %dma_wait3A_325 = arith.constant 0 : i32
        %dma_wait3A_326 = arith.constant 0 : i32
        %dma_wait3A_327 = arith.constant 0 : i32
        %dma_wait3A_328 = arith.constant 0 : i32
        %dma_wait3A_329 = arith.constant 0 : i32
        %dma_wait3A_330 = tpu.memref_slice %arg6[%dma_wait3A_326, %dma_wait3A_328, %dma_wait3A_329] : memref<2x128x128xf32, #tpu.memory_space<vmem>> -> memref<1x128x128xf32, #tpu.memory_space<vmem>>
        %dma_wait3A_331 = tpu.memref_squeeze %dma_wait3A_330 : memref<1x128x128xf32, #tpu.memory_space<vmem>> -> memref<128x128xf32, #tpu.memory_space<vmem>>
        %dma_wait3A_332 = arith.constant 0 : i32
        %dma_wait3A_333 = tpu.memref_slice %arg5[%dma_wait3A_324, %dma_wait3A_325, %dma_wait3A_332] : memref<8x2x128xi32, #tpu.memory_space<vmem>> -> memref<1x1x128xi32, #tpu.memory_space<vmem>>
        %dma_wait3A_334 = tpu.memref_squeeze %dma_wait3A_333 : memref<1x1x128xi32, #tpu.memory_space<vmem>> -> memref<128xi32, #tpu.memory_space<vmem>>
        %dma_wait3A_335 = arith.constant 0 : i32
        %dma_wait3A_336 = arith.constant 0 : i32
        %dma_wait3A_337 = tpu.memref_slice %arg3[%dma_wait3A_335, %dma_wait3A_336] : memref<10000x128xf32, #tpu.memory_space<hbm>> -> memref<10000x128xf32, #tpu.memory_space<hbm>>
        %dma_wait3A_338 = tpu.memref_slice %arg10[%dma_wait3A_327] : memref<2x!tpu.dma_semaphore, #tpu.memory_space<semaphore_mem>> -> memref<1x!tpu.dma_semaphore, #tpu.memory_space<semaphore_mem>>
        %dma_wait3A_339 = tpu.memref_squeeze %dma_wait3A_338 : memref<1x!tpu.dma_semaphore, #tpu.memory_space<semaphore_mem>> -> memref<!tpu.dma_semaphore, #tpu.memory_space<semaphore_mem>>
        tpu.wait_indirect_dma semaphore(%dma_wait3A_339 : memref<!tpu.dma_semaphore, #tpu.memory_space<semaphore_mem>>) src(%dma_wait3A_337 : memref<10000x128xf32, #tpu.memory_space<hbm>>) dst(%dma_wait3A_331 : memref<128x128xf32, #tpu.memory_space<vmem>>)
        %dma_start3A = arith.constant 0 : i32
        %dma_start3A_340 = arith.constant 4 : i32
        %dma_start3A_341 = arith.constant 1 : i32
        %dma_start3A_342 = arith.constant 0 : i32
        %dma_start3A_343 = arith.constant 0 : i32
        %dma_start3A_344 = arith.constant 0 : i32
        %dma_start3A_345 = tpu.memref_slice %arg6[%dma_start3A, %dma_start3A_343, %dma_start3A_344] : memref<2x128x128xf32, #tpu.memory_space<vmem>> -> memref<1x128x128xf32, #tpu.memory_space<vmem>>
        %dma_start3A_346 = tpu.memref_squeeze %dma_start3A_345 : memref<1x128x128xf32, #tpu.memory_space<vmem>> -> memref<128x128xf32, #tpu.memory_space<vmem>>
        %dma_start3A_347 = arith.constant 0 : i32
        %dma_start3A_348 = tpu.memref_slice %arg5[%dma_start3A_340, %dma_start3A_341, %dma_start3A_347] : memref<8x2x128xi32, #tpu.memory_space<vmem>> -> memref<1x1x128xi32, #tpu.memory_space<vmem>>
        %dma_start3A_349 = tpu.memref_squeeze %dma_start3A_348 : memref<1x1x128xi32, #tpu.memory_space<vmem>> -> memref<128xi32, #tpu.memory_space<vmem>>
        %dma_start3A_350 = arith.constant 0 : i32
        %dma_start3A_351 = arith.constant 0 : i32
        %dma_start3A_352 = tpu.memref_slice %arg8[%dma_start3A_350, %dma_start3A_351] : memref<10000x128xf32, #tpu.memory_space<vmem_shared>> -> memref<10000x128xf32, #tpu.memory_space<vmem_shared>>
        %dma_start3A_353 = tpu.memref_slice %arg11[%dma_start3A_342] : memref<2x!tpu.dma_semaphore, #tpu.memory_space<semaphore_mem>> -> memref<1x!tpu.dma_semaphore, #tpu.memory_space<semaphore_mem>>
        %dma_start3A_354 = tpu.memref_squeeze %dma_start3A_353 : memref<1x!tpu.dma_semaphore, #tpu.memory_space<semaphore_mem>> -> memref<!tpu.dma_semaphore, #tpu.memory_space<semaphore_mem>>
        tpu.enqueue_indirect_dma source(%dma_start3A_346 : memref<128x128xf32, #tpu.memory_space<vmem>>) target(%dma_start3A_352 : memref<10000x128xf32, #tpu.memory_space<vmem_shared>>) offsets(%dma_start3A_349 : memref<128xi32, #tpu.memory_space<vmem>>) semaphore(%dma_start3A_354 : memref<!tpu.dma_semaphore, #tpu.memory_space<semaphore_mem>>) {add = true}
      } else {
      }
      %add3A_274 = arith.constant 2 : i32
      %add3A_275 = arith.addi %mul3A_203, %add3A_274 : i32
      %mul3A_276 = arith.constant 32 : i32
      %mul3A_277 = arith.muli %add3A_275, %mul3A_276 : i32
      %add3A_278 = arith.addi %add3A, %mul3A_277 : i32
      %lt3A_279 = arith.constant 2500 : i32
      %lt3A_280 = arith.cmpi slt, %add3A_278, %lt3A_279 : i32
      %convert_element_type3A_281 = arith.extui %lt3A_280 : i1 to i32
      %cond3A_282 = arith.constant 0 : i32
      %cond3A_283 = arith.cmpi ne, %convert_element_type3A_281, %cond3A_282 : i32
      scf.if %cond3A_283 {
        %mul3A_324 = arith.constant 128 : i32
        %mul3A_325 = arith.muli %add3A_278, %mul3A_324 : i32
        %dma_wait3A_326 = arith.constant 6 : i32
        %dma_wait3A_327 = arith.constant 0 : i32
        %dma_wait3A_328 = arith.constant 6 : i32
        %dma_wait3A_329 = arith.constant 0 : i32
        %dma_wait3A_330 = tpu.memref_slice %arg5[%dma_wait3A_326, %dma_wait3A_327, %dma_wait3A_329] : memref<8x2x128xi32, #tpu.memory_space<vmem>> -> memref<1x1x128xi32, #tpu.memory_space<vmem>>
        %dma_wait3A_331 = tpu.memref_squeeze %dma_wait3A_330 : memref<1x1x128xi32, #tpu.memory_space<vmem>> -> memref<128xi32, #tpu.memory_space<vmem>>
        %dma_wait3A_332 = tpu.memref_slice %arg2[%mul3A_325] : memref<640000xi32, #tpu.memory_space<hbm>> -> memref<128xi32, #tpu.memory_space<hbm>>
        %dma_wait3A_333 = tpu.memref_slice %arg9[%dma_wait3A_328] : memref<8x!tpu.dma_semaphore, #tpu.memory_space<semaphore_mem>> -> memref<1x!tpu.dma_semaphore, #tpu.memory_space<semaphore_mem>>
        %dma_wait3A_334 = tpu.memref_squeeze %dma_wait3A_333 : memref<1x!tpu.dma_semaphore, #tpu.memory_space<semaphore_mem>> -> memref<!tpu.dma_semaphore, #tpu.memory_space<semaphore_mem>>
        %dma_wait3A_335 = arith.constant 0 : i32
        %dma_wait3A_336 = tpu.memref_slice %arg5[%dma_wait3A_326, %dma_wait3A_327, %dma_wait3A_335] : memref<8x2x128xi32, #tpu.memory_space<vmem>> -> memref<1x1x128xi32, #tpu.memory_space<vmem>>
        %dma_wait3A_337 = tpu.memref_squeeze %dma_wait3A_336 : memref<1x1x128xi32, #tpu.memory_space<vmem>> -> memref<128xi32, #tpu.memory_space<vmem>>
        %dma_wait3A_338 = tpu.memref_slice %arg2[%mul3A_325] : memref<640000xi32, #tpu.memory_space<hbm>> -> memref<128xi32, #tpu.memory_space<hbm>>
        tpu.wait_dma2 semaphore(%dma_wait3A_334 : memref<!tpu.dma_semaphore, #tpu.memory_space<semaphore_mem>>) src(%dma_wait3A_338 : memref<128xi32, #tpu.memory_space<hbm>>) dst(%dma_wait3A_337 : memref<128xi32, #tpu.memory_space<vmem>>)
        %mul3A_339 = arith.constant 128 : i32
        %mul3A_340 = arith.muli %add3A_278, %mul3A_339 : i32
        %add3A_341 = arith.constant 320000 : i32
        %add3A_342 = arith.addi %add3A_341, %mul3A_340 : i32
        %dma_wait3A_343 = arith.constant 6 : i32
        %dma_wait3A_344 = arith.constant 1 : i32
        %dma_wait3A_345 = arith.constant 6 : i32
        %dma_wait3A_346 = arith.constant 0 : i32
        %dma_wait3A_347 = tpu.memref_slice %arg5[%dma_wait3A_343, %dma_wait3A_344, %dma_wait3A_346] : memref<8x2x128xi32, #tpu.memory_space<vmem>> -> memref<1x1x128xi32, #tpu.memory_space<vmem>>
        %dma_wait3A_348 = tpu.memref_squeeze %dma_wait3A_347 : memref<1x1x128xi32, #tpu.memory_space<vmem>> -> memref<128xi32, #tpu.memory_space<vmem>>
        %dma_wait3A_349 = tpu.memref_slice %arg2[%add3A_342] : memref<640000xi32, #tpu.memory_space<hbm>> -> memref<128xi32, #tpu.memory_space<hbm>>
        %dma_wait3A_350 = tpu.memref_slice %arg9[%dma_wait3A_345] : memref<8x!tpu.dma_semaphore, #tpu.memory_space<semaphore_mem>> -> memref<1x!tpu.dma_semaphore, #tpu.memory_space<semaphore_mem>>
        %dma_wait3A_351 = tpu.memref_squeeze %dma_wait3A_350 : memref<1x!tpu.dma_semaphore, #tpu.memory_space<semaphore_mem>> -> memref<!tpu.dma_semaphore, #tpu.memory_space<semaphore_mem>>
        %dma_wait3A_352 = arith.constant 0 : i32
        %dma_wait3A_353 = tpu.memref_slice %arg5[%dma_wait3A_343, %dma_wait3A_344, %dma_wait3A_352] : memref<8x2x128xi32, #tpu.memory_space<vmem>> -> memref<1x1x128xi32, #tpu.memory_space<vmem>>
        %dma_wait3A_354 = tpu.memref_squeeze %dma_wait3A_353 : memref<1x1x128xi32, #tpu.memory_space<vmem>> -> memref<128xi32, #tpu.memory_space<vmem>>
        %dma_wait3A_355 = tpu.memref_slice %arg2[%add3A_342] : memref<640000xi32, #tpu.memory_space<hbm>> -> memref<128xi32, #tpu.memory_space<hbm>>
        tpu.wait_dma2 semaphore(%dma_wait3A_351 : memref<!tpu.dma_semaphore, #tpu.memory_space<semaphore_mem>>) src(%dma_wait3A_355 : memref<128xi32, #tpu.memory_space<hbm>>) dst(%dma_wait3A_354 : memref<128xi32, #tpu.memory_space<vmem>>)
        %dma_wait3A_356 = arith.constant 0 : i32
        %dma_wait3A_357 = arith.constant 0 : i32
        %dma_wait3A_358 = arith.constant 1 : i32
        %dma_wait3A_359 = arith.constant 0 : i32
        %dma_wait3A_360 = arith.constant 0 : i32
        %dma_wait3A_361 = arith.constant 0 : i32
        %dma_wait3A_362 = tpu.memref_slice %arg6[%dma_wait3A_356, %dma_wait3A_360, %dma_wait3A_361] : memref<2x128x128xf32, #tpu.memory_space<vmem>> -> memref<1x128x128xf32, #tpu.memory_space<vmem>>
        %dma_wait3A_363 = tpu.memref_squeeze %dma_wait3A_362 : memref<1x128x128xf32, #tpu.memory_space<vmem>> -> memref<128x128xf32, #tpu.memory_space<vmem>>
        %dma_wait3A_364 = arith.constant 0 : i32
        %dma_wait3A_365 = tpu.memref_slice %arg5[%dma_wait3A_357, %dma_wait3A_358, %dma_wait3A_364] : memref<8x2x128xi32, #tpu.memory_space<vmem>> -> memref<1x1x128xi32, #tpu.memory_space<vmem>>
        %dma_wait3A_366 = tpu.memref_squeeze %dma_wait3A_365 : memref<1x1x128xi32, #tpu.memory_space<vmem>> -> memref<128xi32, #tpu.memory_space<vmem>>
        %dma_wait3A_367 = arith.constant 0 : i32
        %dma_wait3A_368 = arith.constant 0 : i32
        %dma_wait3A_369 = tpu.memref_slice %arg8[%dma_wait3A_367, %dma_wait3A_368] : memref<10000x128xf32, #tpu.memory_space<vmem_shared>> -> memref<10000x128xf32, #tpu.memory_space<vmem_shared>>
        %dma_wait3A_370 = tpu.memref_slice %arg11[%dma_wait3A_359] : memref<2x!tpu.dma_semaphore, #tpu.memory_space<semaphore_mem>> -> memref<1x!tpu.dma_semaphore, #tpu.memory_space<semaphore_mem>>
        %dma_wait3A_371 = tpu.memref_squeeze %dma_wait3A_370 : memref<1x!tpu.dma_semaphore, #tpu.memory_space<semaphore_mem>> -> memref<!tpu.dma_semaphore, #tpu.memory_space<semaphore_mem>>
        tpu.wait_indirect_dma semaphore(%dma_wait3A_371 : memref<!tpu.dma_semaphore, #tpu.memory_space<semaphore_mem>>) src(%dma_wait3A_363 : memref<128x128xf32, #tpu.memory_space<vmem>>) dst(%dma_wait3A_369 : memref<10000x128xf32, #tpu.memory_space<vmem_shared>>)
        %dma_start3A = arith.constant 6 : i32
        %dma_start3A_372 = arith.constant 0 : i32
        %dma_start3A_373 = arith.constant 0 : i32
        %dma_start3A_374 = arith.constant 0 : i32
        %dma_start3A_375 = arith.constant 0 : i32
        %dma_start3A_376 = arith.constant 0 : i32
        %dma_start3A_377 = tpu.memref_slice %arg6[%dma_start3A_373, %dma_start3A_375, %dma_start3A_376] : memref<2x128x128xf32, #tpu.memory_space<vmem>> -> memref<1x128x128xf32, #tpu.memory_space<vmem>>
        %dma_start3A_378 = tpu.memref_squeeze %dma_start3A_377 : memref<1x128x128xf32, #tpu.memory_space<vmem>> -> memref<128x128xf32, #tpu.memory_space<vmem>>
        %dma_start3A_379 = arith.constant 0 : i32
        %dma_start3A_380 = tpu.memref_slice %arg5[%dma_start3A, %dma_start3A_372, %dma_start3A_379] : memref<8x2x128xi32, #tpu.memory_space<vmem>> -> memref<1x1x128xi32, #tpu.memory_space<vmem>>
        %dma_start3A_381 = tpu.memref_squeeze %dma_start3A_380 : memref<1x1x128xi32, #tpu.memory_space<vmem>> -> memref<128xi32, #tpu.memory_space<vmem>>
        %dma_start3A_382 = arith.constant 0 : i32
        %dma_start3A_383 = arith.constant 0 : i32
        %dma_start3A_384 = tpu.memref_slice %arg3[%dma_start3A_382, %dma_start3A_383] : memref<10000x128xf32, #tpu.memory_space<hbm>> -> memref<10000x128xf32, #tpu.memory_space<hbm>>
        %dma_start3A_385 = tpu.memref_slice %arg10[%dma_start3A_374] : memref<2x!tpu.dma_semaphore, #tpu.memory_space<semaphore_mem>> -> memref<1x!tpu.dma_semaphore, #tpu.memory_space<semaphore_mem>>
        %dma_start3A_386 = tpu.memref_squeeze %dma_start3A_385 : memref<1x!tpu.dma_semaphore, #tpu.memory_space<semaphore_mem>> -> memref<!tpu.dma_semaphore, #tpu.memory_space<semaphore_mem>>
        tpu.enqueue_indirect_dma source(%dma_start3A_384 : memref<10000x128xf32, #tpu.memory_space<hbm>>) target(%dma_start3A_378 : memref<128x128xf32, #tpu.memory_space<vmem>>) offsets(%dma_start3A_381 : memref<128xi32, #tpu.memory_space<vmem>>) semaphore(%dma_start3A_386 : memref<!tpu.dma_semaphore, #tpu.memory_space<semaphore_mem>>)
      } else {
      }
      %add3A_284 = arith.constant 1 : i32
      %add3A_285 = arith.addi %mul3A_203, %add3A_284 : i32
      %mul3A_286 = arith.constant 32 : i32
      %mul3A_287 = arith.muli %add3A_285, %mul3A_286 : i32
      %add3A_288 = arith.addi %add3A, %mul3A_287 : i32
      %lt3A_289 = arith.constant 2500 : i32
      %lt3A_290 = arith.cmpi slt, %add3A_288, %lt3A_289 : i32
      %convert_element_type3A_291 = arith.extui %lt3A_290 : i1 to i32
      %cond3A_292 = arith.constant 0 : i32
      %cond3A_293 = arith.cmpi ne, %convert_element_type3A_291, %cond3A_292 : i32
      scf.if %cond3A_293 {
        %dma_wait3A_324 = arith.constant 5 : i32
        %dma_wait3A_325 = arith.constant 0 : i32
        %dma_wait3A_326 = arith.constant 1 : i32
        %dma_wait3A_327 = arith.constant 1 : i32
        %dma_wait3A_328 = arith.constant 0 : i32
        %dma_wait3A_329 = arith.constant 0 : i32
        %dma_wait3A_330 = tpu.memref_slice %arg6[%dma_wait3A_326, %dma_wait3A_328, %dma_wait3A_329] : memref<2x128x128xf32, #tpu.memory_space<vmem>> -> memref<1x128x128xf32, #tpu.memory_space<vmem>>
        %dma_wait3A_331 = tpu.memref_squeeze %dma_wait3A_330 : memref<1x128x128xf32, #tpu.memory_space<vmem>> -> memref<128x128xf32, #tpu.memory_space<vmem>>
        %dma_wait3A_332 = arith.constant 0 : i32
        %dma_wait3A_333 = tpu.memref_slice %arg5[%dma_wait3A_324, %dma_wait3A_325, %dma_wait3A_332] : memref<8x2x128xi32, #tpu.memory_space<vmem>> -> memref<1x1x128xi32, #tpu.memory_space<vmem>>
        %dma_wait3A_334 = tpu.memref_squeeze %dma_wait3A_333 : memref<1x1x128xi32, #tpu.memory_space<vmem>> -> memref<128xi32, #tpu.memory_space<vmem>>
        %dma_wait3A_335 = arith.constant 0 : i32
        %dma_wait3A_336 = arith.constant 0 : i32
        %dma_wait3A_337 = tpu.memref_slice %arg3[%dma_wait3A_335, %dma_wait3A_336] : memref<10000x128xf32, #tpu.memory_space<hbm>> -> memref<10000x128xf32, #tpu.memory_space<hbm>>
        %dma_wait3A_338 = tpu.memref_slice %arg10[%dma_wait3A_327] : memref<2x!tpu.dma_semaphore, #tpu.memory_space<semaphore_mem>> -> memref<1x!tpu.dma_semaphore, #tpu.memory_space<semaphore_mem>>
        %dma_wait3A_339 = tpu.memref_squeeze %dma_wait3A_338 : memref<1x!tpu.dma_semaphore, #tpu.memory_space<semaphore_mem>> -> memref<!tpu.dma_semaphore, #tpu.memory_space<semaphore_mem>>
        tpu.wait_indirect_dma semaphore(%dma_wait3A_339 : memref<!tpu.dma_semaphore, #tpu.memory_space<semaphore_mem>>) src(%dma_wait3A_337 : memref<10000x128xf32, #tpu.memory_space<hbm>>) dst(%dma_wait3A_331 : memref<128x128xf32, #tpu.memory_space<vmem>>)
        %dma_start3A = arith.constant 1 : i32
        %dma_start3A_340 = arith.constant 5 : i32
        %dma_start3A_341 = arith.constant 1 : i32
        %dma_start3A_342 = arith.constant 1 : i32
        %dma_start3A_343 = arith.constant 0 : i32
        %dma_start3A_344 = arith.constant 0 : i32
        %dma_start3A_345 = tpu.memref_slice %arg6[%dma_start3A, %dma_start3A_343, %dma_start3A_344] : memref<2x128x128xf32, #tpu.memory_space<vmem>> -> memref<1x128x128xf32, #tpu.memory_space<vmem>>
        %dma_start3A_346 = tpu.memref_squeeze %dma_start3A_345 : memref<1x128x128xf32, #tpu.memory_space<vmem>> -> memref<128x128xf32, #tpu.memory_space<vmem>>
        %dma_start3A_347 = arith.constant 0 : i32
        %dma_start3A_348 = tpu.memref_slice %arg5[%dma_start3A_340, %dma_start3A_341, %dma_start3A_347] : memref<8x2x128xi32, #tpu.memory_space<vmem>> -> memref<1x1x128xi32, #tpu.memory_space<vmem>>
        %dma_start3A_349 = tpu.memref_squeeze %dma_start3A_348 : memref<1x1x128xi32, #tpu.memory_space<vmem>> -> memref<128xi32, #tpu.memory_space<vmem>>
        %dma_start3A_350 = arith.constant 0 : i32
        %dma_start3A_351 = arith.constant 0 : i32
        %dma_start3A_352 = tpu.memref_slice %arg8[%dma_start3A_350, %dma_start3A_351] : memref<10000x128xf32, #tpu.memory_space<vmem_shared>> -> memref<10000x128xf32, #tpu.memory_space<vmem_shared>>
        %dma_start3A_353 = tpu.memref_slice %arg11[%dma_start3A_342] : memref<2x!tpu.dma_semaphore, #tpu.memory_space<semaphore_mem>> -> memref<1x!tpu.dma_semaphore, #tpu.memory_space<semaphore_mem>>
        %dma_start3A_354 = tpu.memref_squeeze %dma_start3A_353 : memref<1x!tpu.dma_semaphore, #tpu.memory_space<semaphore_mem>> -> memref<!tpu.dma_semaphore, #tpu.memory_space<semaphore_mem>>
        tpu.enqueue_indirect_dma source(%dma_start3A_346 : memref<128x128xf32, #tpu.memory_space<vmem>>) target(%dma_start3A_352 : memref<10000x128xf32, #tpu.memory_space<vmem_shared>>) offsets(%dma_start3A_349 : memref<128xi32, #tpu.memory_space<vmem>>) semaphore(%dma_start3A_354 : memref<!tpu.dma_semaphore, #tpu.memory_space<semaphore_mem>>) {add = true}
      } else {
      }
      %add3A_294 = arith.constant 3 : i32
      %add3A_295 = arith.addi %mul3A_203, %add3A_294 : i32
      %mul3A_296 = arith.constant 32 : i32
      %mul3A_297 = arith.muli %add3A_295, %mul3A_296 : i32
      %add3A_298 = arith.addi %add3A, %mul3A_297 : i32
      %lt3A_299 = arith.constant 2500 : i32
      %lt3A_300 = arith.cmpi slt, %add3A_298, %lt3A_299 : i32
      %convert_element_type3A_301 = arith.extui %lt3A_300 : i1 to i32
      %cond3A_302 = arith.constant 0 : i32
      %cond3A_303 = arith.cmpi ne, %convert_element_type3A_301, %cond3A_302 : i32
      scf.if %cond3A_303 {
        %mul3A_324 = arith.constant 128 : i32
        %mul3A_325 = arith.muli %add3A_298, %mul3A_324 : i32
        %dma_wait3A_326 = arith.constant 7 : i32
        %dma_wait3A_327 = arith.constant 0 : i32
        %dma_wait3A_328 = arith.constant 7 : i32
        %dma_wait3A_329 = arith.constant 0 : i32
        %dma_wait3A_330 = tpu.memref_slice %arg5[%dma_wait3A_326, %dma_wait3A_327, %dma_wait3A_329] : memref<8x2x128xi32, #tpu.memory_space<vmem>> -> memref<1x1x128xi32, #tpu.memory_space<vmem>>
        %dma_wait3A_331 = tpu.memref_squeeze %dma_wait3A_330 : memref<1x1x128xi32, #tpu.memory_space<vmem>> -> memref<128xi32, #tpu.memory_space<vmem>>
        %dma_wait3A_332 = tpu.memref_slice %arg2[%mul3A_325] : memref<640000xi32, #tpu.memory_space<hbm>> -> memref<128xi32, #tpu.memory_space<hbm>>
        %dma_wait3A_333 = tpu.memref_slice %arg9[%dma_wait3A_328] : memref<8x!tpu.dma_semaphore, #tpu.memory_space<semaphore_mem>> -> memref<1x!tpu.dma_semaphore, #tpu.memory_space<semaphore_mem>>
        %dma_wait3A_334 = tpu.memref_squeeze %dma_wait3A_333 : memref<1x!tpu.dma_semaphore, #tpu.memory_space<semaphore_mem>> -> memref<!tpu.dma_semaphore, #tpu.memory_space<semaphore_mem>>
        %dma_wait3A_335 = arith.constant 0 : i32
        %dma_wait3A_336 = tpu.memref_slice %arg5[%dma_wait3A_326, %dma_wait3A_327, %dma_wait3A_335] : memref<8x2x128xi32, #tpu.memory_space<vmem>> -> memref<1x1x128xi32, #tpu.memory_space<vmem>>
        %dma_wait3A_337 = tpu.memref_squeeze %dma_wait3A_336 : memref<1x1x128xi32, #tpu.memory_space<vmem>> -> memref<128xi32, #tpu.memory_space<vmem>>
        %dma_wait3A_338 = tpu.memref_slice %arg2[%mul3A_325] : memref<640000xi32, #tpu.memory_space<hbm>> -> memref<128xi32, #tpu.memory_space<hbm>>
        tpu.wait_dma2 semaphore(%dma_wait3A_334 : memref<!tpu.dma_semaphore, #tpu.memory_space<semaphore_mem>>) src(%dma_wait3A_338 : memref<128xi32, #tpu.memory_space<hbm>>) dst(%dma_wait3A_337 : memref<128xi32, #tpu.memory_space<vmem>>)
        %mul3A_339 = arith.constant 128 : i32
        %mul3A_340 = arith.muli %add3A_298, %mul3A_339 : i32
        %add3A_341 = arith.constant 320000 : i32
        %add3A_342 = arith.addi %add3A_341, %mul3A_340 : i32
        %dma_wait3A_343 = arith.constant 7 : i32
        %dma_wait3A_344 = arith.constant 1 : i32
        %dma_wait3A_345 = arith.constant 7 : i32
        %dma_wait3A_346 = arith.constant 0 : i32
        %dma_wait3A_347 = tpu.memref_slice %arg5[%dma_wait3A_343, %dma_wait3A_344, %dma_wait3A_346] : memref<8x2x128xi32, #tpu.memory_space<vmem>> -> memref<1x1x128xi32, #tpu.memory_space<vmem>>
        %dma_wait3A_348 = tpu.memref_squeeze %dma_wait3A_347 : memref<1x1x128xi32, #tpu.memory_space<vmem>> -> memref<128xi32, #tpu.memory_space<vmem>>
        %dma_wait3A_349 = tpu.memref_slice %arg2[%add3A_342] : memref<640000xi32, #tpu.memory_space<hbm>> -> memref<128xi32, #tpu.memory_space<hbm>>
        %dma_wait3A_350 = tpu.memref_slice %arg9[%dma_wait3A_345] : memref<8x!tpu.dma_semaphore, #tpu.memory_space<semaphore_mem>> -> memref<1x!tpu.dma_semaphore, #tpu.memory_space<semaphore_mem>>
        %dma_wait3A_351 = tpu.memref_squeeze %dma_wait3A_350 : memref<1x!tpu.dma_semaphore, #tpu.memory_space<semaphore_mem>> -> memref<!tpu.dma_semaphore, #tpu.memory_space<semaphore_mem>>
        %dma_wait3A_352 = arith.constant 0 : i32
        %dma_wait3A_353 = tpu.memref_slice %arg5[%dma_wait3A_343, %dma_wait3A_344, %dma_wait3A_352] : memref<8x2x128xi32, #tpu.memory_space<vmem>> -> memref<1x1x128xi32, #tpu.memory_space<vmem>>
        %dma_wait3A_354 = tpu.memref_squeeze %dma_wait3A_353 : memref<1x1x128xi32, #tpu.memory_space<vmem>> -> memref<128xi32, #tpu.memory_space<vmem>>
        %dma_wait3A_355 = tpu.memref_slice %arg2[%add3A_342] : memref<640000xi32, #tpu.memory_space<hbm>> -> memref<128xi32, #tpu.memory_space<hbm>>
        tpu.wait_dma2 semaphore(%dma_wait3A_351 : memref<!tpu.dma_semaphore, #tpu.memory_space<semaphore_mem>>) src(%dma_wait3A_355 : memref<128xi32, #tpu.memory_space<hbm>>) dst(%dma_wait3A_354 : memref<128xi32, #tpu.memory_space<vmem>>)
        %dma_wait3A_356 = arith.constant 1 : i32
        %dma_wait3A_357 = arith.constant 0 : i32
        %dma_wait3A_358 = arith.constant 1 : i32
        %dma_wait3A_359 = arith.constant 1 : i32
        %dma_wait3A_360 = arith.constant 0 : i32
        %dma_wait3A_361 = arith.constant 0 : i32
        %dma_wait3A_362 = tpu.memref_slice %arg6[%dma_wait3A_356, %dma_wait3A_360, %dma_wait3A_361] : memref<2x128x128xf32, #tpu.memory_space<vmem>> -> memref<1x128x128xf32, #tpu.memory_space<vmem>>
        %dma_wait3A_363 = tpu.memref_squeeze %dma_wait3A_362 : memref<1x128x128xf32, #tpu.memory_space<vmem>> -> memref<128x128xf32, #tpu.memory_space<vmem>>
        %dma_wait3A_364 = arith.constant 0 : i32
        %dma_wait3A_365 = tpu.memref_slice %arg5[%dma_wait3A_357, %dma_wait3A_358, %dma_wait3A_364] : memref<8x2x128xi32, #tpu.memory_space<vmem>> -> memref<1x1x128xi32, #tpu.memory_space<vmem>>
        %dma_wait3A_366 = tpu.memref_squeeze %dma_wait3A_365 : memref<1x1x128xi32, #tpu.memory_space<vmem>> -> memref<128xi32, #tpu.memory_space<vmem>>
        %dma_wait3A_367 = arith.constant 0 : i32
        %dma_wait3A_368 = arith.constant 0 : i32
        %dma_wait3A_369 = tpu.memref_slice %arg8[%dma_wait3A_367, %dma_wait3A_368] : memref<10000x128xf32, #tpu.memory_space<vmem_shared>> -> memref<10000x128xf32, #tpu.memory_space<vmem_shared>>
        %dma_wait3A_370 = tpu.memref_slice %arg11[%dma_wait3A_359] : memref<2x!tpu.dma_semaphore, #tpu.memory_space<semaphore_mem>> -> memref<1x!tpu.dma_semaphore, #tpu.memory_space<semaphore_mem>>
        %dma_wait3A_371 = tpu.memref_squeeze %dma_wait3A_370 : memref<1x!tpu.dma_semaphore, #tpu.memory_space<semaphore_mem>> -> memref<!tpu.dma_semaphore, #tpu.memory_space<semaphore_mem>>
        tpu.wait_indirect_dma semaphore(%dma_wait3A_371 : memref<!tpu.dma_semaphore, #tpu.memory_space<semaphore_mem>>) src(%dma_wait3A_363 : memref<128x128xf32, #tpu.memory_space<vmem>>) dst(%dma_wait3A_369 : memref<10000x128xf32, #tpu.memory_space<vmem_shared>>)
        %dma_start3A = arith.constant 7 : i32
        %dma_start3A_372 = arith.constant 0 : i32
        %dma_start3A_373 = arith.constant 1 : i32
        %dma_start3A_374 = arith.constant 1 : i32
        %dma_start3A_375 = arith.constant 0 : i32
        %dma_start3A_376 = arith.constant 0 : i32
        %dma_start3A_377 = tpu.memref_slice %arg6[%dma_start3A_373, %dma_start3A_375, %dma_start3A_376] : memref<2x128x128xf32, #tpu.memory_space<vmem>> -> memref<1x128x128xf32, #tpu.memory_space<vmem>>
        %dma_start3A_378 = tpu.memref_squeeze %dma_start3A_377 : memref<1x128x128xf32, #tpu.memory_space<vmem>> -> memref<128x128xf32, #tpu.memory_space<vmem>>
        %dma_start3A_379 = arith.constant 0 : i32
        %dma_start3A_380 = tpu.memref_slice %arg5[%dma_start3A, %dma_start3A_372, %dma_start3A_379] : memref<8x2x128xi32, #tpu.memory_space<vmem>> -> memref<1x1x128xi32, #tpu.memory_space<vmem>>
        %dma_start3A_381 = tpu.memref_squeeze %dma_start3A_380 : memref<1x1x128xi32, #tpu.memory_space<vmem>> -> memref<128xi32, #tpu.memory_space<vmem>>
        %dma_start3A_382 = arith.constant 0 : i32
        %dma_start3A_383 = arith.constant 0 : i32
        %dma_start3A_384 = tpu.memref_slice %arg3[%dma_start3A_382, %dma_start3A_383] : memref<10000x128xf32, #tpu.memory_space<hbm>> -> memref<10000x128xf32, #tpu.memory_space<hbm>>
        %dma_start3A_385 = tpu.memref_slice %arg10[%dma_start3A_374] : memref<2x!tpu.dma_semaphore, #tpu.memory_space<semaphore_mem>> -> memref<1x!tpu.dma_semaphore, #tpu.memory_space<semaphore_mem>>
        %dma_start3A_386 = tpu.memref_squeeze %dma_start3A_385 : memref<1x!tpu.dma_semaphore, #tpu.memory_space<semaphore_mem>> -> memref<!tpu.dma_semaphore, #tpu.memory_space<semaphore_mem>>
        tpu.enqueue_indirect_dma source(%dma_start3A_384 : memref<10000x128xf32, #tpu.memory_space<hbm>>) target(%dma_start3A_378 : memref<128x128xf32, #tpu.memory_space<vmem>>) offsets(%dma_start3A_381 : memref<128xi32, #tpu.memory_space<vmem>>) semaphore(%dma_start3A_386 : memref<!tpu.dma_semaphore, #tpu.memory_space<semaphore_mem>>)
      } else {
      }
      %add3A_304 = arith.constant 2 : i32
      %add3A_305 = arith.addi %mul3A_203, %add3A_304 : i32
      %mul3A_306 = arith.constant 32 : i32
      %mul3A_307 = arith.muli %add3A_305, %mul3A_306 : i32
      %add3A_308 = arith.addi %add3A, %mul3A_307 : i32
      %lt3A_309 = arith.constant 2500 : i32
      %lt3A_310 = arith.cmpi slt, %add3A_308, %lt3A_309 : i32
      %convert_element_type3A_311 = arith.extui %lt3A_310 : i1 to i32
      %cond3A_312 = arith.constant 0 : i32
      %cond3A_313 = arith.cmpi ne, %convert_element_type3A_311, %cond3A_312 : i32
      scf.if %cond3A_313 {
        %dma_wait3A_324 = arith.constant 6 : i32
        %dma_wait3A_325 = arith.constant 0 : i32
        %dma_wait3A_326 = arith.constant 0 : i32
        %dma_wait3A_327 = arith.constant 0 : i32
        %dma_wait3A_328 = arith.constant 0 : i32
        %dma_wait3A_329 = arith.constant 0 : i32
        %dma_wait3A_330 = tpu.memref_slice %arg6[%dma_wait3A_326, %dma_wait3A_328, %dma_wait3A_329] : memref<2x128x128xf32, #tpu.memory_space<vmem>> -> memref<1x128x128xf32, #tpu.memory_space<vmem>>
        %dma_wait3A_331 = tpu.memref_squeeze %dma_wait3A_330 : memref<1x128x128xf32, #tpu.memory_space<vmem>> -> memref<128x128xf32, #tpu.memory_space<vmem>>
        %dma_wait3A_332 = arith.constant 0 : i32
        %dma_wait3A_333 = tpu.memref_slice %arg5[%dma_wait3A_324, %dma_wait3A_325, %dma_wait3A_332] : memref<8x2x128xi32, #tpu.memory_space<vmem>> -> memref<1x1x128xi32, #tpu.memory_space<vmem>>
        %dma_wait3A_334 = tpu.memref_squeeze %dma_wait3A_333 : memref<1x1x128xi32, #tpu.memory_space<vmem>> -> memref<128xi32, #tpu.memory_space<vmem>>
        %dma_wait3A_335 = arith.constant 0 : i32
        %dma_wait3A_336 = arith.constant 0 : i32
        %dma_wait3A_337 = tpu.memref_slice %arg3[%dma_wait3A_335, %dma_wait3A_336] : memref<10000x128xf32, #tpu.memory_space<hbm>> -> memref<10000x128xf32, #tpu.memory_space<hbm>>
        %dma_wait3A_338 = tpu.memref_slice %arg10[%dma_wait3A_327] : memref<2x!tpu.dma_semaphore, #tpu.memory_space<semaphore_mem>> -> memref<1x!tpu.dma_semaphore, #tpu.memory_space<semaphore_mem>>
        %dma_wait3A_339 = tpu.memref_squeeze %dma_wait3A_338 : memref<1x!tpu.dma_semaphore, #tpu.memory_space<semaphore_mem>> -> memref<!tpu.dma_semaphore, #tpu.memory_space<semaphore_mem>>
        tpu.wait_indirect_dma semaphore(%dma_wait3A_339 : memref<!tpu.dma_semaphore, #tpu.memory_space<semaphore_mem>>) src(%dma_wait3A_337 : memref<10000x128xf32, #tpu.memory_space<hbm>>) dst(%dma_wait3A_331 : memref<128x128xf32, #tpu.memory_space<vmem>>)
        %dma_start3A = arith.constant 0 : i32
        %dma_start3A_340 = arith.constant 6 : i32
        %dma_start3A_341 = arith.constant 1 : i32
        %dma_start3A_342 = arith.constant 0 : i32
        %dma_start3A_343 = arith.constant 0 : i32
        %dma_start3A_344 = arith.constant 0 : i32
        %dma_start3A_345 = tpu.memref_slice %arg6[%dma_start3A, %dma_start3A_343, %dma_start3A_344] : memref<2x128x128xf32, #tpu.memory_space<vmem>> -> memref<1x128x128xf32, #tpu.memory_space<vmem>>
        %dma_start3A_346 = tpu.memref_squeeze %dma_start3A_345 : memref<1x128x128xf32, #tpu.memory_space<vmem>> -> memref<128x128xf32, #tpu.memory_space<vmem>>
        %dma_start3A_347 = arith.constant 0 : i32
        %dma_start3A_348 = tpu.memref_slice %arg5[%dma_start3A_340, %dma_start3A_341, %dma_start3A_347] : memref<8x2x128xi32, #tpu.memory_space<vmem>> -> memref<1x1x128xi32, #tpu.memory_space<vmem>>
        %dma_start3A_349 = tpu.memref_squeeze %dma_start3A_348 : memref<1x1x128xi32, #tpu.memory_space<vmem>> -> memref<128xi32, #tpu.memory_space<vmem>>
        %dma_start3A_350 = arith.constant 0 : i32
        %dma_start3A_351 = arith.constant 0 : i32
        %dma_start3A_352 = tpu.memref_slice %arg8[%dma_start3A_350, %dma_start3A_351] : memref<10000x128xf32, #tpu.memory_space<vmem_shared>> -> memref<10000x128xf32, #tpu.memory_space<vmem_shared>>
        %dma_start3A_353 = tpu.memref_slice %arg11[%dma_start3A_342] : memref<2x!tpu.dma_semaphore, #tpu.memory_space<semaphore_mem>> -> memref<1x!tpu.dma_semaphore, #tpu.memory_space<semaphore_mem>>
        %dma_start3A_354 = tpu.memref_squeeze %dma_start3A_353 : memref<1x!tpu.dma_semaphore, #tpu.memory_space<semaphore_mem>> -> memref<!tpu.dma_semaphore, #tpu.memory_space<semaphore_mem>>
        tpu.enqueue_indirect_dma source(%dma_start3A_346 : memref<128x128xf32, #tpu.memory_space<vmem>>) target(%dma_start3A_352 : memref<10000x128xf32, #tpu.memory_space<vmem_shared>>) offsets(%dma_start3A_349 : memref<128xi32, #tpu.memory_space<vmem>>) semaphore(%dma_start3A_354 : memref<!tpu.dma_semaphore, #tpu.memory_space<semaphore_mem>>) {add = true}
      } else {
      }
      %add3A_314 = arith.constant 3 : i32
      %add3A_315 = arith.addi %mul3A_203, %add3A_314 : i32
      %mul3A_316 = arith.constant 32 : i32
      %mul3A_317 = arith.muli %add3A_315, %mul3A_316 : i32
      %add3A_318 = arith.addi %add3A, %mul3A_317 : i32
      %lt3A_319 = arith.constant 2500 : i32
      %lt3A_320 = arith.cmpi slt, %add3A_318, %lt3A_319 : i32
      %convert_element_type3A_321 = arith.extui %lt3A_320 : i1 to i32
      %cond3A_322 = arith.constant 0 : i32
      %cond3A_323 = arith.cmpi ne, %convert_element_type3A_321, %cond3A_322 : i32
      scf.if %cond3A_323 {
        %dma_wait3A_324 = arith.constant 7 : i32
        %dma_wait3A_325 = arith.constant 0 : i32
        %dma_wait3A_326 = arith.constant 1 : i32
        %dma_wait3A_327 = arith.constant 1 : i32
        %dma_wait3A_328 = arith.constant 0 : i32
        %dma_wait3A_329 = arith.constant 0 : i32
        %dma_wait3A_330 = tpu.memref_slice %arg6[%dma_wait3A_326, %dma_wait3A_328, %dma_wait3A_329] : memref<2x128x128xf32, #tpu.memory_space<vmem>> -> memref<1x128x128xf32, #tpu.memory_space<vmem>>
        %dma_wait3A_331 = tpu.memref_squeeze %dma_wait3A_330 : memref<1x128x128xf32, #tpu.memory_space<vmem>> -> memref<128x128xf32, #tpu.memory_space<vmem>>
        %dma_wait3A_332 = arith.constant 0 : i32
        %dma_wait3A_333 = tpu.memref_slice %arg5[%dma_wait3A_324, %dma_wait3A_325, %dma_wait3A_332] : memref<8x2x128xi32, #tpu.memory_space<vmem>> -> memref<1x1x128xi32, #tpu.memory_space<vmem>>
        %dma_wait3A_334 = tpu.memref_squeeze %dma_wait3A_333 : memref<1x1x128xi32, #tpu.memory_space<vmem>> -> memref<128xi32, #tpu.memory_space<vmem>>
        %dma_wait3A_335 = arith.constant 0 : i32
        %dma_wait3A_336 = arith.constant 0 : i32
        %dma_wait3A_337 = tpu.memref_slice %arg3[%dma_wait3A_335, %dma_wait3A_336] : memref<10000x128xf32, #tpu.memory_space<hbm>> -> memref<10000x128xf32, #tpu.memory_space<hbm>>
        %dma_wait3A_338 = tpu.memref_slice %arg10[%dma_wait3A_327] : memref<2x!tpu.dma_semaphore, #tpu.memory_space<semaphore_mem>> -> memref<1x!tpu.dma_semaphore, #tpu.memory_space<semaphore_mem>>
        %dma_wait3A_339 = tpu.memref_squeeze %dma_wait3A_338 : memref<1x!tpu.dma_semaphore, #tpu.memory_space<semaphore_mem>> -> memref<!tpu.dma_semaphore, #tpu.memory_space<semaphore_mem>>
        tpu.wait_indirect_dma semaphore(%dma_wait3A_339 : memref<!tpu.dma_semaphore, #tpu.memory_space<semaphore_mem>>) src(%dma_wait3A_337 : memref<10000x128xf32, #tpu.memory_space<hbm>>) dst(%dma_wait3A_331 : memref<128x128xf32, #tpu.memory_space<vmem>>)
        %dma_start3A = arith.constant 1 : i32
        %dma_start3A_340 = arith.constant 7 : i32
        %dma_start3A_341 = arith.constant 1 : i32
        %dma_start3A_342 = arith.constant 1 : i32
        %dma_start3A_343 = arith.constant 0 : i32
        %dma_start3A_344 = arith.constant 0 : i32
        %dma_start3A_345 = tpu.memref_slice %arg6[%dma_start3A, %dma_start3A_343, %dma_start3A_344] : memref<2x128x128xf32, #tpu.memory_space<vmem>> -> memref<1x128x128xf32, #tpu.memory_space<vmem>>
        %dma_start3A_346 = tpu.memref_squeeze %dma_start3A_345 : memref<1x128x128xf32, #tpu.memory_space<vmem>> -> memref<128x128xf32, #tpu.memory_space<vmem>>
        %dma_start3A_347 = arith.constant 0 : i32
        %dma_start3A_348 = tpu.memref_slice %arg5[%dma_start3A_340, %dma_start3A_341, %dma_start3A_347] : memref<8x2x128xi32, #tpu.memory_space<vmem>> -> memref<1x1x128xi32, #tpu.memory_space<vmem>>
        %dma_start3A_349 = tpu.memref_squeeze %dma_start3A_348 : memref<1x1x128xi32, #tpu.memory_space<vmem>> -> memref<128xi32, #tpu.memory_space<vmem>>
        %dma_start3A_350 = arith.constant 0 : i32
        %dma_start3A_351 = arith.constant 0 : i32
        %dma_start3A_352 = tpu.memref_slice %arg8[%dma_start3A_350, %dma_start3A_351] : memref<10000x128xf32, #tpu.memory_space<vmem_shared>> -> memref<10000x128xf32, #tpu.memory_space<vmem_shared>>
        %dma_start3A_353 = tpu.memref_slice %arg11[%dma_start3A_342] : memref<2x!tpu.dma_semaphore, #tpu.memory_space<semaphore_mem>> -> memref<1x!tpu.dma_semaphore, #tpu.memory_space<semaphore_mem>>
        %dma_start3A_354 = tpu.memref_squeeze %dma_start3A_353 : memref<1x!tpu.dma_semaphore, #tpu.memory_space<semaphore_mem>> -> memref<!tpu.dma_semaphore, #tpu.memory_space<semaphore_mem>>
        tpu.enqueue_indirect_dma source(%dma_start3A_346 : memref<128x128xf32, #tpu.memory_space<vmem>>) target(%dma_start3A_352 : memref<10000x128xf32, #tpu.memory_space<vmem_shared>>) offsets(%dma_start3A_349 : memref<128xi32, #tpu.memory_space<vmem>>) semaphore(%dma_start3A_354 : memref<!tpu.dma_semaphore, #tpu.memory_space<semaphore_mem>>) {add = true}
      } else {
      }
    }
    %scan3A_30 = arith.constant 10 : i32
    %dma_wait3A = arith.constant 0 : i32
    %dma_wait3A_31 = arith.constant 0 : i32
    %dma_wait3A_32 = arith.constant 1 : i32
    %dma_wait3A_33 = arith.constant 0 : i32
    %dma_wait3A_34 = arith.constant 0 : i32
    %dma_wait3A_35 = arith.constant 0 : i32
    %dma_wait3A_36 = tpu.memref_slice %arg6[%dma_wait3A, %dma_wait3A_34, %dma_wait3A_35] : memref<2x128x128xf32, #tpu.memory_space<vmem>> -> memref<1x128x128xf32, #tpu.memory_space<vmem>>
    %dma_wait3A_37 = tpu.memref_squeeze %dma_wait3A_36 : memref<1x128x128xf32, #tpu.memory_space<vmem>> -> memref<128x128xf32, #tpu.memory_space<vmem>>
    %dma_wait3A_38 = arith.constant 0 : i32
    %dma_wait3A_39 = tpu.memref_slice %arg5[%dma_wait3A_31, %dma_wait3A_32, %dma_wait3A_38] : memref<8x2x128xi32, #tpu.memory_space<vmem>> -> memref<1x1x128xi32, #tpu.memory_space<vmem>>
    %dma_wait3A_40 = tpu.memref_squeeze %dma_wait3A_39 : memref<1x1x128xi32, #tpu.memory_space<vmem>> -> memref<128xi32, #tpu.memory_space<vmem>>
    %dma_wait3A_41 = arith.constant 0 : i32
    %dma_wait3A_42 = arith.constant 0 : i32
    %dma_wait3A_43 = tpu.memref_slice %arg8[%dma_wait3A_41, %dma_wait3A_42] : memref<10000x128xf32, #tpu.memory_space<vmem_shared>> -> memref<10000x128xf32, #tpu.memory_space<vmem_shared>>
    %dma_wait3A_44 = tpu.memref_slice %arg11[%dma_wait3A_33] : memref<2x!tpu.dma_semaphore, #tpu.memory_space<semaphore_mem>> -> memref<1x!tpu.dma_semaphore, #tpu.memory_space<semaphore_mem>>
    %dma_wait3A_45 = tpu.memref_squeeze %dma_wait3A_44 : memref<1x!tpu.dma_semaphore, #tpu.memory_space<semaphore_mem>> -> memref<!tpu.dma_semaphore, #tpu.memory_space<semaphore_mem>>
    tpu.wait_indirect_dma semaphore(%dma_wait3A_45 : memref<!tpu.dma_semaphore, #tpu.memory_space<semaphore_mem>>) src(%dma_wait3A_37 : memref<128x128xf32, #tpu.memory_space<vmem>>) dst(%dma_wait3A_43 : memref<10000x128xf32, #tpu.memory_space<vmem_shared>>)
    %dma_wait3A_46 = arith.constant 1 : i32
    %dma_wait3A_47 = arith.constant 0 : i32
    %dma_wait3A_48 = arith.constant 1 : i32
    %dma_wait3A_49 = arith.constant 1 : i32
    %dma_wait3A_50 = arith.constant 0 : i32
    %dma_wait3A_51 = arith.constant 0 : i32
    %dma_wait3A_52 = tpu.memref_slice %arg6[%dma_wait3A_46, %dma_wait3A_50, %dma_wait3A_51] : memref<2x128x128xf32, #tpu.memory_space<vmem>> -> memref<1x128x128xf32, #tpu.memory_space<vmem>>
    %dma_wait3A_53 = tpu.memref_squeeze %dma_wait3A_52 : memref<1x128x128xf32, #tpu.memory_space<vmem>> -> memref<128x128xf32, #tpu.memory_space<vmem>>
    %dma_wait3A_54 = arith.constant 0 : i32
    %dma_wait3A_55 = tpu.memref_slice %arg5[%dma_wait3A_47, %dma_wait3A_48, %dma_wait3A_54] : memref<8x2x128xi32, #tpu.memory_space<vmem>> -> memref<1x1x128xi32, #tpu.memory_space<vmem>>
    %dma_wait3A_56 = tpu.memref_squeeze %dma_wait3A_55 : memref<1x1x128xi32, #tpu.memory_space<vmem>> -> memref<128xi32, #tpu.memory_space<vmem>>
    %dma_wait3A_57 = arith.constant 0 : i32
    %dma_wait3A_58 = arith.constant 0 : i32
    %dma_wait3A_59 = tpu.memref_slice %arg8[%dma_wait3A_57, %dma_wait3A_58] : memref<10000x128xf32, #tpu.memory_space<vmem_shared>> -> memref<10000x128xf32, #tpu.memory_space<vmem_shared>>
    %dma_wait3A_60 = tpu.memref_slice %arg11[%dma_wait3A_49] : memref<2x!tpu.dma_semaphore, #tpu.memory_space<semaphore_mem>> -> memref<1x!tpu.dma_semaphore, #tpu.memory_space<semaphore_mem>>
    %dma_wait3A_61 = tpu.memref_squeeze %dma_wait3A_60 : memref<1x!tpu.dma_semaphore, #tpu.memory_space<semaphore_mem>> -> memref<!tpu.dma_semaphore, #tpu.memory_space<semaphore_mem>>
    tpu.wait_indirect_dma semaphore(%dma_wait3A_61 : memref<!tpu.dma_semaphore, #tpu.memory_space<semaphore_mem>>) src(%dma_wait3A_53 : memref<128x128xf32, #tpu.memory_space<vmem>>) dst(%dma_wait3A_59 : memref<10000x128xf32, #tpu.memory_space<vmem_shared>>)
    %barrier3A_62 = arith.constant 0 : index
    tpu.barrier barrier_id(%barrier3A_62)
    %mul3A_63 = arith.constant 624 : i32
    %mul3A_64 = arith.muli %arg1, %mul3A_63 : i32
    %mul3A_65 = arith.constant 624 : i32
    %mul3A_66 = arith.muli %arg1, %mul3A_65 : i32
    "tpu.region"() ({
      %run_scoped3A = tpu.sem_alloc : memref<!tpu.dma_semaphore, #tpu.memory_space<semaphore_mem>>
      %dma_start3A = arith.constant 0 : i32
      %dma_start3A_72 = tpu.memref_slice %arg4[%arg0, %mul3A_66, %dma_start3A] : memref<2x10000x128xf32, #tpu.memory_space<hbm>> -> memref<1x624x128xf32, #tpu.memory_space<hbm>>
      %dma_start3A_73 = tpu.memref_squeeze %dma_start3A_72 : memref<1x624x128xf32, #tpu.memory_space<hbm>> -> memref<624x128xf32, #tpu.memory_space<hbm>>
      %dma_start3A_74 = arith.constant 0 : i32
      %dma_start3A_75 = tpu.memref_slice %arg8[%mul3A_64, %dma_start3A_74] : memref<10000x128xf32, #tpu.memory_space<vmem_shared>> -> memref<624x128xf32, #tpu.memory_space<vmem_shared>>
      tpu.enqueue_dma source(%dma_start3A_75 : memref<624x128xf32, #tpu.memory_space<vmem_shared>>) target(%dma_start3A_73 : memref<624x128xf32, #tpu.memory_space<hbm>>) target_semaphore(%run_scoped3A : memref<!tpu.dma_semaphore, #tpu.memory_space<semaphore_mem>>)
      %dma_wait3A_76 = arith.constant 0 : i32
      %dma_wait3A_77 = tpu.memref_slice %arg4[%arg0, %mul3A_66, %dma_wait3A_76] : memref<2x10000x128xf32, #tpu.memory_space<hbm>> -> memref<1x624x128xf32, #tpu.memory_space<hbm>>
      %dma_wait3A_78 = tpu.memref_squeeze %dma_wait3A_77 : memref<1x624x128xf32, #tpu.memory_space<hbm>> -> memref<624x128xf32, #tpu.memory_space<hbm>>
      %dma_wait3A_79 = arith.constant 0 : i32
      %dma_wait3A_80 = tpu.memref_slice %arg8[%mul3A_64, %dma_wait3A_79] : memref<10000x128xf32, #tpu.memory_space<vmem_shared>> -> memref<624x128xf32, #tpu.memory_space<vmem_shared>>
      tpu.wait_dma2 semaphore(%run_scoped3A : memref<!tpu.dma_semaphore, #tpu.memory_space<semaphore_mem>>) src(%dma_wait3A_80 : memref<624x128xf32, #tpu.memory_space<vmem_shared>>) dst(%dma_wait3A_78 : memref<624x128xf32, #tpu.memory_space<hbm>>)
      tpu.yield
    }) : () -> ()
    %eq3A_67 = arith.constant 15 : i32
    %eq3A_68 = arith.cmpi eq, %arg1, %eq3A_67 : i32
    %convert_element_type3A_69 = arith.extui %eq3A_68 : i1 to i32
    %cond3A_70 = arith.constant 0 : i32
    %cond3A_71 = arith.cmpi ne, %convert_element_type3A_69, %cond3A_70 : i32
    scf.if %cond3A_71 {
      "tpu.region"() ({
        %run_scoped3A = tpu.sem_alloc : memref<!tpu.dma_semaphore, #tpu.memory_space<semaphore_mem>>
        %dma_start3A = arith.constant 9984 : i32
        %dma_start3A_72 = arith.constant 0 : i32
        %dma_start3A_73 = tpu.memref_slice %arg4[%arg0, %dma_start3A, %dma_start3A_72] : memref<2x10000x128xf32, #tpu.memory_space<hbm>> -> memref<1x16x128xf32, #tpu.memory_space<hbm>>
        %dma_start3A_74 = tpu.memref_squeeze %dma_start3A_73 : memref<1x16x128xf32, #tpu.memory_space<hbm>> -> memref<16x128xf32, #tpu.memory_space<hbm>>
        %dma_start3A_75 = arith.constant 9984 : i32
        %dma_start3A_76 = arith.constant 0 : i32
        %dma_start3A_77 = tpu.memref_slice %arg8[%dma_start3A_75, %dma_start3A_76] : memref<10000x128xf32, #tpu.memory_space<vmem_shared>> -> memref<16x128xf32, #tpu.memory_space<vmem_shared>>
        tpu.enqueue_dma source(%dma_start3A_77 : memref<16x128xf32, #tpu.memory_space<vmem_shared>>) target(%dma_start3A_74 : memref<16x128xf32, #tpu.memory_space<hbm>>) target_semaphore(%run_scoped3A : memref<!tpu.dma_semaphore, #tpu.memory_space<semaphore_mem>>)
        %dma_wait3A_78 = arith.constant 9984 : i32
        %dma_wait3A_79 = arith.constant 0 : i32
        %dma_wait3A_80 = tpu.memref_slice %arg4[%arg0, %dma_wait3A_78, %dma_wait3A_79] : memref<2x10000x128xf32, #tpu.memory_space<hbm>> -> memref<1x16x128xf32, #tpu.memory_space<hbm>>
        %dma_wait3A_81 = tpu.memref_squeeze %dma_wait3A_80 : memref<1x16x128xf32, #tpu.memory_space<hbm>> -> memref<16x128xf32, #tpu.memory_space<hbm>>
        %dma_wait3A_82 = arith.constant 9984 : i32
        %dma_wait3A_83 = arith.constant 0 : i32
        %dma_wait3A_84 = tpu.memref_slice %arg8[%dma_wait3A_82, %dma_wait3A_83] : memref<10000x128xf32, #tpu.memory_space<vmem_shared>> -> memref<16x128xf32, #tpu.memory_space<vmem_shared>>
        tpu.wait_dma2 semaphore(%run_scoped3A : memref<!tpu.dma_semaphore, #tpu.memory_space<semaphore_mem>>) src(%dma_wait3A_84 : memref<16x128xf32, #tpu.memory_space<vmem_shared>>) dst(%dma_wait3A_81 : memref<16x128xf32, #tpu.memory_space<hbm>>)
        tpu.yield
      }) : () -> ()
    } else {
    }
    return
  }
}

module attributes {stable_mosaic.version = 14 : i64} {
  func.func @_tc2_body(%arg0: i32, %arg1: memref<2x1000x128xf32, #tpu.memory_space<vmem>>, %arg2: memref<1000x128xf32, #tpu.memory_space<vmem>>, %arg3: memref<1000x1xf32, #tpu.memory_space<vmem>>, %arg4: memref<1x128xf32, #tpu.memory_space<vmem>>, %arg5: memref<128x128xf32, #tpu.memory_space<vmem>>, %arg6: memref<1000x128xf32, #tpu.memory_space<vmem>>) attributes {dimension_semantics = [#tpu.dimension_semantics<arbitrary>], iteration_bounds = array<i64: 10>, scalar_prefetch = 0 : i64, scratch_operands = 0 : i64, tpu.core_type = #tpu.core_type<tc>, window_params = [{transform_indices = @transform_0, window_bounds = array<i64: 2, 1000, 128>}, {transform_indices = @transform_1, window_bounds = array<i64: 1000, 128>}, {transform_indices = @transform_2, window_bounds = array<i64: 1000, 1>}, {pipeline_mode = #tpu.pipeline_mode<synchronous>, transform_indices = @transform_3, window_bounds = array<i64: 1, 128>}, {pipeline_mode = #tpu.pipeline_mode<synchronous>, transform_indices = @transform_4, window_bounds = array<i64: 128, 128>}, {transform_indices = @transform_5, window_bounds = array<i64: 1000, 128>}]} {
    %get3A = arith.constant 0 : index
    %get3A_0 = arith.constant 0 : index
    %get3A_1 = vector.load %arg3[%get3A, %get3A_0] : memref<1000x1xf32, #tpu.memory_space<vmem>>, vector<1000x1xf32>
    %get3A_2 = arith.constant 0 : index
    %get3A_3 = arith.constant 0 : index
    %get3A_4 = arith.constant 0 : index
    %get3A_5 = vector.load %arg1[%get3A_2, %get3A_3, %get3A_4] : memref<2x1000x128xf32, #tpu.memory_space<vmem>>, vector<1x1000x128xf32>
    %get3A_6 = vector.shape_cast %get3A_5 : vector<1x1000x128xf32> to vector<1000x128xf32>
    %get3A_7 = arith.constant 1 : index
    %get3A_8 = arith.constant 0 : index
    %get3A_9 = arith.constant 0 : index
    %get3A_10 = vector.load %arg1[%get3A_7, %get3A_8, %get3A_9] : memref<2x1000x128xf32, #tpu.memory_space<vmem>>, vector<1x1000x128xf32>
    %get3A_11 = vector.shape_cast %get3A_10 : vector<1x1000x128xf32> to vector<1000x128xf32>
    %add3A = arith.addf %get3A_6, %get3A_11 : vector<1000x128xf32>
    %get3A_12 = arith.constant 0 : index
    %get3A_13 = arith.constant 0 : index
    %get3A_14 = vector.load %arg2[%get3A_12, %get3A_13] : memref<1000x128xf32, #tpu.memory_space<vmem>>, vector<1000x128xf32>
    %add3A_15 = arith.addf %add3A, %get3A_14 : vector<1000x128xf32>
    %mul3A = vector.broadcast %get3A_1 : vector<1000x1xf32> to vector<1000x128xf32>
    %mul3A_16 = arith.mulf %mul3A, %add3A_15 : vector<1000x128xf32>
    %get3A_17 = arith.constant 0 : index
    %get3A_18 = arith.constant 0 : index
    %get3A_19 = vector.load %arg4[%get3A_17, %get3A_18] : memref<1x128xf32, #tpu.memory_space<vmem>>, vector<1x128xf32>
    %add3A_20 = vector.broadcast %get3A_19 : vector<1x128xf32> to vector<1000x128xf32>
    %add3A_21 = arith.addf %mul3A_16, %add3A_20 : vector<1000x128xf32>
    %ge3A = arith.constant 0.000000e+00 : f32
    %ge3A_22 = vector.broadcast %ge3A : f32 to vector<1000x128xf32>
    %ge3A_23 = arith.cmpf oge, %add3A_21, %ge3A_22 : vector<1000x128xf32>
    %mul3A_24 = arith.constant 0.00999999977 : f32
    %mul3A_25 = vector.broadcast %mul3A_24 : f32 to vector<1000x128xf32>
    %mul3A_26 = arith.mulf %mul3A_25, %add3A_21 : vector<1000x128xf32>
    %select_n3A = arith.select %ge3A_23, %add3A_21, %mul3A_26 : vector<1000x128xi1>, vector<1000x128xf32>
    %get3A_27 = arith.constant 0 : index
    %get3A_28 = arith.constant 0 : index
    %get3A_29 = vector.load %arg5[%get3A_27, %get3A_28] : memref<128x128xf32, #tpu.memory_space<vmem>>, vector<128x128xf32>
    %dot_general3A = arith.constant dense<0.000000e+00> : vector<1000x128xf32>
    %dot_general3A_30 = tpu.matmul %select_n3A, %get3A_29, %dot_general3A {dimension_numbers = #tpu.dot_dimension_numbers<[1], [1], [0], [0], [0, 0, 1, 0], [], []>, transpose_lhs_hint = false} : vector<1000x128xf32>, vector<128x128xf32>, vector<1000x128xf32> -> vector<1000x128xf32>
    %mul3A_31 = vector.broadcast %get3A_1 : vector<1000x1xf32> to vector<1000x128xf32>
    %mul3A_32 = arith.mulf %mul3A_31, %dot_general3A_30 : vector<1000x128xf32>
    %swap3A = arith.constant 0 : index
    %swap3A_33 = arith.constant 0 : index
    %swap3A_34 = vector.load %arg6[%swap3A, %swap3A_33] : memref<1000x128xf32, #tpu.memory_space<vmem>>, vector<1000x128xf32>
    tpu.vector_store %arg6[%swap3A, %swap3A_33], %mul3A_32 {strides = array<i32>} : memref<1000x128xf32, #tpu.memory_space<vmem>>, vector<1000x128xf32>,
    return
  }
  func.func @transform_0(%arg0: i32) -> (i32, i32, i32) {
    %c0_i32 = arith.constant 0 : i32
    %c0_i32_0 = arith.constant 0 : i32
    %c0_i32_1 = arith.constant 0 : i32
    return %c0_i32, %arg0, %c0_i32_0 : i32, i32, i32
  }
  func.func @transform_1(%arg0: i32) -> (i32, i32) {
    %c0_i32 = arith.constant 0 : i32
    %c0_i32_0 = arith.constant 0 : i32
    return %arg0, %c0_i32 : i32, i32
  }
  func.func @transform_2(%arg0: i32) -> (i32, i32) {
    %c0_i32 = arith.constant 0 : i32
    %c0_i32_0 = arith.constant 0 : i32
    return %arg0, %c0_i32 : i32, i32
  }
  func.func @transform_3(%arg0: i32) -> (i32, i32) {
    %c0_i32 = arith.constant 0 : i32
    %c0_i32_0 = arith.constant 0 : i32
    %c0_i32_1 = arith.constant 0 : i32
    return %c0_i32, %c0_i32_0 : i32, i32
  }
  func.func @transform_4(%arg0: i32) -> (i32, i32) {
    %c0_i32 = arith.constant 0 : i32
    %c0_i32_0 = arith.constant 0 : i32
    %c0_i32_1 = arith.constant 0 : i32
    return %c0_i32, %c0_i32_0 : i32, i32
  }
  func.func @transform_5(%arg0: i32) -> (i32, i32) {
    %c0_i32 = arith.constant 0 : i32
    %c0_i32_0 = arith.constant 0 : i32
    return %arg0, %c0_i32 : i32, i32
  }
}

module attributes {stable_mosaic.version = 14 : i64} {
  func.func @_tc1_body(%arg0: i32, %arg1: memref<1000x128xf32, #tpu.memory_space<vmem>>, %arg2: memref<128x128xf32, #tpu.memory_space<vmem>>, %arg3: memref<32x1000x1xf32, #tpu.memory_space<vmem>>, %arg4: memref<1000x128xf32, #tpu.memory_space<vmem>>, %arg5: memref<1000x1xf32, #tpu.memory_space<vmem>>) attributes {dimension_semantics = [#tpu.dimension_semantics<arbitrary>], iteration_bounds = array<i64: 10>, scalar_prefetch = 0 : i64, scratch_operands = 0 : i64, tpu.core_type = #tpu.core_type<tc>, window_params = [{transform_indices = @transform_0, window_bounds = array<i64: 1000, 128>}, {pipeline_mode = #tpu.pipeline_mode<synchronous>, transform_indices = @transform_1, window_bounds = array<i64: 128, 128>}, {transform_indices = @transform_2, window_bounds = array<i64: 32, 1000, 1>}, {transform_indices = @transform_3, window_bounds = array<i64: 1000, 128>}, {transform_indices = @transform_4, window_bounds = array<i64: 1000, 1>}]} {
    %get3A = arith.constant 0 : index
    %get3A_0 = arith.constant 0 : index
    %get3A_1 = arith.constant 0 : index
    %get3A_2 = vector.load %arg3[%get3A, %get3A_0, %get3A_1] : memref<32x1000x1xf32, #tpu.memory_space<vmem>>, vector<32x1000x1xf32>
    %reduce_sum3A = arith.constant dense<0.000000e+00> : vector<1000x1xf32>
    %reduce_sum3A_3 = vector.multi_reduction <add>, %get3A_2, %reduce_sum3A [0] : vector<32x1000x1xf32> to vector<1000x1xf32>
    %add3A = arith.constant 1.000000e+00 : f32
    %add3A_4 = vector.broadcast %add3A : f32 to vector<1000x1xf32>
    %add3A_5 = arith.addf %reduce_sum3A_3, %add3A_4 : vector<1000x1xf32>
    %rsqrt3A = math.rsqrt %add3A_5 : vector<1000x1xf32>
    %mul3A = arith.constant 5.000000e-01 : f32
    %mul3A_6 = vector.broadcast %mul3A : f32 to vector<1000x1xf32>
    %mul3A_7 = arith.mulf %mul3A_6, %add3A_5 : vector<1000x1xf32>
    %mul3A_8 = arith.mulf %mul3A_7, %rsqrt3A : vector<1000x1xf32>
    %mul3A_9 = arith.mulf %mul3A_8, %rsqrt3A : vector<1000x1xf32>
    %sub3A = arith.constant 1.500000e+00 : f32
    %sub3A_10 = vector.broadcast %sub3A : f32 to vector<1000x1xf32>
    %sub3A_11 = arith.subf %sub3A_10, %mul3A_9 : vector<1000x1xf32>
    %mul3A_12 = arith.mulf %rsqrt3A, %sub3A_11 : vector<1000x1xf32>
    %swap3A = arith.constant 0 : index
    %swap3A_13 = arith.constant 0 : index
    %swap3A_14 = vector.load %arg5[%swap3A, %swap3A_13] : memref<1000x1xf32, #tpu.memory_space<vmem>>, vector<1000x1xf32>
    tpu.vector_store %arg5[%swap3A, %swap3A_13], %mul3A_12 {strides = array<i32>} : memref<1000x1xf32, #tpu.memory_space<vmem>>, vector<1000x1xf32>,
    %get3A_15 = arith.constant 0 : index
    %get3A_16 = arith.constant 0 : index
    %get3A_17 = vector.load %arg1[%get3A_15, %get3A_16] : memref<1000x128xf32, #tpu.memory_space<vmem>>, vector<1000x128xf32>
    %get3A_18 = arith.constant 0 : index
    %get3A_19 = arith.constant 0 : index
    %get3A_20 = vector.load %arg2[%get3A_18, %get3A_19] : memref<128x128xf32, #tpu.memory_space<vmem>>, vector<128x128xf32>
    %dot_general3A = arith.constant dense<0.000000e+00> : vector<1000x128xf32>
    %dot_general3A_21 = tpu.matmul %get3A_17, %get3A_20, %dot_general3A {dimension_numbers = #tpu.dot_dimension_numbers<[1], [1], [0], [0], [0, 0, 1, 0], [], []>, transpose_lhs_hint = false} : vector<1000x128xf32>, vector<128x128xf32>, vector<1000x128xf32> -> vector<1000x128xf32>
    %mul3A_22 = vector.broadcast %mul3A_12 : vector<1000x1xf32> to vector<1000x128xf32>
    %mul3A_23 = arith.mulf %mul3A_22, %dot_general3A_21 : vector<1000x128xf32>
    %swap3A_24 = arith.constant 0 : index
    %swap3A_25 = arith.constant 0 : index
    %swap3A_26 = vector.load %arg4[%swap3A_24, %swap3A_25] : memref<1000x128xf32, #tpu.memory_space<vmem>>, vector<1000x128xf32>
    tpu.vector_store %arg4[%swap3A_24, %swap3A_25], %mul3A_23 {strides = array<i32>} : memref<1000x128xf32, #tpu.memory_space<vmem>>, vector<1000x128xf32>,
    return
  }
  func.func @transform_0(%arg0: i32) -> (i32, i32) {
    %c0_i32 = arith.constant 0 : i32
    %c0_i32_0 = arith.constant 0 : i32
    return %arg0, %c0_i32 : i32, i32
  }
  func.func @transform_1(%arg0: i32) -> (i32, i32) {
    %c0_i32 = arith.constant 0 : i32
    %c0_i32_0 = arith.constant 0 : i32
    %c0_i32_1 = arith.constant 0 : i32
    return %c0_i32, %c0_i32_0 : i32, i32
  }
  func.func @transform_2(%arg0: i32) -> (i32, i32, i32) {
    %c0_i32 = arith.constant 0 : i32
    %c0_i32_0 = arith.constant 0 : i32
    %c0_i32_1 = arith.constant 0 : i32
    return %c0_i32, %arg0, %c0_i32_0 : i32, i32, i32
  }
  func.func @transform_3(%arg0: i32) -> (i32, i32) {
    %c0_i32 = arith.constant 0 : i32
    %c0_i32_0 = arith.constant 0 : i32
    return %arg0, %c0_i32 : i32, i32
  }
  func.func @transform_4(%arg0: i32) -> (i32, i32) {
    %c0_i32 = arith.constant 0 : i32
    %c0_i32_0 = arith.constant 0 : i32
    return %arg0, %c0_i32 : i32, i32
  }
}

module attributes {stable_mosaic.version = 14 : i64} {
  func.func @_tc3_body(%arg0: i32, %arg1: memref<2x1000x128xf32, #tpu.memory_space<vmem>>, %arg2: memref<1000x128xf32, #tpu.memory_space<vmem>>, %arg3: memref<1000x1xf32, #tpu.memory_space<vmem>>, %arg4: memref<1x128xf32, #tpu.memory_space<vmem>>, %arg5: memref<128x128xf32, #tpu.memory_space<vmem>>, %arg6: memref<1x1xf32, #tpu.memory_space<smem>>, %arg7: memref<1000x1xf32, #tpu.memory_space<vmem>>) attributes {dimension_semantics = [#tpu.dimension_semantics<arbitrary>], iteration_bounds = array<i64: 10>, scalar_prefetch = 0 : i64, scratch_operands = 0 : i64, tpu.core_type = #tpu.core_type<tc>, window_params = [{transform_indices = @transform_0, window_bounds = array<i64: 2, 1000, 128>}, {transform_indices = @transform_1, window_bounds = array<i64: 1000, 128>}, {transform_indices = @transform_2, window_bounds = array<i64: 1000, 1>}, {pipeline_mode = #tpu.pipeline_mode<synchronous>, transform_indices = @transform_3, window_bounds = array<i64: 1, 128>}, {pipeline_mode = #tpu.pipeline_mode<synchronous>, transform_indices = @transform_4, window_bounds = array<i64: 128, 128>}, {transform_indices = @transform_5, window_bounds = array<i64: 1, 1>}, {transform_indices = @transform_6, window_bounds = array<i64: 1000, 1>}]} {
    %get3A = arith.constant 0 : index
    %get3A_0 = arith.constant 0 : index
    %get3A_1 = vector.load %arg3[%get3A, %get3A_0] : memref<1000x1xf32, #tpu.memory_space<vmem>>, vector<1000x1xf32>
    %get3A_2 = arith.constant 0 : index
    %get3A_3 = arith.constant 0 : index
    %get3A_4 = arith.constant 0 : index
    %get3A_5 = vector.load %arg1[%get3A_2, %get3A_3, %get3A_4] : memref<2x1000x128xf32, #tpu.memory_space<vmem>>, vector<1x1000x128xf32>
    %get3A_6 = vector.shape_cast %get3A_5 : vector<1x1000x128xf32> to vector<1000x128xf32>
    %get3A_7 = arith.constant 1 : index
    %get3A_8 = arith.constant 0 : index
    %get3A_9 = arith.constant 0 : index
    %get3A_10 = vector.load %arg1[%get3A_7, %get3A_8, %get3A_9] : memref<2x1000x128xf32, #tpu.memory_space<vmem>>, vector<1x1000x128xf32>
    %get3A_11 = vector.shape_cast %get3A_10 : vector<1x1000x128xf32> to vector<1000x128xf32>
    %add3A = arith.addf %get3A_6, %get3A_11 : vector<1000x128xf32>
    %get3A_12 = arith.constant 0 : index
    %get3A_13 = arith.constant 0 : index
    %get3A_14 = vector.load %arg2[%get3A_12, %get3A_13] : memref<1000x128xf32, #tpu.memory_space<vmem>>, vector<1000x128xf32>
    %add3A_15 = arith.addf %add3A, %get3A_14 : vector<1000x128xf32>
    %mul3A = vector.broadcast %get3A_1 : vector<1000x1xf32> to vector<1000x128xf32>
    %mul3A_16 = arith.mulf %mul3A, %add3A_15 : vector<1000x128xf32>
    %get3A_17 = arith.constant 0 : index
    %get3A_18 = arith.constant 0 : index
    %get3A_19 = vector.load %arg4[%get3A_17, %get3A_18] : memref<1x128xf32, #tpu.memory_space<vmem>>, vector<1x128xf32>
    %add3A_20 = vector.broadcast %get3A_19 : vector<1x128xf32> to vector<1000x128xf32>
    %add3A_21 = arith.addf %mul3A_16, %add3A_20 : vector<1000x128xf32>
    %ge3A = arith.constant 0.000000e+00 : f32
    %ge3A_22 = vector.broadcast %ge3A : f32 to vector<1000x128xf32>
    %ge3A_23 = arith.cmpf oge, %add3A_21, %ge3A_22 : vector<1000x128xf32>
    %mul3A_24 = arith.constant 0.00999999977 : f32
    %mul3A_25 = vector.broadcast %mul3A_24 : f32 to vector<1000x128xf32>
    %mul3A_26 = arith.mulf %mul3A_25, %add3A_21 : vector<1000x128xf32>
    %select_n3A = arith.select %ge3A_23, %add3A_21, %mul3A_26 : vector<1000x128xi1>, vector<1000x128xf32>
    %get3A_27 = arith.constant 0 : index
    %get3A_28 = arith.constant 0 : index
    %get3A_29 = vector.load %arg5[%get3A_27, %get3A_28] : memref<128x128xf32, #tpu.memory_space<vmem>>, vector<128x128xf32>
    %dot_general3A = arith.constant dense<0.000000e+00> : vector<1000x128xf32>
    %dot_general3A_30 = tpu.matmul %select_n3A, %get3A_29, %dot_general3A {dimension_numbers = #tpu.dot_dimension_numbers<[1], [1], [0], [0], [0, 0, 1, 0], [], []>, transpose_lhs_hint = false} : vector<1000x128xf32>, vector<128x128xf32>, vector<1000x128xf32> -> vector<1000x128xf32>
    %slice3A = vector.extract_strided_slice %dot_general3A_30 {offsets = [0, 0], sizes = [1000, 1], strides = [1, 1]} : vector<1000x128xf32> to vector<1000x1xf32>
    %get3A_31 = arith.constant 0 : index
    %get3A_32 = arith.constant 0 : index
    %get3A_33 = memref.load %arg6[%get3A_31, %get3A_32] : memref<1x1xf32, #tpu.memory_space<smem>>
    %add3A_34 = vector.broadcast %get3A_33 : f32 to vector<1000x1xf32>
    %add3A_35 = arith.addf %slice3A, %add3A_34 : vector<1000x1xf32>
    %swap3A = arith.constant 0 : index
    %swap3A_36 = arith.constant 0 : index
    %swap3A_37 = vector.load %arg7[%swap3A, %swap3A_36] : memref<1000x1xf32, #tpu.memory_space<vmem>>, vector<1000x1xf32>
    tpu.vector_store %arg7[%swap3A, %swap3A_36], %add3A_35 {strides = array<i32>} : memref<1000x1xf32, #tpu.memory_space<vmem>>, vector<1000x1xf32>,
    return
  }
  func.func @transform_0(%arg0: i32) -> (i32, i32, i32) {
    %c0_i32 = arith.constant 0 : i32
    %c0_i32_0 = arith.constant 0 : i32
    %c0_i32_1 = arith.constant 0 : i32
    return %c0_i32, %arg0, %c0_i32_0 : i32, i32, i32
  }
  func.func @transform_1(%arg0: i32) -> (i32, i32) {
    %c0_i32 = arith.constant 0 : i32
    %c0_i32_0 = arith.constant 0 : i32
    return %arg0, %c0_i32 : i32, i32
  }
  func.func @transform_2(%arg0: i32) -> (i32, i32) {
    %c0_i32 = arith.constant 0 : i32
    %c0_i32_0 = arith.constant 0 : i32
    return %arg0, %c0_i32 : i32, i32
  }
  func.func @transform_3(%arg0: i32) -> (i32, i32) {
    %c0_i32 = arith.constant 0 : i32
    %c0_i32_0 = arith.constant 0 : i32
    %c0_i32_1 = arith.constant 0 : i32
    return %c0_i32, %c0_i32_0 : i32, i32
  }
  func.func @transform_4(%arg0: i32) -> (i32, i32) {
    %c0_i32 = arith.constant 0 : i32
    %c0_i32_0 = arith.constant 0 : i32
    %c0_i32_1 = arith.constant 0 : i32
    return %c0_i32, %c0_i32_0 : i32, i32
  }
  func.func @transform_5(%arg0: i32) -> (i32, i32) {
    %c0_i32 = arith.constant 0 : i32
    %c0_i32_0 = arith.constant 0 : i32
    %c0_i32_1 = arith.constant 0 : i32
    return %c0_i32, %c0_i32_0 : i32, i32
  }
  func.func @transform_6(%arg0: i32) -> (i32, i32) {
    %c0_i32 = arith.constant 0 : i32
    %c0_i32_0 = arith.constant 0 : i32
    return %arg0, %c0_i32 : i32, i32
  }
}

</mosaic_0001>

<sc_bundles>
// kernel: kernel.11.cloned.1.call-start
scs
__scs_entry_jumppad:
0x0: {  	(pc) =	sbr.rel $0x88, $3  }
0x1: {  	(tag) =	ssettag $0x0;
	lr =	simm.s32 $0x1  }
0x2: {  	[smem:$0x3F99] =	sst lr;
	_ =	strace $0xD0000000  }
0x3: {  	_ = 	snop  }
0x4: {  	_ = 	snop  }
0x5: {  	_ = 	snop  }
0x6: {  	_ = 	snop  }
0x7: {  	_ = 	snop  }
__scs_overlays_trampoline_lowered:
0x8: {  	[smem:$0x3FA8] =	sst s0  }
0x9: {  	[smem:$0x3FA9] =	sst s1  }
0xa: {  	[smem:$0x3FAA] =	sst s2  }
0xb: {  	[smem:$0x3FAB] =	sst s3  }
0xc: {  	[smem:$0x3FAC] =	sst s4  }
0xd: {  	[smem:$0x3FAD] =	sst s5  }
0xe: {  	[smem:$0x3FAE] =	sst s6  }
0xf: {  	[smem:$0x3FAF] =	sst s7  }
0x10: {  	[smem:$0x3FB0] =	sst s8  }
0x11: {  	[smem:$0x3FB1] =	sst s9;
	s0 =	simm.s32 @!p0 $0x0  }
0x12: {  	s1 =	sld [smem:$0x3F97];
	s0 =	simm.s32 @p0 $0x1  }
0x13: {  	[smem:$0x3FB2] =	sst s0;
	s0 =	simm.s32 @!p1 $0x0  }
0x14: {  	s2 =	sld [smem:$0x3F96];
	s0 =	simm.s32 @p1 $0x1  }
0x15: {  	[smem:$0x3FB3] =	sst s0;
	s0 =	simm.s32 @!p2 $0x0  }
0x16: {  	s3 =	sld [smem:$0x3FDB];
	s0 =	simm.s32 @p2 $0x1  }
0x17: {  	s4 =	simm.s32 $0x1BF5;
	[smem:$0x3FB5] =	sst s0  }
0x18: {  	s0 =	sld [smem:$0x3F98];
	_ =	swait.ge [sflag:s4], $0x0  }
0x19: {  	s7 =	sld [smem:$0x3F99]  }
0x1a: {  	s8 =	sadd.s32 $0xFFFFE003, lr  }
0x1b: {  	s9 =	sadd.s32 $0xFFFFFEF7, lr;
	s5 =	simm.s32 $0xFFFFFFFF;
	p2 =	slt.u32 s8, $0xFFFFF086  }
0x1c: {  	p1 =	slt.u32 s9, $0xF7A;
	s5 =	simm.s32 @!p2 $0x0  }
0x1d: {  	s5 =	simm.s32 @p1 $0x1;
	p0 =	seq.s32 s7, s2  }
0x1e: {  	s7 =	smul.u32 @!p0 $0xF7A, s2;
	p2 =	seq.s32 @!p0 s5, $0x0  }
0x1f: {  	s9 =	smul.u32 $0xF7A, s1;
	s8 =	simm.s32 @!p0 $0x1BF5;
	p2 =	por !p2, p0  }
0x20: {  	[sflag:s8] =	ssyncset.s32 @!p0 $0xFFFFF086;
	s6 =	sadd.s32 @!p0 s3, s7;
	s7 =	simm.s32 @!p0 $0x108  }
0x21: {  	s3 =	sadd.s32 s3, s9;
	s6 =	sadd.s32 @!p0 $0x88, s6;
	s7 =	simm.s32 @p2 $0x1082  }
0x22: {  	[simem:s7], [sflag:s8] =	dma.local @!p0 [hbm:s6], $0xF7A  }
0x23: {  	s9 =	sor.u32 $0xD0000000, s2;
	s6 =	simm.s32 $0x108;
	_ =	swait.ge @!p0 [sflag:s8], $0x0  }
0x24: {  	s3 =	sadd.s32 $0x88, s3;
	s6 =	simm.s32 @!p1 $0x1082;
	[sflag:s4] =	ssyncset.s32 $0xFFFFF086  }
0x25: {  	[simem:s6], [sflag:s4] =	dma.local [hbm:s3], $0xF7A  }
0x26: {  	[smem:$0x3F99] =	sst s1;
	(tag) =	ssettag s2;
	_ =	strace s9  }
0x27: {  	s1 =	sld [smem:$0x3FA9]  }
0x28: {  	s2 =	sld [smem:$0x3FAA]  }
0x29: {  	s4 =	sld [smem:$0x3FAC]  }
0x2a: {  	p0 =	seq.s32 s5, $0x0;
	s5 =	sld [smem:$0x3FAD]  }
0x2b: {  	s6 =	sld [smem:$0x3FAE]  }
0x2c: {  	s7 =	sld [smem:$0x3FAF]  }
0x2d: {  	s3 =	simm.s32 $0x108;
	s8 =	sld [smem:$0x3FB0]  }
0x2e: {  	s3 =	simm.s32 @!p0 $0x1082;
	s9 =	sld [smem:$0x3FB1]  }
0x2f: {  	lr =	sadd.s32 s0, s3;
	s0 =	sld [smem:$0x3FA8]  }
0x30: {  	s3 =	sld [smem:$0x3FAB]  }
0x31: {  	[smem:$0x3FB4] =	sst s10  }
0x32: {  	s10 =	sld [smem:$0x3FB2];
	_ =	sdelay $0x3  }
0x33: {  	p0 =	seq.s32 s10, $0x1;
	s10 =	sld [smem:$0x3FB4];
	_ =	sdelay $0x3  }
0x34: {  	[smem:$0x3FB4] =	sst s10  }
0x35: {  	s10 =	sld [smem:$0x3FB3];
	_ =	sdelay $0x3  }
0x36: {  	p1 =	seq.s32 s10, $0x1;
	s10 =	sld [smem:$0x3FB4];
	_ =	sdelay $0x3  }
0x37: {  	[smem:$0x3FB4] =	sst s10  }
0x38: {  	s10 =	sld [smem:$0x3FB5]  }
0x39: {  	_ = 	snop;
	(pc) =	sbr.ind lr, $3  }
0x3a: {  	_ = 	snop  }
0x3b: {  	_ = 	snop  }
0x3c: {  	p2 =	seq.s32 s10, $0x1;
	s10 =	sld [smem:$0x3FB4]  }
0x3d: {  	_ =	shalt  }
0x3e: {  	_ =	shalt  }
0x3f: {  	_ =	shalt  }
0x40: {  	_ =	shalt  }
0x41: {  	_ =	shalt  }
0x42: {  	_ =	shalt  }
0x43: {  	_ =	shalt  }
0x44: {  	_ =	shalt  }
0x45: {  	_ =	shalt  }
0x46: {  	_ =	shalt  }
0x47: {  	_ =	shalt  }
0x48: {  	_ =	shalt  }
0x49: {  	_ =	shalt  }
0x4a: {  	_ =	shalt  }
0x4b: {  	_ =	shalt  }
0x4c: {  	_ =	shalt  }
0x4d: {  	_ =	shalt  }
0x4e: {  	_ =	shalt  }
0x4f: {  	_ =	shalt  }
0x50: {  	_ =	shalt  }
0x51: {  	_ =	shalt  }
0x52: {  	_ =	shalt  }
0x53: {  	_ =	shalt  }
0x54: {  	_ =	shalt  }
0x55: {  	_ =	shalt  }
0x56: {  	_ =	shalt  }
0x57: {  	_ =	shalt  }
0x58: {  	_ =	shalt  }
0x59: {  	_ =	shalt  }
0x5a: {  	_ =	shalt  }
0x5b: {  	_ =	shalt  }
0x5c: {  	_ =	shalt  }
0x5d: {  	_ =	shalt  }
0x5e: {  	_ =	shalt  }
0x5f: {  	_ =	shalt  }
0x60: {  	_ =	shalt  }
0x61: {  	_ =	shalt  }
0x62: {  	_ =	shalt  }
0x63: {  	_ =	shalt  }
0x64: {  	_ =	shalt  }
0x65: {  	_ =	shalt  }
0x66: {  	_ =	shalt  }
0x67: {  	_ =	shalt  }
0x68: {  	_ =	shalt  }
0x69: {  	_ =	shalt  }
0x6a: {  	_ =	shalt  }
0x6b: {  	_ =	shalt  }
0x6c: {  	_ =	shalt  }
0x6d: {  	_ =	shalt  }
0x6e: {  	_ =	shalt  }
0x6f: {  	_ =	shalt  }
0x70: {  	_ =	shalt  }
0x71: {  	_ =	shalt  }
0x72: {  	_ =	shalt  }
0x73: {  	_ =	shalt  }
0x74: {  	_ =	shalt  }
0x75: {  	_ =	shalt  }
0x76: {  	_ =	shalt  }
0x77: {  	_ =	shalt  }
0x78: {  	_ =	shalt  }
0x79: {  	_ =	shalt  }
0x7a: {  	_ =	shalt  }
0x7b: {  	_ =	shalt  }
0x7c: {  	_ =	shalt  }
0x7d: {  	_ =	shalt  }
0x7e: {  	_ =	shalt  }
0x7f: {  	_ =	shalt  }
0x80: {  	_ =	shalt  }
0x81: {  	_ =	shalt  }
0x82: {  	_ =	shalt  }
0x83: {  	_ =	shalt  }
0x84: {  	_ =	shalt  }
0x85: {  	_ =	shalt  }
0x86: {  	_ =	shalt  }
0x87: {  	_ =	shalt  }
.Lfunc_end0:
.L_simem_size_0:
called_computation.1_lowered:
.L_overlay_start_0:
0x88: {  	s2 =	sld [smem:$0x3FD9]  }
0x89: {  	s3 =	sld [smem:$0x3FFE];
	_ =	sdelay $0x1  }
0x8a: {  	s1 =	srdreg.scid  }
0x8b: {  	s0 =	sand.u32 $0x1, s1  }
0x8c: {  	s16 =	sshll.u32 s0, $0xA;
	s2 =	sadd.s32 s3, s2  }
0x8d: {  	s2 =	sadd.s32 s2, s16  }
0x8e: {  	[smem:$0x3FC0] =	sst s2  }
0x8f: {  	_ = 	snop  }
0x90: {  	(tm) =	ssettm $0x1  }
0x91: {  	s17 =	sld [smem:$0x3FFB];
	_ =	sdelay $0x3  }
0x92: {  	_ =	strace s17  }
0x93: {  	s2 =	sld [smem:$0x3FFC];
	_ =	sdelay $0x3  }
0x94: {  	_ =	strace s2  }
0x95: {  	s2 =	sld [smem:$0x3FFD];
	_ =	sdelay $0x3  }
0x96: {  	_ =	strace s2  }
0x97: {  	_ =	strace $0x8FFFFFFF  }
0x98: {  	s18 =	sld [smem:$0x3FDB];
	_ =	sdelay $0x1  }
0x99: {  	s19 =	simm.s32 $_scs_section_size  }
0x9a: {  	s4 =	simm.s32 $_size__tile_overlayer_lowered;
	s5 =	simm.s32 $_tile_overlayer_lowered  }
0x9b: {  	s22 =	simm.s32 $0x1BFF;
	s21 =	sshll.u32 s5, $0x1;
	s2 =	sadd.s32 s19, s18  }
0x9c: {  	s6 =	simm.s32 $0x0;
	s20 =	sshll.u32 s4, $0x1;
	s4 =	sadd.s32 s21, s2  }
0x9d: {  	[timem:s6], [sflag:s22] =	dma.local [hbm:s4], s20  }
0x9e: {  	_ =	swait.ge [sflag:s22], s20  }
0x9f: {  	s3 =	ssub.s32 $0x0, s20;
	[sflag:s22] =	ssyncset.done $0x0  }
0xa0: {  	[sflag:s22] =	ssyncadd.s32 s3;
	_ =	sdelay $0x1  }
0xa1: {  	s23 =	simm.s32 $0x1B8B  }
0xa2: {  	_ =	swait.ge [sflag:s23], $0x1  }
0xa3: {  	[sflag:s23] =	ssyncset.done $0x0  }
0xa4: {  	s25 =	simm.s32 $0x1B8E;
	s24 =	sld [smem:$0x3FFE];
	[sflag:s23] =	ssyncadd.s32 $0xFFFFFFFF  }
0xa5: {  	s26 =	simm.s32 $execute0_lowered;
	[smem:$0x3FD2] =	sst s25  }
0xa6: {  	s4 =	sshll.u32 s26, $0x1;
	_ =	strace $0x80000049;
	[dreg:$0x1] =	wrdreg $0xFFFFFFFF  }
0xa7: {  	s28 =	simm.s32 $_size_execute0_lowered;
	s2 =	sadd.s32 s2, s4;
	[dreg:$0x0] =	wrdreg $0x0  }
0xa8: {  	s4 =	sshll.u32 s28, $0x1;
	[dreg:$0x2] =	wrdreg s2  }
0xa9: {  	[dreg:$0x3] =	wrdreg s4  }
0xaa: {  	[dreg:$0x4] =	wrdreg $0xC0  }
0xab: {  	_ =	task [dreg:s6], $0x5FFFF  }
0xac: {  	[dreg:$0x1] =	wrdreg $0xFFFFFFFF  }
0xad: {  	[dreg:$0x0] =	wrdreg $0x60  }
0xae: {  	[dreg:$0x2] =	wrdreg s24  }
0xaf: {  	[dreg:$0x3] =	wrdreg $0x90000  }
0xb0: {  	[dreg:$0x4] =	wrdreg $0x9  }
0xb1: {  	_ =	task.clear_ibuf [dreg:s6], $0x5FFFF;
	_ =	strace $0x90000049  }
0xb2: {  	s29 =	simm.s32 $0x9;
	_ =	strace $0x8000004B  }
0xb3: {  	_ =	swait.ge [sflag:s29], $0x1  }
0xb4: {  	[sflag:s29] =	ssyncadd.s32 $0xFFFFFFFF  }
0xb5: {  	_ =	strace $0x9000004B  }
0xb6: {  	_ =	sfence  }
0xb7: {  	s30 =	sld [smem:$0x0];
	_ =	sdelay $0x2  }
0xb8: {  	s31 =	sshll.u32 s1, $0xD;
	s1 =	sshrl.u32 s1, $0x2  }
0xb9: {  	s3 =	sand.u32 $0x4000, s31;
	s1 =	sadd.s32 s1, s30  }
0xba: {  	s0 =	sor.u32 s3, s0;
	s1 =	sshll.u32 s1, $0x11  }
0xbb: {  	s0 =	sor.u32 s1, s0  }
0xbc: {  	s0 =	sadd.s32 $0x8F2B, s0  }
0xbd: {  	[sflag:s0] =	ssyncadd.remote.s32 $0x1  }
0xbe: {  	_ =	sfence.sel $0xFFFF  }
0xbf: {  	[dreg:$0x0] =	wrdreg $0xFFFFFFFF;
	(pc) =	sbr.abs _section_cstart, $3  }
0xc0: {  	[dreg:$0x1] =	wrdreg $0xFFFFFFFF  }
0xc1: {  	_ =	task.clear_ibuf [dreg:s6], $0x2FFFF;
	_ =	strace $0x9FFFFFFF  }
0xc2: {  	(tm) =	ssettm $0x7FFFFFFF  }
0xc3: {  	_ =	shalt  }
tec
execute0_lowered:
.L_overlay_start_1:
0x0: {  	(tag) =	ssettag $0x1  }
0x1: {  	s0 =	rddreg [dreg:$0x0]  }
0x2: {  	s1 =	rddreg [dreg:$0x1]  }
0x3: {  	s2 =	srdreg.scid;
	s11 =	stileid.u32  }
0x4: {  	s3 =	simm.s32 $0x0;
	s2 =	sand.u32 $0x1, s2;
	s5 =	smul.u32 $0x4E000, s11  }
0x5: {  	[smem:$0x7FF] =	sst s3;
	s25 =	sadd.s32 $0x138000, s1;
	s6 =	ssub.s32 $0x2, s2  }
0x6: {  	_ =	strace $0x8000004A;
	s9 =	sshrl.u32 s6, $0x1;
	s5 =	sshrl.u32 s5, $0x2  }
0x7: {  	[dreg:$0x4] =	wrdreg s25;
	s6 =	ssub.s32 s6, s9;
	s18 =	sadd.s32 s5, s1  }
0x8: {  	s22 =	smax.u32 s6, $0x1;
	[dreg:$0x3] =	wrdreg s18  }
0x9: {  	s23 =	sadd.s32 $0x800, s18;
	[dreg:$0x7] =	wrdreg s22  }
0xa: {  	s24 =	sadd.s32 $0x1000, s18;
	[dreg:$0x8] =	wrdreg s23  }
0xb: {  	s10 =	smul.u32 $0x13800, s11;
	s26 =	sadd.s32 $0x1800, s18;
	[dreg:$0x9] =	wrdreg s24  }
0xc: {  	s7 =	smul.u32 $0x138800, s2;
	s6 =	sadd.s32 $0x2800, s18;
	[dreg:$0xa] =	wrdreg s26  }
0xd: {  	s9 =	sadd.s32 $0x3800, s18;
	[dreg:$0xc] =	wrdreg s6  }
0xe: {  	s20 =	sadd.s32 s10, s7;
	s10 =	sadd.s32 $0x4000, s18;
	[dreg:$0xe] =	wrdreg s9  }
0xf: {  	s16 =	sshll.u32 s11, $0x4;
	s12 =	sadd.s32 $0x4800, s18;
	[dreg:$0xf] =	wrdreg s10  }
0x10: {  	p0 =	sne.s32 s11, $0xF;
	s13 =	sadd.s32 $0x5000, s18;
	[dreg:$0x10] =	wrdreg s12  }
0x11: {  	s4 =	sshll.u32 s2, $0x8;
	s14 =	sadd.s32 $0x5800, s18;
	[dreg:$0x11] =	wrdreg s13  }
0x12: {  	s2 =	sshll.u32 s2, $0x4;
	s15 =	sadd.s32 $0x6000, s18;
	[dreg:$0x12] =	wrdreg s14  }
0x13: {  	s8 =	sadd.s32 s4, s0;
	s17 =	sadd.s32 $0x6800, s18;
	[dreg:$0x13] =	wrdreg s15  }
0x14: {  	s2 =	sor.u32 s2, s11;
	s19 =	sadd.s32 $0x7000, s18;
	[dreg:$0x14] =	wrdreg s17  }
0x15: {  	s21 =	sshrl.u32 s20, $0x3;
	s20 =	sor.u32 $0xC0, s2;
	[dreg:$0x15] =	wrdreg s19  }
0x16: {  	s4 =	sadd.s32 $0x16200, s0;
	s2 =	sadd.s32 $0x9800, s18;
	[dreg:$0x16] =	wrdreg s20  }
0x17: {  	s0 =	sadd.s32 $0x3D400, s0;
	s11 =	sadd.s32 $0xD000, s18;
	[dreg:$0x1b] =	wrdreg s2  }
0x18: {  	s7 =	sshrl.u32 s7, $0x3;
	s5 =	sadd.s32 s0, s21;
	[smem:$0x7F1] =	sst s11  }
0x19: {  	s0 =	sadd.s32 s0, s7;
	s7 =	sadd.s32 $0x3000, s18;
	[dreg:$0x5] =	wrdreg s5  }
0x1a: {  	s21 =	sadd.s32 $0x7800, s18;
	[dreg:$0xd] =	wrdreg s7  }
0x1b: {  	s22 =	sadd.s32 $0x8000, s18;
	[dreg:$0x17] =	wrdreg s21  }
0x1c: {  	s23 =	sadd.s32 $0x8800, s18;
	[dreg:$0x18] =	wrdreg s22  }
0x1d: {  	s26 =	sadd.s32 $0x9000, s18;
	[dreg:$0x19] =	wrdreg s23  }
0x1e: {  	s6 =	sadd.s32 $0xA800, s18;
	[dreg:$0x1a] =	wrdreg s26  }
0x1f: {  	s9 =	sadd.s32 $0xC000, s18;
	[dreg:$0x1d] =	wrdreg s6  }
0x20: {  	s10 =	sadd.s32 $0xC800, s18;
	[smem:$0x7EF] =	sst s9  }
0x21: {  	s12 =	sadd.s32 $0xD800, s18;
	[smem:$0x7F0] =	sst s10  }
0x22: {  	s28 =	simm.s32 $0x1;
	s13 =	sadd.s32 $0xE000, s18;
	[smem:$0x7F2] =	sst s12  }
0x23: {  	s29 =	simm.s32 $0x80;
	s14 =	sadd.s32 $0xE800, s18;
	[smem:$0x7F3] =	sst s13  }
0x24: {  	s30 =	simm.s32 $0x400;
	s15 =	sadd.s32 $0xF000, s18;
	[smem:$0x7F4] =	sst s14  }
0x25: {  	s31 =	simm.s32 $0x480;
	s17 =	sadd.s32 $0x10000, s18;
	[smem:$0x7F5] =	sst s15  }
0x26: {  	s19 =	sadd.s32 $0x10800, s18;
	s20 =	sadd.s32 $0x11000, s18;
	[smem:$0x7F7] =	sst s17  }
0x27: {  	s11 =	simm.s32 $0x4800;
	s0 =	sadd.s32 $0x27000, s0;
	[smem:$0x7F8] =	sst s19  }
0x28: {  	s5 =	sadd.s32 $0x2000, s18;
	s7 =	sadd.s32 $0xB000, s18;
	[smem:$0x7F9] =	sst s20  }
0x29: {  	s21 =	sadd.s32 $0x11800, s18;
	s22 =	sadd.s32 $0x12000, s18;
	s23 =	sadd.s32 $0x12800, s18  }
0x2a: {  	s26 =	sadd.s32 $0x13000, s18;
	s19 =	simm.s32 $0x200;
	[dreg:$0x6] =	wrdreg s0  }
0x2b: {  	s20 =	simm.s32 $0x280;
	s9 =	simm.s32 $0x800;
	[dreg:$0xb] =	wrdreg s5  }
0x2c: {  	s10 =	simm.s32 $0x2;
	s12 =	simm.s32 $0x9;
	[dreg:$0x1e] =	wrdreg s7  }
0x2d: {  	s13 =	simm.s32 $0x3;
	s14 =	simm.s32 $0xB;
	[smem:$0x7FA] =	sst s21  }
0x2e: {  	s15 =	simm.s32 $0xA;
	s17 =	simm.s32 $0xC;
	[smem:$0x7FB] =	sst s22  }
0x2f: {  	s0 =	sadd.s32 s16, s8;
	s5 =	sadd.s32 $0xA000, s18;
	[smem:$0x7FC] =	sst s23  }
0x30: {  	s8 =	sadd.s32 $0xB800, s18;
	s16 =	sadd.s32 $0xF800, s18;
	[smem:$0x7FD] =	sst s26  }
0x31: {  	s7 =	simm.s32 $0x100;
	s21 =	simm.s32 $0x300;
	[dreg:$0x1c] =	wrdreg s5  }
0x32: {  	s26 =	simm.s32 $0x380;
	s22 =	simm.s32 $0x5;
	[dreg:$0x1f] =	wrdreg s8  }
0x33: {  	s23 =	simm.s32 $0x6;
	s24 =	sadd.s32 $0x2800, s0;
	[smem:$0x7F6] =	sst s16  }
0x34: {  	v0 =	vimm.f32 $0.0e+00;
	s8 =	simm.s32 $0x180;
	s16 =	simm.s32 $0x4;
	s5 =	simm.s32 $0x0  }
.LBB2_1:
0x35: {  	s0 =	sand.u32 $0x1E00, s3  }
0x36: {  	[smem:$0x7EE] =	sst s5;
	s2 =	sand.u32 $0x70, s3;
	s6 =	sshrl.u32 s0, $0x2  }
0x37: {  	s0 =	simm.s32 $0x40;
	s5 =	sor.u32 s2, s6;
	s2 =	simm.s32 $0x0  }
.LBB2_2:
0x38: {  	p1 =	sne.s32 s0, $0x1FC0  }
0x39: {  	[tilespmem:s5+$0x8800] =	vst v0;
	s2 =	sadd.s32 $0x10, s2;
	s5 =	smov.u32 s0;
	s0 =	sadd.s32 $0x40, s0  }
.Ltmp0:
0x3a: {  	(pc) =	sbr.rel @p1 .LBB2_2-.Ltmp0, $4  }
0x3b: {  	_ = 	snop  }
0x3c: {  	s5 =	sand.u32 $0x1E00, s5  }
0x3d: {  	s6 =	sand.u32 $0x70, s2;
	s5 =	sshrl.u32 s5, $0x2  }
0x3e: {  	s5 =	sor.u32 s6, s5  }
0x3f: {  	[tilespmem:s5+$0x8800] =	vst v0;
	s2 =	simm.s32 $0x8800;
	s0 =	rddreg [dreg:$0x8]  }
0x40: {  	[spmem:s18] =	stream.linear.scatter [tilespmem:s2], [sflag:$0x1], $0x800, $0x38;
	[tilespmem:$0x1C880] =	vst v63  }
0x41: {  	s5 =	rddreg [dreg:$0xa]  }
0x42: {  	[spmem:s0] =	stream.linear.scatter [tilespmem:s2], [sflag:$0x1], $0x800, $0x38;
	[tilespmem:$0x1C880] =	vst v63  }
0x43: {  	s18 =	rddreg [dreg:$0x9]  }
0x44: {  	[spmem:s18] =	stream.linear.scatter [tilespmem:s2], [sflag:$0x1], $0x800, $0x38;
	[tilespmem:$0x1C880] =	vst v63  }
0x45: {  	s6 =	rddreg [dreg:$0xb]  }
0x46: {  	[spmem:s5] =	stream.linear.scatter [tilespmem:s2], [sflag:$0x1], $0x800, $0x38;
	[tilespmem:$0x1C880] =	vst v63  }
0x47: {  	s18 =	rddreg [dreg:$0xc]  }
0x48: {  	[spmem:s6] =	stream.linear.scatter [tilespmem:s2], [sflag:$0x1], $0x800, $0x38;
	[tilespmem:$0x1C880] =	vst v63  }
0x49: {  	s5 =	rddreg [dreg:$0xd]  }
0x4a: {  	[spmem:s18] =	stream.linear.scatter [tilespmem:s2], [sflag:$0x1], $0x800, $0x38;
	[tilespmem:$0x1C880] =	vst v63  }
0x4b: {  	s6 =	rddreg [dreg:$0xe]  }
0x4c: {  	[spmem:s5] =	stream.linear.scatter [tilespmem:s2], [sflag:$0x1], $0x800, $0x38;
	[tilespmem:$0x1C880] =	vst v63  }
0x4d: {  	s18 =	rddreg [dreg:$0xf]  }
0x4e: {  	[spmem:s6] =	stream.linear.scatter [tilespmem:s2], [sflag:$0x1], $0x800, $0x38;
	[tilespmem:$0x1C880] =	vst v63  }
0x4f: {  	s5 =	rddreg [dreg:$0x10]  }
0x50: {  	[spmem:s18] =	stream.linear.scatter [tilespmem:s2], [sflag:$0x1], $0x800, $0x38;
	[tilespmem:$0x1C880] =	vst v63  }
0x51: {  	s6 =	rddreg [dreg:$0x11]  }
0x52: {  	[spmem:s5] =	stream.linear.scatter [tilespmem:s2], [sflag:$0x1], $0x800, $0x38;
	[tilespmem:$0x1C880] =	vst v63  }
0x53: {  	s18 =	rddreg [dreg:$0x12]  }
0x54: {  	[spmem:s6] =	stream.linear.scatter [tilespmem:s2], [sflag:$0x1], $0x800, $0x38;
	[tilespmem:$0x1C880] =	vst v63  }
0x55: {  	s5 =	rddreg [dreg:$0x13]  }
0x56: {  	[spmem:s18] =	stream.linear.scatter [tilespmem:s2], [sflag:$0x1], $0x800, $0x38;
	[tilespmem:$0x1C880] =	vst v63  }
0x57: {  	s6 =	rddreg [dreg:$0x14]  }
0x58: {  	[spmem:s5] =	stream.linear.scatter [tilespmem:s2], [sflag:$0x1], $0x800, $0x38;
	[tilespmem:$0x1C880] =	vst v63  }
0x59: {  	s18 =	rddreg [dreg:$0x15]  }
0x5a: {  	[spmem:s6] =	stream.linear.scatter [tilespmem:s2], [sflag:$0x1], $0x800, $0x38;
	[tilespmem:$0x1C880] =	vst v63  }
0x5b: {  	s5 =	rddreg [dreg:$0x17]  }
0x5c: {  	[spmem:s18] =	stream.linear.scatter [tilespmem:s2], [sflag:$0x1], $0x800, $0x38;
	[tilespmem:$0x1C880] =	vst v63  }
0x5d: {  	s6 =	rddreg [dreg:$0x18]  }
0x5e: {  	[spmem:s5] =	stream.linear.scatter [tilespmem:s2], [sflag:$0x1], $0x800, $0x38;
	[tilespmem:$0x1C880] =	vst v63  }
0x5f: {  	s18 =	rddreg [dreg:$0x19]  }
0x60: {  	[spmem:s6] =	stream.linear.scatter [tilespmem:s2], [sflag:$0x1], $0x800, $0x38;
	[tilespmem:$0x1C880] =	vst v63  }
0x61: {  	s5 =	rddreg [dreg:$0x1a]  }
0x62: {  	[spmem:s18] =	stream.linear.scatter [tilespmem:s2], [sflag:$0x1], $0x800, $0x38;
	[tilespmem:$0x1C880] =	vst v63  }
0x63: {  	s6 =	rddreg [dreg:$0x1b]  }
0x64: {  	[spmem:s5] =	stream.linear.scatter [tilespmem:s2], [sflag:$0x1], $0x800, $0x38;
	[tilespmem:$0x1C880] =	vst v63  }
0x65: {  	s18 =	rddreg [dreg:$0x1c]  }
0x66: {  	[spmem:s6] =	stream.linear.scatter [tilespmem:s2], [sflag:$0x1], $0x800, $0x38;
	[tilespmem:$0x1C880] =	vst v63  }
0x67: {  	s5 =	rddreg [dreg:$0x1d]  }
0x68: {  	[spmem:s18] =	stream.linear.scatter [tilespmem:s2], [sflag:$0x1], $0x800, $0x38;
	[tilespmem:$0x1C880] =	vst v63  }
0x69: {  	s6 =	rddreg [dreg:$0x1e]  }
0x6a: {  	[spmem:s5] =	stream.linear.scatter [tilespmem:s2], [sflag:$0x1], $0x800, $0x38;
	[tilespmem:$0x1C880] =	vst v63  }
0x6b: {  	s18 =	rddreg [dreg:$0x1f]  }
0x6c: {  	[spmem:s6] =	stream.linear.scatter [tilespmem:s2], [sflag:$0x1], $0x800, $0x38;
	[tilespmem:$0x1C880] =	vst v63  }
0x6d: {  	s5 =	sld [smem:$0x7EF]  }
0x6e: {  	[spmem:s18] =	stream.linear.scatter [tilespmem:s2], [sflag:$0x1], $0x800, $0x38;
	[tilespmem:$0x1C880] =	vst v63  }
0x6f: {  	s6 =	sld [smem:$0x7F0]  }
0x70: {  	[spmem:s5] =	stream.linear.scatter [tilespmem:s2], [sflag:$0x1], $0x800, $0x38;
	[tilespmem:$0x1C880] =	vst v63  }
0x71: {  	s18 =	sld [smem:$0x7F1]  }
0x72: {  	[spmem:s6] =	stream.linear.scatter [tilespmem:s2], [sflag:$0x1], $0x800, $0x38;
	[tilespmem:$0x1C880] =	vst v63  }
0x73: {  	s5 =	sld [smem:$0x7F2]  }
0x74: {  	[spmem:s18] =	stream.linear.scatter [tilespmem:s2], [sflag:$0x1], $0x800, $0x38;
	[tilespmem:$0x1C880] =	vst v63  }
0x75: {  	s6 =	sld [smem:$0x7F3]  }
0x76: {  	[spmem:s5] =	stream.linear.scatter [tilespmem:s2], [sflag:$0x1], $0x800, $0x38;
	[tilespmem:$0x1C880] =	vst v63  }
0x77: {  	s18 =	sld [smem:$0x7F4]  }
0x78: {  	[spmem:s6] =	stream.linear.scatter [tilespmem:s2], [sflag:$0x1], $0x800, $0x38;
	[tilespmem:$0x1C880] =	vst v63  }
0x79: {  	s5 =	sld [smem:$0x7F5]  }
0x7a: {  	[spmem:s18] =	stream.linear.scatter [tilespmem:s2], [sflag:$0x1], $0x800, $0x38;
	[tilespmem:$0x1C880] =	vst v63  }
0x7b: {  	s6 =	sld [smem:$0x7F6]  }
0x7c: {  	[spmem:s5] =	stream.linear.scatter [tilespmem:s2], [sflag:$0x1], $0x800, $0x38;
	[tilespmem:$0x1C880] =	vst v63  }
0x7d: {  	s18 =	sld [smem:$0x7F7]  }
0x7e: {  	[spmem:s6] =	stream.linear.scatter [tilespmem:s2], [sflag:$0x1], $0x800, $0x38;
	[tilespmem:$0x1C880] =	vst v63  }
0x7f: {  	s5 =	sld [smem:$0x7F8]  }
0x80: {  	[spmem:s18] =	stream.linear.scatter [tilespmem:s2], [sflag:$0x1], $0x800, $0x38;
	[tilespmem:$0x1C880] =	vst v63  }
0x81: {  	s6 =	sld [smem:$0x7F9]  }
0x82: {  	[spmem:s5] =	stream.linear.scatter [tilespmem:s2], [sflag:$0x1], $0x800, $0x38;
	[tilespmem:$0x1C880] =	vst v63  }
0x83: {  	s18 =	sld [smem:$0x7FA]  }
0x84: {  	[spmem:s6] =	stream.linear.scatter [tilespmem:s2], [sflag:$0x1], $0x800, $0x38;
	[tilespmem:$0x1C880] =	vst v63  }
0x85: {  	s5 =	sld [smem:$0x7FB]  }
0x86: {  	[spmem:s18] =	stream.linear.scatter [tilespmem:s2], [sflag:$0x1], $0x800, $0x38;
	[tilespmem:$0x1C880] =	vst v63  }
0x87: {  	s6 =	sld [smem:$0x7FC]  }
0x88: {  	[spmem:s5] =	stream.linear.scatter [tilespmem:s2], [sflag:$0x1], $0x800, $0x38;
	[tilespmem:$0x1C880] =	vst v63  }
0x89: {  	s18 =	sld [smem:$0x7FD]  }
0x8a: {  	[spmem:s6] =	stream.linear.scatter [tilespmem:s2], [sflag:$0x1], $0x800, $0x38;
	[tilespmem:$0x1C880] =	vst v63  }
0x8b: {  	_ = 	snop  }
0x8c: {  	[spmem:s18] =	stream.linear.scatter [tilespmem:s2], [sflag:$0x1], $0x800, $0x38;
	[tilespmem:$0x1C880] =	vst v63  }
0x8d: {  	s0 =	simm.s32 @!p0 $0x8800  }
0x8e: {  	[spmem:s25] =	stream.linear.scatter @!p0 [tilespmem:s0], [sflag:$0x1], $0x800, $0x38;
	[tilespmem:$0x1C880] =	vst v63  }
0x8f: {  	_ =	swait.ge [sflag:s28], $0x800  }
0x90: {  	s0 =	simm.s32 $0x26;
	[sflag:s28] =	ssyncset.done $0x0  }
.LBB2_4:
0x91: {  	p1 =	sne.s32 s0, $0x1;
	s0 =	sadd.s32 $0xFFFFFFFF, s0;
	[sflag:s28] =	ssyncadd.s32 $0xFFFFF800  }
.Ltmp1:
0x92: {  	(pc) =	sbr.rel @p1 .LBB2_4-.Ltmp1, $3  }
0x93: {  	_ =	sdelay $0x1  }
0x94: {  	_ =	swait.ge [sflag:s28], $0x800  }
0x95: {  	[sflag:s28] =	ssyncset.done $0x0  }
0x96: {  	[sflag:s28] =	ssyncadd.s32 $0xFFFFF800;
	s0 =	simm.s32 @!p0 $0x1  }
0x97: {  	_ =	swait.ge @!p0 [sflag:s0], $0x800  }
0x98: {  	[sflag:s0] =	ssyncset.done @!p0 $0x0  }
0x99: {  	[sflag:s0] =	ssyncadd.s32 @!p0 $0xFFFFF800  }
0x9a: {  	s0 =	sadd.s32 $0x0, s24;
	[bflag:$0x0] =	sbarrier.arrive $0xFFFF  }
0x9b: {  	[tilespmem:s3], [sflag:$0x1] =	stream.linear.gather [hbm4b:s0+s3], $0x80, $0x38;
	[tilespmem:$0x1C880] =	vst v63  }
0x9c: {  	s2 =	sadd.s32 $0x9C40, s0  }
0x9d: {  	[tilespmem:s29], [sflag:$0x1] =	stream.linear.gather [hbm4b:s2+s3], $0x80, $0x38;
	[tilespmem:$0x1C880] =	vst v63  }
0x9e: {  	s25 =	sadd.s32 $0x200, s0  }
0x9f: {  	[tilespmem:s7], [sflag:$0x2] =	stream.linear.gather [hbm4b:s25+s3], $0x80, $0x38;
	[tilespmem:$0x1C880] =	vst v63  }
0xa0: {  	s5 =	sadd.s32 $0x9E40, s0  }
0xa1: {  	[tilespmem:s8], [sflag:$0x2] =	stream.linear.gather [hbm4b:s5+s3], $0x80, $0x38;
	[tilespmem:$0x1C880] =	vst v63  }
0xa2: {  	s6 =	sadd.s32 $0x400, s0  }
0xa3: {  	[tilespmem:s19], [sflag:$0x3] =	stream.linear.gather [hbm4b:s6+s3], $0x80, $0x38;
	[tilespmem:$0x1C880] =	vst v63  }
0xa4: {  	s18 =	sadd.s32 $0xA040, s0  }
0xa5: {  	[tilespmem:s20], [sflag:$0x3] =	stream.linear.gather [hbm4b:s18+s3], $0x80, $0x38;
	[tilespmem:$0x1C880] =	vst v63  }
0xa6: {  	s25 =	sadd.s32 $0x600, s0  }
0xa7: {  	[tilespmem:s21], [sflag:$0x4] =	stream.linear.gather [hbm4b:s25+s3], $0x80, $0x38;
	[tilespmem:$0x1C880] =	vst v63  }
0xa8: {  	s5 =	sadd.s32 $0xA240, s0  }
0xa9: {  	[tilespmem:s26], [sflag:$0x4] =	stream.linear.gather [hbm4b:s5+s3], $0x80, $0x38;
	[tilespmem:$0x1C880] =	vst v63  }
0xaa: {  	_ =	swait.ge [sflag:s28], $0x80  }
0xab: {  	[sflag:s28] =	ssyncset.done $0x0  }
0xac: {  	[sflag:s28] =	ssyncadd.s32 $0xFFFFFF80  }
0xad: {  	_ =	swait.ge [sflag:s28], $0x80  }
0xae: {  	p1 =	por $0x1, $0x1;
	[sflag:s28] =	ssyncset.done $0x0  }
0xaf: {  	s2 =	simm.s32 @!p1 $0xB;
	[sflag:s28] =	ssyncadd.s32 $0xFFFFFF80  }
0xb0: {  	_ =	swait.ge @!p1 [sflag:s2], $0x4000  }
0xb1: {  	[sflag:s2] =	ssyncset.done @!p1 $0x0  }
0xb2: {  	[sflag:s2] =	ssyncadd.s32 @!p1 $0xFFFFC000  }
0xb3: {  	[tilespmem:s9], [sflag:$0x9] =	stream.indirect.gather [hbm4b:s4+s29], $0x80, s3, s29, $0xb8;
	[tilespmem:$0x1C880] =	vst v63  }
0xb4: {  	_ =	swait.ge [sflag:s10], $0x80  }
0xb5: {  	[sflag:s10] =	ssyncset.done $0x0  }
0xb6: {  	[sflag:s10] =	ssyncadd.s32 $0xFFFFFF80  }
0xb7: {  	_ =	swait.ge [sflag:s10], $0x80  }
0xb8: {  	[sflag:s10] =	ssyncset.done $0x0  }
0xb9: {  	s2 =	simm.s32 @!p1 $0xC;
	[sflag:s10] =	ssyncadd.s32 $0xFFFFFF80  }
0xba: {  	_ =	swait.ge @!p1 [sflag:s2], $0x4000  }
0xbb: {  	[sflag:s2] =	ssyncset.done @!p1 $0x0  }
0xbc: {  	[sflag:s2] =	ssyncadd.s32 @!p1 $0xFFFFC000  }
0xbd: {  	[tilespmem:s11], [sflag:$0xA] =	stream.indirect.gather [hbm4b:s4+s29], $0x80, s7, s29, $0xb8;
	[tilespmem:$0x1C880] =	vst v63  }
0xbe: {  	_ =	swait.ge [sflag:s12], $0x4000  }
0xbf: {  	[sflag:s12] =	ssyncset.done $0x0  }
0xc0: {  	[sflag:s12] =	ssyncadd.s32 $0xFFFFC000  }
0xc1: {  	[spmem:s1] =	stream.indirect.scatter.add.f32 [tilespmem:s9], [sflag:$0xB], $0x80, s29, s29, $0xb8;
	[tilespmem:$0x1C880] =	vst v63  }
0xc2: {  	_ =	swait.ge [sflag:s13], $0x80  }
0xc3: {  	[sflag:s13] =	ssyncset.done $0x0  }
0xc4: {  	[sflag:s13] =	ssyncadd.s32 $0xFFFFFF80  }
0xc5: {  	_ =	swait.ge [sflag:s13], $0x80  }
0xc6: {  	[sflag:s13] =	ssyncset.done $0x0  }
0xc7: {  	[sflag:s13] =	ssyncadd.s32 $0xFFFFFF80  }
0xc8: {  	_ =	swait.ge [sflag:s14], $0x4000  }
0xc9: {  	[sflag:s14] =	ssyncset.done $0x0  }
0xca: {  	[sflag:s14] =	ssyncadd.s32 $0xFFFFC000  }
0xcb: {  	[tilespmem:s9], [sflag:$0x9] =	stream.indirect.gather [hbm4b:s4+s29], $0x80, s19, s29, $0xb8;
	[tilespmem:$0x1C880] =	vst v63  }
0xcc: {  	_ =	swait.ge [sflag:s15], $0x4000  }
0xcd: {  	[sflag:s15] =	ssyncset.done $0x0  }
0xce: {  	[sflag:s15] =	ssyncadd.s32 $0xFFFFC000  }
0xcf: {  	[spmem:s1] =	stream.indirect.scatter.add.f32 [tilespmem:s11], [sflag:$0xC], $0x80, s8, s29, $0xb8;
	[tilespmem:$0x1C880] =	vst v63  }
0xd0: {  	_ =	swait.ge [sflag:s16], $0x80  }
0xd1: {  	[sflag:s16] =	ssyncset.done $0x0  }
0xd2: {  	[sflag:s16] =	ssyncadd.s32 $0xFFFFFF80  }
0xd3: {  	_ =	swait.ge [sflag:s16], $0x80  }
0xd4: {  	[sflag:s16] =	ssyncset.done $0x0  }
0xd5: {  	[sflag:s16] =	ssyncadd.s32 $0xFFFFFF80  }
0xd6: {  	_ =	swait.ge [sflag:s17], $0x4000  }
0xd7: {  	[sflag:s17] =	ssyncset.done $0x0  }
0xd8: {  	[sflag:s17] =	ssyncadd.s32 $0xFFFFC000  }
0xd9: {  	[tilespmem:s11], [sflag:$0xA] =	stream.indirect.gather [hbm4b:s4+s29], $0x80, s21, s29, $0xb8;
	[tilespmem:$0x1C880] =	vst v63  }
0xda: {  	_ =	swait.ge [sflag:s12], $0x4000  }
0xdb: {  	[sflag:s12] =	ssyncset.done $0x0  }
0xdc: {  	[sflag:s12] =	ssyncadd.s32 $0xFFFFC000  }
0xdd: {  	[spmem:s1] =	stream.indirect.scatter.add.f32 [tilespmem:s9], [sflag:$0xB], $0x80, s20, s29, $0xb8;
	[tilespmem:$0x1C880] =	vst v63  }
0xde: {  	_ =	swait.ge [sflag:s15], $0x4000  }
0xdf: {  	[sflag:s15] =	ssyncset.done $0x0  }
0xe0: {  	[sflag:s15] =	ssyncadd.s32 $0xFFFFC000  }
0xe1: {  	[spmem:s1] =	stream.indirect.scatter.add.f32 [tilespmem:s11], [sflag:$0xC], $0x80, s26, s29, $0xb8;
	[tilespmem:$0x1C880] =	vst v63  }
0xe2: {  	s6 =	sadd.s32 $0x800, s0;
	s7 =	sadd.s32 $0xA440, s0  }
0xe3: {  	[tilespmem:s30], [sflag:$0x5] =	stream.linear.gather [hbm4b:s6+s3], $0x80, $0x38;
	[tilespmem:$0x1C880] =	vst v63  }
0xe4: {  	s19 =	simm.s32 $0x500;
	s8 =	sadd.s32 $0xA00, s0;
	s18 =	rddreg [dreg:$0x16]  }
0xe5: {  	[tilespmem:s31], [sflag:$0x5] =	stream.linear.gather [hbm4b:s7+s3], $0x80, $0x38;
	[tilespmem:$0x1C880] =	vst v63  }
0xe6: {  	s0 =	sadd.s32 $0xA640, s0;
	p2 =	sgt.u32 s18, $0x9C3;
	s20 =	sadd.s32 $0x20, s18  }
0xe7: {  	[tilespmem:s19], [sflag:$0x6] =	stream.linear.gather [hbm4b:s8+s3], $0x80, $0x38;
	[tilespmem:$0x1C880] =	vst v63  }
0xe8: {  	s21 =	simm.s32 $0x580;
	s5 =	sadd.s32 @!p2 $0x0, s24;
	p3 =	sgt.u32 s20, $0x9C3  }
0xe9: {  	[tilespmem:s21], [sflag:$0x6] =	stream.linear.gather [hbm4b:s0+s3], $0x80, $0x38;
	[tilespmem:$0x1C880] =	vst v63  }
0xea: {  	s7 =	simm.s32 @!p2 $0x0;
	s8 =	simm.s32 @!p2 $0x600;
	s0 =	sadd.s32 @!p2 $0xC00, s5  }
0xeb: {  	[tilespmem:s8], [sflag:$0x7] =	stream.linear.gather @!p2 [hbm4b:s0+s7], $0x80, $0x38;
	[tilespmem:$0x1C880] =	vst v63  }
0xec: {  	s2 =	sadd.s32 @!p3 $0x0, s24;
	s6 =	simm.s32 @!p2 $0x680;
	s0 =	sadd.s32 @!p2 $0xA840, s5  }
0xed: {  	[tilespmem:s6], [sflag:$0x7] =	stream.linear.gather @!p2 [hbm4b:s0+s7], $0x80, $0x38;
	[tilespmem:$0x1C880] =	vst v63  }
0xee: {  	s25 =	simm.s32 @!p3 $0x700;
	s5 =	sadd.s32 @!p3 $0xE00, s2;
	s0 =	simm.s32 @!p3 $0x0  }
0xef: {  	[tilespmem:s25], [sflag:$0x8] =	stream.linear.gather @!p3 [hbm4b:s5+s0], $0x80, $0x38;
	[tilespmem:$0x1C880] =	vst v63  }
0xf0: {  	s26 =	simm.s32 @!p3 $0x780;
	s2 =	sadd.s32 @!p3 $0xAA40, s2  }
0xf1: {  	[tilespmem:s26], [sflag:$0x8] =	stream.linear.gather @!p3 [hbm4b:s2+s0], $0x80, $0x38;
	[tilespmem:$0x1C880] =	vst v63  }
0xf2: {  	_ =	swait.ge [sflag:s22], $0x80  }
0xf3: {  	[sflag:s22] =	ssyncset.done $0x0  }
0xf4: {  	[sflag:s22] =	ssyncadd.s32 $0xFFFFFF80  }
0xf5: {  	_ =	swait.ge [sflag:s22], $0x80  }
0xf6: {  	[sflag:s22] =	ssyncset.done $0x0  }
0xf7: {  	[sflag:s22] =	ssyncadd.s32 $0xFFFFFF80  }
0xf8: {  	_ =	swait.ge [sflag:s14], $0x4000  }
0xf9: {  	[sflag:s14] =	ssyncset.done $0x0  }
0xfa: {  	[sflag:s14] =	ssyncadd.s32 $0xFFFFC000  }
0xfb: {  	[tilespmem:s9], [sflag:$0x9] =	stream.indirect.gather [hbm4b:s4+s29], $0x80, s30, s29, $0xb8;
	[tilespmem:$0x1C880] =	vst v63  }
0xfc: {  	_ =	swait.ge [sflag:s23], $0x80  }
0xfd: {  	[sflag:s23] =	ssyncset.done $0x0  }
0xfe: {  	[sflag:s23] =	ssyncadd.s32 $0xFFFFFF80  }
0xff: {  	_ =	swait.ge [sflag:s23], $0x80  }
0x100: {  	[sflag:s23] =	ssyncset.done $0x0  }
0x101: {  	[sflag:s23] =	ssyncadd.s32 $0xFFFFFF80  }
0x102: {  	_ =	swait.ge [sflag:s17], $0x4000  }
0x103: {  	[sflag:s17] =	ssyncset.done $0x0  }
0x104: {  	[sflag:s17] =	ssyncadd.s32 $0xFFFFC000  }
0x105: {  	[tilespmem:s11], [sflag:$0xA] =	stream.indirect.gather [hbm4b:s4+s29], $0x80, s19, s29, $0xb8;
	[tilespmem:$0x1C880] =	vst v63  }
0x106: {  	_ =	swait.ge [sflag:s12], $0x4000  }
0x107: {  	[sflag:s12] =	ssyncset.done $0x0  }
0x108: {  	s0 =	simm.s32 @!p2 $0x7;
	[sflag:s12] =	ssyncadd.s32 $0xFFFFC000  }
0x109: {  	[spmem:s1] =	stream.indirect.scatter.add.f32 [tilespmem:s9], [sflag:$0xB], $0x80, s31, s29, $0xb8;
	[tilespmem:$0x1C880] =	vst v63  }
0x10a: {  	_ =	swait.ge @!p2 [sflag:s0], $0x80  }
0x10b: {  	[sflag:s0] =	ssyncset.done @!p2 $0x0  }
0x10c: {  	[sflag:s0] =	ssyncadd.s32 @!p2 $0xFFFFFF80  }
0x10d: {  	_ =	swait.ge @!p2 [sflag:s0], $0x80  }
0x10e: {  	[sflag:s0] =	ssyncset.done @!p2 $0x0  }
0x10f: {  	s5 =	simm.s32 @!p2 $0xB;
	[sflag:s0] =	ssyncadd.s32 @!p2 $0xFFFFFF80  }
0x110: {  	_ =	swait.ge @!p2 [sflag:s5], $0x4000  }
0x111: {  	[sflag:s5] =	ssyncset.done @!p2 $0x0  }
0x112: {  	s7 =	simm.s32 @!p2 $0x800;
	s2 =	simm.s32 @!p2 $0x80;
	[sflag:s5] =	ssyncadd.s32 @!p2 $0xFFFFC000  }
0x113: {  	[tilespmem:s7], [sflag:$0x9] =	stream.indirect.gather @!p2 [hbm4b:s4+s2], $0x80, s8, s2, $0xb8;
	[tilespmem:$0x1C880] =	vst v63  }
0x114: {  	_ =	swait.ge [sflag:s15], $0x4000  }
0x115: {  	[sflag:s15] =	ssyncset.done $0x0  }
0x116: {  	s0 =	simm.s32 @!p3 $0x8;
	[sflag:s15] =	ssyncadd.s32 $0xFFFFC000  }
0x117: {  	[spmem:s1] =	stream.indirect.scatter.add.f32 [tilespmem:s11], [sflag:$0xC], $0x80, s21, s29, $0xb8;
	[tilespmem:$0x1C880] =	vst v63  }
0x118: {  	_ =	swait.ge @!p3 [sflag:s0], $0x80  }
0x119: {  	[sflag:s0] =	ssyncset.done @!p3 $0x0  }
0x11a: {  	[sflag:s0] =	ssyncadd.s32 @!p3 $0xFFFFFF80  }
0x11b: {  	_ =	swait.ge @!p3 [sflag:s0], $0x80  }
0x11c: {  	[sflag:s0] =	ssyncset.done @!p3 $0x0  }
0x11d: {  	[sflag:s0] =	ssyncadd.s32 @!p3 $0xFFFFFF80;
	s0 =	simm.s32 @!p3 $0xC  }
0x11e: {  	_ =	swait.ge @!p3 [sflag:s0], $0x4000  }
0x11f: {  	s5 =	simm.s32 @!p2 $0x9;
	[sflag:s0] =	ssyncset.done @!p3 $0x0  }
0x120: {  	s8 =	simm.s32 @!p3 $0x4800;
	[sflag:s0] =	ssyncadd.s32 @!p3 $0xFFFFC000;
	s0 =	simm.s32 @!p3 $0x80  }
0x121: {  	[tilespmem:s8], [sflag:$0xA] =	stream.indirect.gather @!p3 [hbm4b:s4+s0], $0x80, s25, s0, $0xb8;
	[tilespmem:$0x1C880] =	vst v63  }
0x122: {  	s20 =	simm.s32 $0x480;
	_ =	swait.ge @!p2 [sflag:s5], $0x4000  }
0x123: {  	s19 =	simm.s32 $0x400;
	s31 =	simm.s32 @!p3 $0xA;
	[sflag:s5] =	ssyncset.done @!p2 $0x0  }
0x124: {  	s25 =	simm.s32 $0x1000;
	[sflag:s5] =	ssyncadd.s32 @!p2 $0xFFFFC000;
	s5 =	sadd.s32 $0x100, s18  }
.LBB2_6:
0x125: {  	[spmem:s1] =	stream.indirect.scatter.add.f32 @!p2 [tilespmem:s7], [sflag:$0xB], $0x80, s6, s2, $0xb8;
	[tilespmem:$0x1C880] =	vst v63  }
0x126: {  	s30 =	smov.u32 s25;
	s25 =	sadd.s32 $0x1000, s25;
	_ =	swait.ge @!p3 [sflag:s31], $0x4000  }
0x127: {  	p1 =	sne.s32 s25, $0xA000;
	[sflag:s31] =	ssyncset.done @!p3 $0x0  }
0x128: {  	[sflag:s31] =	ssyncadd.s32 @!p3 $0xFFFFC000  }
0x129: {  	[spmem:s1] =	stream.indirect.scatter.add.f32 @!p3 [tilespmem:s8], [sflag:$0xC], $0x80, s26, s0, $0xb8;
	[tilespmem:$0x1C880] =	vst v63  }
0x12a: {  	s6 =	sadd.s32 s30, s24  }
0x12b: {  	s0 =	sadd.s32 $0x200, s6  }
0x12c: {  	[tilespmem:s3], [sflag:$0x1] =	stream.linear.gather [hbm4b:s6+s3], $0x80, $0x38;
	[tilespmem:$0x1C880] =	vst v63  }
0x12d: {  	s2 =	sadd.s32 $0x9C40, s6;
	s7 =	sadd.s32 $0x9E40, s6  }
0x12e: {  	[tilespmem:s29], [sflag:$0x1] =	stream.linear.gather [hbm4b:s2+s3], $0x80, $0x38;
	[tilespmem:$0x1C880] =	vst v63  }
0x12f: {  	s31 =	simm.s32 $0x100;
	s2 =	sadd.s32 $0x400, s6  }
0x130: {  	[tilespmem:s31], [sflag:$0x2] =	stream.linear.gather [hbm4b:s0+s3], $0x80, $0x38;
	[tilespmem:$0x1C880] =	vst v63  }
0x131: {  	s18 =	simm.s32 $0x180;
	s0 =	sadd.s32 $0xA040, s6  }
0x132: {  	[tilespmem:s18], [sflag:$0x2] =	stream.linear.gather [hbm4b:s7+s3], $0x80, $0x38;
	[tilespmem:$0x1C880] =	vst v63  }
0x133: {  	s26 =	simm.s32 $0x200;
	s7 =	sadd.s32 $0x600, s6  }
0x134: {  	[tilespmem:s26], [sflag:$0x3] =	stream.linear.gather [hbm4b:s2+s3], $0x80, $0x38;
	[tilespmem:$0x1C880] =	vst v63  }
0x135: {  	s8 =	simm.s32 $0x280;
	s2 =	sadd.s32 $0xA240, s6  }
0x136: {  	[tilespmem:s8], [sflag:$0x3] =	stream.linear.gather [hbm4b:s0+s3], $0x80, $0x38;
	[tilespmem:$0x1C880] =	vst v63  }
0x137: {  	s21 =	simm.s32 $0x300  }
0x138: {  	[tilespmem:s21], [sflag:$0x4] =	stream.linear.gather [hbm4b:s7+s3], $0x80, $0x38;
	[tilespmem:$0x1C880] =	vst v63  }
0x139: {  	s7 =	simm.s32 $0x380  }
0x13a: {  	[tilespmem:s7], [sflag:$0x4] =	stream.linear.gather [hbm4b:s2+s3], $0x80, $0x38;
	[tilespmem:$0x1C880] =	vst v63  }
0x13b: {  	p2 =	seq.s32 s30, $0x0;
	_ =	swait.ge [sflag:s28], $0x80  }
0x13c: {  	s0 =	simm.s32 @!p2 $0xB;
	[sflag:s28] =	ssyncset.done $0x0  }
0x13d: {  	[sflag:s28] =	ssyncadd.s32 $0xFFFFFF80  }
0x13e: {  	_ =	swait.ge [sflag:s28], $0x80  }
0x13f: {  	[sflag:s28] =	ssyncset.done $0x0  }
0x140: {  	[sflag:s28] =	ssyncadd.s32 $0xFFFFFF80  }
0x141: {  	_ =	swait.ge @!p2 [sflag:s0], $0x4000  }
0x142: {  	[sflag:s0] =	ssyncset.done @!p2 $0x0  }
0x143: {  	[sflag:s0] =	ssyncadd.s32 @!p2 $0xFFFFC000  }
0x144: {  	[tilespmem:s9], [sflag:$0x9] =	stream.indirect.gather [hbm4b:s4+s29], $0x80, s3, s29, $0xb8;
	[tilespmem:$0x1C880] =	vst v63  }
0x145: {  	_ =	swait.ge [sflag:s10], $0x80  }
0x146: {  	s0 =	simm.s32 @!p2 $0xC;
	[sflag:s10] =	ssyncset.done $0x0  }
0x147: {  	[sflag:s10] =	ssyncadd.s32 $0xFFFFFF80  }
0x148: {  	_ =	swait.ge [sflag:s10], $0x80  }
0x149: {  	[sflag:s10] =	ssyncset.done $0x0  }
0x14a: {  	[sflag:s10] =	ssyncadd.s32 $0xFFFFFF80  }
0x14b: {  	_ =	swait.ge @!p2 [sflag:s0], $0x4000  }
0x14c: {  	[sflag:s0] =	ssyncset.done @!p2 $0x0  }
0x14d: {  	[sflag:s0] =	ssyncadd.s32 @!p2 $0xFFFFC000  }
0x14e: {  	[tilespmem:s11], [sflag:$0xA] =	stream.indirect.gather [hbm4b:s4+s29], $0x80, s31, s29, $0xb8;
	[tilespmem:$0x1C880] =	vst v63  }
0x14f: {  	_ =	swait.ge [sflag:s12], $0x4000  }
0x150: {  	[sflag:s12] =	ssyncset.done $0x0  }
0x151: {  	[sflag:s12] =	ssyncadd.s32 $0xFFFFC000  }
0x152: {  	[spmem:s1] =	stream.indirect.scatter.add.f32 [tilespmem:s9], [sflag:$0xB], $0x80, s29, s29, $0xb8;
	[tilespmem:$0x1C880] =	vst v63  }
0x153: {  	_ =	swait.ge [sflag:s13], $0x80  }
0x154: {  	[sflag:s13] =	ssyncset.done $0x0  }
0x155: {  	[sflag:s13] =	ssyncadd.s32 $0xFFFFFF80  }
0x156: {  	_ =	swait.ge [sflag:s13], $0x80  }
0x157: {  	[sflag:s13] =	ssyncset.done $0x0  }
0x158: {  	[sflag:s13] =	ssyncadd.s32 $0xFFFFFF80  }
0x159: {  	_ =	swait.ge [sflag:s14], $0x4000  }
0x15a: {  	[sflag:s14] =	ssyncset.done $0x0  }
0x15b: {  	[sflag:s14] =	ssyncadd.s32 $0xFFFFC000  }
0x15c: {  	[tilespmem:s9], [sflag:$0x9] =	stream.indirect.gather [hbm4b:s4+s29], $0x80, s26, s29, $0xb8;
	[tilespmem:$0x1C880] =	vst v63  }
0x15d: {  	_ =	swait.ge [sflag:s15], $0x4000  }
0x15e: {  	[sflag:s15] =	ssyncset.done $0x0  }
0x15f: {  	[sflag:s15] =	ssyncadd.s32 $0xFFFFC000  }
0x160: {  	[spmem:s1] =	stream.indirect.scatter.add.f32 [tilespmem:s11], [sflag:$0xC], $0x80, s18, s29, $0xb8;
	[tilespmem:$0x1C880] =	vst v63  }
0x161: {  	_ =	swait.ge [sflag:s16], $0x80  }
0x162: {  	[sflag:s16] =	ssyncset.done $0x0  }
0x163: {  	[sflag:s16] =	ssyncadd.s32 $0xFFFFFF80  }
0x164: {  	_ =	swait.ge [sflag:s16], $0x80  }
0x165: {  	[sflag:s16] =	ssyncset.done $0x0  }
0x166: {  	[sflag:s16] =	ssyncadd.s32 $0xFFFFFF80  }
0x167: {  	_ =	swait.ge [sflag:s17], $0x4000  }
0x168: {  	[sflag:s17] =	ssyncset.done $0x0  }
0x169: {  	[sflag:s17] =	ssyncadd.s32 $0xFFFFC000  }
0x16a: {  	[tilespmem:s11], [sflag:$0xA] =	stream.indirect.gather [hbm4b:s4+s29], $0x80, s21, s29, $0xb8;
	[tilespmem:$0x1C880] =	vst v63  }
0x16b: {  	_ =	swait.ge [sflag:s12], $0x4000  }
0x16c: {  	[sflag:s12] =	ssyncset.done $0x0  }
0x16d: {  	[sflag:s12] =	ssyncadd.s32 $0xFFFFC000  }
0x16e: {  	[spmem:s1] =	stream.indirect.scatter.add.f32 [tilespmem:s9], [sflag:$0xB], $0x80, s8, s29, $0xb8;
	[tilespmem:$0x1C880] =	vst v63  }
0x16f: {  	s0 =	sadd.s32 $0x800, s6;
	_ =	swait.ge [sflag:s15], $0x4000  }
0x170: {  	[sflag:s15] =	ssyncset.done $0x0  }
0x171: {  	s2 =	sadd.s32 $0xA440, s6;
	[sflag:s15] =	ssyncadd.s32 $0xFFFFC000  }
0x172: {  	[spmem:s1] =	stream.indirect.scatter.add.f32 [tilespmem:s11], [sflag:$0xC], $0x80, s7, s29, $0xb8;
	[tilespmem:$0x1C880] =	vst v63  }
0x173: {  	p2 =	sgt.u32 s5, $0x9C3;
	s7 =	sadd.s32 $0xA00, s6  }
0x174: {  	[tilespmem:s19], [sflag:$0x5] =	stream.linear.gather [hbm4b:s0+s3], $0x80, $0x38;
	[tilespmem:$0x1C880] =	vst v63  }
0x175: {  	s26 =	simm.s32 @!p2 $0x0;
	s8 =	sadd.s32 $0x20, s5;
	s6 =	sadd.s32 $0xA640, s6  }
0x176: {  	[tilespmem:s20], [sflag:$0x5] =	stream.linear.gather [hbm4b:s2+s3], $0x80, $0x38;
	[tilespmem:$0x1C880] =	vst v63  }
0x177: {  	s18 =	simm.s32 $0x500;
	s0 =	simm.s32 @!p2 $0x600;
	s2 =	sadd.s32 @!p2 s30, s24  }
0x178: {  	[tilespmem:s18], [sflag:$0x6] =	stream.linear.gather [hbm4b:s7+s3], $0x80, $0x38;
	[tilespmem:$0x1C880] =	vst v63  }
0x179: {  	s21 =	simm.s32 $0x580;
	s7 =	sadd.s32 @!p2 $0xC00, s2;
	s2 =	sadd.s32 @!p2 $0xA840, s2  }
0x17a: {  	[tilespmem:s21], [sflag:$0x6] =	stream.linear.gather [hbm4b:s6+s3], $0x80, $0x38;
	[tilespmem:$0x1C880] =	vst v63  }
0x17b: {  	p3 =	sgt.u32 s8, $0x9C3;
	s6 =	simm.s32 @!p2 $0x680  }
0x17c: {  	[tilespmem:s0], [sflag:$0x7] =	stream.linear.gather @!p2 [hbm4b:s7+s26], $0x80, $0x38;
	[tilespmem:$0x1C880] =	vst v63  }
0x17d: {  	s8 =	simm.s32 @!p3 $0x0;
	s31 =	simm.s32 @!p3 $0xA;
	s7 =	sadd.s32 @!p3 s30, s24  }
0x17e: {  	[tilespmem:s6], [sflag:$0x7] =	stream.linear.gather @!p2 [hbm4b:s2+s26], $0x80, $0x38;
	[tilespmem:$0x1C880] =	vst v63  }
0x17f: {  	s30 =	simm.s32 @!p3 $0x700;
	s2 =	sadd.s32 @!p3 $0xE00, s7;
	s7 =	sadd.s32 @!p3 $0xAA40, s7  }
0x180: {  	[tilespmem:s30], [sflag:$0x8] =	stream.linear.gather @!p3 [hbm4b:s2+s8], $0x80, $0x38;
	[tilespmem:$0x1C880] =	vst v63  }
0x181: {  	s26 =	simm.s32 @!p3 $0x780  }
0x182: {  	[tilespmem:s26], [sflag:$0x8] =	stream.linear.gather @!p3 [hbm4b:s7+s8], $0x80, $0x38;
	[tilespmem:$0x1C880] =	vst v63  }
0x183: {  	_ =	swait.ge [sflag:s22], $0x80  }
0x184: {  	[sflag:s22] =	ssyncset.done $0x0  }
0x185: {  	[sflag:s22] =	ssyncadd.s32 $0xFFFFFF80  }
0x186: {  	_ =	swait.ge [sflag:s22], $0x80  }
0x187: {  	[sflag:s22] =	ssyncset.done $0x0  }
0x188: {  	[sflag:s22] =	ssyncadd.s32 $0xFFFFFF80  }
0x189: {  	_ =	swait.ge [sflag:s14], $0x4000  }
0x18a: {  	[sflag:s14] =	ssyncset.done $0x0  }
0x18b: {  	[sflag:s14] =	ssyncadd.s32 $0xFFFFC000  }
0x18c: {  	[tilespmem:s9], [sflag:$0x9] =	stream.indirect.gather [hbm4b:s4+s29], $0x80, s19, s29, $0xb8;
	[tilespmem:$0x1C880] =	vst v63  }
0x18d: {  	_ =	swait.ge [sflag:s23], $0x80  }
0x18e: {  	[sflag:s23] =	ssyncset.done $0x0  }
0x18f: {  	[sflag:s23] =	ssyncadd.s32 $0xFFFFFF80  }
0x190: {  	_ =	swait.ge [sflag:s23], $0x80  }
0x191: {  	[sflag:s23] =	ssyncset.done $0x0  }
0x192: {  	[sflag:s23] =	ssyncadd.s32 $0xFFFFFF80  }
0x193: {  	_ =	swait.ge [sflag:s17], $0x4000  }
0x194: {  	[sflag:s17] =	ssyncset.done $0x0  }
0x195: {  	[sflag:s17] =	ssyncadd.s32 $0xFFFFC000  }
0x196: {  	[tilespmem:s11], [sflag:$0xA] =	stream.indirect.gather [hbm4b:s4+s29], $0x80, s18, s29, $0xb8;
	[tilespmem:$0x1C880] =	vst v63  }
0x197: {  	_ =	swait.ge [sflag:s12], $0x4000  }
0x198: {  	[sflag:s12] =	ssyncset.done $0x0  }
0x199: {  	s8 =	simm.s32 @!p2 $0x7;
	[sflag:s12] =	ssyncadd.s32 $0xFFFFC000  }
0x19a: {  	[spmem:s1] =	stream.indirect.scatter.add.f32 [tilespmem:s9], [sflag:$0xB], $0x80, s20, s29, $0xb8;
	[tilespmem:$0x1C880] =	vst v63  }
0x19b: {  	_ =	swait.ge @!p2 [sflag:s8], $0x80  }
0x19c: {  	s18 =	simm.s32 @!p2 $0xB;
	[sflag:s8] =	ssyncset.done @!p2 $0x0  }
0x19d: {  	[sflag:s8] =	ssyncadd.s32 @!p2 $0xFFFFFF80  }
0x19e: {  	_ =	swait.ge @!p2 [sflag:s8], $0x80  }
0x19f: {  	s2 =	simm.s32 @!p2 $0x80;
	s7 =	simm.s32 @!p2 $0x800;
	[sflag:s8] =	ssyncset.done @!p2 $0x0  }
0x1a0: {  	[sflag:s8] =	ssyncadd.s32 @!p2 $0xFFFFFF80  }
0x1a1: {  	_ =	swait.ge @!p2 [sflag:s18], $0x4000  }
0x1a2: {  	[sflag:s18] =	ssyncset.done @!p2 $0x0  }
0x1a3: {  	[sflag:s18] =	ssyncadd.s32 @!p2 $0xFFFFC000  }
0x1a4: {  	[tilespmem:s7], [sflag:$0x9] =	stream.indirect.gather @!p2 [hbm4b:s4+s2], $0x80, s0, s2, $0xb8;
	[tilespmem:$0x1C880] =	vst v63  }
0x1a5: {  	_ =	swait.ge [sflag:s15], $0x4000  }
0x1a6: {  	[sflag:s15] =	ssyncset.done $0x0  }
0x1a7: {  	s0 =	simm.s32 @!p3 $0x8;
	[sflag:s15] =	ssyncadd.s32 $0xFFFFC000  }
0x1a8: {  	[spmem:s1] =	stream.indirect.scatter.add.f32 [tilespmem:s11], [sflag:$0xC], $0x80, s21, s29, $0xb8;
	[tilespmem:$0x1C880] =	vst v63  }
0x1a9: {  	_ =	swait.ge @!p3 [sflag:s0], $0x80  }
0x1aa: {  	[sflag:s0] =	ssyncset.done @!p3 $0x0  }
0x1ab: {  	[sflag:s0] =	ssyncadd.s32 @!p3 $0xFFFFFF80  }
0x1ac: {  	_ =	swait.ge @!p3 [sflag:s0], $0x80  }
0x1ad: {  	[sflag:s0] =	ssyncset.done @!p3 $0x0  }
0x1ae: {  	s18 =	simm.s32 @!p2 $0x9;
	[sflag:s0] =	ssyncadd.s32 @!p3 $0xFFFFFF80;
	s0 =	simm.s32 @!p3 $0xC  }
0x1af: {  	_ =	swait.ge @!p3 [sflag:s0], $0x4000  }
0x1b0: {  	s8 =	simm.s32 @!p3 $0x4800;
	[sflag:s0] =	ssyncset.done @!p3 $0x0  }
.Ltmp2:
0x1b1: {  	[sflag:s0] =	ssyncadd.s32 @!p3 $0xFFFFC000;
	s0 =	simm.s32 @!p3 $0x80;
	(pc) =	sbr.rel @p1 .LBB2_6-.Ltmp2, $4  }
0x1b2: {  	[tilespmem:s8], [sflag:$0xA] =	stream.indirect.gather @!p3 [hbm4b:s4+s0], $0x80, s30, s0, $0xb8;
	[tilespmem:$0x1C880] =	vst v63  }
0x1b3: {  	_ =	swait.ge @!p2 [sflag:s18], $0x4000  }
0x1b4: {  	[sflag:s18] =	ssyncset.done @!p2 $0x0  }
0x1b5: {  	s5 =	sadd.s32 $0x100, s5;
	[sflag:s18] =	ssyncadd.s32 @!p2 $0xFFFFC000  }
0x1b6: {  	[spmem:s1] =	stream.indirect.scatter.add.f32 @!p2 [tilespmem:s7], [sflag:$0xB], $0x80, s6, s2, $0xb8;
	[tilespmem:$0x1C880] =	vst v63  }
0x1b7: {  	_ =	swait.ge @!p3 [sflag:s31], $0x4000  }
0x1b8: {  	[sflag:s31] =	ssyncset.done @!p3 $0x0  }
0x1b9: {  	[sflag:s31] =	ssyncadd.s32 @!p3 $0xFFFFC000  }
0x1ba: {  	[spmem:s1] =	stream.indirect.scatter.add.f32 @!p3 [tilespmem:s8], [sflag:$0xC], $0x80, s26, s0, $0xb8;
	[tilespmem:$0x1C880] =	vst v63  }
0x1bb: {  	_ =	swait.ge [sflag:s14], $0x4000  }
0x1bc: {  	[sflag:s14] =	ssyncset.done $0x0  }
0x1bd: {  	[sflag:s14] =	ssyncadd.s32 $0xFFFFC000  }
0x1be: {  	_ =	swait.ge [sflag:s17], $0x4000  }
0x1bf: {  	[sflag:s17] =	ssyncset.done $0x0  }
0x1c0: {  	[sflag:s17] =	ssyncadd.s32 $0xFFFFC000  }
0x1c1: {  	s18 =	stileid.u32;
	[bflag:$0x0] =	sbarrier.arrive $0xFFFF  }
0x1c2: {  	s20 =	simm.s32 $0xD;
	s0 =	sshll.u32 s18, $0x6;
	s18 =	rddreg [dreg:$0x3]  }
0x1c3: {  	s0 =	sor.u32 $0x1C0D, s0;
	s5 =	rddreg [dreg:$0x5];
	s19 =	sshrl.u32 s18, $0x3  }
0x1c4: {  	[hbm:s5], [sflag:s0] =	dma.local [spmem:s19], $0x2700  }
0x1c5: {  	_ =	swait.ge [sflag:s20], $0x2700  }
0x1c6: {  	[sflag:s20] =	ssyncset.done $0x0;
	s25 =	rddreg [dreg:$0x4]  }
0x1c7: {  	s5 =	rddreg [dreg:$0x6];
	[sflag:s20] =	ssyncadd.s32 $0xFFFFD900;
	s2 =	sshrl.u32 @!p0 s25, $0x3  }
0x1c8: {  	[hbm:s5], [sflag:s0] =	dma.local @!p0 [spmem:s2], $0x100  }
0x1c9: {  	s0 =	simm.s32 @!p0 $0xD  }
0x1ca: {  	_ =	swait.ge @!p0 [sflag:s0], $0x100  }
0x1cb: {  	s21 =	sld [smem:$0x7EE];
	_ =	sdelay $0x2  }
0x1cc: {  	s26 =	rddreg [dreg:$0x7];
	s5 =	sadd.s32 $0x1, s21  }
0x1cd: {  	p1 =	sne.s32 s5, s26  }
.Ltmp3:
0x1ce: {  	_ = 	snop;
	(pc) =	sbr.rel @p1 .LBB2_1-.Ltmp3, $4  }
0x1cf: {  	s7 =	simm.s32 $0x100  }
0x1d0: {  	s30 =	simm.s32 $0x400;
	s31 =	simm.s32 $0x480;
	s8 =	simm.s32 $0x180  }
0x1d1: {  	s19 =	simm.s32 $0x200;
	s20 =	simm.s32 $0x280;
	[sflag:s0] =	ssyncset.done @!p0 $0x0  }
0x1d2: {  	[sflag:s0] =	ssyncadd.s32 @!p0 $0xFFFFFF00;
	s21 =	simm.s32 $0x300;
	s26 =	simm.s32 $0x380  }
0x1d3: {  	_ =	sfence.sel $0x180000  }
0x1d4: {  	[bflag:$0x0] =	sbarrier.arrive $0xFFFF  }
0x1d5: {  	_ =	strace $0x9000004A  }
0x1d6: {  	s0 =	stileid.u32;
	[bflag:$0x2] =	sbarrier.arrive $0xFFFF  }
0x1d7: {  	p0 =	sne.s32 s0, $0x0;
	s0 =	rddreg [dreg:$0x2]  }
0x1d8: {  	s0 =	sadd.s32 @!p0 $0x100000, s0  }
0x1d9: {  	[sflag:s0] =	ssyncadd.tile.s32 @!p0 $0x1;
	_ =	shalt  }
.Lfunc_end2:
_tile_overlayer_lowered:
.L_overlay_start_2:
0x1da: {  	(tag) =	ssettag $0x2  }
0x1db: {  	s0 =	rddreg [dreg:$0x0];
	s2 =	stileid.u32  }
0x1dc: {  	s1 =	rddreg [dreg:$0x1];
	p0 =	sne.s32 s2, $0x0  }
0x1dd: {  	s3 =	rddreg [dreg:$0x2];
	[bflag:$0x3] =	sbarrier.arrive $0xFFFF;
	s2 =	simm.s32 @!p0 $0x1C0D  }
0x1de: {  	[timem:s3], [sflag:s2] =	dma.local @!p0 [hbm:s0], s1  }
0x1df: {  	s0 =	simm.s32 @!p0 $0xD  }
0x1e0: {  	_ =	swait.ge @!p0 [sflag:s0], s1  }
0x1e1: {  	s1 =	ssub.s32 @!p0 $0x0, s1;
	[sflag:s0] =	ssyncset.done @!p0 $0x0  }
0x1e2: {  	[sflag:s0] =	ssyncadd.s32 @!p0 s1  }
0x1e3: {  	[bflag:$0x3] =	sbarrier.arrive $0xFFFF  }
0x1e4: {  	_ =	shalt  }

// kernel: kernel.14.cloned.1.call-start
scs
__scs_entry_jumppad:
0x0: {  	(pc) =	sbr.rel $0x88, $3  }
0x1: {  	(tag) =	ssettag $0x0;
	lr =	simm.s32 $0x1  }
0x2: {  	[smem:$0x3F99] =	sst lr;
	_ =	strace $0xD0000000  }
0x3: {  	_ = 	snop  }
0x4: {  	_ = 	snop  }
0x5: {  	_ = 	snop  }
0x6: {  	_ = 	snop  }
0x7: {  	_ = 	snop  }
__scs_overlays_trampoline_lowered:
0x8: {  	[smem:$0x3FA8] =	sst s0  }
0x9: {  	[smem:$0x3FA9] =	sst s1  }
0xa: {  	[smem:$0x3FAA] =	sst s2  }
0xb: {  	[smem:$0x3FAB] =	sst s3  }
0xc: {  	[smem:$0x3FAC] =	sst s4  }
0xd: {  	[smem:$0x3FAD] =	sst s5  }
0xe: {  	[smem:$0x3FAE] =	sst s6  }
0xf: {  	[smem:$0x3FAF] =	sst s7  }
0x10: {  	[smem:$0x3FB0] =	sst s8  }
0x11: {  	[smem:$0x3FB1] =	sst s9;
	s0 =	simm.s32 @!p0 $0x0  }
0x12: {  	s1 =	sld [smem:$0x3F97];
	s0 =	simm.s32 @p0 $0x1  }
0x13: {  	[smem:$0x3FB2] =	sst s0;
	s0 =	simm.s32 @!p1 $0x0  }
0x14: {  	s2 =	sld [smem:$0x3F96];
	s0 =	simm.s32 @p1 $0x1  }
0x15: {  	[smem:$0x3FB3] =	sst s0;
	s0 =	simm.s32 @!p2 $0x0  }
0x16: {  	s3 =	sld [smem:$0x3FDB];
	s0 =	simm.s32 @p2 $0x1  }
0x17: {  	s4 =	simm.s32 $0x1BF5;
	[smem:$0x3FB5] =	sst s0  }
0x18: {  	s0 =	sld [smem:$0x3F98];
	_ =	swait.ge [sflag:s4], $0x0  }
0x19: {  	s7 =	sld [smem:$0x3F99]  }
0x1a: {  	s8 =	sadd.s32 $0xFFFFE003, lr  }
0x1b: {  	s9 =	sadd.s32 $0xFFFFFEF7, lr;
	s5 =	simm.s32 $0xFFFFFFFF;
	p2 =	slt.u32 s8, $0xFFFFF086  }
0x1c: {  	p1 =	slt.u32 s9, $0xF7A;
	s5 =	simm.s32 @!p2 $0x0  }
0x1d: {  	s5 =	simm.s32 @p1 $0x1;
	p0 =	seq.s32 s7, s2  }
0x1e: {  	s7 =	smul.u32 @!p0 $0xF7A, s2;
	p2 =	seq.s32 @!p0 s5, $0x0  }
0x1f: {  	s9 =	smul.u32 $0xF7A, s1;
	s8 =	simm.s32 @!p0 $0x1BF5;
	p2 =	por !p2, p0  }
0x20: {  	[sflag:s8] =	ssyncset.s32 @!p0 $0xFFFFF086;
	s6 =	sadd.s32 @!p0 s3, s7;
	s7 =	simm.s32 @!p0 $0x108  }
0x21: {  	s3 =	sadd.s32 s3, s9;
	s6 =	sadd.s32 @!p0 $0x88, s6;
	s7 =	simm.s32 @p2 $0x1082  }
0x22: {  	[simem:s7], [sflag:s8] =	dma.local @!p0 [hbm:s6], $0xF7A  }
0x23: {  	s9 =	sor.u32 $0xD0000000, s2;
	s6 =	simm.s32 $0x108;
	_ =	swait.ge @!p0 [sflag:s8], $0x0  }
0x24: {  	s3 =	sadd.s32 $0x88, s3;
	s6 =	simm.s32 @!p1 $0x1082;
	[sflag:s4] =	ssyncset.s32 $0xFFFFF086  }
0x25: {  	[simem:s6], [sflag:s4] =	dma.local [hbm:s3], $0xF7A  }
0x26: {  	[smem:$0x3F99] =	sst s1;
	(tag) =	ssettag s2;
	_ =	strace s9  }
0x27: {  	s1 =	sld [smem:$0x3FA9]  }
0x28: {  	s2 =	sld [smem:$0x3FAA]  }
0x29: {  	s4 =	sld [smem:$0x3FAC]  }
0x2a: {  	p0 =	seq.s32 s5, $0x0;
	s5 =	sld [smem:$0x3FAD]  }
0x2b: {  	s6 =	sld [smem:$0x3FAE]  }
0x2c: {  	s7 =	sld [smem:$0x3FAF]  }
0x2d: {  	s3 =	simm.s32 $0x108;
	s8 =	sld [smem:$0x3FB0]  }
0x2e: {  	s3 =	simm.s32 @!p0 $0x1082;
	s9 =	sld [smem:$0x3FB1]  }
0x2f: {  	lr =	sadd.s32 s0, s3;
	s0 =	sld [smem:$0x3FA8]  }
0x30: {  	s3 =	sld [smem:$0x3FAB]  }
0x31: {  	[smem:$0x3FB4] =	sst s10  }
0x32: {  	s10 =	sld [smem:$0x3FB2];
	_ =	sdelay $0x3  }
0x33: {  	p0 =	seq.s32 s10, $0x1;
	s10 =	sld [smem:$0x3FB4];
	_ =	sdelay $0x3  }
0x34: {  	[smem:$0x3FB4] =	sst s10  }
0x35: {  	s10 =	sld [smem:$0x3FB3];
	_ =	sdelay $0x3  }
0x36: {  	p1 =	seq.s32 s10, $0x1;
	s10 =	sld [smem:$0x3FB4];
	_ =	sdelay $0x3  }
0x37: {  	[smem:$0x3FB4] =	sst s10  }
0x38: {  	s10 =	sld [smem:$0x3FB5]  }
0x39: {  	_ = 	snop;
	(pc) =	sbr.ind lr, $3  }
0x3a: {  	_ = 	snop  }
0x3b: {  	_ = 	snop  }
0x3c: {  	p2 =	seq.s32 s10, $0x1;
	s10 =	sld [smem:$0x3FB4]  }
0x3d: {  	_ =	shalt  }
0x3e: {  	_ =	shalt  }
0x3f: {  	_ =	shalt  }
0x40: {  	_ =	shalt  }
0x41: {  	_ =	shalt  }
0x42: {  	_ =	shalt  }
0x43: {  	_ =	shalt  }
0x44: {  	_ =	shalt  }
0x45: {  	_ =	shalt  }
0x46: {  	_ =	shalt  }
0x47: {  	_ =	shalt  }
0x48: {  	_ =	shalt  }
0x49: {  	_ =	shalt  }
0x4a: {  	_ =	shalt  }
0x4b: {  	_ =	shalt  }
0x4c: {  	_ =	shalt  }
0x4d: {  	_ =	shalt  }
0x4e: {  	_ =	shalt  }
0x4f: {  	_ =	shalt  }
0x50: {  	_ =	shalt  }
0x51: {  	_ =	shalt  }
0x52: {  	_ =	shalt  }
0x53: {  	_ =	shalt  }
0x54: {  	_ =	shalt  }
0x55: {  	_ =	shalt  }
0x56: {  	_ =	shalt  }
0x57: {  	_ =	shalt  }
0x58: {  	_ =	shalt  }
0x59: {  	_ =	shalt  }
0x5a: {  	_ =	shalt  }
0x5b: {  	_ =	shalt  }
0x5c: {  	_ =	shalt  }
0x5d: {  	_ =	shalt  }
0x5e: {  	_ =	shalt  }
0x5f: {  	_ =	shalt  }
0x60: {  	_ =	shalt  }
0x61: {  	_ =	shalt  }
0x62: {  	_ =	shalt  }
0x63: {  	_ =	shalt  }
0x64: {  	_ =	shalt  }
0x65: {  	_ =	shalt  }
0x66: {  	_ =	shalt  }
0x67: {  	_ =	shalt  }
0x68: {  	_ =	shalt  }
0x69: {  	_ =	shalt  }
0x6a: {  	_ =	shalt  }
0x6b: {  	_ =	shalt  }
0x6c: {  	_ =	shalt  }
0x6d: {  	_ =	shalt  }
0x6e: {  	_ =	shalt  }
0x6f: {  	_ =	shalt  }
0x70: {  	_ =	shalt  }
0x71: {  	_ =	shalt  }
0x72: {  	_ =	shalt  }
0x73: {  	_ =	shalt  }
0x74: {  	_ =	shalt  }
0x75: {  	_ =	shalt  }
0x76: {  	_ =	shalt  }
0x77: {  	_ =	shalt  }
0x78: {  	_ =	shalt  }
0x79: {  	_ =	shalt  }
0x7a: {  	_ =	shalt  }
0x7b: {  	_ =	shalt  }
0x7c: {  	_ =	shalt  }
0x7d: {  	_ =	shalt  }
0x7e: {  	_ =	shalt  }
0x7f: {  	_ =	shalt  }
0x80: {  	_ =	shalt  }
0x81: {  	_ =	shalt  }
0x82: {  	_ =	shalt  }
0x83: {  	_ =	shalt  }
0x84: {  	_ =	shalt  }
0x85: {  	_ =	shalt  }
0x86: {  	_ =	shalt  }
0x87: {  	_ =	shalt  }
.Lfunc_end0:
.L_simem_size_0:
called_computation.2_lowered:
.L_overlay_start_0:
0x88: {  	s2 =	sld [smem:$0x3FD9]  }
0x89: {  	s3 =	sld [smem:$0x3FFE];
	_ =	sdelay $0x1  }
0x8a: {  	s1 =	srdreg.scid  }
0x8b: {  	s0 =	sand.u32 $0x1, s1  }
0x8c: {  	s16 =	sshll.u32 s0, $0xA;
	s2 =	sadd.s32 s3, s2  }
0x8d: {  	s2 =	sadd.s32 s2, s16  }
0x8e: {  	[smem:$0x3FC0] =	sst s2  }
0x8f: {  	_ = 	snop  }
0x90: {  	(tm) =	ssettm $0x1  }
0x91: {  	s17 =	sld [smem:$0x3FFB];
	_ =	sdelay $0x3  }
0x92: {  	_ =	strace s17  }
0x93: {  	s2 =	sld [smem:$0x3FFC];
	_ =	sdelay $0x3  }
0x94: {  	_ =	strace s2  }
0x95: {  	s2 =	sld [smem:$0x3FFD];
	_ =	sdelay $0x3  }
0x96: {  	_ =	strace s2  }
0x97: {  	_ =	strace $0x8FFFFFFF  }
0x98: {  	s18 =	sld [smem:$0x3FDB];
	_ =	sdelay $0x1  }
0x99: {  	s19 =	simm.s32 $_scs_section_size  }
0x9a: {  	s4 =	simm.s32 $_size__tile_overlayer_lowered;
	s5 =	simm.s32 $_tile_overlayer_lowered  }
0x9b: {  	s22 =	simm.s32 $0x1BFF;
	s21 =	sshll.u32 s5, $0x1;
	s2 =	sadd.s32 s19, s18  }
0x9c: {  	s6 =	simm.s32 $0x0;
	s20 =	sshll.u32 s4, $0x1;
	s4 =	sadd.s32 s21, s2  }
0x9d: {  	[timem:s6], [sflag:s22] =	dma.local [hbm:s4], s20  }
0x9e: {  	_ =	swait.ge [sflag:s22], s20  }
0x9f: {  	s3 =	ssub.s32 $0x0, s20;
	[sflag:s22] =	ssyncset.done $0x0  }
0xa0: {  	[sflag:s22] =	ssyncadd.s32 s3;
	_ =	sdelay $0x1  }
0xa1: {  	s23 =	simm.s32 $0x1B8B  }
0xa2: {  	_ =	swait.ge [sflag:s23], $0x1  }
0xa3: {  	[sflag:s23] =	ssyncset.done $0x0  }
0xa4: {  	s25 =	simm.s32 $0x1B8E;
	s24 =	sld [smem:$0x3FFE];
	[sflag:s23] =	ssyncadd.s32 $0xFFFFFFFF  }
0xa5: {  	s26 =	simm.s32 $execute0_lowered;
	[smem:$0x3FD2] =	sst s25  }
0xa6: {  	s4 =	sshll.u32 s26, $0x1;
	_ =	strace $0x8000004C;
	[dreg:$0x1] =	wrdreg $0xFFFFFFFF  }
0xa7: {  	s28 =	simm.s32 $_size_execute0_lowered;
	s2 =	sadd.s32 s2, s4;
	[dreg:$0x0] =	wrdreg $0x0  }
0xa8: {  	s4 =	sshll.u32 s28, $0x1;
	[dreg:$0x2] =	wrdreg s2  }
0xa9: {  	[dreg:$0x3] =	wrdreg s4  }
0xaa: {  	[dreg:$0x4] =	wrdreg $0xC0  }
0xab: {  	_ =	task [dreg:s6], $0x5FFFF  }
0xac: {  	[dreg:$0x1] =	wrdreg $0xFFFFFFFF  }
0xad: {  	[dreg:$0x0] =	wrdreg $0x60  }
0xae: {  	[dreg:$0x2] =	wrdreg s24  }
0xaf: {  	[dreg:$0x3] =	wrdreg $0x90000  }
0xb0: {  	[dreg:$0x4] =	wrdreg $0x9  }
0xb1: {  	_ =	task.clear_ibuf [dreg:s6], $0x5FFFF;
	_ =	strace $0x9000004C  }
0xb2: {  	s29 =	simm.s32 $0x9;
	_ =	strace $0x8000004E  }
0xb3: {  	_ =	swait.ge [sflag:s29], $0x1  }
0xb4: {  	[sflag:s29] =	ssyncadd.s32 $0xFFFFFFFF  }
0xb5: {  	_ =	strace $0x9000004E  }
0xb6: {  	_ =	sfence  }
0xb7: {  	s30 =	sld [smem:$0x0];
	_ =	sdelay $0x2  }
0xb8: {  	s31 =	sshll.u32 s1, $0xD;
	s1 =	sshrl.u32 s1, $0x2  }
0xb9: {  	s3 =	sand.u32 $0x4000, s31;
	s1 =	sadd.s32 s1, s30  }
0xba: {  	s0 =	sor.u32 s3, s0;
	s1 =	sshll.u32 s1, $0x11  }
0xbb: {  	s0 =	sor.u32 s1, s0  }
0xbc: {  	s0 =	sadd.s32 $0x8F2B, s0  }
0xbd: {  	[sflag:s0] =	ssyncadd.remote.s32 $0x1  }
0xbe: {  	_ =	sfence.sel $0xFFFF  }
0xbf: {  	[dreg:$0x0] =	wrdreg $0xFFFFFFFF;
	(pc) =	sbr.abs _section_cstart, $3  }
0xc0: {  	[dreg:$0x1] =	wrdreg $0xFFFFFFFF  }
0xc1: {  	_ =	task.clear_ibuf [dreg:s6], $0x2FFFF;
	_ =	strace $0x9FFFFFFF  }
0xc2: {  	(tm) =	ssettm $0x7FFFFFFF  }
0xc3: {  	_ =	shalt  }
tec
execute0_lowered:
.L_overlay_start_1:
0x0: {  	(tag) =	ssettag $0x1  }
0x1: {  	s0 =	rddreg [dreg:$0x0]  }
0x2: {  	s1 =	rddreg [dreg:$0x1]  }
0x3: {  	s2 =	srdreg.scid;
	s11 =	stileid.u32  }
0x4: {  	s3 =	simm.s32 $0x0;
	s2 =	sand.u32 $0x1, s2;
	s5 =	smul.u32 $0x4E000, s11  }
0x5: {  	[smem:$0x7FF] =	sst s3;
	s25 =	sadd.s32 $0x138000, s1;
	s6 =	ssub.s32 $0x2, s2  }
0x6: {  	_ =	strace $0x8000004D;
	s9 =	sshrl.u32 s6, $0x1;
	s5 =	sshrl.u32 s5, $0x2  }
0x7: {  	[dreg:$0x4] =	wrdreg s25;
	s6 =	ssub.s32 s6, s9;
	s18 =	sadd.s32 s5, s1  }
0x8: {  	s22 =	smax.u32 s6, $0x1;
	[dreg:$0x3] =	wrdreg s18  }
0x9: {  	s23 =	sadd.s32 $0x800, s18;
	[dreg:$0x7] =	wrdreg s22  }
0xa: {  	s24 =	sadd.s32 $0x1000, s18;
	[dreg:$0x8] =	wrdreg s23  }
0xb: {  	s10 =	smul.u32 $0x13800, s11;
	s26 =	sadd.s32 $0x1800, s18;
	[dreg:$0x9] =	wrdreg s24  }
0xc: {  	s7 =	smul.u32 $0x138800, s2;
	s6 =	sadd.s32 $0x2800, s18;
	[dreg:$0xa] =	wrdreg s26  }
0xd: {  	s9 =	sadd.s32 $0x3800, s18;
	[dreg:$0xc] =	wrdreg s6  }
0xe: {  	s20 =	sadd.s32 s10, s7;
	s10 =	sadd.s32 $0x4000, s18;
	[dreg:$0xe] =	wrdreg s9  }
0xf: {  	s16 =	sshll.u32 s11, $0x4;
	s12 =	sadd.s32 $0x4800, s18;
	[dreg:$0xf] =	wrdreg s10  }
0x10: {  	p0 =	sne.s32 s11, $0xF;
	s13 =	sadd.s32 $0x5000, s18;
	[dreg:$0x10] =	wrdreg s12  }
0x11: {  	s4 =	sshll.u32 s2, $0x8;
	s14 =	sadd.s32 $0x5800, s18;
	[dreg:$0x11] =	wrdreg s13  }
0x12: {  	s2 =	sshll.u32 s2, $0x4;
	s15 =	sadd.s32 $0x6000, s18;
	[dreg:$0x12] =	wrdreg s14  }
0x13: {  	s8 =	sadd.s32 s4, s0;
	s17 =	sadd.s32 $0x6800, s18;
	[dreg:$0x13] =	wrdreg s15  }
0x14: {  	s2 =	sor.u32 s2, s11;
	s19 =	sadd.s32 $0x7000, s18;
	[dreg:$0x14] =	wrdreg s17  }
0x15: {  	s21 =	sshrl.u32 s20, $0x3;
	s20 =	sor.u32 $0xC0, s2;
	[dreg:$0x15] =	wrdreg s19  }
0x16: {  	s4 =	sadd.s32 $0x16200, s0;
	s2 =	sadd.s32 $0x9800, s18;
	[dreg:$0x16] =	wrdreg s20  }
0x17: {  	s0 =	sadd.s32 $0x3D400, s0;
	s11 =	sadd.s32 $0xD000, s18;
	[dreg:$0x1b] =	wrdreg s2  }
0x18: {  	s7 =	sshrl.u32 s7, $0x3;
	s5 =	sadd.s32 s0, s21;
	[smem:$0x7F1] =	sst s11  }
0x19: {  	s0 =	sadd.s32 s0, s7;
	s7 =	sadd.s32 $0x3000, s18;
	[dreg:$0x5] =	wrdreg s5  }
0x1a: {  	s21 =	sadd.s32 $0x7800, s18;
	[dreg:$0xd] =	wrdreg s7  }
0x1b: {  	s22 =	sadd.s32 $0x8000, s18;
	[dreg:$0x17] =	wrdreg s21  }
0x1c: {  	s23 =	sadd.s32 $0x8800, s18;
	[dreg:$0x18] =	wrdreg s22  }
0x1d: {  	s26 =	sadd.s32 $0x9000, s18;
	[dreg:$0x19] =	wrdreg s23  }
0x1e: {  	s6 =	sadd.s32 $0xA800, s18;
	[dreg:$0x1a] =	wrdreg s26  }
0x1f: {  	s9 =	sadd.s32 $0xC000, s18;
	[dreg:$0x1d] =	wrdreg s6  }
0x20: {  	s10 =	sadd.s32 $0xC800, s18;
	[smem:$0x7EF] =	sst s9  }
0x21: {  	s12 =	sadd.s32 $0xD800, s18;
	[smem:$0x7F0] =	sst s10  }
0x22: {  	s28 =	simm.s32 $0x1;
	s13 =	sadd.s32 $0xE000, s18;
	[smem:$0x7F2] =	sst s12  }
0x23: {  	s29 =	simm.s32 $0x80;
	s14 =	sadd.s32 $0xE800, s18;
	[smem:$0x7F3] =	sst s13  }
0x24: {  	s30 =	simm.s32 $0x400;
	s15 =	sadd.s32 $0xF000, s18;
	[smem:$0x7F4] =	sst s14  }
0x25: {  	s31 =	simm.s32 $0x480;
	s17 =	sadd.s32 $0x10000, s18;
	[smem:$0x7F5] =	sst s15  }
0x26: {  	s19 =	sadd.s32 $0x10800, s18;
	s20 =	sadd.s32 $0x11000, s18;
	[smem:$0x7F7] =	sst s17  }
0x27: {  	s11 =	simm.s32 $0x4800;
	s0 =	sadd.s32 $0x27000, s0;
	[smem:$0x7F8] =	sst s19  }
0x28: {  	s5 =	sadd.s32 $0x2000, s18;
	s7 =	sadd.s32 $0xB000, s18;
	[smem:$0x7F9] =	sst s20  }
0x29: {  	s21 =	sadd.s32 $0x11800, s18;
	s22 =	sadd.s32 $0x12000, s18;
	s23 =	sadd.s32 $0x12800, s18  }
0x2a: {  	s26 =	sadd.s32 $0x13000, s18;
	s19 =	simm.s32 $0x200;
	[dreg:$0x6] =	wrdreg s0  }
0x2b: {  	s20 =	simm.s32 $0x280;
	s9 =	simm.s32 $0x800;
	[dreg:$0xb] =	wrdreg s5  }
0x2c: {  	s10 =	simm.s32 $0x2;
	s12 =	simm.s32 $0x9;
	[dreg:$0x1e] =	wrdreg s7  }
0x2d: {  	s13 =	simm.s32 $0x3;
	s14 =	simm.s32 $0xB;
	[smem:$0x7FA] =	sst s21  }
0x2e: {  	s15 =	simm.s32 $0xA;
	s17 =	simm.s32 $0xC;
	[smem:$0x7FB] =	sst s22  }
0x2f: {  	s0 =	sadd.s32 s16, s8;
	s5 =	sadd.s32 $0xA000, s18;
	[smem:$0x7FC] =	sst s23  }
0x30: {  	s8 =	sadd.s32 $0xB800, s18;
	s16 =	sadd.s32 $0xF800, s18;
	[smem:$0x7FD] =	sst s26  }
0x31: {  	s7 =	simm.s32 $0x100;
	s21 =	simm.s32 $0x300;
	[dreg:$0x1c] =	wrdreg s5  }
0x32: {  	s26 =	simm.s32 $0x380;
	s22 =	simm.s32 $0x5;
	[dreg:$0x1f] =	wrdreg s8  }
0x33: {  	s23 =	simm.s32 $0x6;
	s24 =	sadd.s32 $0x2800, s0;
	[smem:$0x7F6] =	sst s16  }
0x34: {  	v0 =	vimm.f32 $0.0e+00;
	s8 =	simm.s32 $0x180;
	s16 =	simm.s32 $0x4;
	s5 =	simm.s32 $0x0  }
.LBB2_1:
0x35: {  	s0 =	sand.u32 $0x1E00, s3  }
0x36: {  	[smem:$0x7EE] =	sst s5;
	s2 =	sand.u32 $0x70, s3;
	s6 =	sshrl.u32 s0, $0x2  }
0x37: {  	s0 =	simm.s32 $0x40;
	s5 =	sor.u32 s2, s6;
	s2 =	simm.s32 $0x0  }
.LBB2_2:
0x38: {  	p1 =	sne.s32 s0, $0x1FC0  }
0x39: {  	[tilespmem:s5+$0x8800] =	vst v0;
	s2 =	sadd.s32 $0x10, s2;
	s5 =	smov.u32 s0;
	s0 =	sadd.s32 $0x40, s0  }
.Ltmp0:
0x3a: {  	(pc) =	sbr.rel @p1 .LBB2_2-.Ltmp0, $4  }
0x3b: {  	_ = 	snop  }
0x3c: {  	s5 =	sand.u32 $0x1E00, s5  }
0x3d: {  	s6 =	sand.u32 $0x70, s2;
	s5 =	sshrl.u32 s5, $0x2  }
0x3e: {  	s5 =	sor.u32 s6, s5  }
0x3f: {  	[tilespmem:s5+$0x8800] =	vst v0;
	s2 =	simm.s32 $0x8800;
	s0 =	rddreg [dreg:$0x8]  }
0x40: {  	[spmem:s18] =	stream.linear.scatter [tilespmem:s2], [sflag:$0x1], $0x800, $0x38;
	[tilespmem:$0x1C880] =	vst v63  }
0x41: {  	s5 =	rddreg [dreg:$0xa]  }
0x42: {  	[spmem:s0] =	stream.linear.scatter [tilespmem:s2], [sflag:$0x1], $0x800, $0x38;
	[tilespmem:$0x1C880] =	vst v63  }
0x43: {  	s18 =	rddreg [dreg:$0x9]  }
0x44: {  	[spmem:s18] =	stream.linear.scatter [tilespmem:s2], [sflag:$0x1], $0x800, $0x38;
	[tilespmem:$0x1C880] =	vst v63  }
0x45: {  	s6 =	rddreg [dreg:$0xb]  }
0x46: {  	[spmem:s5] =	stream.linear.scatter [tilespmem:s2], [sflag:$0x1], $0x800, $0x38;
	[tilespmem:$0x1C880] =	vst v63  }
0x47: {  	s18 =	rddreg [dreg:$0xc]  }
0x48: {  	[spmem:s6] =	stream.linear.scatter [tilespmem:s2], [sflag:$0x1], $0x800, $0x38;
	[tilespmem:$0x1C880] =	vst v63  }
0x49: {  	s5 =	rddreg [dreg:$0xd]  }
0x4a: {  	[spmem:s18] =	stream.linear.scatter [tilespmem:s2], [sflag:$0x1], $0x800, $0x38;
	[tilespmem:$0x1C880] =	vst v63  }
0x4b: {  	s6 =	rddreg [dreg:$0xe]  }
0x4c: {  	[spmem:s5] =	stream.linear.scatter [tilespmem:s2], [sflag:$0x1], $0x800, $0x38;
	[tilespmem:$0x1C880] =	vst v63  }
0x4d: {  	s18 =	rddreg [dreg:$0xf]  }
0x4e: {  	[spmem:s6] =	stream.linear.scatter [tilespmem:s2], [sflag:$0x1], $0x800, $0x38;
	[tilespmem:$0x1C880] =	vst v63  }
0x4f: {  	s5 =	rddreg [dreg:$0x10]  }
0x50: {  	[spmem:s18] =	stream.linear.scatter [tilespmem:s2], [sflag:$0x1], $0x800, $0x38;
	[tilespmem:$0x1C880] =	vst v63  }
0x51: {  	s6 =	rddreg [dreg:$0x11]  }
0x52: {  	[spmem:s5] =	stream.linear.scatter [tilespmem:s2], [sflag:$0x1], $0x800, $0x38;
	[tilespmem:$0x1C880] =	vst v63  }
0x53: {  	s18 =	rddreg [dreg:$0x12]  }
0x54: {  	[spmem:s6] =	stream.linear.scatter [tilespmem:s2], [sflag:$0x1], $0x800, $0x38;
	[tilespmem:$0x1C880] =	vst v63  }
0x55: {  	s5 =	rddreg [dreg:$0x13]  }
0x56: {  	[spmem:s18] =	stream.linear.scatter [tilespmem:s2], [sflag:$0x1], $0x800, $0x38;
	[tilespmem:$0x1C880] =	vst v63  }
0x57: {  	s6 =	rddreg [dreg:$0x14]  }
0x58: {  	[spmem:s5] =	stream.linear.scatter [tilespmem:s2], [sflag:$0x1], $0x800, $0x38;
	[tilespmem:$0x1C880] =	vst v63  }
0x59: {  	s18 =	rddreg [dreg:$0x15]  }
0x5a: {  	[spmem:s6] =	stream.linear.scatter [tilespmem:s2], [sflag:$0x1], $0x800, $0x38;
	[tilespmem:$0x1C880] =	vst v63  }
0x5b: {  	s5 =	rddreg [dreg:$0x17]  }
0x5c: {  	[spmem:s18] =	stream.linear.scatter [tilespmem:s2], [sflag:$0x1], $0x800, $0x38;
	[tilespmem:$0x1C880] =	vst v63  }
0x5d: {  	s6 =	rddreg [dreg:$0x18]  }
0x5e: {  	[spmem:s5] =	stream.linear.scatter [tilespmem:s2], [sflag:$0x1], $0x800, $0x38;
	[tilespmem:$0x1C880] =	vst v63  }
0x5f: {  	s18 =	rddreg [dreg:$0x19]  }
0x60: {  	[spmem:s6] =	stream.linear.scatter [tilespmem:s2], [sflag:$0x1], $0x800, $0x38;
	[tilespmem:$0x1C880] =	vst v63  }
0x61: {  	s5 =	rddreg [dreg:$0x1a]  }
0x62: {  	[spmem:s18] =	stream.linear.scatter [tilespmem:s2], [sflag:$0x1], $0x800, $0x38;
	[tilespmem:$0x1C880] =	vst v63  }
0x63: {  	s6 =	rddreg [dreg:$0x1b]  }
0x64: {  	[spmem:s5] =	stream.linear.scatter [tilespmem:s2], [sflag:$0x1], $0x800, $0x38;
	[tilespmem:$0x1C880] =	vst v63  }
0x65: {  	s18 =	rddreg [dreg:$0x1c]  }
0x66: {  	[spmem:s6] =	stream.linear.scatter [tilespmem:s2], [sflag:$0x1], $0x800, $0x38;
	[tilespmem:$0x1C880] =	vst v63  }
0x67: {  	s5 =	rddreg [dreg:$0x1d]  }
0x68: {  	[spmem:s18] =	stream.linear.scatter [tilespmem:s2], [sflag:$0x1], $0x800, $0x38;
	[tilespmem:$0x1C880] =	vst v63  }
0x69: {  	s6 =	rddreg [dreg:$0x1e]  }
0x6a: {  	[spmem:s5] =	stream.linear.scatter [tilespmem:s2], [sflag:$0x1], $0x800, $0x38;
	[tilespmem:$0x1C880] =	vst v63  }
0x6b: {  	s18 =	rddreg [dreg:$0x1f]  }
0x6c: {  	[spmem:s6] =	stream.linear.scatter [tilespmem:s2], [sflag:$0x1], $0x800, $0x38;
	[tilespmem:$0x1C880] =	vst v63  }
0x6d: {  	s5 =	sld [smem:$0x7EF]  }
0x6e: {  	[spmem:s18] =	stream.linear.scatter [tilespmem:s2], [sflag:$0x1], $0x800, $0x38;
	[tilespmem:$0x1C880] =	vst v63  }
0x6f: {  	s6 =	sld [smem:$0x7F0]  }
0x70: {  	[spmem:s5] =	stream.linear.scatter [tilespmem:s2], [sflag:$0x1], $0x800, $0x38;
	[tilespmem:$0x1C880] =	vst v63  }
0x71: {  	s18 =	sld [smem:$0x7F1]  }
0x72: {  	[spmem:s6] =	stream.linear.scatter [tilespmem:s2], [sflag:$0x1], $0x800, $0x38;
	[tilespmem:$0x1C880] =	vst v63  }
0x73: {  	s5 =	sld [smem:$0x7F2]  }
0x74: {  	[spmem:s18] =	stream.linear.scatter [tilespmem:s2], [sflag:$0x1], $0x800, $0x38;
	[tilespmem:$0x1C880] =	vst v63  }
0x75: {  	s6 =	sld [smem:$0x7F3]  }
0x76: {  	[spmem:s5] =	stream.linear.scatter [tilespmem:s2], [sflag:$0x1], $0x800, $0x38;
	[tilespmem:$0x1C880] =	vst v63  }
0x77: {  	s18 =	sld [smem:$0x7F4]  }
0x78: {  	[spmem:s6] =	stream.linear.scatter [tilespmem:s2], [sflag:$0x1], $0x800, $0x38;
	[tilespmem:$0x1C880] =	vst v63  }
0x79: {  	s5 =	sld [smem:$0x7F5]  }
0x7a: {  	[spmem:s18] =	stream.linear.scatter [tilespmem:s2], [sflag:$0x1], $0x800, $0x38;
	[tilespmem:$0x1C880] =	vst v63  }
0x7b: {  	s6 =	sld [smem:$0x7F6]  }
0x7c: {  	[spmem:s5] =	stream.linear.scatter [tilespmem:s2], [sflag:$0x1], $0x800, $0x38;
	[tilespmem:$0x1C880] =	vst v63  }
0x7d: {  	s18 =	sld [smem:$0x7F7]  }
0x7e: {  	[spmem:s6] =	stream.linear.scatter [tilespmem:s2], [sflag:$0x1], $0x800, $0x38;
	[tilespmem:$0x1C880] =	vst v63  }
0x7f: {  	s5 =	sld [smem:$0x7F8]  }
0x80: {  	[spmem:s18] =	stream.linear.scatter [tilespmem:s2], [sflag:$0x1], $0x800, $0x38;
	[tilespmem:$0x1C880] =	vst v63  }
0x81: {  	s6 =	sld [smem:$0x7F9]  }
0x82: {  	[spmem:s5] =	stream.linear.scatter [tilespmem:s2], [sflag:$0x1], $0x800, $0x38;
	[tilespmem:$0x1C880] =	vst v63  }
0x83: {  	s18 =	sld [smem:$0x7FA]  }
0x84: {  	[spmem:s6] =	stream.linear.scatter [tilespmem:s2], [sflag:$0x1], $0x800, $0x38;
	[tilespmem:$0x1C880] =	vst v63  }
0x85: {  	s5 =	sld [smem:$0x7FB]  }
0x86: {  	[spmem:s18] =	stream.linear.scatter [tilespmem:s2], [sflag:$0x1], $0x800, $0x38;
	[tilespmem:$0x1C880] =	vst v63  }
0x87: {  	s6 =	sld [smem:$0x7FC]  }
0x88: {  	[spmem:s5] =	stream.linear.scatter [tilespmem:s2], [sflag:$0x1], $0x800, $0x38;
	[tilespmem:$0x1C880] =	vst v63  }
0x89: {  	s18 =	sld [smem:$0x7FD]  }
0x8a: {  	[spmem:s6] =	stream.linear.scatter [tilespmem:s2], [sflag:$0x1], $0x800, $0x38;
	[tilespmem:$0x1C880] =	vst v63  }
0x8b: {  	_ = 	snop  }
0x8c: {  	[spmem:s18] =	stream.linear.scatter [tilespmem:s2], [sflag:$0x1], $0x800, $0x38;
	[tilespmem:$0x1C880] =	vst v63  }
0x8d: {  	s0 =	simm.s32 @!p0 $0x8800  }
0x8e: {  	[spmem:s25] =	stream.linear.scatter @!p0 [tilespmem:s0], [sflag:$0x1], $0x800, $0x38;
	[tilespmem:$0x1C880] =	vst v63  }
0x8f: {  	_ =	swait.ge [sflag:s28], $0x800  }
0x90: {  	s0 =	simm.s32 $0x26;
	[sflag:s28] =	ssyncset.done $0x0  }
.LBB2_4:
0x91: {  	p1 =	sne.s32 s0, $0x1;
	s0 =	sadd.s32 $0xFFFFFFFF, s0;
	[sflag:s28] =	ssyncadd.s32 $0xFFFFF800  }
.Ltmp1:
0x92: {  	(pc) =	sbr.rel @p1 .LBB2_4-.Ltmp1, $3  }
0x93: {  	_ =	sdelay $0x1  }
0x94: {  	_ =	swait.ge [sflag:s28], $0x800  }
0x95: {  	[sflag:s28] =	ssyncset.done $0x0  }
0x96: {  	[sflag:s28] =	ssyncadd.s32 $0xFFFFF800;
	s0 =	simm.s32 @!p0 $0x1  }
0x97: {  	_ =	swait.ge @!p0 [sflag:s0], $0x800  }
0x98: {  	[sflag:s0] =	ssyncset.done @!p0 $0x0  }
0x99: {  	[sflag:s0] =	ssyncadd.s32 @!p0 $0xFFFFF800  }
0x9a: {  	s0 =	sadd.s32 $0x0, s24;
	[bflag:$0x0] =	sbarrier.arrive $0xFFFF  }
0x9b: {  	[tilespmem:s3], [sflag:$0x1] =	stream.linear.gather [hbm4b:s0+s3], $0x80, $0x38;
	[tilespmem:$0x1C880] =	vst v63  }
0x9c: {  	s2 =	sadd.s32 $0x9C40, s0  }
0x9d: {  	[tilespmem:s29], [sflag:$0x1] =	stream.linear.gather [hbm4b:s2+s3], $0x80, $0x38;
	[tilespmem:$0x1C880] =	vst v63  }
0x9e: {  	s25 =	sadd.s32 $0x200, s0  }
0x9f: {  	[tilespmem:s7], [sflag:$0x2] =	stream.linear.gather [hbm4b:s25+s3], $0x80, $0x38;
	[tilespmem:$0x1C880] =	vst v63  }
0xa0: {  	s5 =	sadd.s32 $0x9E40, s0  }
0xa1: {  	[tilespmem:s8], [sflag:$0x2] =	stream.linear.gather [hbm4b:s5+s3], $0x80, $0x38;
	[tilespmem:$0x1C880] =	vst v63  }
0xa2: {  	s6 =	sadd.s32 $0x400, s0  }
0xa3: {  	[tilespmem:s19], [sflag:$0x3] =	stream.linear.gather [hbm4b:s6+s3], $0x80, $0x38;
	[tilespmem:$0x1C880] =	vst v63  }
0xa4: {  	s18 =	sadd.s32 $0xA040, s0  }
0xa5: {  	[tilespmem:s20], [sflag:$0x3] =	stream.linear.gather [hbm4b:s18+s3], $0x80, $0x38;
	[tilespmem:$0x1C880] =	vst v63  }
0xa6: {  	s25 =	sadd.s32 $0x600, s0  }
0xa7: {  	[tilespmem:s21], [sflag:$0x4] =	stream.linear.gather [hbm4b:s25+s3], $0x80, $0x38;
	[tilespmem:$0x1C880] =	vst v63  }
0xa8: {  	s5 =	sadd.s32 $0xA240, s0  }
0xa9: {  	[tilespmem:s26], [sflag:$0x4] =	stream.linear.gather [hbm4b:s5+s3], $0x80, $0x38;
	[tilespmem:$0x1C880] =	vst v63  }
0xaa: {  	_ =	swait.ge [sflag:s28], $0x80  }
0xab: {  	[sflag:s28] =	ssyncset.done $0x0  }
0xac: {  	[sflag:s28] =	ssyncadd.s32 $0xFFFFFF80  }
0xad: {  	_ =	swait.ge [sflag:s28], $0x80  }
0xae: {  	p1 =	por $0x1, $0x1;
	[sflag:s28] =	ssyncset.done $0x0  }
0xaf: {  	s2 =	simm.s32 @!p1 $0xB;
	[sflag:s28] =	ssyncadd.s32 $0xFFFFFF80  }
0xb0: {  	_ =	swait.ge @!p1 [sflag:s2], $0x4000  }
0xb1: {  	[sflag:s2] =	ssyncset.done @!p1 $0x0  }
0xb2: {  	[sflag:s2] =	ssyncadd.s32 @!p1 $0xFFFFC000  }
0xb3: {  	[tilespmem:s9], [sflag:$0x9] =	stream.indirect.gather [hbm4b:s4+s29], $0x80, s3, s29, $0xb8;
	[tilespmem:$0x1C880] =	vst v63  }
0xb4: {  	_ =	swait.ge [sflag:s10], $0x80  }
0xb5: {  	[sflag:s10] =	ssyncset.done $0x0  }
0xb6: {  	[sflag:s10] =	ssyncadd.s32 $0xFFFFFF80  }
0xb7: {  	_ =	swait.ge [sflag:s10], $0x80  }
0xb8: {  	[sflag:s10] =	ssyncset.done $0x0  }
0xb9: {  	s2 =	simm.s32 @!p1 $0xC;
	[sflag:s10] =	ssyncadd.s32 $0xFFFFFF80  }
0xba: {  	_ =	swait.ge @!p1 [sflag:s2], $0x4000  }
0xbb: {  	[sflag:s2] =	ssyncset.done @!p1 $0x0  }
0xbc: {  	[sflag:s2] =	ssyncadd.s32 @!p1 $0xFFFFC000  }
0xbd: {  	[tilespmem:s11], [sflag:$0xA] =	stream.indirect.gather [hbm4b:s4+s29], $0x80, s7, s29, $0xb8;
	[tilespmem:$0x1C880] =	vst v63  }
0xbe: {  	_ =	swait.ge [sflag:s12], $0x4000  }
0xbf: {  	[sflag:s12] =	ssyncset.done $0x0  }
0xc0: {  	[sflag:s12] =	ssyncadd.s32 $0xFFFFC000  }
0xc1: {  	[spmem:s1] =	stream.indirect.scatter.add.f32 [tilespmem:s9], [sflag:$0xB], $0x80, s29, s29, $0xb8;
	[tilespmem:$0x1C880] =	vst v63  }
0xc2: {  	_ =	swait.ge [sflag:s13], $0x80  }
0xc3: {  	[sflag:s13] =	ssyncset.done $0x0  }
0xc4: {  	[sflag:s13] =	ssyncadd.s32 $0xFFFFFF80  }
0xc5: {  	_ =	swait.ge [sflag:s13], $0x80  }
0xc6: {  	[sflag:s13] =	ssyncset.done $0x0  }
0xc7: {  	[sflag:s13] =	ssyncadd.s32 $0xFFFFFF80  }
0xc8: {  	_ =	swait.ge [sflag:s14], $0x4000  }
0xc9: {  	[sflag:s14] =	ssyncset.done $0x0  }
0xca: {  	[sflag:s14] =	ssyncadd.s32 $0xFFFFC000  }
0xcb: {  	[tilespmem:s9], [sflag:$0x9] =	stream.indirect.gather [hbm4b:s4+s29], $0x80, s19, s29, $0xb8;
	[tilespmem:$0x1C880] =	vst v63  }
0xcc: {  	_ =	swait.ge [sflag:s15], $0x4000  }
0xcd: {  	[sflag:s15] =	ssyncset.done $0x0  }
0xce: {  	[sflag:s15] =	ssyncadd.s32 $0xFFFFC000  }
0xcf: {  	[spmem:s1] =	stream.indirect.scatter.add.f32 [tilespmem:s11], [sflag:$0xC], $0x80, s8, s29, $0xb8;
	[tilespmem:$0x1C880] =	vst v63  }
0xd0: {  	_ =	swait.ge [sflag:s16], $0x80  }
0xd1: {  	[sflag:s16] =	ssyncset.done $0x0  }
0xd2: {  	[sflag:s16] =	ssyncadd.s32 $0xFFFFFF80  }
0xd3: {  	_ =	swait.ge [sflag:s16], $0x80  }
0xd4: {  	[sflag:s16] =	ssyncset.done $0x0  }
0xd5: {  	[sflag:s16] =	ssyncadd.s32 $0xFFFFFF80  }
0xd6: {  	_ =	swait.ge [sflag:s17], $0x4000  }
0xd7: {  	[sflag:s17] =	ssyncset.done $0x0  }
0xd8: {  	[sflag:s17] =	ssyncadd.s32 $0xFFFFC000  }
0xd9: {  	[tilespmem:s11], [sflag:$0xA] =	stream.indirect.gather [hbm4b:s4+s29], $0x80, s21, s29, $0xb8;
	[tilespmem:$0x1C880] =	vst v63  }
0xda: {  	_ =	swait.ge [sflag:s12], $0x4000  }
0xdb: {  	[sflag:s12] =	ssyncset.done $0x0  }
0xdc: {  	[sflag:s12] =	ssyncadd.s32 $0xFFFFC000  }
0xdd: {  	[spmem:s1] =	stream.indirect.scatter.add.f32 [tilespmem:s9], [sflag:$0xB], $0x80, s20, s29, $0xb8;
	[tilespmem:$0x1C880] =	vst v63  }
0xde: {  	_ =	swait.ge [sflag:s15], $0x4000  }
0xdf: {  	[sflag:s15] =	ssyncset.done $0x0  }
0xe0: {  	[sflag:s15] =	ssyncadd.s32 $0xFFFFC000  }
0xe1: {  	[spmem:s1] =	stream.indirect.scatter.add.f32 [tilespmem:s11], [sflag:$0xC], $0x80, s26, s29, $0xb8;
	[tilespmem:$0x1C880] =	vst v63  }
0xe2: {  	s6 =	sadd.s32 $0x800, s0;
	s7 =	sadd.s32 $0xA440, s0  }
0xe3: {  	[tilespmem:s30], [sflag:$0x5] =	stream.linear.gather [hbm4b:s6+s3], $0x80, $0x38;
	[tilespmem:$0x1C880] =	vst v63  }
0xe4: {  	s19 =	simm.s32 $0x500;
	s8 =	sadd.s32 $0xA00, s0;
	s18 =	rddreg [dreg:$0x16]  }
0xe5: {  	[tilespmem:s31], [sflag:$0x5] =	stream.linear.gather [hbm4b:s7+s3], $0x80, $0x38;
	[tilespmem:$0x1C880] =	vst v63  }
0xe6: {  	s0 =	sadd.s32 $0xA640, s0;
	p2 =	sgt.u32 s18, $0x9C3;
	s20 =	sadd.s32 $0x20, s18  }
0xe7: {  	[tilespmem:s19], [sflag:$0x6] =	stream.linear.gather [hbm4b:s8+s3], $0x80, $0x38;
	[tilespmem:$0x1C880] =	vst v63  }
0xe8: {  	s21 =	simm.s32 $0x580;
	s5 =	sadd.s32 @!p2 $0x0, s24;
	p3 =	sgt.u32 s20, $0x9C3  }
0xe9: {  	[tilespmem:s21], [sflag:$0x6] =	stream.linear.gather [hbm4b:s0+s3], $0x80, $0x38;
	[tilespmem:$0x1C880] =	vst v63  }
0xea: {  	s7 =	simm.s32 @!p2 $0x0;
	s8 =	simm.s32 @!p2 $0x600;
	s0 =	sadd.s32 @!p2 $0xC00, s5  }
0xeb: {  	[tilespmem:s8], [sflag:$0x7] =	stream.linear.gather @!p2 [hbm4b:s0+s7], $0x80, $0x38;
	[tilespmem:$0x1C880] =	vst v63  }
0xec: {  	s2 =	sadd.s32 @!p3 $0x0, s24;
	s6 =	simm.s32 @!p2 $0x680;
	s0 =	sadd.s32 @!p2 $0xA840, s5  }
0xed: {  	[tilespmem:s6], [sflag:$0x7] =	stream.linear.gather @!p2 [hbm4b:s0+s7], $0x80, $0x38;
	[tilespmem:$0x1C880] =	vst v63  }
0xee: {  	s25 =	simm.s32 @!p3 $0x700;
	s5 =	sadd.s32 @!p3 $0xE00, s2;
	s0 =	simm.s32 @!p3 $0x0  }
0xef: {  	[tilespmem:s25], [sflag:$0x8] =	stream.linear.gather @!p3 [hbm4b:s5+s0], $0x80, $0x38;
	[tilespmem:$0x1C880] =	vst v63  }
0xf0: {  	s26 =	simm.s32 @!p3 $0x780;
	s2 =	sadd.s32 @!p3 $0xAA40, s2  }
0xf1: {  	[tilespmem:s26], [sflag:$0x8] =	stream.linear.gather @!p3 [hbm4b:s2+s0], $0x80, $0x38;
	[tilespmem:$0x1C880] =	vst v63  }
0xf2: {  	_ =	swait.ge [sflag:s22], $0x80  }
0xf3: {  	[sflag:s22] =	ssyncset.done $0x0  }
0xf4: {  	[sflag:s22] =	ssyncadd.s32 $0xFFFFFF80  }
0xf5: {  	_ =	swait.ge [sflag:s22], $0x80  }
0xf6: {  	[sflag:s22] =	ssyncset.done $0x0  }
0xf7: {  	[sflag:s22] =	ssyncadd.s32 $0xFFFFFF80  }
0xf8: {  	_ =	swait.ge [sflag:s14], $0x4000  }
0xf9: {  	[sflag:s14] =	ssyncset.done $0x0  }
0xfa: {  	[sflag:s14] =	ssyncadd.s32 $0xFFFFC000  }
0xfb: {  	[tilespmem:s9], [sflag:$0x9] =	stream.indirect.gather [hbm4b:s4+s29], $0x80, s30, s29, $0xb8;
	[tilespmem:$0x1C880] =	vst v63  }
0xfc: {  	_ =	swait.ge [sflag:s23], $0x80  }
0xfd: {  	[sflag:s23] =	ssyncset.done $0x0  }
0xfe: {  	[sflag:s23] =	ssyncadd.s32 $0xFFFFFF80  }
0xff: {  	_ =	swait.ge [sflag:s23], $0x80  }
0x100: {  	[sflag:s23] =	ssyncset.done $0x0  }
0x101: {  	[sflag:s23] =	ssyncadd.s32 $0xFFFFFF80  }
0x102: {  	_ =	swait.ge [sflag:s17], $0x4000  }
0x103: {  	[sflag:s17] =	ssyncset.done $0x0  }
0x104: {  	[sflag:s17] =	ssyncadd.s32 $0xFFFFC000  }
0x105: {  	[tilespmem:s11], [sflag:$0xA] =	stream.indirect.gather [hbm4b:s4+s29], $0x80, s19, s29, $0xb8;
	[tilespmem:$0x1C880] =	vst v63  }
0x106: {  	_ =	swait.ge [sflag:s12], $0x4000  }
0x107: {  	[sflag:s12] =	ssyncset.done $0x0  }
0x108: {  	s0 =	simm.s32 @!p2 $0x7;
	[sflag:s12] =	ssyncadd.s32 $0xFFFFC000  }
0x109: {  	[spmem:s1] =	stream.indirect.scatter.add.f32 [tilespmem:s9], [sflag:$0xB], $0x80, s31, s29, $0xb8;
	[tilespmem:$0x1C880] =	vst v63  }
0x10a: {  	_ =	swait.ge @!p2 [sflag:s0], $0x80  }
0x10b: {  	[sflag:s0] =	ssyncset.done @!p2 $0x0  }
0x10c: {  	[sflag:s0] =	ssyncadd.s32 @!p2 $0xFFFFFF80  }
0x10d: {  	_ =	swait.ge @!p2 [sflag:s0], $0x80  }
0x10e: {  	[sflag:s0] =	ssyncset.done @!p2 $0x0  }
0x10f: {  	s5 =	simm.s32 @!p2 $0xB;
	[sflag:s0] =	ssyncadd.s32 @!p2 $0xFFFFFF80  }
0x110: {  	_ =	swait.ge @!p2 [sflag:s5], $0x4000  }
0x111: {  	[sflag:s5] =	ssyncset.done @!p2 $0x0  }
0x112: {  	s7 =	simm.s32 @!p2 $0x800;
	s2 =	simm.s32 @!p2 $0x80;
	[sflag:s5] =	ssyncadd.s32 @!p2 $0xFFFFC000  }
0x113: {  	[tilespmem:s7], [sflag:$0x9] =	stream.indirect.gather @!p2 [hbm4b:s4+s2], $0x80, s8, s2, $0xb8;
	[tilespmem:$0x1C880] =	vst v63  }
0x114: {  	_ =	swait.ge [sflag:s15], $0x4000  }
0x115: {  	[sflag:s15] =	ssyncset.done $0x0  }
0x116: {  	s0 =	simm.s32 @!p3 $0x8;
	[sflag:s15] =	ssyncadd.s32 $0xFFFFC000  }
0x117: {  	[spmem:s1] =	stream.indirect.scatter.add.f32 [tilespmem:s11], [sflag:$0xC], $0x80, s21, s29, $0xb8;
	[tilespmem:$0x1C880] =	vst v63  }
0x118: {  	_ =	swait.ge @!p3 [sflag:s0], $0x80  }
0x119: {  	[sflag:s0] =	ssyncset.done @!p3 $0x0  }
0x11a: {  	[sflag:s0] =	ssyncadd.s32 @!p3 $0xFFFFFF80  }
0x11b: {  	_ =	swait.ge @!p3 [sflag:s0], $0x80  }
0x11c: {  	[sflag:s0] =	ssyncset.done @!p3 $0x0  }
0x11d: {  	[sflag:s0] =	ssyncadd.s32 @!p3 $0xFFFFFF80;
	s0 =	simm.s32 @!p3 $0xC  }
0x11e: {  	_ =	swait.ge @!p3 [sflag:s0], $0x4000  }
0x11f: {  	s5 =	simm.s32 @!p2 $0x9;
	[sflag:s0] =	ssyncset.done @!p3 $0x0  }
0x120: {  	s8 =	simm.s32 @!p3 $0x4800;
	[sflag:s0] =	ssyncadd.s32 @!p3 $0xFFFFC000;
	s0 =	simm.s32 @!p3 $0x80  }
0x121: {  	[tilespmem:s8], [sflag:$0xA] =	stream.indirect.gather @!p3 [hbm4b:s4+s0], $0x80, s25, s0, $0xb8;
	[tilespmem:$0x1C880] =	vst v63  }
0x122: {  	s20 =	simm.s32 $0x480;
	_ =	swait.ge @!p2 [sflag:s5], $0x4000  }
0x123: {  	s19 =	simm.s32 $0x400;
	s31 =	simm.s32 @!p3 $0xA;
	[sflag:s5] =	ssyncset.done @!p2 $0x0  }
0x124: {  	s25 =	simm.s32 $0x1000;
	[sflag:s5] =	ssyncadd.s32 @!p2 $0xFFFFC000;
	s5 =	sadd.s32 $0x100, s18  }
.LBB2_6:
0x125: {  	[spmem:s1] =	stream.indirect.scatter.add.f32 @!p2 [tilespmem:s7], [sflag:$0xB], $0x80, s6, s2, $0xb8;
	[tilespmem:$0x1C880] =	vst v63  }
0x126: {  	s30 =	smov.u32 s25;
	s25 =	sadd.s32 $0x1000, s25;
	_ =	swait.ge @!p3 [sflag:s31], $0x4000  }
0x127: {  	p1 =	sne.s32 s25, $0xA000;
	[sflag:s31] =	ssyncset.done @!p3 $0x0  }
0x128: {  	[sflag:s31] =	ssyncadd.s32 @!p3 $0xFFFFC000  }
0x129: {  	[spmem:s1] =	stream.indirect.scatter.add.f32 @!p3 [tilespmem:s8], [sflag:$0xC], $0x80, s26, s0, $0xb8;
	[tilespmem:$0x1C880] =	vst v63  }
0x12a: {  	s6 =	sadd.s32 s30, s24  }
0x12b: {  	s0 =	sadd.s32 $0x200, s6  }
0x12c: {  	[tilespmem:s3], [sflag:$0x1] =	stream.linear.gather [hbm4b:s6+s3], $0x80, $0x38;
	[tilespmem:$0x1C880] =	vst v63  }
0x12d: {  	s2 =	sadd.s32 $0x9C40, s6;
	s7 =	sadd.s32 $0x9E40, s6  }
0x12e: {  	[tilespmem:s29], [sflag:$0x1] =	stream.linear.gather [hbm4b:s2+s3], $0x80, $0x38;
	[tilespmem:$0x1C880] =	vst v63  }
0x12f: {  	s31 =	simm.s32 $0x100;
	s2 =	sadd.s32 $0x400, s6  }
0x130: {  	[tilespmem:s31], [sflag:$0x2] =	stream.linear.gather [hbm4b:s0+s3], $0x80, $0x38;
	[tilespmem:$0x1C880] =	vst v63  }
0x131: {  	s18 =	simm.s32 $0x180;
	s0 =	sadd.s32 $0xA040, s6  }
0x132: {  	[tilespmem:s18], [sflag:$0x2] =	stream.linear.gather [hbm4b:s7+s3], $0x80, $0x38;
	[tilespmem:$0x1C880] =	vst v63  }
0x133: {  	s26 =	simm.s32 $0x200;
	s7 =	sadd.s32 $0x600, s6  }
0x134: {  	[tilespmem:s26], [sflag:$0x3] =	stream.linear.gather [hbm4b:s2+s3], $0x80, $0x38;
	[tilespmem:$0x1C880] =	vst v63  }
0x135: {  	s8 =	simm.s32 $0x280;
	s2 =	sadd.s32 $0xA240, s6  }
0x136: {  	[tilespmem:s8], [sflag:$0x3] =	stream.linear.gather [hbm4b:s0+s3], $0x80, $0x38;
	[tilespmem:$0x1C880] =	vst v63  }
0x137: {  	s21 =	simm.s32 $0x300  }
0x138: {  	[tilespmem:s21], [sflag:$0x4] =	stream.linear.gather [hbm4b:s7+s3], $0x80, $0x38;
	[tilespmem:$0x1C880] =	vst v63  }
0x139: {  	s7 =	simm.s32 $0x380  }
0x13a: {  	[tilespmem:s7], [sflag:$0x4] =	stream.linear.gather [hbm4b:s2+s3], $0x80, $0x38;
	[tilespmem:$0x1C880] =	vst v63  }
0x13b: {  	p2 =	seq.s32 s30, $0x0;
	_ =	swait.ge [sflag:s28], $0x80  }
0x13c: {  	s0 =	simm.s32 @!p2 $0xB;
	[sflag:s28] =	ssyncset.done $0x0  }
0x13d: {  	[sflag:s28] =	ssyncadd.s32 $0xFFFFFF80  }
0x13e: {  	_ =	swait.ge [sflag:s28], $0x80  }
0x13f: {  	[sflag:s28] =	ssyncset.done $0x0  }
0x140: {  	[sflag:s28] =	ssyncadd.s32 $0xFFFFFF80  }
0x141: {  	_ =	swait.ge @!p2 [sflag:s0], $0x4000  }
0x142: {  	[sflag:s0] =	ssyncset.done @!p2 $0x0  }
0x143: {  	[sflag:s0] =	ssyncadd.s32 @!p2 $0xFFFFC000  }
0x144: {  	[tilespmem:s9], [sflag:$0x9] =	stream.indirect.gather [hbm4b:s4+s29], $0x80, s3, s29, $0xb8;
	[tilespmem:$0x1C880] =	vst v63  }
0x145: {  	_ =	swait.ge [sflag:s10], $0x80  }
0x146: {  	s0 =	simm.s32 @!p2 $0xC;
	[sflag:s10] =	ssyncset.done $0x0  }
0x147: {  	[sflag:s10] =	ssyncadd.s32 $0xFFFFFF80  }
0x148: {  	_ =	swait.ge [sflag:s10], $0x80  }
0x149: {  	[sflag:s10] =	ssyncset.done $0x0  }
0x14a: {  	[sflag:s10] =	ssyncadd.s32 $0xFFFFFF80  }
0x14b: {  	_ =	swait.ge @!p2 [sflag:s0], $0x4000  }
0x14c: {  	[sflag:s0] =	ssyncset.done @!p2 $0x0  }
0x14d: {  	[sflag:s0] =	ssyncadd.s32 @!p2 $0xFFFFC000  }
0x14e: {  	[tilespmem:s11], [sflag:$0xA] =	stream.indirect.gather [hbm4b:s4+s29], $0x80, s31, s29, $0xb8;
	[tilespmem:$0x1C880] =	vst v63  }
0x14f: {  	_ =	swait.ge [sflag:s12], $0x4000  }
0x150: {  	[sflag:s12] =	ssyncset.done $0x0  }
0x151: {  	[sflag:s12] =	ssyncadd.s32 $0xFFFFC000  }
0x152: {  	[spmem:s1] =	stream.indirect.scatter.add.f32 [tilespmem:s9], [sflag:$0xB], $0x80, s29, s29, $0xb8;
	[tilespmem:$0x1C880] =	vst v63  }
0x153: {  	_ =	swait.ge [sflag:s13], $0x80  }
0x154: {  	[sflag:s13] =	ssyncset.done $0x0  }
0x155: {  	[sflag:s13] =	ssyncadd.s32 $0xFFFFFF80  }
0x156: {  	_ =	swait.ge [sflag:s13], $0x80  }
0x157: {  	[sflag:s13] =	ssyncset.done $0x0  }
0x158: {  	[sflag:s13] =	ssyncadd.s32 $0xFFFFFF80  }
0x159: {  	_ =	swait.ge [sflag:s14], $0x4000  }
0x15a: {  	[sflag:s14] =	ssyncset.done $0x0  }
0x15b: {  	[sflag:s14] =	ssyncadd.s32 $0xFFFFC000  }
0x15c: {  	[tilespmem:s9], [sflag:$0x9] =	stream.indirect.gather [hbm4b:s4+s29], $0x80, s26, s29, $0xb8;
	[tilespmem:$0x1C880] =	vst v63  }
0x15d: {  	_ =	swait.ge [sflag:s15], $0x4000  }
0x15e: {  	[sflag:s15] =	ssyncset.done $0x0  }
0x15f: {  	[sflag:s15] =	ssyncadd.s32 $0xFFFFC000  }
0x160: {  	[spmem:s1] =	stream.indirect.scatter.add.f32 [tilespmem:s11], [sflag:$0xC], $0x80, s18, s29, $0xb8;
	[tilespmem:$0x1C880] =	vst v63  }
0x161: {  	_ =	swait.ge [sflag:s16], $0x80  }
0x162: {  	[sflag:s16] =	ssyncset.done $0x0  }
0x163: {  	[sflag:s16] =	ssyncadd.s32 $0xFFFFFF80  }
0x164: {  	_ =	swait.ge [sflag:s16], $0x80  }
0x165: {  	[sflag:s16] =	ssyncset.done $0x0  }
0x166: {  	[sflag:s16] =	ssyncadd.s32 $0xFFFFFF80  }
0x167: {  	_ =	swait.ge [sflag:s17], $0x4000  }
0x168: {  	[sflag:s17] =	ssyncset.done $0x0  }
0x169: {  	[sflag:s17] =	ssyncadd.s32 $0xFFFFC000  }
0x16a: {  	[tilespmem:s11], [sflag:$0xA] =	stream.indirect.gather [hbm4b:s4+s29], $0x80, s21, s29, $0xb8;
	[tilespmem:$0x1C880] =	vst v63  }
0x16b: {  	_ =	swait.ge [sflag:s12], $0x4000  }
0x16c: {  	[sflag:s12] =	ssyncset.done $0x0  }
0x16d: {  	[sflag:s12] =	ssyncadd.s32 $0xFFFFC000  }
0x16e: {  	[spmem:s1] =	stream.indirect.scatter.add.f32 [tilespmem:s9], [sflag:$0xB], $0x80, s8, s29, $0xb8;
	[tilespmem:$0x1C880] =	vst v63  }
0x16f: {  	s0 =	sadd.s32 $0x800, s6;
	_ =	swait.ge [sflag:s15], $0x4000  }
0x170: {  	[sflag:s15] =	ssyncset.done $0x0  }
0x171: {  	s2 =	sadd.s32 $0xA440, s6;
	[sflag:s15] =	ssyncadd.s32 $0xFFFFC000  }
0x172: {  	[spmem:s1] =	stream.indirect.scatter.add.f32 [tilespmem:s11], [sflag:$0xC], $0x80, s7, s29, $0xb8;
	[tilespmem:$0x1C880] =	vst v63  }
0x173: {  	p2 =	sgt.u32 s5, $0x9C3;
	s7 =	sadd.s32 $0xA00, s6  }
0x174: {  	[tilespmem:s19], [sflag:$0x5] =	stream.linear.gather [hbm4b:s0+s3], $0x80, $0x38;
	[tilespmem:$0x1C880] =	vst v63  }
0x175: {  	s26 =	simm.s32 @!p2 $0x0;
	s8 =	sadd.s32 $0x20, s5;
	s6 =	sadd.s32 $0xA640, s6  }
0x176: {  	[tilespmem:s20], [sflag:$0x5] =	stream.linear.gather [hbm4b:s2+s3], $0x80, $0x38;
	[tilespmem:$0x1C880] =	vst v63  }
0x177: {  	s18 =	simm.s32 $0x500;
	s0 =	simm.s32 @!p2 $0x600;
	s2 =	sadd.s32 @!p2 s30, s24  }
0x178: {  	[tilespmem:s18], [sflag:$0x6] =	stream.linear.gather [hbm4b:s7+s3], $0x80, $0x38;
	[tilespmem:$0x1C880] =	vst v63  }
0x179: {  	s21 =	simm.s32 $0x580;
	s7 =	sadd.s32 @!p2 $0xC00, s2;
	s2 =	sadd.s32 @!p2 $0xA840, s2  }
0x17a: {  	[tilespmem:s21], [sflag:$0x6] =	stream.linear.gather [hbm4b:s6+s3], $0x80, $0x38;
	[tilespmem:$0x1C880] =	vst v63  }
0x17b: {  	p3 =	sgt.u32 s8, $0x9C3;
	s6 =	simm.s32 @!p2 $0x680  }
0x17c: {  	[tilespmem:s0], [sflag:$0x7] =	stream.linear.gather @!p2 [hbm4b:s7+s26], $0x80, $0x38;
	[tilespmem:$0x1C880] =	vst v63  }
0x17d: {  	s8 =	simm.s32 @!p3 $0x0;
	s31 =	simm.s32 @!p3 $0xA;
	s7 =	sadd.s32 @!p3 s30, s24  }
0x17e: {  	[tilespmem:s6], [sflag:$0x7] =	stream.linear.gather @!p2 [hbm4b:s2+s26], $0x80, $0x38;
	[tilespmem:$0x1C880] =	vst v63  }
0x17f: {  	s30 =	simm.s32 @!p3 $0x700;
	s2 =	sadd.s32 @!p3 $0xE00, s7;
	s7 =	sadd.s32 @!p3 $0xAA40, s7  }
0x180: {  	[tilespmem:s30], [sflag:$0x8] =	stream.linear.gather @!p3 [hbm4b:s2+s8], $0x80, $0x38;
	[tilespmem:$0x1C880] =	vst v63  }
0x181: {  	s26 =	simm.s32 @!p3 $0x780  }
0x182: {  	[tilespmem:s26], [sflag:$0x8] =	stream.linear.gather @!p3 [hbm4b:s7+s8], $0x80, $0x38;
	[tilespmem:$0x1C880] =	vst v63  }
0x183: {  	_ =	swait.ge [sflag:s22], $0x80  }
0x184: {  	[sflag:s22] =	ssyncset.done $0x0  }
0x185: {  	[sflag:s22] =	ssyncadd.s32 $0xFFFFFF80  }
0x186: {  	_ =	swait.ge [sflag:s22], $0x80  }
0x187: {  	[sflag:s22] =	ssyncset.done $0x0  }
0x188: {  	[sflag:s22] =	ssyncadd.s32 $0xFFFFFF80  }
0x189: {  	_ =	swait.ge [sflag:s14], $0x4000  }
0x18a: {  	[sflag:s14] =	ssyncset.done $0x0  }
0x18b: {  	[sflag:s14] =	ssyncadd.s32 $0xFFFFC000  }
0x18c: {  	[tilespmem:s9], [sflag:$0x9] =	stream.indirect.gather [hbm4b:s4+s29], $0x80, s19, s29, $0xb8;
	[tilespmem:$0x1C880] =	vst v63  }
0x18d: {  	_ =	swait.ge [sflag:s23], $0x80  }
0x18e: {  	[sflag:s23] =	ssyncset.done $0x0  }
0x18f: {  	[sflag:s23] =	ssyncadd.s32 $0xFFFFFF80  }
0x190: {  	_ =	swait.ge [sflag:s23], $0x80  }
0x191: {  	[sflag:s23] =	ssyncset.done $0x0  }
0x192: {  	[sflag:s23] =	ssyncadd.s32 $0xFFFFFF80  }
0x193: {  	_ =	swait.ge [sflag:s17], $0x4000  }
0x194: {  	[sflag:s17] =	ssyncset.done $0x0  }
0x195: {  	[sflag:s17] =	ssyncadd.s32 $0xFFFFC000  }
0x196: {  	[tilespmem:s11], [sflag:$0xA] =	stream.indirect.gather [hbm4b:s4+s29], $0x80, s18, s29, $0xb8;
	[tilespmem:$0x1C880] =	vst v63  }
0x197: {  	_ =	swait.ge [sflag:s12], $0x4000  }
0x198: {  	[sflag:s12] =	ssyncset.done $0x0  }
0x199: {  	s8 =	simm.s32 @!p2 $0x7;
	[sflag:s12] =	ssyncadd.s32 $0xFFFFC000  }
0x19a: {  	[spmem:s1] =	stream.indirect.scatter.add.f32 [tilespmem:s9], [sflag:$0xB], $0x80, s20, s29, $0xb8;
	[tilespmem:$0x1C880] =	vst v63  }
0x19b: {  	_ =	swait.ge @!p2 [sflag:s8], $0x80  }
0x19c: {  	s18 =	simm.s32 @!p2 $0xB;
	[sflag:s8] =	ssyncset.done @!p2 $0x0  }
0x19d: {  	[sflag:s8] =	ssyncadd.s32 @!p2 $0xFFFFFF80  }
0x19e: {  	_ =	swait.ge @!p2 [sflag:s8], $0x80  }
0x19f: {  	s2 =	simm.s32 @!p2 $0x80;
	s7 =	simm.s32 @!p2 $0x800;
	[sflag:s8] =	ssyncset.done @!p2 $0x0  }
0x1a0: {  	[sflag:s8] =	ssyncadd.s32 @!p2 $0xFFFFFF80  }
0x1a1: {  	_ =	swait.ge @!p2 [sflag:s18], $0x4000  }
0x1a2: {  	[sflag:s18] =	ssyncset.done @!p2 $0x0  }
0x1a3: {  	[sflag:s18] =	ssyncadd.s32 @!p2 $0xFFFFC000  }
0x1a4: {  	[tilespmem:s7], [sflag:$0x9] =	stream.indirect.gather @!p2 [hbm4b:s4+s2], $0x80, s0, s2, $0xb8;
	[tilespmem:$0x1C880] =	vst v63  }
0x1a5: {  	_ =	swait.ge [sflag:s15], $0x4000  }
0x1a6: {  	[sflag:s15] =	ssyncset.done $0x0  }
0x1a7: {  	s0 =	simm.s32 @!p3 $0x8;
	[sflag:s15] =	ssyncadd.s32 $0xFFFFC000  }
0x1a8: {  	[spmem:s1] =	stream.indirect.scatter.add.f32 [tilespmem:s11], [sflag:$0xC], $0x80, s21, s29, $0xb8;
	[tilespmem:$0x1C880] =	vst v63  }
0x1a9: {  	_ =	swait.ge @!p3 [sflag:s0], $0x80  }
0x1aa: {  	[sflag:s0] =	ssyncset.done @!p3 $0x0  }
0x1ab: {  	[sflag:s0] =	ssyncadd.s32 @!p3 $0xFFFFFF80  }
0x1ac: {  	_ =	swait.ge @!p3 [sflag:s0], $0x80  }
0x1ad: {  	[sflag:s0] =	ssyncset.done @!p3 $0x0  }
0x1ae: {  	s18 =	simm.s32 @!p2 $0x9;
	[sflag:s0] =	ssyncadd.s32 @!p3 $0xFFFFFF80;
	s0 =	simm.s32 @!p3 $0xC  }
0x1af: {  	_ =	swait.ge @!p3 [sflag:s0], $0x4000  }
0x1b0: {  	s8 =	simm.s32 @!p3 $0x4800;
	[sflag:s0] =	ssyncset.done @!p3 $0x0  }
.Ltmp2:
0x1b1: {  	[sflag:s0] =	ssyncadd.s32 @!p3 $0xFFFFC000;
	s0 =	simm.s32 @!p3 $0x80;
	(pc) =	sbr.rel @p1 .LBB2_6-.Ltmp2, $4  }
0x1b2: {  	[tilespmem:s8], [sflag:$0xA] =	stream.indirect.gather @!p3 [hbm4b:s4+s0], $0x80, s30, s0, $0xb8;
	[tilespmem:$0x1C880] =	vst v63  }
0x1b3: {  	_ =	swait.ge @!p2 [sflag:s18], $0x4000  }
0x1b4: {  	[sflag:s18] =	ssyncset.done @!p2 $0x0  }
0x1b5: {  	s5 =	sadd.s32 $0x100, s5;
	[sflag:s18] =	ssyncadd.s32 @!p2 $0xFFFFC000  }
0x1b6: {  	[spmem:s1] =	stream.indirect.scatter.add.f32 @!p2 [tilespmem:s7], [sflag:$0xB], $0x80, s6, s2, $0xb8;
	[tilespmem:$0x1C880] =	vst v63  }
0x1b7: {  	_ =	swait.ge @!p3 [sflag:s31], $0x4000  }
0x1b8: {  	[sflag:s31] =	ssyncset.done @!p3 $0x0  }
0x1b9: {  	[sflag:s31] =	ssyncadd.s32 @!p3 $0xFFFFC000  }
0x1ba: {  	[spmem:s1] =	stream.indirect.scatter.add.f32 @!p3 [tilespmem:s8], [sflag:$0xC], $0x80, s26, s0, $0xb8;
	[tilespmem:$0x1C880] =	vst v63  }
0x1bb: {  	_ =	swait.ge [sflag:s14], $0x4000  }
0x1bc: {  	[sflag:s14] =	ssyncset.done $0x0  }
0x1bd: {  	[sflag:s14] =	ssyncadd.s32 $0xFFFFC000  }
0x1be: {  	_ =	swait.ge [sflag:s17], $0x4000  }
0x1bf: {  	[sflag:s17] =	ssyncset.done $0x0  }
0x1c0: {  	[sflag:s17] =	ssyncadd.s32 $0xFFFFC000  }
0x1c1: {  	s18 =	stileid.u32;
	[bflag:$0x0] =	sbarrier.arrive $0xFFFF  }
0x1c2: {  	s20 =	simm.s32 $0xD;
	s0 =	sshll.u32 s18, $0x6;
	s18 =	rddreg [dreg:$0x3]  }
0x1c3: {  	s0 =	sor.u32 $0x1C0D, s0;
	s5 =	rddreg [dreg:$0x5];
	s19 =	sshrl.u32 s18, $0x3  }
0x1c4: {  	[hbm:s5], [sflag:s0] =	dma.local [spmem:s19], $0x2700  }
0x1c5: {  	_ =	swait.ge [sflag:s20], $0x2700  }
0x1c6: {  	[sflag:s20] =	ssyncset.done $0x0;
	s25 =	rddreg [dreg:$0x4]  }
0x1c7: {  	s5 =	rddreg [dreg:$0x6];
	[sflag:s20] =	ssyncadd.s32 $0xFFFFD900;
	s2 =	sshrl.u32 @!p0 s25, $0x3  }
0x1c8: {  	[hbm:s5], [sflag:s0] =	dma.local @!p0 [spmem:s2], $0x100  }
0x1c9: {  	s0 =	simm.s32 @!p0 $0xD  }
0x1ca: {  	_ =	swait.ge @!p0 [sflag:s0], $0x100  }
0x1cb: {  	s21 =	sld [smem:$0x7EE];
	_ =	sdelay $0x2  }
0x1cc: {  	s26 =	rddreg [dreg:$0x7];
	s5 =	sadd.s32 $0x1, s21  }
0x1cd: {  	p1 =	sne.s32 s5, s26  }
.Ltmp3:
0x1ce: {  	_ = 	snop;
	(pc) =	sbr.rel @p1 .LBB2_1-.Ltmp3, $4  }
0x1cf: {  	s7 =	simm.s32 $0x100  }
0x1d0: {  	s30 =	simm.s32 $0x400;
	s31 =	simm.s32 $0x480;
	s8 =	simm.s32 $0x180  }
0x1d1: {  	s19 =	simm.s32 $0x200;
	s20 =	simm.s32 $0x280;
	[sflag:s0] =	ssyncset.done @!p0 $0x0  }
0x1d2: {  	[sflag:s0] =	ssyncadd.s32 @!p0 $0xFFFFFF00;
	s21 =	simm.s32 $0x300;
	s26 =	simm.s32 $0x380  }
0x1d3: {  	_ =	sfence.sel $0x180000  }
0x1d4: {  	[bflag:$0x0] =	sbarrier.arrive $0xFFFF  }
0x1d5: {  	_ =	strace $0x9000004D  }
0x1d6: {  	s0 =	stileid.u32;
	[bflag:$0x2] =	sbarrier.arrive $0xFFFF  }
0x1d7: {  	p0 =	sne.s32 s0, $0x0;
	s0 =	rddreg [dreg:$0x2]  }
0x1d8: {  	s0 =	sadd.s32 @!p0 $0x100000, s0  }
0x1d9: {  	[sflag:s0] =	ssyncadd.tile.s32 @!p0 $0x1;
	_ =	shalt  }
.Lfunc_end2:
_tile_overlayer_lowered:
.L_overlay_start_2:
0x1da: {  	(tag) =	ssettag $0x2  }
0x1db: {  	s0 =	rddreg [dreg:$0x0];
	s2 =	stileid.u32  }
0x1dc: {  	s1 =	rddreg [dreg:$0x1];
	p0 =	sne.s32 s2, $0x0  }
0x1dd: {  	s3 =	rddreg [dreg:$0x2];
	[bflag:$0x3] =	sbarrier.arrive $0xFFFF;
	s2 =	simm.s32 @!p0 $0x1C0D  }
0x1de: {  	[timem:s3], [sflag:s2] =	dma.local @!p0 [hbm:s0], s1  }
0x1df: {  	s0 =	simm.s32 @!p0 $0xD  }
0x1e0: {  	_ =	swait.ge @!p0 [sflag:s0], s1  }
0x1e1: {  	s1 =	ssub.s32 @!p0 $0x0, s1;
	[sflag:s0] =	ssyncset.done @!p0 $0x0  }
0x1e2: {  	[sflag:s0] =	ssyncadd.s32 @!p0 s1  }
0x1e3: {  	[bflag:$0x3] =	sbarrier.arrive $0xFFFF  }
0x1e4: {  	_ =	shalt  }

// kernel: kernel.8.cloned.1.call-start
scs
__scs_entry_jumppad:
0x0: {  	(pc) =	sbr.rel $0x88, $3  }
0x1: {  	(tag) =	ssettag $0x0;
	lr =	simm.s32 $0x1  }
0x2: {  	[smem:$0x3F99] =	sst lr;
	_ =	strace $0xD0000000  }
0x3: {  	_ = 	snop  }
0x4: {  	_ = 	snop  }
0x5: {  	_ = 	snop  }
0x6: {  	_ = 	snop  }
0x7: {  	_ = 	snop  }
__scs_overlays_trampoline_lowered:
0x8: {  	[smem:$0x3FA8] =	sst s0  }
0x9: {  	[smem:$0x3FA9] =	sst s1  }
0xa: {  	[smem:$0x3FAA] =	sst s2  }
0xb: {  	[smem:$0x3FAB] =	sst s3  }
0xc: {  	[smem:$0x3FAC] =	sst s4  }
0xd: {  	[smem:$0x3FAD] =	sst s5  }
0xe: {  	[smem:$0x3FAE] =	sst s6  }
0xf: {  	[smem:$0x3FAF] =	sst s7  }
0x10: {  	[smem:$0x3FB0] =	sst s8  }
0x11: {  	[smem:$0x3FB1] =	sst s9;
	s0 =	simm.s32 @!p0 $0x0  }
0x12: {  	s1 =	sld [smem:$0x3F97];
	s0 =	simm.s32 @p0 $0x1  }
0x13: {  	[smem:$0x3FB2] =	sst s0;
	s0 =	simm.s32 @!p1 $0x0  }
0x14: {  	s2 =	sld [smem:$0x3F96];
	s0 =	simm.s32 @p1 $0x1  }
0x15: {  	[smem:$0x3FB3] =	sst s0;
	s0 =	simm.s32 @!p2 $0x0  }
0x16: {  	s3 =	sld [smem:$0x3FDB];
	s0 =	simm.s32 @p2 $0x1  }
0x17: {  	s4 =	simm.s32 $0x1BF5;
	[smem:$0x3FB5] =	sst s0  }
0x18: {  	s0 =	sld [smem:$0x3F98];
	_ =	swait.ge [sflag:s4], $0x0  }
0x19: {  	s7 =	sld [smem:$0x3F99]  }
0x1a: {  	s8 =	sadd.s32 $0xFFFFE003, lr  }
0x1b: {  	s9 =	sadd.s32 $0xFFFFFEF7, lr;
	s5 =	simm.s32 $0xFFFFFFFF;
	p2 =	slt.u32 s8, $0xFFFFF086  }
0x1c: {  	p1 =	slt.u32 s9, $0xF7A;
	s5 =	simm.s32 @!p2 $0x0  }
0x1d: {  	s5 =	simm.s32 @p1 $0x1;
	p0 =	seq.s32 s7, s2  }
0x1e: {  	s7 =	smul.u32 @!p0 $0xF7A, s2;
	p2 =	seq.s32 @!p0 s5, $0x0  }
0x1f: {  	s9 =	smul.u32 $0xF7A, s1;
	s8 =	simm.s32 @!p0 $0x1BF5;
	p2 =	por !p2, p0  }
0x20: {  	[sflag:s8] =	ssyncset.s32 @!p0 $0xFFFFF086;
	s6 =	sadd.s32 @!p0 s3, s7;
	s7 =	simm.s32 @!p0 $0x108  }
0x21: {  	s3 =	sadd.s32 s3, s9;
	s6 =	sadd.s32 @!p0 $0x88, s6;
	s7 =	simm.s32 @p2 $0x1082  }
0x22: {  	[simem:s7], [sflag:s8] =	dma.local @!p0 [hbm:s6], $0xF7A  }
0x23: {  	s9 =	sor.u32 $0xD0000000, s2;
	s6 =	simm.s32 $0x108;
	_ =	swait.ge @!p0 [sflag:s8], $0x0  }
0x24: {  	s3 =	sadd.s32 $0x88, s3;
	s6 =	simm.s32 @!p1 $0x1082;
	[sflag:s4] =	ssyncset.s32 $0xFFFFF086  }
0x25: {  	[simem:s6], [sflag:s4] =	dma.local [hbm:s3], $0xF7A  }
0x26: {  	[smem:$0x3F99] =	sst s1;
	(tag) =	ssettag s2;
	_ =	strace s9  }
0x27: {  	s1 =	sld [smem:$0x3FA9]  }
0x28: {  	s2 =	sld [smem:$0x3FAA]  }
0x29: {  	s4 =	sld [smem:$0x3FAC]  }
0x2a: {  	p0 =	seq.s32 s5, $0x0;
	s5 =	sld [smem:$0x3FAD]  }
0x2b: {  	s6 =	sld [smem:$0x3FAE]  }
0x2c: {  	s7 =	sld [smem:$0x3FAF]  }
0x2d: {  	s3 =	simm.s32 $0x108;
	s8 =	sld [smem:$0x3FB0]  }
0x2e: {  	s3 =	simm.s32 @!p0 $0x1082;
	s9 =	sld [smem:$0x3FB1]  }
0x2f: {  	lr =	sadd.s32 s0, s3;
	s0 =	sld [smem:$0x3FA8]  }
0x30: {  	s3 =	sld [smem:$0x3FAB]  }
0x31: {  	[smem:$0x3FB4] =	sst s10  }
0x32: {  	s10 =	sld [smem:$0x3FB2];
	_ =	sdelay $0x3  }
0x33: {  	p0 =	seq.s32 s10, $0x1;
	s10 =	sld [smem:$0x3FB4];
	_ =	sdelay $0x3  }
0x34: {  	[smem:$0x3FB4] =	sst s10  }
0x35: {  	s10 =	sld [smem:$0x3FB3];
	_ =	sdelay $0x3  }
0x36: {  	p1 =	seq.s32 s10, $0x1;
	s10 =	sld [smem:$0x3FB4];
	_ =	sdelay $0x3  }
0x37: {  	[smem:$0x3FB4] =	sst s10  }
0x38: {  	s10 =	sld [smem:$0x3FB5]  }
0x39: {  	_ = 	snop;
	(pc) =	sbr.ind lr, $3  }
0x3a: {  	_ = 	snop  }
0x3b: {  	_ = 	snop  }
0x3c: {  	p2 =	seq.s32 s10, $0x1;
	s10 =	sld [smem:$0x3FB4]  }
0x3d: {  	_ =	shalt  }
0x3e: {  	_ =	shalt  }
0x3f: {  	_ =	shalt  }
0x40: {  	_ =	shalt  }
0x41: {  	_ =	shalt  }
0x42: {  	_ =	shalt  }
0x43: {  	_ =	shalt  }
0x44: {  	_ =	shalt  }
0x45: {  	_ =	shalt  }
0x46: {  	_ =	shalt  }
0x47: {  	_ =	shalt  }
0x48: {  	_ =	shalt  }
0x49: {  	_ =	shalt  }
0x4a: {  	_ =	shalt  }
0x4b: {  	_ =	shalt  }
0x4c: {  	_ =	shalt  }
0x4d: {  	_ =	shalt  }
0x4e: {  	_ =	shalt  }
0x4f: {  	_ =	shalt  }
0x50: {  	_ =	shalt  }
0x51: {  	_ =	shalt  }
0x52: {  	_ =	shalt  }
0x53: {  	_ =	shalt  }
0x54: {  	_ =	shalt  }
0x55: {  	_ =	shalt  }
0x56: {  	_ =	shalt  }
0x57: {  	_ =	shalt  }
0x58: {  	_ =	shalt  }
0x59: {  	_ =	shalt  }
0x5a: {  	_ =	shalt  }
0x5b: {  	_ =	shalt  }
0x5c: {  	_ =	shalt  }
0x5d: {  	_ =	shalt  }
0x5e: {  	_ =	shalt  }
0x5f: {  	_ =	shalt  }
0x60: {  	_ =	shalt  }
0x61: {  	_ =	shalt  }
0x62: {  	_ =	shalt  }
0x63: {  	_ =	shalt  }
0x64: {  	_ =	shalt  }
0x65: {  	_ =	shalt  }
0x66: {  	_ =	shalt  }
0x67: {  	_ =	shalt  }
0x68: {  	_ =	shalt  }
0x69: {  	_ =	shalt  }
0x6a: {  	_ =	shalt  }
0x6b: {  	_ =	shalt  }
0x6c: {  	_ =	shalt  }
0x6d: {  	_ =	shalt  }
0x6e: {  	_ =	shalt  }
0x6f: {  	_ =	shalt  }
0x70: {  	_ =	shalt  }
0x71: {  	_ =	shalt  }
0x72: {  	_ =	shalt  }
0x73: {  	_ =	shalt  }
0x74: {  	_ =	shalt  }
0x75: {  	_ =	shalt  }
0x76: {  	_ =	shalt  }
0x77: {  	_ =	shalt  }
0x78: {  	_ =	shalt  }
0x79: {  	_ =	shalt  }
0x7a: {  	_ =	shalt  }
0x7b: {  	_ =	shalt  }
0x7c: {  	_ =	shalt  }
0x7d: {  	_ =	shalt  }
0x7e: {  	_ =	shalt  }
0x7f: {  	_ =	shalt  }
0x80: {  	_ =	shalt  }
0x81: {  	_ =	shalt  }
0x82: {  	_ =	shalt  }
0x83: {  	_ =	shalt  }
0x84: {  	_ =	shalt  }
0x85: {  	_ =	shalt  }
0x86: {  	_ =	shalt  }
0x87: {  	_ =	shalt  }
.Lfunc_end0:
.L_simem_size_0:
called_computation_lowered:
.L_overlay_start_0:
0x88: {  	s2 =	sld [smem:$0x3FD9]  }
0x89: {  	s3 =	sld [smem:$0x3FFE];
	_ =	sdelay $0x1  }
0x8a: {  	s1 =	srdreg.scid  }
0x8b: {  	s0 =	sand.u32 $0x1, s1  }
0x8c: {  	s16 =	sshll.u32 s0, $0xA;
	s2 =	sadd.s32 s3, s2  }
0x8d: {  	s2 =	sadd.s32 s2, s16  }
0x8e: {  	[smem:$0x3FC0] =	sst s2  }
0x8f: {  	_ = 	snop  }
0x90: {  	(tm) =	ssettm $0x1  }
0x91: {  	s17 =	sld [smem:$0x3FFB];
	_ =	sdelay $0x3  }
0x92: {  	_ =	strace s17  }
0x93: {  	s2 =	sld [smem:$0x3FFC];
	_ =	sdelay $0x3  }
0x94: {  	_ =	strace s2  }
0x95: {  	s2 =	sld [smem:$0x3FFD];
	_ =	sdelay $0x3  }
0x96: {  	_ =	strace s2  }
0x97: {  	_ =	strace $0x8FFFFFFF  }
0x98: {  	s18 =	sld [smem:$0x3FDB];
	_ =	sdelay $0x1  }
0x99: {  	s19 =	simm.s32 $_scs_section_size  }
0x9a: {  	s4 =	simm.s32 $_size__tile_overlayer_lowered;
	s5 =	simm.s32 $_tile_overlayer_lowered  }
0x9b: {  	s22 =	simm.s32 $0x1BFF;
	s21 =	sshll.u32 s5, $0x1;
	s2 =	sadd.s32 s19, s18  }
0x9c: {  	s6 =	simm.s32 $0x0;
	s20 =	sshll.u32 s4, $0x1;
	s4 =	sadd.s32 s21, s2  }
0x9d: {  	[timem:s6], [sflag:s22] =	dma.local [hbm:s4], s20  }
0x9e: {  	_ =	swait.ge [sflag:s22], s20  }
0x9f: {  	s3 =	ssub.s32 $0x0, s20;
	[sflag:s22] =	ssyncset.done $0x0  }
0xa0: {  	[sflag:s22] =	ssyncadd.s32 s3;
	_ =	sdelay $0x1  }
0xa1: {  	s23 =	simm.s32 $0x1B8B  }
0xa2: {  	_ =	swait.ge [sflag:s23], $0x1  }
0xa3: {  	[sflag:s23] =	ssyncset.done $0x0  }
0xa4: {  	s25 =	simm.s32 $0x1B8E;
	s24 =	sld [smem:$0x3FFE];
	[sflag:s23] =	ssyncadd.s32 $0xFFFFFFFF  }
0xa5: {  	s26 =	simm.s32 $execute0_lowered;
	[smem:$0x3FD2] =	sst s25  }
0xa6: {  	s4 =	sshll.u32 s26, $0x1;
	_ =	strace $0x80000046;
	[dreg:$0x1] =	wrdreg $0xFFFFFFFF  }
0xa7: {  	s28 =	simm.s32 $_size_execute0_lowered;
	s2 =	sadd.s32 s2, s4;
	[dreg:$0x0] =	wrdreg $0x0  }
0xa8: {  	s4 =	sshll.u32 s28, $0x1;
	[dreg:$0x2] =	wrdreg s2  }
0xa9: {  	[dreg:$0x3] =	wrdreg s4  }
0xaa: {  	[dreg:$0x4] =	wrdreg $0xC0  }
0xab: {  	_ =	task [dreg:s6], $0x5FFFF  }
0xac: {  	[dreg:$0x1] =	wrdreg $0xFFFFFFFF  }
0xad: {  	[dreg:$0x0] =	wrdreg $0x60  }
0xae: {  	[dreg:$0x2] =	wrdreg s24  }
0xaf: {  	[dreg:$0x3] =	wrdreg $0x9  }
0xb0: {  	_ =	task.clear_ibuf [dreg:s6], $0x4FFFF;
	_ =	strace $0x90000046  }
0xb1: {  	s29 =	simm.s32 $0x9;
	_ =	strace $0x80000048  }
0xb2: {  	_ =	swait.ge [sflag:s29], $0x1  }
0xb3: {  	[sflag:s29] =	ssyncadd.s32 $0xFFFFFFFF  }
0xb4: {  	_ =	strace $0x90000048  }
0xb5: {  	_ =	sfence  }
0xb6: {  	s30 =	sld [smem:$0x0];
	_ =	sdelay $0x2  }
0xb7: {  	s31 =	sshll.u32 s1, $0xD;
	s1 =	sshrl.u32 s1, $0x2  }
0xb8: {  	s3 =	sand.u32 $0x4000, s31;
	s1 =	sadd.s32 s1, s30  }
0xb9: {  	s0 =	sor.u32 s3, s0;
	s1 =	sshll.u32 s1, $0x11  }
0xba: {  	s0 =	sor.u32 s1, s0  }
0xbb: {  	s0 =	sadd.s32 $0x8F2B, s0  }
0xbc: {  	[sflag:s0] =	ssyncadd.remote.s32 $0x1  }
0xbd: {  	_ =	sfence.sel $0xFFFF  }
0xbe: {  	[dreg:$0x0] =	wrdreg $0xFFFFFFFF;
	(pc) =	sbr.abs _section_cstart, $3  }
0xbf: {  	[dreg:$0x1] =	wrdreg $0xFFFFFFFF  }
0xc0: {  	_ =	task.clear_ibuf [dreg:s6], $0x2FFFF;
	_ =	strace $0x9FFFFFFF  }
0xc1: {  	(tm) =	ssettm $0x7FFFFFFF  }
tec
execute0_lowered:
.L_overlay_start_1:
0x0: {  	(tag) =	ssettag $0x1  }
0x1: {  	s0 =	srdreg.scid;
	s4 =	rddreg [dreg:$0x0]  }
0x2: {  	s2 =	simm.s32 $0x0;
	s10 =	simm.s32 $0x800;
	s3 =	sand.u32 $0x1, s0  }
0x3: {  	s11 =	simm.s32 $0x1;
	s0 =	stileid.u32;
	s1 =	sshll.u32 s3, $0x4  }
0x4: {  	s12 =	simm.s32 $0x1000;
	s13 =	simm.s32 $0x2;
	s1 =	sor.u32 s0, s1  }
0x5: {  	s14 =	simm.s32 $0x3;
	s3 =	ssub.s32 $0x2, s3;
	s5 =	smul.u32 $0x2710, s1  }
0x6: {  	s15 =	simm.s32 $0x0;
	[smem:$0x7FF] =	sst s2;
	s31 =	sshrl.u32 s3, $0x1  }
0x7: {  	s1 =	rddreg [dreg:$0x1];
	s9 =	ssub.s32 s3, s31;
	s5 =	sshrl.u32 s5, $0x3  }
0x8: {  	_ =	strace $0x80000047;
	s9 =	smax.u32 s9, $0x1;
	s8 =	sadd.s32 s5, s4  }
0x9: {  	s3 =	sadd.s32 $0xC440, s8;
	s4 =	sadd.s32 $0xC53A, s8;
	s5 =	sadd.s32 $0xC634, s8  }
0xa: {  	v0 =	vimm.f32 $0.0e+00;
	v1 =	vimm.f32 $1.000000000e+00;
	s6 =	sadd.s32 $0xC72E, s8;
	s7 =	sadd.s32 $0xC828, s8;
	s8 =	sadd.s32 $0x16200, s8  }
.LBB2_1:
0xb: {  	s16 =	simm.s32 $0x40;
	s17 =	simm.s32 $0x0  }
.LBB2_2:
0xc: {  	p0 =	sne.s32 s16, $0x9C00;
	[tilespmem:s17+$0x1000] =	vst v0;
	s17 =	smov.u32 s16;
	s16 =	sadd.s32 $0x40, s16  }
.Ltmp0:
0xd: {  	(pc) =	sbr.rel @p0 .LBB2_2-.Ltmp0, $2  }
0xe: {  	_ =	sdelay $0x2  }
0xf: {  	s17 =	sshra.s32 s17, $0x2  }
0x10: {  	[tilespmem:s17+$0x1000] =	vst v0;
	s16 =	simm.s32 $0x0  }
0x11: {  	[tilespmem:s16], [sflag:$0x1] =	stream.linear.gather [hbm4b:s3+s16], $0x7D0, $0x38;
	[tilespmem:$0x3780] =	vst v63  }
0x12: {  	_ = 	snop  }
0x13: {  	[tilespmem:s10], [sflag:$0x2] =	stream.linear.gather [hbm4b:s4+s16], $0x7D0, $0x38;
	[tilespmem:$0x3780] =	vst v63  }
0x14: {  	_ =	swait.ge [sflag:s11], $0x7D0  }
0x15: {  	[sflag:s11] =	ssyncset.done $0x0  }
0x16: {  	s17 =	simm.s32 $0x0;
	s16 =	simm.s32 $0x40;
	[sflag:s11] =	ssyncadd.s32 $0xFFFFF830  }
.LBB2_4:
0x17: {  	p0 =	sne.s32 s16, $0x1F00;
	v2 =	vld [tilespmem:s17+$0x0];
	_ =	sdelay $0x3  }
.Ltmp1:
0x18: {  	(pc) =	sbr.rel @p0 .LBB2_4-.Ltmp1, $2  }
0x19: {  	_ =	sdelay $0x2  }
0x1a: {  	s17 =	sshra.s32 s16, $0x2;
	s16 =	sadd.s32 $0x40, s16;
	[tilespmem:v2+s12+$0x0] =	vst.idx.add.f32.msk $0xffff, v1  }
0x1b: {  	v2 =	vld [tilespmem:s17+$0x0];
	_ =	sdelay $0x7  }
0x1c: {  	s16 =	simm.s32 $0x0;
	[tilespmem:v2+s12+$0x0] =	vst.idx.add.f32.msk $0xffff, v1  }
0x1d: {  	[tilespmem:s16], [sflag:$0x1] =	stream.linear.gather [hbm4b:s5+s16], $0x7D0, $0x38;
	[tilespmem:$0x3780] =	vst v63  }
0x1e: {  	_ =	swait.ge [sflag:s13], $0x7D0  }
0x1f: {  	[sflag:s13] =	ssyncset.done $0x0  }
0x20: {  	s17 =	simm.s32 $0x0;
	s16 =	simm.s32 $0x40;
	[sflag:s13] =	ssyncadd.s32 $0xFFFFF830  }
.LBB2_6:
0x21: {  	p0 =	sne.s32 s16, $0x1F00;
	v2 =	vld [tilespmem:s17+$0x800];
	_ =	sdelay $0x3  }
.Ltmp2:
0x22: {  	(pc) =	sbr.rel @p0 .LBB2_6-.Ltmp2, $2  }
0x23: {  	_ =	sdelay $0x2  }
0x24: {  	s17 =	sshra.s32 s16, $0x2;
	s16 =	sadd.s32 $0x40, s16;
	[tilespmem:v2+s12+$0x0] =	vst.idx.add.f32.msk $0xffff, v1  }
0x25: {  	v2 =	vld [tilespmem:s17+$0x800];
	_ =	sdelay $0x7  }
0x26: {  	s16 =	simm.s32 $0x0;
	[tilespmem:v2+s12+$0x0] =	vst.idx.add.f32.msk $0xffff, v1  }
0x27: {  	[tilespmem:s10], [sflag:$0x2] =	stream.linear.gather [hbm4b:s6+s16], $0x7D0, $0x38;
	[tilespmem:$0x3780] =	vst v63  }
0x28: {  	_ =	swait.ge [sflag:s11], $0x7D0  }
0x29: {  	[sflag:s11] =	ssyncset.done $0x0  }
0x2a: {  	s17 =	simm.s32 $0x0;
	s16 =	simm.s32 $0x40;
	[sflag:s11] =	ssyncadd.s32 $0xFFFFF830  }
.LBB2_8:
0x2b: {  	p0 =	sne.s32 s16, $0x1F00;
	v2 =	vld [tilespmem:s17+$0x0];
	_ =	sdelay $0x3  }
.Ltmp3:
0x2c: {  	(pc) =	sbr.rel @p0 .LBB2_8-.Ltmp3, $2  }
0x2d: {  	_ =	sdelay $0x2  }
0x2e: {  	s17 =	sshra.s32 s16, $0x2;
	s16 =	sadd.s32 $0x40, s16;
	[tilespmem:v2+s12+$0x0] =	vst.idx.add.f32.msk $0xffff, v1  }
0x2f: {  	v2 =	vld [tilespmem:s17+$0x0];
	_ =	sdelay $0x7  }
0x30: {  	s16 =	simm.s32 $0x0;
	[tilespmem:v2+s12+$0x0] =	vst.idx.add.f32.msk $0xffff, v1  }
0x31: {  	[tilespmem:s16], [sflag:$0x1] =	stream.linear.gather [hbm4b:s7+s16], $0x7D0, $0x38;
	[tilespmem:$0x3780] =	vst v63  }
0x32: {  	_ =	swait.ge [sflag:s13], $0x7D0  }
0x33: {  	[sflag:s13] =	ssyncset.done $0x0  }
0x34: {  	s17 =	simm.s32 $0x0;
	s16 =	simm.s32 $0x40;
	[sflag:s13] =	ssyncadd.s32 $0xFFFFF830  }
.LBB2_10:
0x35: {  	p0 =	sne.s32 s16, $0x1F00;
	v2 =	vld [tilespmem:s17+$0x800];
	_ =	sdelay $0x3  }
.Ltmp4:
0x36: {  	(pc) =	sbr.rel @p0 .LBB2_10-.Ltmp4, $2  }
0x37: {  	_ =	sdelay $0x2  }
0x38: {  	s17 =	sshra.s32 s16, $0x2;
	s16 =	sadd.s32 $0x40, s16;
	[tilespmem:v2+s12+$0x0] =	vst.idx.add.f32.msk $0xffff, v1  }
0x39: {  	v2 =	vld [tilespmem:s17+$0x800];
	_ =	sdelay $0x7  }
0x3a: {  	[tilespmem:v2+s12+$0x0] =	vst.idx.add.f32.msk $0xffff, v1  }
0x3b: {  	_ =	swait.ge [sflag:s11], $0x7D0  }
0x3c: {  	[sflag:s11] =	ssyncset.done $0x0  }
0x3d: {  	s17 =	simm.s32 $0x0;
	s16 =	simm.s32 $0x40;
	[sflag:s11] =	ssyncadd.s32 $0xFFFFF830  }
.LBB2_12:
0x3e: {  	p0 =	sne.s32 s16, $0x1F00;
	v2 =	vld [tilespmem:s17+$0x0];
	_ =	sdelay $0x3  }
.Ltmp5:
0x3f: {  	(pc) =	sbr.rel @p0 .LBB2_12-.Ltmp5, $2  }
0x40: {  	_ =	sdelay $0x2  }
0x41: {  	s17 =	sshra.s32 s16, $0x2;
	s16 =	sadd.s32 $0x40, s16;
	[tilespmem:v2+s12+$0x0] =	vst.idx.add.f32.msk $0xffff, v1  }
0x42: {  	v2 =	vld [tilespmem:s17+$0x0];
	_ =	sdelay $0x5  }
0x43: {  	s15 =	sadd.s32 $0x1, s15  }
0x44: {  	p0 =	sne.s32 s15, s9  }
.Ltmp6:
0x45: {  	[tilespmem:v2+s12+$0x0] =	vst.idx.add.f32.msk $0xffff, v1;
	(pc) =	sbr.rel @p0 .LBB2_1-.Ltmp6, $4  }
0x46: {  	[hbm4b:s8+s2] =	stream.linear.scatter [tilespmem:s12], [sflag:$0x3], $0x2710, $0x38;
	[tilespmem:$0x3780] =	vst v63  }
0x47: {  	_ =	swait.ge [sflag:s14], $0x2710  }
0x48: {  	[sflag:s14] =	ssyncset.done $0x0  }
0x49: {  	[sflag:s14] =	ssyncadd.s32 $0xFFFFD8F0  }
0x4a: {  	_ =	sfence.sel $0x180000  }
0x4b: {  	[bflag:$0x0] =	sbarrier.arrive $0xFFFF  }
0x4c: {  	p0 =	sne.s32 s0, $0x0;
	_ =	strace $0x90000047  }
0x4d: {  	s0 =	sadd.s32 @!p0 $0x100000, s1;
	[bflag:$0x2] =	sbarrier.arrive $0xFFFF  }
0x4e: {  	[sflag:s0] =	ssyncadd.tile.s32 @!p0 $0x1;
	_ =	shalt  }
.Lfunc_end2:
_tile_overlayer_lowered:
.L_overlay_start_2:
0x4f: {  	(tag) =	ssettag $0x2  }
0x50: {  	s0 =	rddreg [dreg:$0x0];
	s2 =	stileid.u32  }
0x51: {  	s1 =	rddreg [dreg:$0x1];
	p0 =	sne.s32 s2, $0x0  }
0x52: {  	s3 =	rddreg [dreg:$0x2];
	[bflag:$0x3] =	sbarrier.arrive $0xFFFF;
	s2 =	simm.s32 @!p0 $0x1C03  }
0x53: {  	[timem:s3], [sflag:s2] =	dma.local @!p0 [hbm:s0], s1  }
0x54: {  	s0 =	simm.s32 @!p0 $0x3  }
0x55: {  	_ =	swait.ge @!p0 [sflag:s0], s1  }
0x56: {  	s1 =	ssub.s32 @!p0 $0x0, s1;
	[sflag:s0] =	ssyncset.done @!p0 $0x0  }
0x57: {  	[sflag:s0] =	ssyncadd.s32 @!p0 s1  }
0x58: {  	[bflag:$0x3] =	sbarrier.arrive $0xFFFF  }
0x59: {  	_ =	shalt  }

</sc_bundles>
